<compile_context>
chip_gen: v7x
topology: tpu7x:2x2x1
jax: 0.10.2.dev20260603
libtpu: 0.0.44.dev20260713+nightly
codegen_flags: <defaults>
</compile_context>

<pallas_src>
import functools

import jax
import jax.numpy as jnp
from jax import lax
from jax.experimental import pallas as pl
from jax.experimental.pallas import tpu as pltpu
from jax.experimental.pallas import tpu_sc as plsc

N = 10000
E = 320000
FEAT = 128
HID = 128
NCLASS = 64

NC = 2
NS = 16
NW = NC * NS
EP = E // NW
K = 80
CHUNKS = EP // K
RB = 624
ZR = 48
DEGW = 16

_mesh = lambda: plsc.VectorSubcoreMesh(
    core_axis_name="c", subcore_axis_name="s", num_cores=NC, num_subcores=NS)


def _row_to_buf(srcref, c, dstref):
    for j in range(K // 16):
        dstref[pl.ds(j * 16, 16)] = srcref[pl.ds(c * K + j * 16, 16)]



def _zero_acc(sid, zbuf, acc):
    D = zbuf.shape[1]

    def fill(i, c):
        for j in range(D // 16):
            zbuf[i, pl.ds(j * 16, 16)] = jnp.zeros((16,), jnp.float32)
        return c

    lax.fori_loop(0, ZR, fill, 0)
    for k in range(RB // ZR):
        pltpu.sync_copy(zbuf.at[:], acc.at[pl.ds(sid * RB + k * ZR, ZR)])

    @pl.when(sid == NS - 1)
    def _():
        pltpu.sync_copy(zbuf.at[pl.ds(0, 16)], acc.at[pl.ds(NS * RB, 16)])


def _flush_acc(sid, cid, acc, out_hbm):
    pltpu.sync_copy(acc.at[pl.ds(sid * RB, RB)], out_hbm.at[cid].at[pl.ds(sid * RB, RB)])

    @pl.when(sid == NS - 1)
    def _():
        pltpu.sync_copy(acc.at[pl.ds(NS * RB, 16)], out_hbm.at[cid].at[pl.ds(NS * RB, 16)])


def _deg_body(dst_hbm, out_hbm, didx, dsc, ones, zbuf, acc, sem):
    cid = lax.axis_index("c")
    sid = lax.axis_index("s")
    wid = cid * NS + sid

    cp = pltpu.make_async_copy(dst_hbm.at[wid], didx, sem)
    cp.start()

    def fill1(i, c):
        ones[i, :] = jnp.ones((16,), jnp.float32)
        return c

    lax.fori_loop(0, K, fill1, 0)
    _zero_acc(sid, zbuf, acc)
    cp.wait()
    plsc.subcore_barrier()

    def body(c, carry):
        _row_to_buf(didx, c, dsc)
        pltpu.sync_copy(ones, acc.at[dsc], add=True)
        return carry

    lax.fori_loop(0, CHUNKS, body, 0)
    plsc.subcore_barrier()
    _flush_acc(sid, cid, acc, out_hbm)


@functools.cache
def _deg_call():
    return functools.partial(
        pl.kernel,
        out_type=jax.ShapeDtypeStruct((NC, N, DEGW), jnp.float32),
        mesh=_mesh(),
        scratch_types=[
            pltpu.VMEM((EP,), jnp.int32),
            pltpu.VMEM((K,), jnp.int32),
            pltpu.VMEM((K, DEGW), jnp.float32),
            pltpu.VMEM((ZR, DEGW), jnp.float32),
            pltpu.VMEM_SHARED((N, DEGW), jnp.float32),
            pltpu.SemaphoreType.DMA,
        ],
    )(_deg_body)


def _prop_body(y_hbm, src_hbm, dst_hbm, out_hbm, sidx, didx, ssc0, ssc1,
               dsc0, dsc1, rows0, rows1, zbuf, acc, sem0, sem1, sem2, sem3):
    cid = lax.axis_index("c")
    sid = lax.axis_index("s")
    wid = cid * NS + sid

    cps = pltpu.make_async_copy(src_hbm.at[wid], sidx, sem0)
    cpd = pltpu.make_async_copy(dst_hbm.at[wid], didx, sem1)
    cps.start()
    cpd.start()
    _zero_acc(sid, zbuf, acc)
    cps.wait()
    cpd.wait()
    plsc.subcore_barrier()

    def g_start(c, isc, buf, sem):
        _row_to_buf(sidx, c, isc)
        pltpu.make_async_copy(y_hbm.at[isc], buf, sem).start()

    def g_wait(isc, buf, sem):
        pltpu.make_async_copy(y_hbm.at[isc], buf, sem).wait()

    def s_start(c, idsc, buf, sem):
        _row_to_buf(didx, c, idsc)
        pltpu.make_async_copy(buf, acc.at[idsc], sem).start(add=True)

    def s_wait(idsc, buf, sem):
        pltpu.make_async_copy(buf, acc.at[idsc], sem).wait()

    def body(i, carry):
        c0 = 2 * i
        g_start(c0, ssc0, rows0, sem0)
        g_start(c0 + 1, ssc1, rows1, sem1)
        g_wait(ssc0, rows0, sem0)
        g_wait(ssc1, rows1, sem1)
        s_start(c0, dsc0, rows0, sem2)
        s_start(c0 + 1, dsc1, rows1, sem3)
        s_wait(dsc0, rows0, sem2)
        s_wait(dsc1, rows1, sem3)
        return carry

    lax.fori_loop(0, CHUNKS // 2, body, 0)
    g_start(CHUNKS - 1, ssc0, rows0, sem0)
    g_wait(ssc0, rows0, sem0)
    s_start(CHUNKS - 1, dsc0, rows0, sem2)
    s_wait(dsc0, rows0, sem2)
    plsc.subcore_barrier()
    _flush_acc(sid, cid, acc, out_hbm)


@functools.cache
def _make_prop(D):
    assert CHUNKS % 2 == 1
    return functools.partial(
        pl.kernel,
        out_type=jax.ShapeDtypeStruct((NC, N, D), jnp.float32),
        mesh=_mesh(),
        scratch_types=[
            pltpu.VMEM((EP,), jnp.int32),
            pltpu.VMEM((EP,), jnp.int32),
            pltpu.VMEM((K,), jnp.int32),
            pltpu.VMEM((K,), jnp.int32),
            pltpu.VMEM((K,), jnp.int32),
            pltpu.VMEM((K,), jnp.int32),
            pltpu.VMEM((K, D), jnp.float32),
            pltpu.VMEM((K, D), jnp.float32),
            pltpu.VMEM((ZR, D), jnp.float32),
            pltpu.VMEM_SHARED((N, D), jnp.float32),
            pltpu.SemaphoreType.DMA,
            pltpu.SemaphoreType.DMA,
            pltpu.SemaphoreType.DMA,
            pltpu.SemaphoreType.DMA,
        ],
    )(_prop_body)



BR = 1000
GRID = N // BR


def _pre_body(x_ref, g_ref, b_ref, w_ref, degp_ref, y_ref, dinv_ref):
    x = x_ref[...]
    m = jnp.mean(x, axis=1, keepdims=True)
    v = jnp.mean((x - m) ** 2, axis=1, keepdims=True)
    h = (x - m) * lax.rsqrt(v + 1e-5) * g_ref[...] + b_ref[...]
    deg = 1.0 + degp_ref[0, :, 0:1] + degp_ref[1, :, 0:1]
    dinv = lax.rsqrt(deg)
    xw = jnp.dot(h, w_ref[...], preferred_element_type=jnp.float32)
    y_ref[...] = dinv * xw
    dinv_ref[...] = dinv


def _pre(x, g, b, w, degp):
    return pl.pallas_call(
        _pre_body,
        grid=(GRID,),
        in_specs=[
            pl.BlockSpec((BR, FEAT), lambda i: (i, 0)),
            pl.BlockSpec((1, FEAT), lambda i: (0, 0)),
            pl.BlockSpec((1, FEAT), lambda i: (0, 0)),
            pl.BlockSpec((FEAT, HID), lambda i: (0, 0)),
            pl.BlockSpec((NC, BR, DEGW), lambda i: (0, i, 0)),
        ],
        out_specs=[
            pl.BlockSpec((BR, HID), lambda i: (i, 0)),
            pl.BlockSpec((BR, 1), lambda i: (i, 0)),
        ],
        out_shape=[
            jax.ShapeDtypeStruct((N, HID), jnp.float32),
            jax.ShapeDtypeStruct((N, 1), jnp.float32),
        ],
    )(x, g, b, w, degp)


def _mid_body(p_ref, y_ref, dinv_ref, b_ref, w_ref, o_ref):
    dinv = dinv_ref[...]
    s = p_ref[0] + p_ref[1] + y_ref[...]
    t = jnp.maximum(dinv * s + b_ref[...], 0.0)
    o_ref[...] = dinv * jnp.dot(t, w_ref[...], preferred_element_type=jnp.float32)


def _mid(p, y, dinv, b, w):
    Din, Dout = w.shape
    return pl.pallas_call(
        _mid_body,
        grid=(GRID,),
        in_specs=[
            pl.BlockSpec((NC, BR, Din), lambda i: (0, i, 0)),
            pl.BlockSpec((BR, Din), lambda i: (i, 0)),
            pl.BlockSpec((BR, 1), lambda i: (i, 0)),
            pl.BlockSpec((1, Din), lambda i: (0, 0)),
            pl.BlockSpec((Din, Dout), lambda i: (0, 0)),
        ],
        out_specs=pl.BlockSpec((BR, Dout), lambda i: (i, 0)),
        out_shape=jax.ShapeDtypeStruct((N, Dout), jnp.float32),
    )(p, y, dinv, b, w)


def _final_body(p_ref, y_ref, dinv_ref, b_ref, o_ref):
    s = p_ref[0] + p_ref[1] + y_ref[...]
    o = dinv_ref[...] * s[:, :NCLASS] + b_ref[...]
    o = o - jnp.max(o, axis=1, keepdims=True)
    o_ref[...] = o - jnp.log(jnp.sum(jnp.exp(o), axis=1, keepdims=True))


def _final(p, y, dinv, b):
    return pl.pallas_call(
        _final_body,
        grid=(GRID,),
        in_specs=[
            pl.BlockSpec((NC, BR, HID), lambda i: (0, i, 0)),
            pl.BlockSpec((BR, HID), lambda i: (i, 0)),
            pl.BlockSpec((BR, 1), lambda i: (i, 0)),
            pl.BlockSpec((1, NCLASS), lambda i: (0, 0)),
        ],
        out_specs=pl.BlockSpec((BR, NCLASS), lambda i: (i, 0)),
        out_shape=jax.ShapeDtypeStruct((N, NCLASS), jnp.float32),
    )(p, y, dinv, b)



@jax.jit
def kernel(x, adj, ln_g, ln_b, W1, b1, W2, b2, W3, b3):
    src = adj[0].reshape(NW, EP)
    dst = adj[1].reshape(NW, EP)
    degp = _deg_call()(dst)
    y1, dinv = _pre(x, ln_g.reshape(1, -1), ln_b.reshape(1, -1), W1, degp)
    p1 = _make_prop(HID)(y1, src, dst)
    y2 = _mid(p1, y1, dinv, b1.reshape(1, -1), W2)
    p2 = _make_prop(HID)(y2, src, dst)
    W3p = jnp.concatenate([W3, jnp.zeros((HID, HID - NCLASS), W3.dtype)], axis=1)
    y3 = _mid(p2, y2, dinv, b2.reshape(1, -1), W3p)
    p3 = _make_prop(HID)(y3, src, dst)
    return _final(p3, y3, dinv, b3.reshape(1, -1))

# --- scband reference (transcript-rebuilt; emitter-appended) ---
"""Pipeline reference for scband-flag-16415365005350 (READ-ONLY COPY).

The authoritative reference and input builder live on the scoring server;
editing this copy changes nothing except your own understanding.
"""

import jax, jax.numpy as jnp
import numpy as np

N = 10000
E = 320000
FEAT = 128
HID = 128
NCLASS = 64


def setup_inputs(seed: int = 0) -> dict:
    key = jax.random.key(seed)
    ks = jax.random.split(key, 10)
    x = jax.random.normal(ks[0], (N, FEAT), dtype=jnp.float32)
    adj = jax.random.randint(ks[1], (2, E), 0, N, dtype=jnp.int32)
    ln_g = jnp.ones((FEAT,), dtype=jnp.float32)
    ln_b = jnp.zeros((FEAT,), dtype=jnp.float32)
    W1 = jax.random.normal(ks[2], (FEAT, HID), dtype=jnp.float32) * (1.0 / np.sqrt(FEAT))
    b1 = jnp.zeros((HID,), dtype=jnp.float32)
    W2 = jax.random.normal(ks[3], (HID, HID), dtype=jnp.float32) * (1.0 / np.sqrt(HID))
    b2 = jnp.zeros((HID,), dtype=jnp.float32)
    W3 = jax.random.normal(ks[4], (HID, NCLASS), dtype=jnp.float32) * (1.0 / np.sqrt(HID))
    b3 = jnp.zeros((NCLASS,), dtype=jnp.float32)
    return {"x": x, "adj": adj, "ln_g": ln_g, "ln_b": ln_b,
            "W1": W1, "b1": b1, "W2": W2, "b2": b2, "W3": W3, "b3": b3}


def layer_norm(x, g, b, eps=1e-5):
    m = jnp.mean(x, axis=-1, keepdims=True)
    v = jnp.mean((x - m) ** 2, axis=-1, keepdims=True)
    return (x - m) / jnp.sqrt(v + eps) * g + b


def gcn_conv(x, W, b, src, dst):
    # GCNConv: add self-loops, symmetric normalization D^{-1/2}(A+I)D^{-1/2}, then XW + bias
    n = x.shape[0]
    loop = jnp.arange(n, dtype=src.dtype)
    s = jnp.concatenate([src, loop])
    d = jnp.concatenate([dst, loop])
    deg = jnp.zeros((n,), dtype=x.dtype).at[d].add(1.0)
    dinv = jnp.where(deg > 0, 1.0 / jnp.sqrt(deg), 0.0)
    norm = dinv[s] * dinv[d]
    xw = x @ W
    msg = xw[s] * norm[:, None]
    out = jnp.zeros((n, W.shape[1]), dtype=x.dtype).at[d].add(msg)
    return out + b


def reference(x, adj, ln_g, ln_b, W1, b1, W2, b2, W3, b3):
    src, dst = adj[0], adj[1]
    # layer_norm_first=True -> apply lns[0]; use_ln=False -> no per-layer LN
    h = layer_norm(x, ln_g, ln_b)
    h = jax.nn.relu(gcn_conv(h, W1, b1, src, dst))  # dropout is identity in eval
    h = jax.nn.relu(gcn_conv(h, W2, b2, src, dst))
    h = gcn_conv(h, W3, b3, src, dst)
    return jax.nn.log_softmax(h, axis=-1)

if __name__ == "__main__":
    import jax
    _d = setup_inputs()
    print(jax.jit(kernel)(*tuple(_d.values())))

</pallas_src>

<mosaic_0001>
#map = affine_map<(d0, d1) -> (0, 0)>
#map1 = affine_map<(d0, d1) -> (0, 0, 0)>
module attributes {stable_mosaic.version = 14 : i64} {
  func.func @_prop_body(%arg0: i32, %arg1: i32, %arg2: memref<10000x128xf32, #tpu.memory_space<hbm>>, %arg3: memref<32x10000xi32, #tpu.memory_space<hbm>>, %arg4: memref<32x10000xi32, #tpu.memory_space<hbm>>, %arg5: memref<2x10000x128xf32, #tpu.memory_space<hbm>>, %arg6: memref<10000xi32, #tpu.memory_space<vmem>>, %arg7: memref<10000xi32, #tpu.memory_space<vmem>>, %arg8: memref<80xi32, #tpu.memory_space<vmem>>, %arg9: memref<80xi32, #tpu.memory_space<vmem>>, %arg10: memref<80xi32, #tpu.memory_space<vmem>>, %arg11: memref<80xi32, #tpu.memory_space<vmem>>, %arg12: memref<80x128xf32, #tpu.memory_space<vmem>>, %arg13: memref<80x128xf32, #tpu.memory_space<vmem>>, %arg14: memref<48x128xf32, #tpu.memory_space<vmem>>, %arg15: memref<10000x128xf32, #tpu.memory_space<vmem_shared>>, %arg16: memref<!tpu.dma_semaphore, #tpu.memory_space<semaphore_mem>>, %arg17: memref<!tpu.dma_semaphore, #tpu.memory_space<semaphore_mem>>, %arg18: memref<!tpu.dma_semaphore, #tpu.memory_space<semaphore_mem>>, %arg19: memref<!tpu.dma_semaphore, #tpu.memory_space<semaphore_mem>>) attributes {dimension_semantics = [#tpu.dimension_semantics<core_parallel>, #tpu.dimension_semantics<subcore_parallel>], iteration_bounds = array<i64: 2, 16>, scalar_prefetch = 0 : i64, scratch_operands = 14 : i64, tpu.core_type = #tpu.core_type<sc_vector_subcore>, window_params = [{transform_indices = #map}, {transform_indices = #map}, {transform_indices = #map}, {transform_indices = #map1}]} {
    %mul3A = arith.constant 16 : i32
    %mul3A_0 = arith.muli %arg0, %mul3A : i32
    %add3A = arith.addi %mul3A_0, %arg1 : i32
    %dma_start3A = arith.constant 0 : i32
    %dma_start3A_1 = tpu.memref_slice %arg3[%add3A, %dma_start3A] : memref<32x10000xi32, #tpu.memory_space<hbm>> -> memref<1x10000xi32, #tpu.memory_space<hbm>>
    %dma_start3A_2 = tpu.memref_squeeze %dma_start3A_1 : memref<1x10000xi32, #tpu.memory_space<hbm>> -> memref<10000xi32, #tpu.memory_space<hbm>>
    %dma_start3A_3 = arith.constant 0 : i32
    %dma_start3A_4 = tpu.memref_slice %arg3[%add3A, %dma_start3A_3] : memref<32x10000xi32, #tpu.memory_space<hbm>> -> memref<1x10000xi32, #tpu.memory_space<hbm>>
    %dma_start3A_5 = tpu.memref_squeeze %dma_start3A_4 : memref<1x10000xi32, #tpu.memory_space<hbm>> -> memref<10000xi32, #tpu.memory_space<hbm>>
    tpu.enqueue_dma source(%dma_start3A_5 : memref<10000xi32, #tpu.memory_space<hbm>>) target(%arg6 : memref<10000xi32, #tpu.memory_space<vmem>>) target_semaphore(%arg16 : memref<!tpu.dma_semaphore, #tpu.memory_space<semaphore_mem>>)
    %dma_start3A_6 = arith.constant 0 : i32
    %dma_start3A_7 = tpu.memref_slice %arg4[%add3A, %dma_start3A_6] : memref<32x10000xi32, #tpu.memory_space<hbm>> -> memref<1x10000xi32, #tpu.memory_space<hbm>>
    %dma_start3A_8 = tpu.memref_squeeze %dma_start3A_7 : memref<1x10000xi32, #tpu.memory_space<hbm>> -> memref<10000xi32, #tpu.memory_space<hbm>>
    %dma_start3A_9 = arith.constant 0 : i32
    %dma_start3A_10 = tpu.memref_slice %arg4[%add3A, %dma_start3A_9] : memref<32x10000xi32, #tpu.memory_space<hbm>> -> memref<1x10000xi32, #tpu.memory_space<hbm>>
    %dma_start3A_11 = tpu.memref_squeeze %dma_start3A_10 : memref<1x10000xi32, #tpu.memory_space<hbm>> -> memref<10000xi32, #tpu.memory_space<hbm>>
    tpu.enqueue_dma source(%dma_start3A_11 : memref<10000xi32, #tpu.memory_space<hbm>>) target(%arg7 : memref<10000xi32, #tpu.memory_space<vmem>>) target_semaphore(%arg17 : memref<!tpu.dma_semaphore, #tpu.memory_space<semaphore_mem>>)
    %scan3A = arith.constant 0 : i32
    %scan3A_12 = arith.constant 0 : i32
    %scan3A_13 = arith.constant 48 : i32
    %scan3A_14 = arith.addi %scan3A_12, %scan3A_13 : i32
    %scan3A_15 = arith.constant 1 : i32
    scf.for %scan3A_178 = %scan3A_12 to %scan3A_14 step %scan3A_15  : i32 {
      %broadcast_in_dim3A = arith.constant 0.000000e+00 : f32
      %broadcast_in_dim3A_179 = vector.broadcast %broadcast_in_dim3A : f32 to vector<16xf32>
      %swap3A_180 = arith.index_cast %scan3A_178 : i32 to index
      %swap3A_181 = arith.constant 0 : index
      %swap3A_182 = tpu.vector_load %arg14[%swap3A_180, %swap3A_181] {strides = array<i32>} : memref<48x128xf32, #tpu.memory_space<vmem>>, vector<1x16xf32>,
      %swap3A_183 = vector.shape_cast %swap3A_182 : vector<1x16xf32> to vector<16xf32>
      %swap3A_184 = vector.shape_cast %broadcast_in_dim3A_179 : vector<16xf32> to vector<1x16xf32>
      tpu.vector_store %arg14[%swap3A_180, %swap3A_181], %swap3A_184 {strides = array<i32>} : memref<48x128xf32, #tpu.memory_space<vmem>>, vector<1x16xf32>,
      %broadcast_in_dim3A_185 = arith.constant 0.000000e+00 : f32
      %broadcast_in_dim3A_186 = vector.broadcast %broadcast_in_dim3A_185 : f32 to vector<16xf32>
      %swap3A_187 = arith.index_cast %scan3A_178 : i32 to index
      %swap3A_188 = arith.constant 16 : index
      %swap3A_189 = tpu.vector_load %arg14[%swap3A_187, %swap3A_188] {strides = array<i32>} : memref<48x128xf32, #tpu.memory_space<vmem>>, vector<1x16xf32>,
      %swap3A_190 = vector.shape_cast %swap3A_189 : vector<1x16xf32> to vector<16xf32>
      %swap3A_191 = vector.shape_cast %broadcast_in_dim3A_186 : vector<16xf32> to vector<1x16xf32>
      tpu.vector_store %arg14[%swap3A_187, %swap3A_188], %swap3A_191 {strides = array<i32>} : memref<48x128xf32, #tpu.memory_space<vmem>>, vector<1x16xf32>,
      %broadcast_in_dim3A_192 = arith.constant 0.000000e+00 : f32
      %broadcast_in_dim3A_193 = vector.broadcast %broadcast_in_dim3A_192 : f32 to vector<16xf32>
      %swap3A_194 = arith.index_cast %scan3A_178 : i32 to index
      %swap3A_195 = arith.constant 32 : index
      %swap3A_196 = tpu.vector_load %arg14[%swap3A_194, %swap3A_195] {strides = array<i32>} : memref<48x128xf32, #tpu.memory_space<vmem>>, vector<1x16xf32>,
      %swap3A_197 = vector.shape_cast %swap3A_196 : vector<1x16xf32> to vector<16xf32>
      %swap3A_198 = vector.shape_cast %broadcast_in_dim3A_193 : vector<16xf32> to vector<1x16xf32>
      tpu.vector_store %arg14[%swap3A_194, %swap3A_195], %swap3A_198 {strides = array<i32>} : memref<48x128xf32, #tpu.memory_space<vmem>>, vector<1x16xf32>,
      %broadcast_in_dim3A_199 = arith.constant 0.000000e+00 : f32
      %broadcast_in_dim3A_200 = vector.broadcast %broadcast_in_dim3A_199 : f32 to vector<16xf32>
      %swap3A_201 = arith.index_cast %scan3A_178 : i32 to index
      %swap3A_202 = arith.constant 48 : index
      %swap3A_203 = tpu.vector_load %arg14[%swap3A_201, %swap3A_202] {strides = array<i32>} : memref<48x128xf32, #tpu.memory_space<vmem>>, vector<1x16xf32>,
      %swap3A_204 = vector.shape_cast %swap3A_203 : vector<1x16xf32> to vector<16xf32>
      %swap3A_205 = vector.shape_cast %broadcast_in_dim3A_200 : vector<16xf32> to vector<1x16xf32>
      tpu.vector_store %arg14[%swap3A_201, %swap3A_202], %swap3A_205 {strides = array<i32>} : memref<48x128xf32, #tpu.memory_space<vmem>>, vector<1x16xf32>,
      %broadcast_in_dim3A_206 = arith.constant 0.000000e+00 : f32
      %broadcast_in_dim3A_207 = vector.broadcast %broadcast_in_dim3A_206 : f32 to vector<16xf32>
      %swap3A_208 = arith.index_cast %scan3A_178 : i32 to index
      %swap3A_209 = arith.constant 64 : index
      %swap3A_210 = tpu.vector_load %arg14[%swap3A_208, %swap3A_209] {strides = array<i32>} : memref<48x128xf32, #tpu.memory_space<vmem>>, vector<1x16xf32>,
      %swap3A_211 = vector.shape_cast %swap3A_210 : vector<1x16xf32> to vector<16xf32>
      %swap3A_212 = vector.shape_cast %broadcast_in_dim3A_207 : vector<16xf32> to vector<1x16xf32>
      tpu.vector_store %arg14[%swap3A_208, %swap3A_209], %swap3A_212 {strides = array<i32>} : memref<48x128xf32, #tpu.memory_space<vmem>>, vector<1x16xf32>,
      %broadcast_in_dim3A_213 = arith.constant 0.000000e+00 : f32
      %broadcast_in_dim3A_214 = vector.broadcast %broadcast_in_dim3A_213 : f32 to vector<16xf32>
      %swap3A_215 = arith.index_cast %scan3A_178 : i32 to index
      %swap3A_216 = arith.constant 80 : index
      %swap3A_217 = tpu.vector_load %arg14[%swap3A_215, %swap3A_216] {strides = array<i32>} : memref<48x128xf32, #tpu.memory_space<vmem>>, vector<1x16xf32>,
      %swap3A_218 = vector.shape_cast %swap3A_217 : vector<1x16xf32> to vector<16xf32>
      %swap3A_219 = vector.shape_cast %broadcast_in_dim3A_214 : vector<16xf32> to vector<1x16xf32>
      tpu.vector_store %arg14[%swap3A_215, %swap3A_216], %swap3A_219 {strides = array<i32>} : memref<48x128xf32, #tpu.memory_space<vmem>>, vector<1x16xf32>,
      %broadcast_in_dim3A_220 = arith.constant 0.000000e+00 : f32
      %broadcast_in_dim3A_221 = vector.broadcast %broadcast_in_dim3A_220 : f32 to vector<16xf32>
      %swap3A_222 = arith.index_cast %scan3A_178 : i32 to index
      %swap3A_223 = arith.constant 96 : index
      %swap3A_224 = tpu.vector_load %arg14[%swap3A_222, %swap3A_223] {strides = array<i32>} : memref<48x128xf32, #tpu.memory_space<vmem>>, vector<1x16xf32>,
      %swap3A_225 = vector.shape_cast %swap3A_224 : vector<1x16xf32> to vector<16xf32>
      %swap3A_226 = vector.shape_cast %broadcast_in_dim3A_221 : vector<16xf32> to vector<1x16xf32>
      tpu.vector_store %arg14[%swap3A_222, %swap3A_223], %swap3A_226 {strides = array<i32>} : memref<48x128xf32, #tpu.memory_space<vmem>>, vector<1x16xf32>,
      %broadcast_in_dim3A_227 = arith.constant 0.000000e+00 : f32
      %broadcast_in_dim3A_228 = vector.broadcast %broadcast_in_dim3A_227 : f32 to vector<16xf32>
      %swap3A_229 = arith.index_cast %scan3A_178 : i32 to index
      %swap3A_230 = arith.constant 112 : index
      %swap3A_231 = tpu.vector_load %arg14[%swap3A_229, %swap3A_230] {strides = array<i32>} : memref<48x128xf32, #tpu.memory_space<vmem>>, vector<1x16xf32>,
      %swap3A_232 = vector.shape_cast %swap3A_231 : vector<1x16xf32> to vector<16xf32>
      %swap3A_233 = vector.shape_cast %broadcast_in_dim3A_228 : vector<16xf32> to vector<1x16xf32>
      tpu.vector_store %arg14[%swap3A_229, %swap3A_230], %swap3A_233 {strides = array<i32>} : memref<48x128xf32, #tpu.memory_space<vmem>>, vector<1x16xf32>,
    }
    %scan3A_16 = arith.constant 48 : i32
    %mul3A_17 = arith.constant 624 : i32
    %mul3A_18 = arith.muli %arg1, %mul3A_17 : i32
    %add3A_19 = arith.constant 0 : i32
    %add3A_20 = arith.addi %mul3A_18, %add3A_19 : i32
    "tpu.region"() ({
      %run_scoped3A = tpu.sem_alloc : memref<!tpu.dma_semaphore, #tpu.memory_space<semaphore_mem>>
      %dma_start3A_178 = arith.constant 0 : i32
      %dma_start3A_179 = arith.constant 0 : i32
      %dma_start3A_180 = tpu.memref_slice %arg14[%dma_start3A_178, %dma_start3A_179] : memref<48x128xf32, #tpu.memory_space<vmem>> -> memref<48x128xf32, #tpu.memory_space<vmem>>
      %dma_start3A_181 = arith.constant 0 : i32
      %dma_start3A_182 = tpu.memref_slice %arg15[%add3A_20, %dma_start3A_181] : memref<10000x128xf32, #tpu.memory_space<vmem_shared>> -> memref<48x128xf32, #tpu.memory_space<vmem_shared>>
      %dma_start3A_183 = arith.constant 0 : i32
      %dma_start3A_184 = tpu.memref_slice %arg15[%add3A_20, %dma_start3A_183] : memref<10000x128xf32, #tpu.memory_space<vmem_shared>> -> memref<48x128xf32, #tpu.memory_space<vmem_shared>>
      %dma_start3A_185 = arith.constant 0 : i32
      %dma_start3A_186 = arith.constant 0 : i32
      %dma_start3A_187 = tpu.memref_slice %arg14[%dma_start3A_185, %dma_start3A_186] : memref<48x128xf32, #tpu.memory_space<vmem>> -> memref<48x128xf32, #tpu.memory_space<vmem>>
      tpu.enqueue_dma source(%dma_start3A_187 : memref<48x128xf32, #tpu.memory_space<vmem>>) target(%dma_start3A_184 : memref<48x128xf32, #tpu.memory_space<vmem_shared>>) target_semaphore(%run_scoped3A : memref<!tpu.dma_semaphore, #tpu.memory_space<semaphore_mem>>)
      %dma_wait3A_188 = arith.constant 0 : i32
      %dma_wait3A_189 = arith.constant 0 : i32
      %dma_wait3A_190 = tpu.memref_slice %arg14[%dma_wait3A_188, %dma_wait3A_189] : memref<48x128xf32, #tpu.memory_space<vmem>> -> memref<48x128xf32, #tpu.memory_space<vmem>>
      %dma_wait3A_191 = arith.constant 0 : i32
      %dma_wait3A_192 = tpu.memref_slice %arg15[%add3A_20, %dma_wait3A_191] : memref<10000x128xf32, #tpu.memory_space<vmem_shared>> -> memref<48x128xf32, #tpu.memory_space<vmem_shared>>
      %dma_wait3A_193 = arith.constant 0 : i32
      %dma_wait3A_194 = tpu.memref_slice %arg15[%add3A_20, %dma_wait3A_193] : memref<10000x128xf32, #tpu.memory_space<vmem_shared>> -> memref<48x128xf32, #tpu.memory_space<vmem_shared>>
      %dma_wait3A_195 = arith.constant 0 : i32
      %dma_wait3A_196 = arith.constant 0 : i32
      %dma_wait3A_197 = tpu.memref_slice %arg14[%dma_wait3A_195, %dma_wait3A_196] : memref<48x128xf32, #tpu.memory_space<vmem>> -> memref<48x128xf32, #tpu.memory_space<vmem>>
      tpu.wait_dma2 semaphore(%run_scoped3A : memref<!tpu.dma_semaphore, #tpu.memory_space<semaphore_mem>>) src(%dma_wait3A_197 : memref<48x128xf32, #tpu.memory_space<vmem>>) dst(%dma_wait3A_194 : memref<48x128xf32, #tpu.memory_space<vmem_shared>>)
      tpu.yield
    }) : () -> ()
    %mul3A_21 = arith.constant 624 : i32
    %mul3A_22 = arith.muli %arg1, %mul3A_21 : i32
    %add3A_23 = arith.constant 48 : i32
    %add3A_24 = arith.addi %mul3A_22, %add3A_23 : i32
    "tpu.region"() ({
      %run_scoped3A = tpu.sem_alloc : memref<!tpu.dma_semaphore, #tpu.memory_space<semaphore_mem>>
      %dma_start3A_178 = arith.constant 0 : i32
      %dma_start3A_179 = arith.constant 0 : i32
      %dma_start3A_180 = tpu.memref_slice %arg14[%dma_start3A_178, %dma_start3A_179] : memref<48x128xf32, #tpu.memory_space<vmem>> -> memref<48x128xf32, #tpu.memory_space<vmem>>
      %dma_start3A_181 = arith.constant 0 : i32
      %dma_start3A_182 = tpu.memref_slice %arg15[%add3A_24, %dma_start3A_181] : memref<10000x128xf32, #tpu.memory_space<vmem_shared>> -> memref<48x128xf32, #tpu.memory_space<vmem_shared>>
      %dma_start3A_183 = arith.constant 0 : i32
      %dma_start3A_184 = tpu.memref_slice %arg15[%add3A_24, %dma_start3A_183] : memref<10000x128xf32, #tpu.memory_space<vmem_shared>> -> memref<48x128xf32, #tpu.memory_space<vmem_shared>>
      %dma_start3A_185 = arith.constant 0 : i32
      %dma_start3A_186 = arith.constant 0 : i32
      %dma_start3A_187 = tpu.memref_slice %arg14[%dma_start3A_185, %dma_start3A_186] : memref<48x128xf32, #tpu.memory_space<vmem>> -> memref<48x128xf32, #tpu.memory_space<vmem>>
      tpu.enqueue_dma source(%dma_start3A_187 : memref<48x128xf32, #tpu.memory_space<vmem>>) target(%dma_start3A_184 : memref<48x128xf32, #tpu.memory_space<vmem_shared>>) target_semaphore(%run_scoped3A : memref<!tpu.dma_semaphore, #tpu.memory_space<semaphore_mem>>)
      %dma_wait3A_188 = arith.constant 0 : i32
      %dma_wait3A_189 = arith.constant 0 : i32
      %dma_wait3A_190 = tpu.memref_slice %arg14[%dma_wait3A_188, %dma_wait3A_189] : memref<48x128xf32, #tpu.memory_space<vmem>> -> memref<48x128xf32, #tpu.memory_space<vmem>>
      %dma_wait3A_191 = arith.constant 0 : i32
      %dma_wait3A_192 = tpu.memref_slice %arg15[%add3A_24, %dma_wait3A_191] : memref<10000x128xf32, #tpu.memory_space<vmem_shared>> -> memref<48x128xf32, #tpu.memory_space<vmem_shared>>
      %dma_wait3A_193 = arith.constant 0 : i32
      %dma_wait3A_194 = tpu.memref_slice %arg15[%add3A_24, %dma_wait3A_193] : memref<10000x128xf32, #tpu.memory_space<vmem_shared>> -> memref<48x128xf32, #tpu.memory_space<vmem_shared>>
      %dma_wait3A_195 = arith.constant 0 : i32
      %dma_wait3A_196 = arith.constant 0 : i32
      %dma_wait3A_197 = tpu.memref_slice %arg14[%dma_wait3A_195, %dma_wait3A_196] : memref<48x128xf32, #tpu.memory_space<vmem>> -> memref<48x128xf32, #tpu.memory_space<vmem>>
      tpu.wait_dma2 semaphore(%run_scoped3A : memref<!tpu.dma_semaphore, #tpu.memory_space<semaphore_mem>>) src(%dma_wait3A_197 : memref<48x128xf32, #tpu.memory_space<vmem>>) dst(%dma_wait3A_194 : memref<48x128xf32, #tpu.memory_space<vmem_shared>>)
      tpu.yield
    }) : () -> ()
    %mul3A_25 = arith.constant 624 : i32
    %mul3A_26 = arith.muli %arg1, %mul3A_25 : i32
    %add3A_27 = arith.constant 96 : i32
    %add3A_28 = arith.addi %mul3A_26, %add3A_27 : i32
    "tpu.region"() ({
      %run_scoped3A = tpu.sem_alloc : memref<!tpu.dma_semaphore, #tpu.memory_space<semaphore_mem>>
      %dma_start3A_178 = arith.constant 0 : i32
      %dma_start3A_179 = arith.constant 0 : i32
      %dma_start3A_180 = tpu.memref_slice %arg14[%dma_start3A_178, %dma_start3A_179] : memref<48x128xf32, #tpu.memory_space<vmem>> -> memref<48x128xf32, #tpu.memory_space<vmem>>
      %dma_start3A_181 = arith.constant 0 : i32
      %dma_start3A_182 = tpu.memref_slice %arg15[%add3A_28, %dma_start3A_181] : memref<10000x128xf32, #tpu.memory_space<vmem_shared>> -> memref<48x128xf32, #tpu.memory_space<vmem_shared>>
      %dma_start3A_183 = arith.constant 0 : i32
      %dma_start3A_184 = tpu.memref_slice %arg15[%add3A_28, %dma_start3A_183] : memref<10000x128xf32, #tpu.memory_space<vmem_shared>> -> memref<48x128xf32, #tpu.memory_space<vmem_shared>>
      %dma_start3A_185 = arith.constant 0 : i32
      %dma_start3A_186 = arith.constant 0 : i32
      %dma_start3A_187 = tpu.memref_slice %arg14[%dma_start3A_185, %dma_start3A_186] : memref<48x128xf32, #tpu.memory_space<vmem>> -> memref<48x128xf32, #tpu.memory_space<vmem>>
      tpu.enqueue_dma source(%dma_start3A_187 : memref<48x128xf32, #tpu.memory_space<vmem>>) target(%dma_start3A_184 : memref<48x128xf32, #tpu.memory_space<vmem_shared>>) target_semaphore(%run_scoped3A : memref<!tpu.dma_semaphore, #tpu.memory_space<semaphore_mem>>)
      %dma_wait3A_188 = arith.constant 0 : i32
      %dma_wait3A_189 = arith.constant 0 : i32
      %dma_wait3A_190 = tpu.memref_slice %arg14[%dma_wait3A_188, %dma_wait3A_189] : memref<48x128xf32, #tpu.memory_space<vmem>> -> memref<48x128xf32, #tpu.memory_space<vmem>>
      %dma_wait3A_191 = arith.constant 0 : i32
      %dma_wait3A_192 = tpu.memref_slice %arg15[%add3A_28, %dma_wait3A_191] : memref<10000x128xf32, #tpu.memory_space<vmem_shared>> -> memref<48x128xf32, #tpu.memory_space<vmem_shared>>
      %dma_wait3A_193 = arith.constant 0 : i32
      %dma_wait3A_194 = tpu.memref_slice %arg15[%add3A_28, %dma_wait3A_193] : memref<10000x128xf32, #tpu.memory_space<vmem_shared>> -> memref<48x128xf32, #tpu.memory_space<vmem_shared>>
      %dma_wait3A_195 = arith.constant 0 : i32
      %dma_wait3A_196 = arith.constant 0 : i32
      %dma_wait3A_197 = tpu.memref_slice %arg14[%dma_wait3A_195, %dma_wait3A_196] : memref<48x128xf32, #tpu.memory_space<vmem>> -> memref<48x128xf32, #tpu.memory_space<vmem>>
      tpu.wait_dma2 semaphore(%run_scoped3A : memref<!tpu.dma_semaphore, #tpu.memory_space<semaphore_mem>>) src(%dma_wait3A_197 : memref<48x128xf32, #tpu.memory_space<vmem>>) dst(%dma_wait3A_194 : memref<48x128xf32, #tpu.memory_space<vmem_shared>>)
      tpu.yield
    }) : () -> ()
    %mul3A_29 = arith.constant 624 : i32
    %mul3A_30 = arith.muli %arg1, %mul3A_29 : i32
    %add3A_31 = arith.constant 144 : i32
    %add3A_32 = arith.addi %mul3A_30, %add3A_31 : i32
    "tpu.region"() ({
      %run_scoped3A = tpu.sem_alloc : memref<!tpu.dma_semaphore, #tpu.memory_space<semaphore_mem>>
      %dma_start3A_178 = arith.constant 0 : i32
      %dma_start3A_179 = arith.constant 0 : i32
      %dma_start3A_180 = tpu.memref_slice %arg14[%dma_start3A_178, %dma_start3A_179] : memref<48x128xf32, #tpu.memory_space<vmem>> -> memref<48x128xf32, #tpu.memory_space<vmem>>
      %dma_start3A_181 = arith.constant 0 : i32
      %dma_start3A_182 = tpu.memref_slice %arg15[%add3A_32, %dma_start3A_181] : memref<10000x128xf32, #tpu.memory_space<vmem_shared>> -> memref<48x128xf32, #tpu.memory_space<vmem_shared>>
      %dma_start3A_183 = arith.constant 0 : i32
      %dma_start3A_184 = tpu.memref_slice %arg15[%add3A_32, %dma_start3A_183] : memref<10000x128xf32, #tpu.memory_space<vmem_shared>> -> memref<48x128xf32, #tpu.memory_space<vmem_shared>>
      %dma_start3A_185 = arith.constant 0 : i32
      %dma_start3A_186 = arith.constant 0 : i32
      %dma_start3A_187 = tpu.memref_slice %arg14[%dma_start3A_185, %dma_start3A_186] : memref<48x128xf32, #tpu.memory_space<vmem>> -> memref<48x128xf32, #tpu.memory_space<vmem>>
      tpu.enqueue_dma source(%dma_start3A_187 : memref<48x128xf32, #tpu.memory_space<vmem>>) target(%dma_start3A_184 : memref<48x128xf32, #tpu.memory_space<vmem_shared>>) target_semaphore(%run_scoped3A : memref<!tpu.dma_semaphore, #tpu.memory_space<semaphore_mem>>)
      %dma_wait3A_188 = arith.constant 0 : i32
      %dma_wait3A_189 = arith.constant 0 : i32
      %dma_wait3A_190 = tpu.memref_slice %arg14[%dma_wait3A_188, %dma_wait3A_189] : memref<48x128xf32, #tpu.memory_space<vmem>> -> memref<48x128xf32, #tpu.memory_space<vmem>>
      %dma_wait3A_191 = arith.constant 0 : i32
      %dma_wait3A_192 = tpu.memref_slice %arg15[%add3A_32, %dma_wait3A_191] : memref<10000x128xf32, #tpu.memory_space<vmem_shared>> -> memref<48x128xf32, #tpu.memory_space<vmem_shared>>
      %dma_wait3A_193 = arith.constant 0 : i32
      %dma_wait3A_194 = tpu.memref_slice %arg15[%add3A_32, %dma_wait3A_193] : memref<10000x128xf32, #tpu.memory_space<vmem_shared>> -> memref<48x128xf32, #tpu.memory_space<vmem_shared>>
      %dma_wait3A_195 = arith.constant 0 : i32
      %dma_wait3A_196 = arith.constant 0 : i32
      %dma_wait3A_197 = tpu.memref_slice %arg14[%dma_wait3A_195, %dma_wait3A_196] : memref<48x128xf32, #tpu.memory_space<vmem>> -> memref<48x128xf32, #tpu.memory_space<vmem>>
      tpu.wait_dma2 semaphore(%run_scoped3A : memref<!tpu.dma_semaphore, #tpu.memory_space<semaphore_mem>>) src(%dma_wait3A_197 : memref<48x128xf32, #tpu.memory_space<vmem>>) dst(%dma_wait3A_194 : memref<48x128xf32, #tpu.memory_space<vmem_shared>>)
      tpu.yield
    }) : () -> ()
    %mul3A_33 = arith.constant 624 : i32
    %mul3A_34 = arith.muli %arg1, %mul3A_33 : i32
    %add3A_35 = arith.constant 192 : i32
    %add3A_36 = arith.addi %mul3A_34, %add3A_35 : i32
    "tpu.region"() ({
      %run_scoped3A = tpu.sem_alloc : memref<!tpu.dma_semaphore, #tpu.memory_space<semaphore_mem>>
      %dma_start3A_178 = arith.constant 0 : i32
      %dma_start3A_179 = arith.constant 0 : i32
      %dma_start3A_180 = tpu.memref_slice %arg14[%dma_start3A_178, %dma_start3A_179] : memref<48x128xf32, #tpu.memory_space<vmem>> -> memref<48x128xf32, #tpu.memory_space<vmem>>
      %dma_start3A_181 = arith.constant 0 : i32
      %dma_start3A_182 = tpu.memref_slice %arg15[%add3A_36, %dma_start3A_181] : memref<10000x128xf32, #tpu.memory_space<vmem_shared>> -> memref<48x128xf32, #tpu.memory_space<vmem_shared>>
      %dma_start3A_183 = arith.constant 0 : i32
      %dma_start3A_184 = tpu.memref_slice %arg15[%add3A_36, %dma_start3A_183] : memref<10000x128xf32, #tpu.memory_space<vmem_shared>> -> memref<48x128xf32, #tpu.memory_space<vmem_shared>>
      %dma_start3A_185 = arith.constant 0 : i32
      %dma_start3A_186 = arith.constant 0 : i32
      %dma_start3A_187 = tpu.memref_slice %arg14[%dma_start3A_185, %dma_start3A_186] : memref<48x128xf32, #tpu.memory_space<vmem>> -> memref<48x128xf32, #tpu.memory_space<vmem>>
      tpu.enqueue_dma source(%dma_start3A_187 : memref<48x128xf32, #tpu.memory_space<vmem>>) target(%dma_start3A_184 : memref<48x128xf32, #tpu.memory_space<vmem_shared>>) target_semaphore(%run_scoped3A : memref<!tpu.dma_semaphore, #tpu.memory_space<semaphore_mem>>)
      %dma_wait3A_188 = arith.constant 0 : i32
      %dma_wait3A_189 = arith.constant 0 : i32
      %dma_wait3A_190 = tpu.memref_slice %arg14[%dma_wait3A_188, %dma_wait3A_189] : memref<48x128xf32, #tpu.memory_space<vmem>> -> memref<48x128xf32, #tpu.memory_space<vmem>>
      %dma_wait3A_191 = arith.constant 0 : i32
      %dma_wait3A_192 = tpu.memref_slice %arg15[%add3A_36, %dma_wait3A_191] : memref<10000x128xf32, #tpu.memory_space<vmem_shared>> -> memref<48x128xf32, #tpu.memory_space<vmem_shared>>
      %dma_wait3A_193 = arith.constant 0 : i32
      %dma_wait3A_194 = tpu.memref_slice %arg15[%add3A_36, %dma_wait3A_193] : memref<10000x128xf32, #tpu.memory_space<vmem_shared>> -> memref<48x128xf32, #tpu.memory_space<vmem_shared>>
      %dma_wait3A_195 = arith.constant 0 : i32
      %dma_wait3A_196 = arith.constant 0 : i32
      %dma_wait3A_197 = tpu.memref_slice %arg14[%dma_wait3A_195, %dma_wait3A_196] : memref<48x128xf32, #tpu.memory_space<vmem>> -> memref<48x128xf32, #tpu.memory_space<vmem>>
      tpu.wait_dma2 semaphore(%run_scoped3A : memref<!tpu.dma_semaphore, #tpu.memory_space<semaphore_mem>>) src(%dma_wait3A_197 : memref<48x128xf32, #tpu.memory_space<vmem>>) dst(%dma_wait3A_194 : memref<48x128xf32, #tpu.memory_space<vmem_shared>>)
      tpu.yield
    }) : () -> ()
    %mul3A_37 = arith.constant 624 : i32
    %mul3A_38 = arith.muli %arg1, %mul3A_37 : i32
    %add3A_39 = arith.constant 240 : i32
    %add3A_40 = arith.addi %mul3A_38, %add3A_39 : i32
    "tpu.region"() ({
      %run_scoped3A = tpu.sem_alloc : memref<!tpu.dma_semaphore, #tpu.memory_space<semaphore_mem>>
      %dma_start3A_178 = arith.constant 0 : i32
      %dma_start3A_179 = arith.constant 0 : i32
      %dma_start3A_180 = tpu.memref_slice %arg14[%dma_start3A_178, %dma_start3A_179] : memref<48x128xf32, #tpu.memory_space<vmem>> -> memref<48x128xf32, #tpu.memory_space<vmem>>
      %dma_start3A_181 = arith.constant 0 : i32
      %dma_start3A_182 = tpu.memref_slice %arg15[%add3A_40, %dma_start3A_181] : memref<10000x128xf32, #tpu.memory_space<vmem_shared>> -> memref<48x128xf32, #tpu.memory_space<vmem_shared>>
      %dma_start3A_183 = arith.constant 0 : i32
      %dma_start3A_184 = tpu.memref_slice %arg15[%add3A_40, %dma_start3A_183] : memref<10000x128xf32, #tpu.memory_space<vmem_shared>> -> memref<48x128xf32, #tpu.memory_space<vmem_shared>>
      %dma_start3A_185 = arith.constant 0 : i32
      %dma_start3A_186 = arith.constant 0 : i32
      %dma_start3A_187 = tpu.memref_slice %arg14[%dma_start3A_185, %dma_start3A_186] : memref<48x128xf32, #tpu.memory_space<vmem>> -> memref<48x128xf32, #tpu.memory_space<vmem>>
      tpu.enqueue_dma source(%dma_start3A_187 : memref<48x128xf32, #tpu.memory_space<vmem>>) target(%dma_start3A_184 : memref<48x128xf32, #tpu.memory_space<vmem_shared>>) target_semaphore(%run_scoped3A : memref<!tpu.dma_semaphore, #tpu.memory_space<semaphore_mem>>)
      %dma_wait3A_188 = arith.constant 0 : i32
      %dma_wait3A_189 = arith.constant 0 : i32
      %dma_wait3A_190 = tpu.memref_slice %arg14[%dma_wait3A_188, %dma_wait3A_189] : memref<48x128xf32, #tpu.memory_space<vmem>> -> memref<48x128xf32, #tpu.memory_space<vmem>>
      %dma_wait3A_191 = arith.constant 0 : i32
      %dma_wait3A_192 = tpu.memref_slice %arg15[%add3A_40, %dma_wait3A_191] : memref<10000x128xf32, #tpu.memory_space<vmem_shared>> -> memref<48x128xf32, #tpu.memory_space<vmem_shared>>
      %dma_wait3A_193 = arith.constant 0 : i32
      %dma_wait3A_194 = tpu.memref_slice %arg15[%add3A_40, %dma_wait3A_193] : memref<10000x128xf32, #tpu.memory_space<vmem_shared>> -> memref<48x128xf32, #tpu.memory_space<vmem_shared>>
      %dma_wait3A_195 = arith.constant 0 : i32
      %dma_wait3A_196 = arith.constant 0 : i32
      %dma_wait3A_197 = tpu.memref_slice %arg14[%dma_wait3A_195, %dma_wait3A_196] : memref<48x128xf32, #tpu.memory_space<vmem>> -> memref<48x128xf32, #tpu.memory_space<vmem>>
      tpu.wait_dma2 semaphore(%run_scoped3A : memref<!tpu.dma_semaphore, #tpu.memory_space<semaphore_mem>>) src(%dma_wait3A_197 : memref<48x128xf32, #tpu.memory_space<vmem>>) dst(%dma_wait3A_194 : memref<48x128xf32, #tpu.memory_space<vmem_shared>>)
      tpu.yield
    }) : () -> ()
    %mul3A_41 = arith.constant 624 : i32
    %mul3A_42 = arith.muli %arg1, %mul3A_41 : i32
    %add3A_43 = arith.constant 288 : i32
    %add3A_44 = arith.addi %mul3A_42, %add3A_43 : i32
    "tpu.region"() ({
      %run_scoped3A = tpu.sem_alloc : memref<!tpu.dma_semaphore, #tpu.memory_space<semaphore_mem>>
      %dma_start3A_178 = arith.constant 0 : i32
      %dma_start3A_179 = arith.constant 0 : i32
      %dma_start3A_180 = tpu.memref_slice %arg14[%dma_start3A_178, %dma_start3A_179] : memref<48x128xf32, #tpu.memory_space<vmem>> -> memref<48x128xf32, #tpu.memory_space<vmem>>
      %dma_start3A_181 = arith.constant 0 : i32
      %dma_start3A_182 = tpu.memref_slice %arg15[%add3A_44, %dma_start3A_181] : memref<10000x128xf32, #tpu.memory_space<vmem_shared>> -> memref<48x128xf32, #tpu.memory_space<vmem_shared>>
      %dma_start3A_183 = arith.constant 0 : i32
      %dma_start3A_184 = tpu.memref_slice %arg15[%add3A_44, %dma_start3A_183] : memref<10000x128xf32, #tpu.memory_space<vmem_shared>> -> memref<48x128xf32, #tpu.memory_space<vmem_shared>>
      %dma_start3A_185 = arith.constant 0 : i32
      %dma_start3A_186 = arith.constant 0 : i32
      %dma_start3A_187 = tpu.memref_slice %arg14[%dma_start3A_185, %dma_start3A_186] : memref<48x128xf32, #tpu.memory_space<vmem>> -> memref<48x128xf32, #tpu.memory_space<vmem>>
      tpu.enqueue_dma source(%dma_start3A_187 : memref<48x128xf32, #tpu.memory_space<vmem>>) target(%dma_start3A_184 : memref<48x128xf32, #tpu.memory_space<vmem_shared>>) target_semaphore(%run_scoped3A : memref<!tpu.dma_semaphore, #tpu.memory_space<semaphore_mem>>)
      %dma_wait3A_188 = arith.constant 0 : i32
      %dma_wait3A_189 = arith.constant 0 : i32
      %dma_wait3A_190 = tpu.memref_slice %arg14[%dma_wait3A_188, %dma_wait3A_189] : memref<48x128xf32, #tpu.memory_space<vmem>> -> memref<48x128xf32, #tpu.memory_space<vmem>>
      %dma_wait3A_191 = arith.constant 0 : i32
      %dma_wait3A_192 = tpu.memref_slice %arg15[%add3A_44, %dma_wait3A_191] : memref<10000x128xf32, #tpu.memory_space<vmem_shared>> -> memref<48x128xf32, #tpu.memory_space<vmem_shared>>
      %dma_wait3A_193 = arith.constant 0 : i32
      %dma_wait3A_194 = tpu.memref_slice %arg15[%add3A_44, %dma_wait3A_193] : memref<10000x128xf32, #tpu.memory_space<vmem_shared>> -> memref<48x128xf32, #tpu.memory_space<vmem_shared>>
      %dma_wait3A_195 = arith.constant 0 : i32
      %dma_wait3A_196 = arith.constant 0 : i32
      %dma_wait3A_197 = tpu.memref_slice %arg14[%dma_wait3A_195, %dma_wait3A_196] : memref<48x128xf32, #tpu.memory_space<vmem>> -> memref<48x128xf32, #tpu.memory_space<vmem>>
      tpu.wait_dma2 semaphore(%run_scoped3A : memref<!tpu.dma_semaphore, #tpu.memory_space<semaphore_mem>>) src(%dma_wait3A_197 : memref<48x128xf32, #tpu.memory_space<vmem>>) dst(%dma_wait3A_194 : memref<48x128xf32, #tpu.memory_space<vmem_shared>>)
      tpu.yield
    }) : () -> ()
    %mul3A_45 = arith.constant 624 : i32
    %mul3A_46 = arith.muli %arg1, %mul3A_45 : i32
    %add3A_47 = arith.constant 336 : i32
    %add3A_48 = arith.addi %mul3A_46, %add3A_47 : i32
    "tpu.region"() ({
      %run_scoped3A = tpu.sem_alloc : memref<!tpu.dma_semaphore, #tpu.memory_space<semaphore_mem>>
      %dma_start3A_178 = arith.constant 0 : i32
      %dma_start3A_179 = arith.constant 0 : i32
      %dma_start3A_180 = tpu.memref_slice %arg14[%dma_start3A_178, %dma_start3A_179] : memref<48x128xf32, #tpu.memory_space<vmem>> -> memref<48x128xf32, #tpu.memory_space<vmem>>
      %dma_start3A_181 = arith.constant 0 : i32
      %dma_start3A_182 = tpu.memref_slice %arg15[%add3A_48, %dma_start3A_181] : memref<10000x128xf32, #tpu.memory_space<vmem_shared>> -> memref<48x128xf32, #tpu.memory_space<vmem_shared>>
      %dma_start3A_183 = arith.constant 0 : i32
      %dma_start3A_184 = tpu.memref_slice %arg15[%add3A_48, %dma_start3A_183] : memref<10000x128xf32, #tpu.memory_space<vmem_shared>> -> memref<48x128xf32, #tpu.memory_space<vmem_shared>>
      %dma_start3A_185 = arith.constant 0 : i32
      %dma_start3A_186 = arith.constant 0 : i32
      %dma_start3A_187 = tpu.memref_slice %arg14[%dma_start3A_185, %dma_start3A_186] : memref<48x128xf32, #tpu.memory_space<vmem>> -> memref<48x128xf32, #tpu.memory_space<vmem>>
      tpu.enqueue_dma source(%dma_start3A_187 : memref<48x128xf32, #tpu.memory_space<vmem>>) target(%dma_start3A_184 : memref<48x128xf32, #tpu.memory_space<vmem_shared>>) target_semaphore(%run_scoped3A : memref<!tpu.dma_semaphore, #tpu.memory_space<semaphore_mem>>)
      %dma_wait3A_188 = arith.constant 0 : i32
      %dma_wait3A_189 = arith.constant 0 : i32
      %dma_wait3A_190 = tpu.memref_slice %arg14[%dma_wait3A_188, %dma_wait3A_189] : memref<48x128xf32, #tpu.memory_space<vmem>> -> memref<48x128xf32, #tpu.memory_space<vmem>>
      %dma_wait3A_191 = arith.constant 0 : i32
      %dma_wait3A_192 = tpu.memref_slice %arg15[%add3A_48, %dma_wait3A_191] : memref<10000x128xf32, #tpu.memory_space<vmem_shared>> -> memref<48x128xf32, #tpu.memory_space<vmem_shared>>
      %dma_wait3A_193 = arith.constant 0 : i32
      %dma_wait3A_194 = tpu.memref_slice %arg15[%add3A_48, %dma_wait3A_193] : memref<10000x128xf32, #tpu.memory_space<vmem_shared>> -> memref<48x128xf32, #tpu.memory_space<vmem_shared>>
      %dma_wait3A_195 = arith.constant 0 : i32
      %dma_wait3A_196 = arith.constant 0 : i32
      %dma_wait3A_197 = tpu.memref_slice %arg14[%dma_wait3A_195, %dma_wait3A_196] : memref<48x128xf32, #tpu.memory_space<vmem>> -> memref<48x128xf32, #tpu.memory_space<vmem>>
      tpu.wait_dma2 semaphore(%run_scoped3A : memref<!tpu.dma_semaphore, #tpu.memory_space<semaphore_mem>>) src(%dma_wait3A_197 : memref<48x128xf32, #tpu.memory_space<vmem>>) dst(%dma_wait3A_194 : memref<48x128xf32, #tpu.memory_space<vmem_shared>>)
      tpu.yield
    }) : () -> ()
    %mul3A_49 = arith.constant 624 : i32
    %mul3A_50 = arith.muli %arg1, %mul3A_49 : i32
    %add3A_51 = arith.constant 384 : i32
    %add3A_52 = arith.addi %mul3A_50, %add3A_51 : i32
    "tpu.region"() ({
      %run_scoped3A = tpu.sem_alloc : memref<!tpu.dma_semaphore, #tpu.memory_space<semaphore_mem>>
      %dma_start3A_178 = arith.constant 0 : i32
      %dma_start3A_179 = arith.constant 0 : i32
      %dma_start3A_180 = tpu.memref_slice %arg14[%dma_start3A_178, %dma_start3A_179] : memref<48x128xf32, #tpu.memory_space<vmem>> -> memref<48x128xf32, #tpu.memory_space<vmem>>
      %dma_start3A_181 = arith.constant 0 : i32
      %dma_start3A_182 = tpu.memref_slice %arg15[%add3A_52, %dma_start3A_181] : memref<10000x128xf32, #tpu.memory_space<vmem_shared>> -> memref<48x128xf32, #tpu.memory_space<vmem_shared>>
      %dma_start3A_183 = arith.constant 0 : i32
      %dma_start3A_184 = tpu.memref_slice %arg15[%add3A_52, %dma_start3A_183] : memref<10000x128xf32, #tpu.memory_space<vmem_shared>> -> memref<48x128xf32, #tpu.memory_space<vmem_shared>>
      %dma_start3A_185 = arith.constant 0 : i32
      %dma_start3A_186 = arith.constant 0 : i32
      %dma_start3A_187 = tpu.memref_slice %arg14[%dma_start3A_185, %dma_start3A_186] : memref<48x128xf32, #tpu.memory_space<vmem>> -> memref<48x128xf32, #tpu.memory_space<vmem>>
      tpu.enqueue_dma source(%dma_start3A_187 : memref<48x128xf32, #tpu.memory_space<vmem>>) target(%dma_start3A_184 : memref<48x128xf32, #tpu.memory_space<vmem_shared>>) target_semaphore(%run_scoped3A : memref<!tpu.dma_semaphore, #tpu.memory_space<semaphore_mem>>)
      %dma_wait3A_188 = arith.constant 0 : i32
      %dma_wait3A_189 = arith.constant 0 : i32
      %dma_wait3A_190 = tpu.memref_slice %arg14[%dma_wait3A_188, %dma_wait3A_189] : memref<48x128xf32, #tpu.memory_space<vmem>> -> memref<48x128xf32, #tpu.memory_space<vmem>>
      %dma_wait3A_191 = arith.constant 0 : i32
      %dma_wait3A_192 = tpu.memref_slice %arg15[%add3A_52, %dma_wait3A_191] : memref<10000x128xf32, #tpu.memory_space<vmem_shared>> -> memref<48x128xf32, #tpu.memory_space<vmem_shared>>
      %dma_wait3A_193 = arith.constant 0 : i32
      %dma_wait3A_194 = tpu.memref_slice %arg15[%add3A_52, %dma_wait3A_193] : memref<10000x128xf32, #tpu.memory_space<vmem_shared>> -> memref<48x128xf32, #tpu.memory_space<vmem_shared>>
      %dma_wait3A_195 = arith.constant 0 : i32
      %dma_wait3A_196 = arith.constant 0 : i32
      %dma_wait3A_197 = tpu.memref_slice %arg14[%dma_wait3A_195, %dma_wait3A_196] : memref<48x128xf32, #tpu.memory_space<vmem>> -> memref<48x128xf32, #tpu.memory_space<vmem>>
      tpu.wait_dma2 semaphore(%run_scoped3A : memref<!tpu.dma_semaphore, #tpu.memory_space<semaphore_mem>>) src(%dma_wait3A_197 : memref<48x128xf32, #tpu.memory_space<vmem>>) dst(%dma_wait3A_194 : memref<48x128xf32, #tpu.memory_space<vmem_shared>>)
      tpu.yield
    }) : () -> ()
    %mul3A_53 = arith.constant 624 : i32
    %mul3A_54 = arith.muli %arg1, %mul3A_53 : i32
    %add3A_55 = arith.constant 432 : i32
    %add3A_56 = arith.addi %mul3A_54, %add3A_55 : i32
    "tpu.region"() ({
      %run_scoped3A = tpu.sem_alloc : memref<!tpu.dma_semaphore, #tpu.memory_space<semaphore_mem>>
      %dma_start3A_178 = arith.constant 0 : i32
      %dma_start3A_179 = arith.constant 0 : i32
      %dma_start3A_180 = tpu.memref_slice %arg14[%dma_start3A_178, %dma_start3A_179] : memref<48x128xf32, #tpu.memory_space<vmem>> -> memref<48x128xf32, #tpu.memory_space<vmem>>
      %dma_start3A_181 = arith.constant 0 : i32
      %dma_start3A_182 = tpu.memref_slice %arg15[%add3A_56, %dma_start3A_181] : memref<10000x128xf32, #tpu.memory_space<vmem_shared>> -> memref<48x128xf32, #tpu.memory_space<vmem_shared>>
      %dma_start3A_183 = arith.constant 0 : i32
      %dma_start3A_184 = tpu.memref_slice %arg15[%add3A_56, %dma_start3A_183] : memref<10000x128xf32, #tpu.memory_space<vmem_shared>> -> memref<48x128xf32, #tpu.memory_space<vmem_shared>>
      %dma_start3A_185 = arith.constant 0 : i32
      %dma_start3A_186 = arith.constant 0 : i32
      %dma_start3A_187 = tpu.memref_slice %arg14[%dma_start3A_185, %dma_start3A_186] : memref<48x128xf32, #tpu.memory_space<vmem>> -> memref<48x128xf32, #tpu.memory_space<vmem>>
      tpu.enqueue_dma source(%dma_start3A_187 : memref<48x128xf32, #tpu.memory_space<vmem>>) target(%dma_start3A_184 : memref<48x128xf32, #tpu.memory_space<vmem_shared>>) target_semaphore(%run_scoped3A : memref<!tpu.dma_semaphore, #tpu.memory_space<semaphore_mem>>)
      %dma_wait3A_188 = arith.constant 0 : i32
      %dma_wait3A_189 = arith.constant 0 : i32
      %dma_wait3A_190 = tpu.memref_slice %arg14[%dma_wait3A_188, %dma_wait3A_189] : memref<48x128xf32, #tpu.memory_space<vmem>> -> memref<48x128xf32, #tpu.memory_space<vmem>>
      %dma_wait3A_191 = arith.constant 0 : i32
      %dma_wait3A_192 = tpu.memref_slice %arg15[%add3A_56, %dma_wait3A_191] : memref<10000x128xf32, #tpu.memory_space<vmem_shared>> -> memref<48x128xf32, #tpu.memory_space<vmem_shared>>
      %dma_wait3A_193 = arith.constant 0 : i32
      %dma_wait3A_194 = tpu.memref_slice %arg15[%add3A_56, %dma_wait3A_193] : memref<10000x128xf32, #tpu.memory_space<vmem_shared>> -> memref<48x128xf32, #tpu.memory_space<vmem_shared>>
      %dma_wait3A_195 = arith.constant 0 : i32
      %dma_wait3A_196 = arith.constant 0 : i32
      %dma_wait3A_197 = tpu.memref_slice %arg14[%dma_wait3A_195, %dma_wait3A_196] : memref<48x128xf32, #tpu.memory_space<vmem>> -> memref<48x128xf32, #tpu.memory_space<vmem>>
      tpu.wait_dma2 semaphore(%run_scoped3A : memref<!tpu.dma_semaphore, #tpu.memory_space<semaphore_mem>>) src(%dma_wait3A_197 : memref<48x128xf32, #tpu.memory_space<vmem>>) dst(%dma_wait3A_194 : memref<48x128xf32, #tpu.memory_space<vmem_shared>>)
      tpu.yield
    }) : () -> ()
    %mul3A_57 = arith.constant 624 : i32
    %mul3A_58 = arith.muli %arg1, %mul3A_57 : i32
    %add3A_59 = arith.constant 480 : i32
    %add3A_60 = arith.addi %mul3A_58, %add3A_59 : i32
    "tpu.region"() ({
      %run_scoped3A = tpu.sem_alloc : memref<!tpu.dma_semaphore, #tpu.memory_space<semaphore_mem>>
      %dma_start3A_178 = arith.constant 0 : i32
      %dma_start3A_179 = arith.constant 0 : i32
      %dma_start3A_180 = tpu.memref_slice %arg14[%dma_start3A_178, %dma_start3A_179] : memref<48x128xf32, #tpu.memory_space<vmem>> -> memref<48x128xf32, #tpu.memory_space<vmem>>
      %dma_start3A_181 = arith.constant 0 : i32
      %dma_start3A_182 = tpu.memref_slice %arg15[%add3A_60, %dma_start3A_181] : memref<10000x128xf32, #tpu.memory_space<vmem_shared>> -> memref<48x128xf32, #tpu.memory_space<vmem_shared>>
      %dma_start3A_183 = arith.constant 0 : i32
      %dma_start3A_184 = tpu.memref_slice %arg15[%add3A_60, %dma_start3A_183] : memref<10000x128xf32, #tpu.memory_space<vmem_shared>> -> memref<48x128xf32, #tpu.memory_space<vmem_shared>>
      %dma_start3A_185 = arith.constant 0 : i32
      %dma_start3A_186 = arith.constant 0 : i32
      %dma_start3A_187 = tpu.memref_slice %arg14[%dma_start3A_185, %dma_start3A_186] : memref<48x128xf32, #tpu.memory_space<vmem>> -> memref<48x128xf32, #tpu.memory_space<vmem>>
      tpu.enqueue_dma source(%dma_start3A_187 : memref<48x128xf32, #tpu.memory_space<vmem>>) target(%dma_start3A_184 : memref<48x128xf32, #tpu.memory_space<vmem_shared>>) target_semaphore(%run_scoped3A : memref<!tpu.dma_semaphore, #tpu.memory_space<semaphore_mem>>)
      %dma_wait3A_188 = arith.constant 0 : i32
      %dma_wait3A_189 = arith.constant 0 : i32
      %dma_wait3A_190 = tpu.memref_slice %arg14[%dma_wait3A_188, %dma_wait3A_189] : memref<48x128xf32, #tpu.memory_space<vmem>> -> memref<48x128xf32, #tpu.memory_space<vmem>>
      %dma_wait3A_191 = arith.constant 0 : i32
      %dma_wait3A_192 = tpu.memref_slice %arg15[%add3A_60, %dma_wait3A_191] : memref<10000x128xf32, #tpu.memory_space<vmem_shared>> -> memref<48x128xf32, #tpu.memory_space<vmem_shared>>
      %dma_wait3A_193 = arith.constant 0 : i32
      %dma_wait3A_194 = tpu.memref_slice %arg15[%add3A_60, %dma_wait3A_193] : memref<10000x128xf32, #tpu.memory_space<vmem_shared>> -> memref<48x128xf32, #tpu.memory_space<vmem_shared>>
      %dma_wait3A_195 = arith.constant 0 : i32
      %dma_wait3A_196 = arith.constant 0 : i32
      %dma_wait3A_197 = tpu.memref_slice %arg14[%dma_wait3A_195, %dma_wait3A_196] : memref<48x128xf32, #tpu.memory_space<vmem>> -> memref<48x128xf32, #tpu.memory_space<vmem>>
      tpu.wait_dma2 semaphore(%run_scoped3A : memref<!tpu.dma_semaphore, #tpu.memory_space<semaphore_mem>>) src(%dma_wait3A_197 : memref<48x128xf32, #tpu.memory_space<vmem>>) dst(%dma_wait3A_194 : memref<48x128xf32, #tpu.memory_space<vmem_shared>>)
      tpu.yield
    }) : () -> ()
    %mul3A_61 = arith.constant 624 : i32
    %mul3A_62 = arith.muli %arg1, %mul3A_61 : i32
    %add3A_63 = arith.constant 528 : i32
    %add3A_64 = arith.addi %mul3A_62, %add3A_63 : i32
    "tpu.region"() ({
      %run_scoped3A = tpu.sem_alloc : memref<!tpu.dma_semaphore, #tpu.memory_space<semaphore_mem>>
      %dma_start3A_178 = arith.constant 0 : i32
      %dma_start3A_179 = arith.constant 0 : i32
      %dma_start3A_180 = tpu.memref_slice %arg14[%dma_start3A_178, %dma_start3A_179] : memref<48x128xf32, #tpu.memory_space<vmem>> -> memref<48x128xf32, #tpu.memory_space<vmem>>
      %dma_start3A_181 = arith.constant 0 : i32
      %dma_start3A_182 = tpu.memref_slice %arg15[%add3A_64, %dma_start3A_181] : memref<10000x128xf32, #tpu.memory_space<vmem_shared>> -> memref<48x128xf32, #tpu.memory_space<vmem_shared>>
      %dma_start3A_183 = arith.constant 0 : i32
      %dma_start3A_184 = tpu.memref_slice %arg15[%add3A_64, %dma_start3A_183] : memref<10000x128xf32, #tpu.memory_space<vmem_shared>> -> memref<48x128xf32, #tpu.memory_space<vmem_shared>>
      %dma_start3A_185 = arith.constant 0 : i32
      %dma_start3A_186 = arith.constant 0 : i32
      %dma_start3A_187 = tpu.memref_slice %arg14[%dma_start3A_185, %dma_start3A_186] : memref<48x128xf32, #tpu.memory_space<vmem>> -> memref<48x128xf32, #tpu.memory_space<vmem>>
      tpu.enqueue_dma source(%dma_start3A_187 : memref<48x128xf32, #tpu.memory_space<vmem>>) target(%dma_start3A_184 : memref<48x128xf32, #tpu.memory_space<vmem_shared>>) target_semaphore(%run_scoped3A : memref<!tpu.dma_semaphore, #tpu.memory_space<semaphore_mem>>)
      %dma_wait3A_188 = arith.constant 0 : i32
      %dma_wait3A_189 = arith.constant 0 : i32
      %dma_wait3A_190 = tpu.memref_slice %arg14[%dma_wait3A_188, %dma_wait3A_189] : memref<48x128xf32, #tpu.memory_space<vmem>> -> memref<48x128xf32, #tpu.memory_space<vmem>>
      %dma_wait3A_191 = arith.constant 0 : i32
      %dma_wait3A_192 = tpu.memref_slice %arg15[%add3A_64, %dma_wait3A_191] : memref<10000x128xf32, #tpu.memory_space<vmem_shared>> -> memref<48x128xf32, #tpu.memory_space<vmem_shared>>
      %dma_wait3A_193 = arith.constant 0 : i32
      %dma_wait3A_194 = tpu.memref_slice %arg15[%add3A_64, %dma_wait3A_193] : memref<10000x128xf32, #tpu.memory_space<vmem_shared>> -> memref<48x128xf32, #tpu.memory_space<vmem_shared>>
      %dma_wait3A_195 = arith.constant 0 : i32
      %dma_wait3A_196 = arith.constant 0 : i32
      %dma_wait3A_197 = tpu.memref_slice %arg14[%dma_wait3A_195, %dma_wait3A_196] : memref<48x128xf32, #tpu.memory_space<vmem>> -> memref<48x128xf32, #tpu.memory_space<vmem>>
      tpu.wait_dma2 semaphore(%run_scoped3A : memref<!tpu.dma_semaphore, #tpu.memory_space<semaphore_mem>>) src(%dma_wait3A_197 : memref<48x128xf32, #tpu.memory_space<vmem>>) dst(%dma_wait3A_194 : memref<48x128xf32, #tpu.memory_space<vmem_shared>>)
      tpu.yield
    }) : () -> ()
    %mul3A_65 = arith.constant 624 : i32
    %mul3A_66 = arith.muli %arg1, %mul3A_65 : i32
    %add3A_67 = arith.constant 576 : i32
    %add3A_68 = arith.addi %mul3A_66, %add3A_67 : i32
    "tpu.region"() ({
      %run_scoped3A = tpu.sem_alloc : memref<!tpu.dma_semaphore, #tpu.memory_space<semaphore_mem>>
      %dma_start3A_178 = arith.constant 0 : i32
      %dma_start3A_179 = arith.constant 0 : i32
      %dma_start3A_180 = tpu.memref_slice %arg14[%dma_start3A_178, %dma_start3A_179] : memref<48x128xf32, #tpu.memory_space<vmem>> -> memref<48x128xf32, #tpu.memory_space<vmem>>
      %dma_start3A_181 = arith.constant 0 : i32
      %dma_start3A_182 = tpu.memref_slice %arg15[%add3A_68, %dma_start3A_181] : memref<10000x128xf32, #tpu.memory_space<vmem_shared>> -> memref<48x128xf32, #tpu.memory_space<vmem_shared>>
      %dma_start3A_183 = arith.constant 0 : i32
      %dma_start3A_184 = tpu.memref_slice %arg15[%add3A_68, %dma_start3A_183] : memref<10000x128xf32, #tpu.memory_space<vmem_shared>> -> memref<48x128xf32, #tpu.memory_space<vmem_shared>>
      %dma_start3A_185 = arith.constant 0 : i32
      %dma_start3A_186 = arith.constant 0 : i32
      %dma_start3A_187 = tpu.memref_slice %arg14[%dma_start3A_185, %dma_start3A_186] : memref<48x128xf32, #tpu.memory_space<vmem>> -> memref<48x128xf32, #tpu.memory_space<vmem>>
      tpu.enqueue_dma source(%dma_start3A_187 : memref<48x128xf32, #tpu.memory_space<vmem>>) target(%dma_start3A_184 : memref<48x128xf32, #tpu.memory_space<vmem_shared>>) target_semaphore(%run_scoped3A : memref<!tpu.dma_semaphore, #tpu.memory_space<semaphore_mem>>)
      %dma_wait3A_188 = arith.constant 0 : i32
      %dma_wait3A_189 = arith.constant 0 : i32
      %dma_wait3A_190 = tpu.memref_slice %arg14[%dma_wait3A_188, %dma_wait3A_189] : memref<48x128xf32, #tpu.memory_space<vmem>> -> memref<48x128xf32, #tpu.memory_space<vmem>>
      %dma_wait3A_191 = arith.constant 0 : i32
      %dma_wait3A_192 = tpu.memref_slice %arg15[%add3A_68, %dma_wait3A_191] : memref<10000x128xf32, #tpu.memory_space<vmem_shared>> -> memref<48x128xf32, #tpu.memory_space<vmem_shared>>
      %dma_wait3A_193 = arith.constant 0 : i32
      %dma_wait3A_194 = tpu.memref_slice %arg15[%add3A_68, %dma_wait3A_193] : memref<10000x128xf32, #tpu.memory_space<vmem_shared>> -> memref<48x128xf32, #tpu.memory_space<vmem_shared>>
      %dma_wait3A_195 = arith.constant 0 : i32
      %dma_wait3A_196 = arith.constant 0 : i32
      %dma_wait3A_197 = tpu.memref_slice %arg14[%dma_wait3A_195, %dma_wait3A_196] : memref<48x128xf32, #tpu.memory_space<vmem>> -> memref<48x128xf32, #tpu.memory_space<vmem>>
      tpu.wait_dma2 semaphore(%run_scoped3A : memref<!tpu.dma_semaphore, #tpu.memory_space<semaphore_mem>>) src(%dma_wait3A_197 : memref<48x128xf32, #tpu.memory_space<vmem>>) dst(%dma_wait3A_194 : memref<48x128xf32, #tpu.memory_space<vmem_shared>>)
      tpu.yield
    }) : () -> ()
    %eq3A = arith.constant 15 : i32
    %eq3A_69 = arith.cmpi eq, %arg1, %eq3A : i32
    %convert_element_type3A = arith.extui %eq3A_69 : i1 to i32
    %cond3A = arith.constant 0 : i32
    %cond3A_70 = arith.cmpi ne, %convert_element_type3A, %cond3A : i32
    scf.if %cond3A_70 {
      "tpu.region"() ({
        %run_scoped3A = tpu.sem_alloc : memref<!tpu.dma_semaphore, #tpu.memory_space<semaphore_mem>>
        %dma_start3A_178 = arith.constant 0 : i32
        %dma_start3A_179 = arith.constant 0 : i32
        %dma_start3A_180 = tpu.memref_slice %arg14[%dma_start3A_178, %dma_start3A_179] : memref<48x128xf32, #tpu.memory_space<vmem>> -> memref<16x128xf32, #tpu.memory_space<vmem>>
        %dma_start3A_181 = arith.constant 9984 : i32
        %dma_start3A_182 = arith.constant 0 : i32
        %dma_start3A_183 = tpu.memref_slice %arg15[%dma_start3A_181, %dma_start3A_182] : memref<10000x128xf32, #tpu.memory_space<vmem_shared>> -> memref<16x128xf32, #tpu.memory_space<vmem_shared>>
        %dma_start3A_184 = arith.constant 9984 : i32
        %dma_start3A_185 = arith.constant 0 : i32
        %dma_start3A_186 = tpu.memref_slice %arg15[%dma_start3A_184, %dma_start3A_185] : memref<10000x128xf32, #tpu.memory_space<vmem_shared>> -> memref<16x128xf32, #tpu.memory_space<vmem_shared>>
        %dma_start3A_187 = arith.constant 0 : i32
        %dma_start3A_188 = arith.constant 0 : i32
        %dma_start3A_189 = tpu.memref_slice %arg14[%dma_start3A_187, %dma_start3A_188] : memref<48x128xf32, #tpu.memory_space<vmem>> -> memref<16x128xf32, #tpu.memory_space<vmem>>
        tpu.enqueue_dma source(%dma_start3A_189 : memref<16x128xf32, #tpu.memory_space<vmem>>) target(%dma_start3A_186 : memref<16x128xf32, #tpu.memory_space<vmem_shared>>) target_semaphore(%run_scoped3A : memref<!tpu.dma_semaphore, #tpu.memory_space<semaphore_mem>>)
        %dma_wait3A_190 = arith.constant 0 : i32
        %dma_wait3A_191 = arith.constant 0 : i32
        %dma_wait3A_192 = tpu.memref_slice %arg14[%dma_wait3A_190, %dma_wait3A_191] : memref<48x128xf32, #tpu.memory_space<vmem>> -> memref<16x128xf32, #tpu.memory_space<vmem>>
        %dma_wait3A_193 = arith.constant 9984 : i32
        %dma_wait3A_194 = arith.constant 0 : i32
        %dma_wait3A_195 = tpu.memref_slice %arg15[%dma_wait3A_193, %dma_wait3A_194] : memref<10000x128xf32, #tpu.memory_space<vmem_shared>> -> memref<16x128xf32, #tpu.memory_space<vmem_shared>>
        %dma_wait3A_196 = arith.constant 9984 : i32
        %dma_wait3A_197 = arith.constant 0 : i32
        %dma_wait3A_198 = tpu.memref_slice %arg15[%dma_wait3A_196, %dma_wait3A_197] : memref<10000x128xf32, #tpu.memory_space<vmem_shared>> -> memref<16x128xf32, #tpu.memory_space<vmem_shared>>
        %dma_wait3A_199 = arith.constant 0 : i32
        %dma_wait3A_200 = arith.constant 0 : i32
        %dma_wait3A_201 = tpu.memref_slice %arg14[%dma_wait3A_199, %dma_wait3A_200] : memref<48x128xf32, #tpu.memory_space<vmem>> -> memref<16x128xf32, #tpu.memory_space<vmem>>
        tpu.wait_dma2 semaphore(%run_scoped3A : memref<!tpu.dma_semaphore, #tpu.memory_space<semaphore_mem>>) src(%dma_wait3A_201 : memref<16x128xf32, #tpu.memory_space<vmem>>) dst(%dma_wait3A_198 : memref<16x128xf32, #tpu.memory_space<vmem_shared>>)
        tpu.yield
      }) : () -> ()
    } else {
    }
    %dma_wait3A = arith.constant 0 : i32
    %dma_wait3A_71 = tpu.memref_slice %arg3[%add3A, %dma_wait3A] : memref<32x10000xi32, #tpu.memory_space<hbm>> -> memref<1x10000xi32, #tpu.memory_space<hbm>>
    %dma_wait3A_72 = tpu.memref_squeeze %dma_wait3A_71 : memref<1x10000xi32, #tpu.memory_space<hbm>> -> memref<10000xi32, #tpu.memory_space<hbm>>
    %dma_wait3A_73 = arith.constant 0 : i32
    %dma_wait3A_74 = tpu.memref_slice %arg3[%add3A, %dma_wait3A_73] : memref<32x10000xi32, #tpu.memory_space<hbm>> -> memref<1x10000xi32, #tpu.memory_space<hbm>>
    %dma_wait3A_75 = tpu.memref_squeeze %dma_wait3A_74 : memref<1x10000xi32, #tpu.memory_space<hbm>> -> memref<10000xi32, #tpu.memory_space<hbm>>
    tpu.wait_dma2 semaphore(%arg16 : memref<!tpu.dma_semaphore, #tpu.memory_space<semaphore_mem>>) src(%dma_wait3A_75 : memref<10000xi32, #tpu.memory_space<hbm>>) dst(%arg6 : memref<10000xi32, #tpu.memory_space<vmem>>)
    %dma_wait3A_76 = arith.constant 0 : i32
    %dma_wait3A_77 = tpu.memref_slice %arg4[%add3A, %dma_wait3A_76] : memref<32x10000xi32, #tpu.memory_space<hbm>> -> memref<1x10000xi32, #tpu.memory_space<hbm>>
    %dma_wait3A_78 = tpu.memref_squeeze %dma_wait3A_77 : memref<1x10000xi32, #tpu.memory_space<hbm>> -> memref<10000xi32, #tpu.memory_space<hbm>>
    %dma_wait3A_79 = arith.constant 0 : i32
    %dma_wait3A_80 = tpu.memref_slice %arg4[%add3A, %dma_wait3A_79] : memref<32x10000xi32, #tpu.memory_space<hbm>> -> memref<1x10000xi32, #tpu.memory_space<hbm>>
    %dma_wait3A_81 = tpu.memref_squeeze %dma_wait3A_80 : memref<1x10000xi32, #tpu.memory_space<hbm>> -> memref<10000xi32, #tpu.memory_space<hbm>>
    tpu.wait_dma2 semaphore(%arg17 : memref<!tpu.dma_semaphore, #tpu.memory_space<semaphore_mem>>) src(%dma_wait3A_81 : memref<10000xi32, #tpu.memory_space<hbm>>) dst(%arg7 : memref<10000xi32, #tpu.memory_space<vmem>>)
    %barrier3A = arith.constant 0 : index
    tpu.barrier barrier_id(%barrier3A)
    %scan3A_82 = arith.constant 0 : i32
    %scan3A_83 = arith.constant 0 : i32
    %scan3A_84 = arith.constant 62 : i32
    %scan3A_85 = arith.addi %scan3A_83, %scan3A_84 : i32
    %scan3A_86 = arith.constant 1 : i32
    scf.for %scan3A_178 = %scan3A_83 to %scan3A_85 step %scan3A_86  : i32 {
      %mul3A_179 = arith.constant 2 : i32
      %mul3A_180 = arith.muli %mul3A_179, %scan3A_178 : i32
      %mul3A_181 = arith.constant 80 : i32
      %mul3A_182 = arith.muli %mul3A_180, %mul3A_181 : i32
      %add3A_183 = arith.constant 0 : i32
      %add3A_184 = arith.addi %mul3A_182, %add3A_183 : i32
      %get3A_185 = arith.index_cast %add3A_184 : i32 to index
      %get3A_186 = tpu.vector_load %arg6[%get3A_185] {strides = array<i32>} : memref<10000xi32, #tpu.memory_space<vmem>>, vector<16xi32>,
      %get3A_187 = vector.shape_cast %get3A_186 : vector<16xi32> to vector<16xi32>
      %swap3A_188 = arith.constant 0 : index
      %swap3A_189 = tpu.vector_load %arg8[%swap3A_188] {strides = array<i32>} : memref<80xi32, #tpu.memory_space<vmem>>, vector<16xi32>,
      %swap3A_190 = vector.shape_cast %swap3A_189 : vector<16xi32> to vector<16xi32>
      %swap3A_191 = vector.shape_cast %get3A_187 : vector<16xi32> to vector<16xi32>
      tpu.vector_store %arg8[%swap3A_188], %swap3A_191 {strides = array<i32>} : memref<80xi32, #tpu.memory_space<vmem>>, vector<16xi32>,
      %mul3A_192 = arith.constant 80 : i32
      %mul3A_193 = arith.muli %mul3A_180, %mul3A_192 : i32
      %add3A_194 = arith.constant 16 : i32
      %add3A_195 = arith.addi %mul3A_193, %add3A_194 : i32
      %get3A_196 = arith.index_cast %add3A_195 : i32 to index
      %get3A_197 = tpu.vector_load %arg6[%get3A_196] {strides = array<i32>} : memref<10000xi32, #tpu.memory_space<vmem>>, vector<16xi32>,
      %get3A_198 = vector.shape_cast %get3A_197 : vector<16xi32> to vector<16xi32>
      %swap3A_199 = arith.constant 16 : index
      %swap3A_200 = tpu.vector_load %arg8[%swap3A_199] {strides = array<i32>} : memref<80xi32, #tpu.memory_space<vmem>>, vector<16xi32>,
      %swap3A_201 = vector.shape_cast %swap3A_200 : vector<16xi32> to vector<16xi32>
      %swap3A_202 = vector.shape_cast %get3A_198 : vector<16xi32> to vector<16xi32>
      tpu.vector_store %arg8[%swap3A_199], %swap3A_202 {strides = array<i32>} : memref<80xi32, #tpu.memory_space<vmem>>, vector<16xi32>,
      %mul3A_203 = arith.constant 80 : i32
      %mul3A_204 = arith.muli %mul3A_180, %mul3A_203 : i32
      %add3A_205 = arith.constant 32 : i32
      %add3A_206 = arith.addi %mul3A_204, %add3A_205 : i32
      %get3A_207 = arith.index_cast %add3A_206 : i32 to index
      %get3A_208 = tpu.vector_load %arg6[%get3A_207] {strides = array<i32>} : memref<10000xi32, #tpu.memory_space<vmem>>, vector<16xi32>,
      %get3A_209 = vector.shape_cast %get3A_208 : vector<16xi32> to vector<16xi32>
      %swap3A_210 = arith.constant 32 : index
      %swap3A_211 = tpu.vector_load %arg8[%swap3A_210] {strides = array<i32>} : memref<80xi32, #tpu.memory_space<vmem>>, vector<16xi32>,
      %swap3A_212 = vector.shape_cast %swap3A_211 : vector<16xi32> to vector<16xi32>
      %swap3A_213 = vector.shape_cast %get3A_209 : vector<16xi32> to vector<16xi32>
      tpu.vector_store %arg8[%swap3A_210], %swap3A_213 {strides = array<i32>} : memref<80xi32, #tpu.memory_space<vmem>>, vector<16xi32>,
      %mul3A_214 = arith.constant 80 : i32
      %mul3A_215 = arith.muli %mul3A_180, %mul3A_214 : i32
      %add3A_216 = arith.constant 48 : i32
      %add3A_217 = arith.addi %mul3A_215, %add3A_216 : i32
      %get3A_218 = arith.index_cast %add3A_217 : i32 to index
      %get3A_219 = tpu.vector_load %arg6[%get3A_218] {strides = array<i32>} : memref<10000xi32, #tpu.memory_space<vmem>>, vector<16xi32>,
      %get3A_220 = vector.shape_cast %get3A_219 : vector<16xi32> to vector<16xi32>
      %swap3A_221 = arith.constant 48 : index
      %swap3A_222 = tpu.vector_load %arg8[%swap3A_221] {strides = array<i32>} : memref<80xi32, #tpu.memory_space<vmem>>, vector<16xi32>,
      %swap3A_223 = vector.shape_cast %swap3A_222 : vector<16xi32> to vector<16xi32>
      %swap3A_224 = vector.shape_cast %get3A_220 : vector<16xi32> to vector<16xi32>
      tpu.vector_store %arg8[%swap3A_221], %swap3A_224 {strides = array<i32>} : memref<80xi32, #tpu.memory_space<vmem>>, vector<16xi32>,
      %mul3A_225 = arith.constant 80 : i32
      %mul3A_226 = arith.muli %mul3A_180, %mul3A_225 : i32
      %add3A_227 = arith.constant 64 : i32
      %add3A_228 = arith.addi %mul3A_226, %add3A_227 : i32
      %get3A_229 = arith.index_cast %add3A_228 : i32 to index
      %get3A_230 = tpu.vector_load %arg6[%get3A_229] {strides = array<i32>} : memref<10000xi32, #tpu.memory_space<vmem>>, vector<16xi32>,
      %get3A_231 = vector.shape_cast %get3A_230 : vector<16xi32> to vector<16xi32>
      %swap3A_232 = arith.constant 64 : index
      %swap3A_233 = tpu.vector_load %arg8[%swap3A_232] {strides = array<i32>} : memref<80xi32, #tpu.memory_space<vmem>>, vector<16xi32>,
      %swap3A_234 = vector.shape_cast %swap3A_233 : vector<16xi32> to vector<16xi32>
      %swap3A_235 = vector.shape_cast %get3A_231 : vector<16xi32> to vector<16xi32>
      tpu.vector_store %arg8[%swap3A_232], %swap3A_235 {strides = array<i32>} : memref<80xi32, #tpu.memory_space<vmem>>, vector<16xi32>,
      %dma_start3A_236 = arith.constant 0 : i32
      %dma_start3A_237 = arith.constant 0 : i32
      %dma_start3A_238 = tpu.memref_slice %arg2[%dma_start3A_236, %dma_start3A_237] : memref<10000x128xf32, #tpu.memory_space<hbm>> -> memref<10000x128xf32, #tpu.memory_space<hbm>>
      tpu.enqueue_indirect_dma source(%dma_start3A_238 : memref<10000x128xf32, #tpu.memory_space<hbm>>) target(%arg12 : memref<80x128xf32, #tpu.memory_space<vmem>>) offsets(%arg8 : memref<80xi32, #tpu.memory_space<vmem>>) semaphore(%arg16 : memref<!tpu.dma_semaphore, #tpu.memory_space<semaphore_mem>>)
      %add3A_239 = arith.constant 1 : i32
      %add3A_240 = arith.addi %mul3A_180, %add3A_239 : i32
      %mul3A_241 = arith.constant 80 : i32
      %mul3A_242 = arith.muli %add3A_240, %mul3A_241 : i32
      %add3A_243 = arith.constant 0 : i32
      %add3A_244 = arith.addi %mul3A_242, %add3A_243 : i32
      %get3A_245 = arith.index_cast %add3A_244 : i32 to index
      %get3A_246 = tpu.vector_load %arg6[%get3A_245] {strides = array<i32>} : memref<10000xi32, #tpu.memory_space<vmem>>, vector<16xi32>,
      %get3A_247 = vector.shape_cast %get3A_246 : vector<16xi32> to vector<16xi32>
      %swap3A_248 = arith.constant 0 : index
      %swap3A_249 = tpu.vector_load %arg9[%swap3A_248] {strides = array<i32>} : memref<80xi32, #tpu.memory_space<vmem>>, vector<16xi32>,
      %swap3A_250 = vector.shape_cast %swap3A_249 : vector<16xi32> to vector<16xi32>
      %swap3A_251 = vector.shape_cast %get3A_247 : vector<16xi32> to vector<16xi32>
      tpu.vector_store %arg9[%swap3A_248], %swap3A_251 {strides = array<i32>} : memref<80xi32, #tpu.memory_space<vmem>>, vector<16xi32>,
      %mul3A_252 = arith.constant 80 : i32
      %mul3A_253 = arith.muli %add3A_240, %mul3A_252 : i32
      %add3A_254 = arith.constant 16 : i32
      %add3A_255 = arith.addi %mul3A_253, %add3A_254 : i32
      %get3A_256 = arith.index_cast %add3A_255 : i32 to index
      %get3A_257 = tpu.vector_load %arg6[%get3A_256] {strides = array<i32>} : memref<10000xi32, #tpu.memory_space<vmem>>, vector<16xi32>,
      %get3A_258 = vector.shape_cast %get3A_257 : vector<16xi32> to vector<16xi32>
      %swap3A_259 = arith.constant 16 : index
      %swap3A_260 = tpu.vector_load %arg9[%swap3A_259] {strides = array<i32>} : memref<80xi32, #tpu.memory_space<vmem>>, vector<16xi32>,
      %swap3A_261 = vector.shape_cast %swap3A_260 : vector<16xi32> to vector<16xi32>
      %swap3A_262 = vector.shape_cast %get3A_258 : vector<16xi32> to vector<16xi32>
      tpu.vector_store %arg9[%swap3A_259], %swap3A_262 {strides = array<i32>} : memref<80xi32, #tpu.memory_space<vmem>>, vector<16xi32>,
      %mul3A_263 = arith.constant 80 : i32
      %mul3A_264 = arith.muli %add3A_240, %mul3A_263 : i32
      %add3A_265 = arith.constant 32 : i32
      %add3A_266 = arith.addi %mul3A_264, %add3A_265 : i32
      %get3A_267 = arith.index_cast %add3A_266 : i32 to index
      %get3A_268 = tpu.vector_load %arg6[%get3A_267] {strides = array<i32>} : memref<10000xi32, #tpu.memory_space<vmem>>, vector<16xi32>,
      %get3A_269 = vector.shape_cast %get3A_268 : vector<16xi32> to vector<16xi32>
      %swap3A_270 = arith.constant 32 : index
      %swap3A_271 = tpu.vector_load %arg9[%swap3A_270] {strides = array<i32>} : memref<80xi32, #tpu.memory_space<vmem>>, vector<16xi32>,
      %swap3A_272 = vector.shape_cast %swap3A_271 : vector<16xi32> to vector<16xi32>
      %swap3A_273 = vector.shape_cast %get3A_269 : vector<16xi32> to vector<16xi32>
      tpu.vector_store %arg9[%swap3A_270], %swap3A_273 {strides = array<i32>} : memref<80xi32, #tpu.memory_space<vmem>>, vector<16xi32>,
      %mul3A_274 = arith.constant 80 : i32
      %mul3A_275 = arith.muli %add3A_240, %mul3A_274 : i32
      %add3A_276 = arith.constant 48 : i32
      %add3A_277 = arith.addi %mul3A_275, %add3A_276 : i32
      %get3A_278 = arith.index_cast %add3A_277 : i32 to index
      %get3A_279 = tpu.vector_load %arg6[%get3A_278] {strides = array<i32>} : memref<10000xi32, #tpu.memory_space<vmem>>, vector<16xi32>,
      %get3A_280 = vector.shape_cast %get3A_279 : vector<16xi32> to vector<16xi32>
      %swap3A_281 = arith.constant 48 : index
      %swap3A_282 = tpu.vector_load %arg9[%swap3A_281] {strides = array<i32>} : memref<80xi32, #tpu.memory_space<vmem>>, vector<16xi32>,
      %swap3A_283 = vector.shape_cast %swap3A_282 : vector<16xi32> to vector<16xi32>
      %swap3A_284 = vector.shape_cast %get3A_280 : vector<16xi32> to vector<16xi32>
      tpu.vector_store %arg9[%swap3A_281], %swap3A_284 {strides = array<i32>} : memref<80xi32, #tpu.memory_space<vmem>>, vector<16xi32>,
      %mul3A_285 = arith.constant 80 : i32
      %mul3A_286 = arith.muli %add3A_240, %mul3A_285 : i32
      %add3A_287 = arith.constant 64 : i32
      %add3A_288 = arith.addi %mul3A_286, %add3A_287 : i32
      %get3A_289 = arith.index_cast %add3A_288 : i32 to index
      %get3A_290 = tpu.vector_load %arg6[%get3A_289] {strides = array<i32>} : memref<10000xi32, #tpu.memory_space<vmem>>, vector<16xi32>,
      %get3A_291 = vector.shape_cast %get3A_290 : vector<16xi32> to vector<16xi32>
      %swap3A_292 = arith.constant 64 : index
      %swap3A_293 = tpu.vector_load %arg9[%swap3A_292] {strides = array<i32>} : memref<80xi32, #tpu.memory_space<vmem>>, vector<16xi32>,
      %swap3A_294 = vector.shape_cast %swap3A_293 : vector<16xi32> to vector<16xi32>
      %swap3A_295 = vector.shape_cast %get3A_291 : vector<16xi32> to vector<16xi32>
      tpu.vector_store %arg9[%swap3A_292], %swap3A_295 {strides = array<i32>} : memref<80xi32, #tpu.memory_space<vmem>>, vector<16xi32>,
      %dma_start3A_296 = arith.constant 0 : i32
      %dma_start3A_297 = arith.constant 0 : i32
      %dma_start3A_298 = tpu.memref_slice %arg2[%dma_start3A_296, %dma_start3A_297] : memref<10000x128xf32, #tpu.memory_space<hbm>> -> memref<10000x128xf32, #tpu.memory_space<hbm>>
      tpu.enqueue_indirect_dma source(%dma_start3A_298 : memref<10000x128xf32, #tpu.memory_space<hbm>>) target(%arg13 : memref<80x128xf32, #tpu.memory_space<vmem>>) offsets(%arg9 : memref<80xi32, #tpu.memory_space<vmem>>) semaphore(%arg17 : memref<!tpu.dma_semaphore, #tpu.memory_space<semaphore_mem>>)
      %dma_wait3A_299 = arith.constant 0 : i32
      %dma_wait3A_300 = arith.constant 0 : i32
      %dma_wait3A_301 = tpu.memref_slice %arg2[%dma_wait3A_299, %dma_wait3A_300] : memref<10000x128xf32, #tpu.memory_space<hbm>> -> memref<10000x128xf32, #tpu.memory_space<hbm>>
      tpu.wait_indirect_dma semaphore(%arg16 : memref<!tpu.dma_semaphore, #tpu.memory_space<semaphore_mem>>) src(%dma_wait3A_301 : memref<10000x128xf32, #tpu.memory_space<hbm>>) dst(%arg12 : memref<80x128xf32, #tpu.memory_space<vmem>>)
      %dma_wait3A_302 = arith.constant 0 : i32
      %dma_wait3A_303 = arith.constant 0 : i32
      %dma_wait3A_304 = tpu.memref_slice %arg2[%dma_wait3A_302, %dma_wait3A_303] : memref<10000x128xf32, #tpu.memory_space<hbm>> -> memref<10000x128xf32, #tpu.memory_space<hbm>>
      tpu.wait_indirect_dma semaphore(%arg17 : memref<!tpu.dma_semaphore, #tpu.memory_space<semaphore_mem>>) src(%dma_wait3A_304 : memref<10000x128xf32, #tpu.memory_space<hbm>>) dst(%arg13 : memref<80x128xf32, #tpu.memory_space<vmem>>)
      %mul3A_305 = arith.constant 80 : i32
      %mul3A_306 = arith.muli %mul3A_180, %mul3A_305 : i32
      %add3A_307 = arith.constant 0 : i32
      %add3A_308 = arith.addi %mul3A_306, %add3A_307 : i32
      %get3A_309 = arith.index_cast %add3A_308 : i32 to index
      %get3A_310 = tpu.vector_load %arg7[%get3A_309] {strides = array<i32>} : memref<10000xi32, #tpu.memory_space<vmem>>, vector<16xi32>,
      %get3A_311 = vector.shape_cast %get3A_310 : vector<16xi32> to vector<16xi32>
      %swap3A_312 = arith.constant 0 : index
      %swap3A_313 = tpu.vector_load %arg10[%swap3A_312] {strides = array<i32>} : memref<80xi32, #tpu.memory_space<vmem>>, vector<16xi32>,
      %swap3A_314 = vector.shape_cast %swap3A_313 : vector<16xi32> to vector<16xi32>
      %swap3A_315 = vector.shape_cast %get3A_311 : vector<16xi32> to vector<16xi32>
      tpu.vector_store %arg10[%swap3A_312], %swap3A_315 {strides = array<i32>} : memref<80xi32, #tpu.memory_space<vmem>>, vector<16xi32>,
      %mul3A_316 = arith.constant 80 : i32
      %mul3A_317 = arith.muli %mul3A_180, %mul3A_316 : i32
      %add3A_318 = arith.constant 16 : i32
      %add3A_319 = arith.addi %mul3A_317, %add3A_318 : i32
      %get3A_320 = arith.index_cast %add3A_319 : i32 to index
      %get3A_321 = tpu.vector_load %arg7[%get3A_320] {strides = array<i32>} : memref<10000xi32, #tpu.memory_space<vmem>>, vector<16xi32>,
      %get3A_322 = vector.shape_cast %get3A_321 : vector<16xi32> to vector<16xi32>
      %swap3A_323 = arith.constant 16 : index
      %swap3A_324 = tpu.vector_load %arg10[%swap3A_323] {strides = array<i32>} : memref<80xi32, #tpu.memory_space<vmem>>, vector<16xi32>,
      %swap3A_325 = vector.shape_cast %swap3A_324 : vector<16xi32> to vector<16xi32>
      %swap3A_326 = vector.shape_cast %get3A_322 : vector<16xi32> to vector<16xi32>
      tpu.vector_store %arg10[%swap3A_323], %swap3A_326 {strides = array<i32>} : memref<80xi32, #tpu.memory_space<vmem>>, vector<16xi32>,
      %mul3A_327 = arith.constant 80 : i32
      %mul3A_328 = arith.muli %mul3A_180, %mul3A_327 : i32
      %add3A_329 = arith.constant 32 : i32
      %add3A_330 = arith.addi %mul3A_328, %add3A_329 : i32
      %get3A_331 = arith.index_cast %add3A_330 : i32 to index
      %get3A_332 = tpu.vector_load %arg7[%get3A_331] {strides = array<i32>} : memref<10000xi32, #tpu.memory_space<vmem>>, vector<16xi32>,
      %get3A_333 = vector.shape_cast %get3A_332 : vector<16xi32> to vector<16xi32>
      %swap3A_334 = arith.constant 32 : index
      %swap3A_335 = tpu.vector_load %arg10[%swap3A_334] {strides = array<i32>} : memref<80xi32, #tpu.memory_space<vmem>>, vector<16xi32>,
      %swap3A_336 = vector.shape_cast %swap3A_335 : vector<16xi32> to vector<16xi32>
      %swap3A_337 = vector.shape_cast %get3A_333 : vector<16xi32> to vector<16xi32>
      tpu.vector_store %arg10[%swap3A_334], %swap3A_337 {strides = array<i32>} : memref<80xi32, #tpu.memory_space<vmem>>, vector<16xi32>,
      %mul3A_338 = arith.constant 80 : i32
      %mul3A_339 = arith.muli %mul3A_180, %mul3A_338 : i32
      %add3A_340 = arith.constant 48 : i32
      %add3A_341 = arith.addi %mul3A_339, %add3A_340 : i32
      %get3A_342 = arith.index_cast %add3A_341 : i32 to index
      %get3A_343 = tpu.vector_load %arg7[%get3A_342] {strides = array<i32>} : memref<10000xi32, #tpu.memory_space<vmem>>, vector<16xi32>,
      %get3A_344 = vector.shape_cast %get3A_343 : vector<16xi32> to vector<16xi32>
      %swap3A_345 = arith.constant 48 : index
      %swap3A_346 = tpu.vector_load %arg10[%swap3A_345] {strides = array<i32>} : memref<80xi32, #tpu.memory_space<vmem>>, vector<16xi32>,
      %swap3A_347 = vector.shape_cast %swap3A_346 : vector<16xi32> to vector<16xi32>
      %swap3A_348 = vector.shape_cast %get3A_344 : vector<16xi32> to vector<16xi32>
      tpu.vector_store %arg10[%swap3A_345], %swap3A_348 {strides = array<i32>} : memref<80xi32, #tpu.memory_space<vmem>>, vector<16xi32>,
      %mul3A_349 = arith.constant 80 : i32
      %mul3A_350 = arith.muli %mul3A_180, %mul3A_349 : i32
      %add3A_351 = arith.constant 64 : i32
      %add3A_352 = arith.addi %mul3A_350, %add3A_351 : i32
      %get3A_353 = arith.index_cast %add3A_352 : i32 to index
      %get3A_354 = tpu.vector_load %arg7[%get3A_353] {strides = array<i32>} : memref<10000xi32, #tpu.memory_space<vmem>>, vector<16xi32>,
      %get3A_355 = vector.shape_cast %get3A_354 : vector<16xi32> to vector<16xi32>
      %swap3A_356 = arith.constant 64 : index
      %swap3A_357 = tpu.vector_load %arg10[%swap3A_356] {strides = array<i32>} : memref<80xi32, #tpu.memory_space<vmem>>, vector<16xi32>,
      %swap3A_358 = vector.shape_cast %swap3A_357 : vector<16xi32> to vector<16xi32>
      %swap3A_359 = vector.shape_cast %get3A_355 : vector<16xi32> to vector<16xi32>
      tpu.vector_store %arg10[%swap3A_356], %swap3A_359 {strides = array<i32>} : memref<80xi32, #tpu.memory_space<vmem>>, vector<16xi32>,
      %dma_start3A_360 = arith.constant 0 : i32
      %dma_start3A_361 = arith.constant 0 : i32
      %dma_start3A_362 = tpu.memref_slice %arg15[%dma_start3A_360, %dma_start3A_361] : memref<10000x128xf32, #tpu.memory_space<vmem_shared>> -> memref<10000x128xf32, #tpu.memory_space<vmem_shared>>
      tpu.enqueue_indirect_dma source(%arg12 : memref<80x128xf32, #tpu.memory_space<vmem>>) target(%dma_start3A_362 : memref<10000x128xf32, #tpu.memory_space<vmem_shared>>) offsets(%arg10 : memref<80xi32, #tpu.memory_space<vmem>>) semaphore(%arg18 : memref<!tpu.dma_semaphore, #tpu.memory_space<semaphore_mem>>) {add = true}
      %add3A_363 = arith.constant 1 : i32
      %add3A_364 = arith.addi %mul3A_180, %add3A_363 : i32
      %mul3A_365 = arith.constant 80 : i32
      %mul3A_366 = arith.muli %add3A_364, %mul3A_365 : i32
      %add3A_367 = arith.constant 0 : i32
      %add3A_368 = arith.addi %mul3A_366, %add3A_367 : i32
      %get3A_369 = arith.index_cast %add3A_368 : i32 to index
      %get3A_370 = tpu.vector_load %arg7[%get3A_369] {strides = array<i32>} : memref<10000xi32, #tpu.memory_space<vmem>>, vector<16xi32>,
      %get3A_371 = vector.shape_cast %get3A_370 : vector<16xi32> to vector<16xi32>
      %swap3A_372 = arith.constant 0 : index
      %swap3A_373 = tpu.vector_load %arg11[%swap3A_372] {strides = array<i32>} : memref<80xi32, #tpu.memory_space<vmem>>, vector<16xi32>,
      %swap3A_374 = vector.shape_cast %swap3A_373 : vector<16xi32> to vector<16xi32>
      %swap3A_375 = vector.shape_cast %get3A_371 : vector<16xi32> to vector<16xi32>
      tpu.vector_store %arg11[%swap3A_372], %swap3A_375 {strides = array<i32>} : memref<80xi32, #tpu.memory_space<vmem>>, vector<16xi32>,
      %mul3A_376 = arith.constant 80 : i32
      %mul3A_377 = arith.muli %add3A_364, %mul3A_376 : i32
      %add3A_378 = arith.constant 16 : i32
      %add3A_379 = arith.addi %mul3A_377, %add3A_378 : i32
      %get3A_380 = arith.index_cast %add3A_379 : i32 to index
      %get3A_381 = tpu.vector_load %arg7[%get3A_380] {strides = array<i32>} : memref<10000xi32, #tpu.memory_space<vmem>>, vector<16xi32>,
      %get3A_382 = vector.shape_cast %get3A_381 : vector<16xi32> to vector<16xi32>
      %swap3A_383 = arith.constant 16 : index
      %swap3A_384 = tpu.vector_load %arg11[%swap3A_383] {strides = array<i32>} : memref<80xi32, #tpu.memory_space<vmem>>, vector<16xi32>,
      %swap3A_385 = vector.shape_cast %swap3A_384 : vector<16xi32> to vector<16xi32>
      %swap3A_386 = vector.shape_cast %get3A_382 : vector<16xi32> to vector<16xi32>
      tpu.vector_store %arg11[%swap3A_383], %swap3A_386 {strides = array<i32>} : memref<80xi32, #tpu.memory_space<vmem>>, vector<16xi32>,
      %mul3A_387 = arith.constant 80 : i32
      %mul3A_388 = arith.muli %add3A_364, %mul3A_387 : i32
      %add3A_389 = arith.constant 32 : i32
      %add3A_390 = arith.addi %mul3A_388, %add3A_389 : i32
      %get3A_391 = arith.index_cast %add3A_390 : i32 to index
      %get3A_392 = tpu.vector_load %arg7[%get3A_391] {strides = array<i32>} : memref<10000xi32, #tpu.memory_space<vmem>>, vector<16xi32>,
      %get3A_393 = vector.shape_cast %get3A_392 : vector<16xi32> to vector<16xi32>
      %swap3A_394 = arith.constant 32 : index
      %swap3A_395 = tpu.vector_load %arg11[%swap3A_394] {strides = array<i32>} : memref<80xi32, #tpu.memory_space<vmem>>, vector<16xi32>,
      %swap3A_396 = vector.shape_cast %swap3A_395 : vector<16xi32> to vector<16xi32>
      %swap3A_397 = vector.shape_cast %get3A_393 : vector<16xi32> to vector<16xi32>
      tpu.vector_store %arg11[%swap3A_394], %swap3A_397 {strides = array<i32>} : memref<80xi32, #tpu.memory_space<vmem>>, vector<16xi32>,
      %mul3A_398 = arith.constant 80 : i32
      %mul3A_399 = arith.muli %add3A_364, %mul3A_398 : i32
      %add3A_400 = arith.constant 48 : i32
      %add3A_401 = arith.addi %mul3A_399, %add3A_400 : i32
      %get3A_402 = arith.index_cast %add3A_401 : i32 to index
      %get3A_403 = tpu.vector_load %arg7[%get3A_402] {strides = array<i32>} : memref<10000xi32, #tpu.memory_space<vmem>>, vector<16xi32>,
      %get3A_404 = vector.shape_cast %get3A_403 : vector<16xi32> to vector<16xi32>
      %swap3A_405 = arith.constant 48 : index
      %swap3A_406 = tpu.vector_load %arg11[%swap3A_405] {strides = array<i32>} : memref<80xi32, #tpu.memory_space<vmem>>, vector<16xi32>,
      %swap3A_407 = vector.shape_cast %swap3A_406 : vector<16xi32> to vector<16xi32>
      %swap3A_408 = vector.shape_cast %get3A_404 : vector<16xi32> to vector<16xi32>
      tpu.vector_store %arg11[%swap3A_405], %swap3A_408 {strides = array<i32>} : memref<80xi32, #tpu.memory_space<vmem>>, vector<16xi32>,
      %mul3A_409 = arith.constant 80 : i32
      %mul3A_410 = arith.muli %add3A_364, %mul3A_409 : i32
      %add3A_411 = arith.constant 64 : i32
      %add3A_412 = arith.addi %mul3A_410, %add3A_411 : i32
      %get3A_413 = arith.index_cast %add3A_412 : i32 to index
      %get3A_414 = tpu.vector_load %arg7[%get3A_413] {strides = array<i32>} : memref<10000xi32, #tpu.memory_space<vmem>>, vector<16xi32>,
      %get3A_415 = vector.shape_cast %get3A_414 : vector<16xi32> to vector<16xi32>
      %swap3A_416 = arith.constant 64 : index
      %swap3A_417 = tpu.vector_load %arg11[%swap3A_416] {strides = array<i32>} : memref<80xi32, #tpu.memory_space<vmem>>, vector<16xi32>,
      %swap3A_418 = vector.shape_cast %swap3A_417 : vector<16xi32> to vector<16xi32>
      %swap3A_419 = vector.shape_cast %get3A_415 : vector<16xi32> to vector<16xi32>
      tpu.vector_store %arg11[%swap3A_416], %swap3A_419 {strides = array<i32>} : memref<80xi32, #tpu.memory_space<vmem>>, vector<16xi32>,
      %dma_start3A_420 = arith.constant 0 : i32
      %dma_start3A_421 = arith.constant 0 : i32
      %dma_start3A_422 = tpu.memref_slice %arg15[%dma_start3A_420, %dma_start3A_421] : memref<10000x128xf32, #tpu.memory_space<vmem_shared>> -> memref<10000x128xf32, #tpu.memory_space<vmem_shared>>
      tpu.enqueue_indirect_dma source(%arg13 : memref<80x128xf32, #tpu.memory_space<vmem>>) target(%dma_start3A_422 : memref<10000x128xf32, #tpu.memory_space<vmem_shared>>) offsets(%arg11 : memref<80xi32, #tpu.memory_space<vmem>>) semaphore(%arg19 : memref<!tpu.dma_semaphore, #tpu.memory_space<semaphore_mem>>) {add = true}
      %dma_wait3A_423 = arith.constant 0 : i32
      %dma_wait3A_424 = arith.constant 0 : i32
      %dma_wait3A_425 = tpu.memref_slice %arg15[%dma_wait3A_423, %dma_wait3A_424] : memref<10000x128xf32, #tpu.memory_space<vmem_shared>> -> memref<10000x128xf32, #tpu.memory_space<vmem_shared>>
      tpu.wait_indirect_dma semaphore(%arg18 : memref<!tpu.dma_semaphore, #tpu.memory_space<semaphore_mem>>) src(%arg12 : memref<80x128xf32, #tpu.memory_space<vmem>>) dst(%dma_wait3A_425 : memref<10000x128xf32, #tpu.memory_space<vmem_shared>>)
      %dma_wait3A_426 = arith.constant 0 : i32
      %dma_wait3A_427 = arith.constant 0 : i32
      %dma_wait3A_428 = tpu.memref_slice %arg15[%dma_wait3A_426, %dma_wait3A_427] : memref<10000x128xf32, #tpu.memory_space<vmem_shared>> -> memref<10000x128xf32, #tpu.memory_space<vmem_shared>>
      tpu.wait_indirect_dma semaphore(%arg19 : memref<!tpu.dma_semaphore, #tpu.memory_space<semaphore_mem>>) src(%arg13 : memref<80x128xf32, #tpu.memory_space<vmem>>) dst(%dma_wait3A_428 : memref<10000x128xf32, #tpu.memory_space<vmem_shared>>)
    }
    %scan3A_87 = arith.constant 62 : i32
    %get3A = arith.constant 9920 : index
    %get3A_88 = tpu.vector_load %arg6[%get3A] {strides = array<i32>} : memref<10000xi32, #tpu.memory_space<vmem>>, vector<16xi32>,
    %get3A_89 = vector.shape_cast %get3A_88 : vector<16xi32> to vector<16xi32>
    %swap3A = arith.constant 0 : index
    %swap3A_90 = tpu.vector_load %arg8[%swap3A] {strides = array<i32>} : memref<80xi32, #tpu.memory_space<vmem>>, vector<16xi32>,
    %swap3A_91 = vector.shape_cast %swap3A_90 : vector<16xi32> to vector<16xi32>
    %swap3A_92 = vector.shape_cast %get3A_89 : vector<16xi32> to vector<16xi32>
    tpu.vector_store %arg8[%swap3A], %swap3A_92 {strides = array<i32>} : memref<80xi32, #tpu.memory_space<vmem>>, vector<16xi32>,
    %get3A_93 = arith.constant 9936 : index
    %get3A_94 = tpu.vector_load %arg6[%get3A_93] {strides = array<i32>} : memref<10000xi32, #tpu.memory_space<vmem>>, vector<16xi32>,
    %get3A_95 = vector.shape_cast %get3A_94 : vector<16xi32> to vector<16xi32>
    %swap3A_96 = arith.constant 16 : index
    %swap3A_97 = tpu.vector_load %arg8[%swap3A_96] {strides = array<i32>} : memref<80xi32, #tpu.memory_space<vmem>>, vector<16xi32>,
    %swap3A_98 = vector.shape_cast %swap3A_97 : vector<16xi32> to vector<16xi32>
    %swap3A_99 = vector.shape_cast %get3A_95 : vector<16xi32> to vector<16xi32>
    tpu.vector_store %arg8[%swap3A_96], %swap3A_99 {strides = array<i32>} : memref<80xi32, #tpu.memory_space<vmem>>, vector<16xi32>,
    %get3A_100 = arith.constant 9952 : index
    %get3A_101 = tpu.vector_load %arg6[%get3A_100] {strides = array<i32>} : memref<10000xi32, #tpu.memory_space<vmem>>, vector<16xi32>,
    %get3A_102 = vector.shape_cast %get3A_101 : vector<16xi32> to vector<16xi32>
    %swap3A_103 = arith.constant 32 : index
    %swap3A_104 = tpu.vector_load %arg8[%swap3A_103] {strides = array<i32>} : memref<80xi32, #tpu.memory_space<vmem>>, vector<16xi32>,
    %swap3A_105 = vector.shape_cast %swap3A_104 : vector<16xi32> to vector<16xi32>
    %swap3A_106 = vector.shape_cast %get3A_102 : vector<16xi32> to vector<16xi32>
    tpu.vector_store %arg8[%swap3A_103], %swap3A_106 {strides = array<i32>} : memref<80xi32, #tpu.memory_space<vmem>>, vector<16xi32>,
    %get3A_107 = arith.constant 9968 : index
    %get3A_108 = tpu.vector_load %arg6[%get3A_107] {strides = array<i32>} : memref<10000xi32, #tpu.memory_space<vmem>>, vector<16xi32>,
    %get3A_109 = vector.shape_cast %get3A_108 : vector<16xi32> to vector<16xi32>
    %swap3A_110 = arith.constant 48 : index
    %swap3A_111 = tpu.vector_load %arg8[%swap3A_110] {strides = array<i32>} : memref<80xi32, #tpu.memory_space<vmem>>, vector<16xi32>,
    %swap3A_112 = vector.shape_cast %swap3A_111 : vector<16xi32> to vector<16xi32>
    %swap3A_113 = vector.shape_cast %get3A_109 : vector<16xi32> to vector<16xi32>
    tpu.vector_store %arg8[%swap3A_110], %swap3A_113 {strides = array<i32>} : memref<80xi32, #tpu.memory_space<vmem>>, vector<16xi32>,
    %get3A_114 = arith.constant 9984 : index
    %get3A_115 = tpu.vector_load %arg6[%get3A_114] {strides = array<i32>} : memref<10000xi32, #tpu.memory_space<vmem>>, vector<16xi32>,
    %get3A_116 = vector.shape_cast %get3A_115 : vector<16xi32> to vector<16xi32>
    %swap3A_117 = arith.constant 64 : index
    %swap3A_118 = tpu.vector_load %arg8[%swap3A_117] {strides = array<i32>} : memref<80xi32, #tpu.memory_space<vmem>>, vector<16xi32>,
    %swap3A_119 = vector.shape_cast %swap3A_118 : vector<16xi32> to vector<16xi32>
    %swap3A_120 = vector.shape_cast %get3A_116 : vector<16xi32> to vector<16xi32>
    tpu.vector_store %arg8[%swap3A_117], %swap3A_120 {strides = array<i32>} : memref<80xi32, #tpu.memory_space<vmem>>, vector<16xi32>,
    %dma_start3A_121 = arith.constant 0 : i32
    %dma_start3A_122 = arith.constant 0 : i32
    %dma_start3A_123 = tpu.memref_slice %arg2[%dma_start3A_121, %dma_start3A_122] : memref<10000x128xf32, #tpu.memory_space<hbm>> -> memref<10000x128xf32, #tpu.memory_space<hbm>>
    tpu.enqueue_indirect_dma source(%dma_start3A_123 : memref<10000x128xf32, #tpu.memory_space<hbm>>) target(%arg12 : memref<80x128xf32, #tpu.memory_space<vmem>>) offsets(%arg8 : memref<80xi32, #tpu.memory_space<vmem>>) semaphore(%arg16 : memref<!tpu.dma_semaphore, #tpu.memory_space<semaphore_mem>>)
    %dma_wait3A_124 = arith.constant 0 : i32
    %dma_wait3A_125 = arith.constant 0 : i32
    %dma_wait3A_126 = tpu.memref_slice %arg2[%dma_wait3A_124, %dma_wait3A_125] : memref<10000x128xf32, #tpu.memory_space<hbm>> -> memref<10000x128xf32, #tpu.memory_space<hbm>>
    tpu.wait_indirect_dma semaphore(%arg16 : memref<!tpu.dma_semaphore, #tpu.memory_space<semaphore_mem>>) src(%dma_wait3A_126 : memref<10000x128xf32, #tpu.memory_space<hbm>>) dst(%arg12 : memref<80x128xf32, #tpu.memory_space<vmem>>)
    %get3A_127 = arith.constant 9920 : index
    %get3A_128 = tpu.vector_load %arg7[%get3A_127] {strides = array<i32>} : memref<10000xi32, #tpu.memory_space<vmem>>, vector<16xi32>,
    %get3A_129 = vector.shape_cast %get3A_128 : vector<16xi32> to vector<16xi32>
    %swap3A_130 = arith.constant 0 : index
    %swap3A_131 = tpu.vector_load %arg10[%swap3A_130] {strides = array<i32>} : memref<80xi32, #tpu.memory_space<vmem>>, vector<16xi32>,
    %swap3A_132 = vector.shape_cast %swap3A_131 : vector<16xi32> to vector<16xi32>
    %swap3A_133 = vector.shape_cast %get3A_129 : vector<16xi32> to vector<16xi32>
    tpu.vector_store %arg10[%swap3A_130], %swap3A_133 {strides = array<i32>} : memref<80xi32, #tpu.memory_space<vmem>>, vector<16xi32>,
    %get3A_134 = arith.constant 9936 : index
    %get3A_135 = tpu.vector_load %arg7[%get3A_134] {strides = array<i32>} : memref<10000xi32, #tpu.memory_space<vmem>>, vector<16xi32>,
    %get3A_136 = vector.shape_cast %get3A_135 : vector<16xi32> to vector<16xi32>
    %swap3A_137 = arith.constant 16 : index
    %swap3A_138 = tpu.vector_load %arg10[%swap3A_137] {strides = array<i32>} : memref<80xi32, #tpu.memory_space<vmem>>, vector<16xi32>,
    %swap3A_139 = vector.shape_cast %swap3A_138 : vector<16xi32> to vector<16xi32>
    %swap3A_140 = vector.shape_cast %get3A_136 : vector<16xi32> to vector<16xi32>
    tpu.vector_store %arg10[%swap3A_137], %swap3A_140 {strides = array<i32>} : memref<80xi32, #tpu.memory_space<vmem>>, vector<16xi32>,
    %get3A_141 = arith.constant 9952 : index
    %get3A_142 = tpu.vector_load %arg7[%get3A_141] {strides = array<i32>} : memref<10000xi32, #tpu.memory_space<vmem>>, vector<16xi32>,
    %get3A_143 = vector.shape_cast %get3A_142 : vector<16xi32> to vector<16xi32>
    %swap3A_144 = arith.constant 32 : index
    %swap3A_145 = tpu.vector_load %arg10[%swap3A_144] {strides = array<i32>} : memref<80xi32, #tpu.memory_space<vmem>>, vector<16xi32>,
    %swap3A_146 = vector.shape_cast %swap3A_145 : vector<16xi32> to vector<16xi32>
    %swap3A_147 = vector.shape_cast %get3A_143 : vector<16xi32> to vector<16xi32>
    tpu.vector_store %arg10[%swap3A_144], %swap3A_147 {strides = array<i32>} : memref<80xi32, #tpu.memory_space<vmem>>, vector<16xi32>,
    %get3A_148 = arith.constant 9968 : index
    %get3A_149 = tpu.vector_load %arg7[%get3A_148] {strides = array<i32>} : memref<10000xi32, #tpu.memory_space<vmem>>, vector<16xi32>,
    %get3A_150 = vector.shape_cast %get3A_149 : vector<16xi32> to vector<16xi32>
    %swap3A_151 = arith.constant 48 : index
    %swap3A_152 = tpu.vector_load %arg10[%swap3A_151] {strides = array<i32>} : memref<80xi32, #tpu.memory_space<vmem>>, vector<16xi32>,
    %swap3A_153 = vector.shape_cast %swap3A_152 : vector<16xi32> to vector<16xi32>
    %swap3A_154 = vector.shape_cast %get3A_150 : vector<16xi32> to vector<16xi32>
    tpu.vector_store %arg10[%swap3A_151], %swap3A_154 {strides = array<i32>} : memref<80xi32, #tpu.memory_space<vmem>>, vector<16xi32>,
    %get3A_155 = arith.constant 9984 : index
    %get3A_156 = tpu.vector_load %arg7[%get3A_155] {strides = array<i32>} : memref<10000xi32, #tpu.memory_space<vmem>>, vector<16xi32>,
    %get3A_157 = vector.shape_cast %get3A_156 : vector<16xi32> to vector<16xi32>
    %swap3A_158 = arith.constant 64 : index
    %swap3A_159 = tpu.vector_load %arg10[%swap3A_158] {strides = array<i32>} : memref<80xi32, #tpu.memory_space<vmem>>, vector<16xi32>,
    %swap3A_160 = vector.shape_cast %swap3A_159 : vector<16xi32> to vector<16xi32>
    %swap3A_161 = vector.shape_cast %get3A_157 : vector<16xi32> to vector<16xi32>
    tpu.vector_store %arg10[%swap3A_158], %swap3A_161 {strides = array<i32>} : memref<80xi32, #tpu.memory_space<vmem>>, vector<16xi32>,
    %dma_start3A_162 = arith.constant 0 : i32
    %dma_start3A_163 = arith.constant 0 : i32
    %dma_start3A_164 = tpu.memref_slice %arg15[%dma_start3A_162, %dma_start3A_163] : memref<10000x128xf32, #tpu.memory_space<vmem_shared>> -> memref<10000x128xf32, #tpu.memory_space<vmem_shared>>
    tpu.enqueue_indirect_dma source(%arg12 : memref<80x128xf32, #tpu.memory_space<vmem>>) target(%dma_start3A_164 : memref<10000x128xf32, #tpu.memory_space<vmem_shared>>) offsets(%arg10 : memref<80xi32, #tpu.memory_space<vmem>>) semaphore(%arg18 : memref<!tpu.dma_semaphore, #tpu.memory_space<semaphore_mem>>) {add = true}
    %dma_wait3A_165 = arith.constant 0 : i32
    %dma_wait3A_166 = arith.constant 0 : i32
    %dma_wait3A_167 = tpu.memref_slice %arg15[%dma_wait3A_165, %dma_wait3A_166] : memref<10000x128xf32, #tpu.memory_space<vmem_shared>> -> memref<10000x128xf32, #tpu.memory_space<vmem_shared>>
    tpu.wait_indirect_dma semaphore(%arg18 : memref<!tpu.dma_semaphore, #tpu.memory_space<semaphore_mem>>) src(%arg12 : memref<80x128xf32, #tpu.memory_space<vmem>>) dst(%dma_wait3A_167 : memref<10000x128xf32, #tpu.memory_space<vmem_shared>>)
    %barrier3A_168 = arith.constant 0 : index
    tpu.barrier barrier_id(%barrier3A_168)
    %mul3A_169 = arith.constant 624 : i32
    %mul3A_170 = arith.muli %arg1, %mul3A_169 : i32
    %mul3A_171 = arith.constant 624 : i32
    %mul3A_172 = arith.muli %arg1, %mul3A_171 : i32
    "tpu.region"() ({
      %run_scoped3A = tpu.sem_alloc : memref<!tpu.dma_semaphore, #tpu.memory_space<semaphore_mem>>
      %dma_start3A_178 = arith.constant 0 : i32
      %dma_start3A_179 = arith.constant 0 : i32
      %dma_start3A_180 = tpu.memref_slice %arg5[%arg0, %dma_start3A_178, %dma_start3A_179] : memref<2x10000x128xf32, #tpu.memory_space<hbm>> -> memref<1x10000x128xf32, #tpu.memory_space<hbm>>
      %dma_start3A_181 = tpu.memref_squeeze %dma_start3A_180 : memref<1x10000x128xf32, #tpu.memory_space<hbm>> -> memref<10000x128xf32, #tpu.memory_space<hbm>>
      %dma_start3A_182 = arith.constant 0 : i32
      %dma_start3A_183 = tpu.memref_slice %dma_start3A_181[%mul3A_172, %dma_start3A_182] : memref<10000x128xf32, #tpu.memory_space<hbm>> -> memref<624x128xf32, #tpu.memory_space<hbm>>
      %dma_start3A_184 = arith.constant 0 : i32
      %dma_start3A_185 = tpu.memref_slice %arg15[%mul3A_170, %dma_start3A_184] : memref<10000x128xf32, #tpu.memory_space<vmem_shared>> -> memref<624x128xf32, #tpu.memory_space<vmem_shared>>
      tpu.enqueue_dma source(%dma_start3A_185 : memref<624x128xf32, #tpu.memory_space<vmem_shared>>) target(%dma_start3A_183 : memref<624x128xf32, #tpu.memory_space<hbm>>) target_semaphore(%run_scoped3A : memref<!tpu.dma_semaphore, #tpu.memory_space<semaphore_mem>>)
      %dma_wait3A_186 = arith.constant 0 : i32
      %dma_wait3A_187 = arith.constant 0 : i32
      %dma_wait3A_188 = tpu.memref_slice %arg5[%arg0, %dma_wait3A_186, %dma_wait3A_187] : memref<2x10000x128xf32, #tpu.memory_space<hbm>> -> memref<1x10000x128xf32, #tpu.memory_space<hbm>>
      %dma_wait3A_189 = tpu.memref_squeeze %dma_wait3A_188 : memref<1x10000x128xf32, #tpu.memory_space<hbm>> -> memref<10000x128xf32, #tpu.memory_space<hbm>>
      %dma_wait3A_190 = arith.constant 0 : i32
      %dma_wait3A_191 = tpu.memref_slice %dma_wait3A_189[%mul3A_172, %dma_wait3A_190] : memref<10000x128xf32, #tpu.memory_space<hbm>> -> memref<624x128xf32, #tpu.memory_space<hbm>>
      %dma_wait3A_192 = arith.constant 0 : i32
      %dma_wait3A_193 = tpu.memref_slice %arg15[%mul3A_170, %dma_wait3A_192] : memref<10000x128xf32, #tpu.memory_space<vmem_shared>> -> memref<624x128xf32, #tpu.memory_space<vmem_shared>>
      tpu.wait_dma2 semaphore(%run_scoped3A : memref<!tpu.dma_semaphore, #tpu.memory_space<semaphore_mem>>) src(%dma_wait3A_193 : memref<624x128xf32, #tpu.memory_space<vmem_shared>>) dst(%dma_wait3A_191 : memref<624x128xf32, #tpu.memory_space<hbm>>)
      tpu.yield
    }) : () -> ()
    %eq3A_173 = arith.constant 15 : i32
    %eq3A_174 = arith.cmpi eq, %arg1, %eq3A_173 : i32
    %convert_element_type3A_175 = arith.extui %eq3A_174 : i1 to i32
    %cond3A_176 = arith.constant 0 : i32
    %cond3A_177 = arith.cmpi ne, %convert_element_type3A_175, %cond3A_176 : i32
    scf.if %cond3A_177 {
      "tpu.region"() ({
        %run_scoped3A = tpu.sem_alloc : memref<!tpu.dma_semaphore, #tpu.memory_space<semaphore_mem>>
        %dma_start3A_178 = arith.constant 0 : i32
        %dma_start3A_179 = arith.constant 0 : i32
        %dma_start3A_180 = tpu.memref_slice %arg5[%arg0, %dma_start3A_178, %dma_start3A_179] : memref<2x10000x128xf32, #tpu.memory_space<hbm>> -> memref<1x10000x128xf32, #tpu.memory_space<hbm>>
        %dma_start3A_181 = tpu.memref_squeeze %dma_start3A_180 : memref<1x10000x128xf32, #tpu.memory_space<hbm>> -> memref<10000x128xf32, #tpu.memory_space<hbm>>
        %dma_start3A_182 = arith.constant 9984 : i32
        %dma_start3A_183 = arith.constant 0 : i32
        %dma_start3A_184 = tpu.memref_slice %dma_start3A_181[%dma_start3A_182, %dma_start3A_183] : memref<10000x128xf32, #tpu.memory_space<hbm>> -> memref<16x128xf32, #tpu.memory_space<hbm>>
        %dma_start3A_185 = arith.constant 9984 : i32
        %dma_start3A_186 = arith.constant 0 : i32
        %dma_start3A_187 = tpu.memref_slice %arg15[%dma_start3A_185, %dma_start3A_186] : memref<10000x128xf32, #tpu.memory_space<vmem_shared>> -> memref<16x128xf32, #tpu.memory_space<vmem_shared>>
        tpu.enqueue_dma source(%dma_start3A_187 : memref<16x128xf32, #tpu.memory_space<vmem_shared>>) target(%dma_start3A_184 : memref<16x128xf32, #tpu.memory_space<hbm>>) target_semaphore(%run_scoped3A : memref<!tpu.dma_semaphore, #tpu.memory_space<semaphore_mem>>)
        %dma_wait3A_188 = arith.constant 0 : i32
        %dma_wait3A_189 = arith.constant 0 : i32
        %dma_wait3A_190 = tpu.memref_slice %arg5[%arg0, %dma_wait3A_188, %dma_wait3A_189] : memref<2x10000x128xf32, #tpu.memory_space<hbm>> -> memref<1x10000x128xf32, #tpu.memory_space<hbm>>
        %dma_wait3A_191 = tpu.memref_squeeze %dma_wait3A_190 : memref<1x10000x128xf32, #tpu.memory_space<hbm>> -> memref<10000x128xf32, #tpu.memory_space<hbm>>
        %dma_wait3A_192 = arith.constant 9984 : i32
        %dma_wait3A_193 = arith.constant 0 : i32
        %dma_wait3A_194 = tpu.memref_slice %dma_wait3A_191[%dma_wait3A_192, %dma_wait3A_193] : memref<10000x128xf32, #tpu.memory_space<hbm>> -> memref<16x128xf32, #tpu.memory_space<hbm>>
        %dma_wait3A_195 = arith.constant 9984 : i32
        %dma_wait3A_196 = arith.constant 0 : i32
        %dma_wait3A_197 = tpu.memref_slice %arg15[%dma_wait3A_195, %dma_wait3A_196] : memref<10000x128xf32, #tpu.memory_space<vmem_shared>> -> memref<16x128xf32, #tpu.memory_space<vmem_shared>>
        tpu.wait_dma2 semaphore(%run_scoped3A : memref<!tpu.dma_semaphore, #tpu.memory_space<semaphore_mem>>) src(%dma_wait3A_197 : memref<16x128xf32, #tpu.memory_space<vmem_shared>>) dst(%dma_wait3A_194 : memref<16x128xf32, #tpu.memory_space<hbm>>)
        tpu.yield
      }) : () -> ()
    } else {
    }
    return
  }
}

#map = affine_map<(d0, d1) -> (0, 0)>
#map1 = affine_map<(d0, d1) -> (0, 0, 0)>
module attributes {stable_mosaic.version = 14 : i64} {
  func.func @_deg_body(%arg0: i32, %arg1: i32, %arg2: memref<32x10000xi32, #tpu.memory_space<hbm>>, %arg3: memref<2x10000x16xf32, #tpu.memory_space<hbm>>, %arg4: memref<10000xi32, #tpu.memory_space<vmem>>, %arg5: memref<80xi32, #tpu.memory_space<vmem>>, %arg6: memref<80x16xf32, #tpu.memory_space<vmem>>, %arg7: memref<48x16xf32, #tpu.memory_space<vmem>>, %arg8: memref<10000x16xf32, #tpu.memory_space<vmem_shared>>, %arg9: memref<!tpu.dma_semaphore, #tpu.memory_space<semaphore_mem>>) attributes {dimension_semantics = [#tpu.dimension_semantics<core_parallel>, #tpu.dimension_semantics<subcore_parallel>], iteration_bounds = array<i64: 2, 16>, scalar_prefetch = 0 : i64, scratch_operands = 6 : i64, tpu.core_type = #tpu.core_type<sc_vector_subcore>, window_params = [{transform_indices = #map}, {transform_indices = #map1}]} {
    %mul3A = arith.constant 16 : i32
    %mul3A_0 = arith.muli %arg0, %mul3A : i32
    %add3A = arith.addi %mul3A_0, %arg1 : i32
    %dma_start3A = arith.constant 0 : i32
    %dma_start3A_1 = tpu.memref_slice %arg2[%add3A, %dma_start3A] : memref<32x10000xi32, #tpu.memory_space<hbm>> -> memref<1x10000xi32, #tpu.memory_space<hbm>>
    %dma_start3A_2 = tpu.memref_squeeze %dma_start3A_1 : memref<1x10000xi32, #tpu.memory_space<hbm>> -> memref<10000xi32, #tpu.memory_space<hbm>>
    %dma_start3A_3 = arith.constant 0 : i32
    %dma_start3A_4 = tpu.memref_slice %arg2[%add3A, %dma_start3A_3] : memref<32x10000xi32, #tpu.memory_space<hbm>> -> memref<1x10000xi32, #tpu.memory_space<hbm>>
    %dma_start3A_5 = tpu.memref_squeeze %dma_start3A_4 : memref<1x10000xi32, #tpu.memory_space<hbm>> -> memref<10000xi32, #tpu.memory_space<hbm>>
    tpu.enqueue_dma source(%dma_start3A_5 : memref<10000xi32, #tpu.memory_space<hbm>>) target(%arg4 : memref<10000xi32, #tpu.memory_space<vmem>>) target_semaphore(%arg9 : memref<!tpu.dma_semaphore, #tpu.memory_space<semaphore_mem>>)
    %scan3A = arith.constant 0 : i32
    %scan3A_6 = arith.constant 0 : i32
    %scan3A_7 = arith.constant 80 : i32
    %scan3A_8 = arith.addi %scan3A_6, %scan3A_7 : i32
    %scan3A_9 = arith.constant 1 : i32
    scf.for %scan3A_92 = %scan3A_6 to %scan3A_8 step %scan3A_9  : i32 {
      %broadcast_in_dim3A = arith.constant 1.000000e+00 : f32
      %broadcast_in_dim3A_93 = vector.broadcast %broadcast_in_dim3A : f32 to vector<16xf32>
      %swap3A = arith.index_cast %scan3A_92 : i32 to index
      %swap3A_94 = arith.constant 0 : index
      %swap3A_95 = tpu.vector_load %arg6[%swap3A, %swap3A_94] {strides = array<i32>} : memref<80x16xf32, #tpu.memory_space<vmem>>, vector<1x16xf32>,
      %swap3A_96 = vector.shape_cast %swap3A_95 : vector<1x16xf32> to vector<16xf32>
      %swap3A_97 = vector.shape_cast %broadcast_in_dim3A_93 : vector<16xf32> to vector<1x16xf32>
      tpu.vector_store %arg6[%swap3A, %swap3A_94], %swap3A_97 {strides = array<i32>} : memref<80x16xf32, #tpu.memory_space<vmem>>, vector<1x16xf32>,
    }
    %scan3A_10 = arith.constant 80 : i32
    %scan3A_11 = arith.constant 0 : i32
    %scan3A_12 = arith.constant 0 : i32
    %scan3A_13 = arith.constant 48 : i32
    %scan3A_14 = arith.addi %scan3A_12, %scan3A_13 : i32
    %scan3A_15 = arith.constant 1 : i32
    scf.for %scan3A_92 = %scan3A_12 to %scan3A_14 step %scan3A_15  : i32 {
      %broadcast_in_dim3A = arith.constant 0.000000e+00 : f32
      %broadcast_in_dim3A_93 = vector.broadcast %broadcast_in_dim3A : f32 to vector<16xf32>
      %swap3A = arith.index_cast %scan3A_92 : i32 to index
      %swap3A_94 = arith.constant 0 : index
      %swap3A_95 = tpu.vector_load %arg7[%swap3A, %swap3A_94] {strides = array<i32>} : memref<48x16xf32, #tpu.memory_space<vmem>>, vector<1x16xf32>,
      %swap3A_96 = vector.shape_cast %swap3A_95 : vector<1x16xf32> to vector<16xf32>
      %swap3A_97 = vector.shape_cast %broadcast_in_dim3A_93 : vector<16xf32> to vector<1x16xf32>
      tpu.vector_store %arg7[%swap3A, %swap3A_94], %swap3A_97 {strides = array<i32>} : memref<48x16xf32, #tpu.memory_space<vmem>>, vector<1x16xf32>,
    }
    %scan3A_16 = arith.constant 48 : i32
    %mul3A_17 = arith.constant 624 : i32
    %mul3A_18 = arith.muli %arg1, %mul3A_17 : i32
    %add3A_19 = arith.constant 0 : i32
    %add3A_20 = arith.addi %mul3A_18, %add3A_19 : i32
    "tpu.region"() ({
      %run_scoped3A = tpu.sem_alloc : memref<!tpu.dma_semaphore, #tpu.memory_space<semaphore_mem>>
      %dma_start3A_92 = arith.constant 0 : i32
      %dma_start3A_93 = arith.constant 0 : i32
      %dma_start3A_94 = tpu.memref_slice %arg7[%dma_start3A_92, %dma_start3A_93] : memref<48x16xf32, #tpu.memory_space<vmem>> -> memref<48x16xf32, #tpu.memory_space<vmem>>
      %dma_start3A_95 = arith.constant 0 : i32
      %dma_start3A_96 = tpu.memref_slice %arg8[%add3A_20, %dma_start3A_95] : memref<10000x16xf32, #tpu.memory_space<vmem_shared>> -> memref<48x16xf32, #tpu.memory_space<vmem_shared>>
      %dma_start3A_97 = arith.constant 0 : i32
      %dma_start3A_98 = tpu.memref_slice %arg8[%add3A_20, %dma_start3A_97] : memref<10000x16xf32, #tpu.memory_space<vmem_shared>> -> memref<48x16xf32, #tpu.memory_space<vmem_shared>>
      %dma_start3A_99 = arith.constant 0 : i32
      %dma_start3A_100 = arith.constant 0 : i32
      %dma_start3A_101 = tpu.memref_slice %arg7[%dma_start3A_99, %dma_start3A_100] : memref<48x16xf32, #tpu.memory_space<vmem>> -> memref<48x16xf32, #tpu.memory_space<vmem>>
      tpu.enqueue_dma source(%dma_start3A_101 : memref<48x16xf32, #tpu.memory_space<vmem>>) target(%dma_start3A_98 : memref<48x16xf32, #tpu.memory_space<vmem_shared>>) target_semaphore(%run_scoped3A : memref<!tpu.dma_semaphore, #tpu.memory_space<semaphore_mem>>)
      %dma_wait3A_102 = arith.constant 0 : i32
      %dma_wait3A_103 = arith.constant 0 : i32
      %dma_wait3A_104 = tpu.memref_slice %arg7[%dma_wait3A_102, %dma_wait3A_103] : memref<48x16xf32, #tpu.memory_space<vmem>> -> memref<48x16xf32, #tpu.memory_space<vmem>>
      %dma_wait3A_105 = arith.constant 0 : i32
      %dma_wait3A_106 = tpu.memref_slice %arg8[%add3A_20, %dma_wait3A_105] : memref<10000x16xf32, #tpu.memory_space<vmem_shared>> -> memref<48x16xf32, #tpu.memory_space<vmem_shared>>
      %dma_wait3A_107 = arith.constant 0 : i32
      %dma_wait3A_108 = tpu.memref_slice %arg8[%add3A_20, %dma_wait3A_107] : memref<10000x16xf32, #tpu.memory_space<vmem_shared>> -> memref<48x16xf32, #tpu.memory_space<vmem_shared>>
      %dma_wait3A_109 = arith.constant 0 : i32
      %dma_wait3A_110 = arith.constant 0 : i32
      %dma_wait3A_111 = tpu.memref_slice %arg7[%dma_wait3A_109, %dma_wait3A_110] : memref<48x16xf32, #tpu.memory_space<vmem>> -> memref<48x16xf32, #tpu.memory_space<vmem>>
      tpu.wait_dma2 semaphore(%run_scoped3A : memref<!tpu.dma_semaphore, #tpu.memory_space<semaphore_mem>>) src(%dma_wait3A_111 : memref<48x16xf32, #tpu.memory_space<vmem>>) dst(%dma_wait3A_108 : memref<48x16xf32, #tpu.memory_space<vmem_shared>>)
      tpu.yield
    }) : () -> ()
    %mul3A_21 = arith.constant 624 : i32
    %mul3A_22 = arith.muli %arg1, %mul3A_21 : i32
    %add3A_23 = arith.constant 48 : i32
    %add3A_24 = arith.addi %mul3A_22, %add3A_23 : i32
    "tpu.region"() ({
      %run_scoped3A = tpu.sem_alloc : memref<!tpu.dma_semaphore, #tpu.memory_space<semaphore_mem>>
      %dma_start3A_92 = arith.constant 0 : i32
      %dma_start3A_93 = arith.constant 0 : i32
      %dma_start3A_94 = tpu.memref_slice %arg7[%dma_start3A_92, %dma_start3A_93] : memref<48x16xf32, #tpu.memory_space<vmem>> -> memref<48x16xf32, #tpu.memory_space<vmem>>
      %dma_start3A_95 = arith.constant 0 : i32
      %dma_start3A_96 = tpu.memref_slice %arg8[%add3A_24, %dma_start3A_95] : memref<10000x16xf32, #tpu.memory_space<vmem_shared>> -> memref<48x16xf32, #tpu.memory_space<vmem_shared>>
      %dma_start3A_97 = arith.constant 0 : i32
      %dma_start3A_98 = tpu.memref_slice %arg8[%add3A_24, %dma_start3A_97] : memref<10000x16xf32, #tpu.memory_space<vmem_shared>> -> memref<48x16xf32, #tpu.memory_space<vmem_shared>>
      %dma_start3A_99 = arith.constant 0 : i32
      %dma_start3A_100 = arith.constant 0 : i32
      %dma_start3A_101 = tpu.memref_slice %arg7[%dma_start3A_99, %dma_start3A_100] : memref<48x16xf32, #tpu.memory_space<vmem>> -> memref<48x16xf32, #tpu.memory_space<vmem>>
      tpu.enqueue_dma source(%dma_start3A_101 : memref<48x16xf32, #tpu.memory_space<vmem>>) target(%dma_start3A_98 : memref<48x16xf32, #tpu.memory_space<vmem_shared>>) target_semaphore(%run_scoped3A : memref<!tpu.dma_semaphore, #tpu.memory_space<semaphore_mem>>)
      %dma_wait3A_102 = arith.constant 0 : i32
      %dma_wait3A_103 = arith.constant 0 : i32
      %dma_wait3A_104 = tpu.memref_slice %arg7[%dma_wait3A_102, %dma_wait3A_103] : memref<48x16xf32, #tpu.memory_space<vmem>> -> memref<48x16xf32, #tpu.memory_space<vmem>>
      %dma_wait3A_105 = arith.constant 0 : i32
      %dma_wait3A_106 = tpu.memref_slice %arg8[%add3A_24, %dma_wait3A_105] : memref<10000x16xf32, #tpu.memory_space<vmem_shared>> -> memref<48x16xf32, #tpu.memory_space<vmem_shared>>
      %dma_wait3A_107 = arith.constant 0 : i32
      %dma_wait3A_108 = tpu.memref_slice %arg8[%add3A_24, %dma_wait3A_107] : memref<10000x16xf32, #tpu.memory_space<vmem_shared>> -> memref<48x16xf32, #tpu.memory_space<vmem_shared>>
      %dma_wait3A_109 = arith.constant 0 : i32
      %dma_wait3A_110 = arith.constant 0 : i32
      %dma_wait3A_111 = tpu.memref_slice %arg7[%dma_wait3A_109, %dma_wait3A_110] : memref<48x16xf32, #tpu.memory_space<vmem>> -> memref<48x16xf32, #tpu.memory_space<vmem>>
      tpu.wait_dma2 semaphore(%run_scoped3A : memref<!tpu.dma_semaphore, #tpu.memory_space<semaphore_mem>>) src(%dma_wait3A_111 : memref<48x16xf32, #tpu.memory_space<vmem>>) dst(%dma_wait3A_108 : memref<48x16xf32, #tpu.memory_space<vmem_shared>>)
      tpu.yield
    }) : () -> ()
    %mul3A_25 = arith.constant 624 : i32
    %mul3A_26 = arith.muli %arg1, %mul3A_25 : i32
    %add3A_27 = arith.constant 96 : i32
    %add3A_28 = arith.addi %mul3A_26, %add3A_27 : i32
    "tpu.region"() ({
      %run_scoped3A = tpu.sem_alloc : memref<!tpu.dma_semaphore, #tpu.memory_space<semaphore_mem>>
      %dma_start3A_92 = arith.constant 0 : i32
      %dma_start3A_93 = arith.constant 0 : i32
      %dma_start3A_94 = tpu.memref_slice %arg7[%dma_start3A_92, %dma_start3A_93] : memref<48x16xf32, #tpu.memory_space<vmem>> -> memref<48x16xf32, #tpu.memory_space<vmem>>
      %dma_start3A_95 = arith.constant 0 : i32
      %dma_start3A_96 = tpu.memref_slice %arg8[%add3A_28, %dma_start3A_95] : memref<10000x16xf32, #tpu.memory_space<vmem_shared>> -> memref<48x16xf32, #tpu.memory_space<vmem_shared>>
      %dma_start3A_97 = arith.constant 0 : i32
      %dma_start3A_98 = tpu.memref_slice %arg8[%add3A_28, %dma_start3A_97] : memref<10000x16xf32, #tpu.memory_space<vmem_shared>> -> memref<48x16xf32, #tpu.memory_space<vmem_shared>>
      %dma_start3A_99 = arith.constant 0 : i32
      %dma_start3A_100 = arith.constant 0 : i32
      %dma_start3A_101 = tpu.memref_slice %arg7[%dma_start3A_99, %dma_start3A_100] : memref<48x16xf32, #tpu.memory_space<vmem>> -> memref<48x16xf32, #tpu.memory_space<vmem>>
      tpu.enqueue_dma source(%dma_start3A_101 : memref<48x16xf32, #tpu.memory_space<vmem>>) target(%dma_start3A_98 : memref<48x16xf32, #tpu.memory_space<vmem_shared>>) target_semaphore(%run_scoped3A : memref<!tpu.dma_semaphore, #tpu.memory_space<semaphore_mem>>)
      %dma_wait3A_102 = arith.constant 0 : i32
      %dma_wait3A_103 = arith.constant 0 : i32
      %dma_wait3A_104 = tpu.memref_slice %arg7[%dma_wait3A_102, %dma_wait3A_103] : memref<48x16xf32, #tpu.memory_space<vmem>> -> memref<48x16xf32, #tpu.memory_space<vmem>>
      %dma_wait3A_105 = arith.constant 0 : i32
      %dma_wait3A_106 = tpu.memref_slice %arg8[%add3A_28, %dma_wait3A_105] : memref<10000x16xf32, #tpu.memory_space<vmem_shared>> -> memref<48x16xf32, #tpu.memory_space<vmem_shared>>
      %dma_wait3A_107 = arith.constant 0 : i32
      %dma_wait3A_108 = tpu.memref_slice %arg8[%add3A_28, %dma_wait3A_107] : memref<10000x16xf32, #tpu.memory_space<vmem_shared>> -> memref<48x16xf32, #tpu.memory_space<vmem_shared>>
      %dma_wait3A_109 = arith.constant 0 : i32
      %dma_wait3A_110 = arith.constant 0 : i32
      %dma_wait3A_111 = tpu.memref_slice %arg7[%dma_wait3A_109, %dma_wait3A_110] : memref<48x16xf32, #tpu.memory_space<vmem>> -> memref<48x16xf32, #tpu.memory_space<vmem>>
      tpu.wait_dma2 semaphore(%run_scoped3A : memref<!tpu.dma_semaphore, #tpu.memory_space<semaphore_mem>>) src(%dma_wait3A_111 : memref<48x16xf32, #tpu.memory_space<vmem>>) dst(%dma_wait3A_108 : memref<48x16xf32, #tpu.memory_space<vmem_shared>>)
      tpu.yield
    }) : () -> ()
    %mul3A_29 = arith.constant 624 : i32
    %mul3A_30 = arith.muli %arg1, %mul3A_29 : i32
    %add3A_31 = arith.constant 144 : i32
    %add3A_32 = arith.addi %mul3A_30, %add3A_31 : i32
    "tpu.region"() ({
      %run_scoped3A = tpu.sem_alloc : memref<!tpu.dma_semaphore, #tpu.memory_space<semaphore_mem>>
      %dma_start3A_92 = arith.constant 0 : i32
      %dma_start3A_93 = arith.constant 0 : i32
      %dma_start3A_94 = tpu.memref_slice %arg7[%dma_start3A_92, %dma_start3A_93] : memref<48x16xf32, #tpu.memory_space<vmem>> -> memref<48x16xf32, #tpu.memory_space<vmem>>
      %dma_start3A_95 = arith.constant 0 : i32
      %dma_start3A_96 = tpu.memref_slice %arg8[%add3A_32, %dma_start3A_95] : memref<10000x16xf32, #tpu.memory_space<vmem_shared>> -> memref<48x16xf32, #tpu.memory_space<vmem_shared>>
      %dma_start3A_97 = arith.constant 0 : i32
      %dma_start3A_98 = tpu.memref_slice %arg8[%add3A_32, %dma_start3A_97] : memref<10000x16xf32, #tpu.memory_space<vmem_shared>> -> memref<48x16xf32, #tpu.memory_space<vmem_shared>>
      %dma_start3A_99 = arith.constant 0 : i32
      %dma_start3A_100 = arith.constant 0 : i32
      %dma_start3A_101 = tpu.memref_slice %arg7[%dma_start3A_99, %dma_start3A_100] : memref<48x16xf32, #tpu.memory_space<vmem>> -> memref<48x16xf32, #tpu.memory_space<vmem>>
      tpu.enqueue_dma source(%dma_start3A_101 : memref<48x16xf32, #tpu.memory_space<vmem>>) target(%dma_start3A_98 : memref<48x16xf32, #tpu.memory_space<vmem_shared>>) target_semaphore(%run_scoped3A : memref<!tpu.dma_semaphore, #tpu.memory_space<semaphore_mem>>)
      %dma_wait3A_102 = arith.constant 0 : i32
      %dma_wait3A_103 = arith.constant 0 : i32
      %dma_wait3A_104 = tpu.memref_slice %arg7[%dma_wait3A_102, %dma_wait3A_103] : memref<48x16xf32, #tpu.memory_space<vmem>> -> memref<48x16xf32, #tpu.memory_space<vmem>>
      %dma_wait3A_105 = arith.constant 0 : i32
      %dma_wait3A_106 = tpu.memref_slice %arg8[%add3A_32, %dma_wait3A_105] : memref<10000x16xf32, #tpu.memory_space<vmem_shared>> -> memref<48x16xf32, #tpu.memory_space<vmem_shared>>
      %dma_wait3A_107 = arith.constant 0 : i32
      %dma_wait3A_108 = tpu.memref_slice %arg8[%add3A_32, %dma_wait3A_107] : memref<10000x16xf32, #tpu.memory_space<vmem_shared>> -> memref<48x16xf32, #tpu.memory_space<vmem_shared>>
      %dma_wait3A_109 = arith.constant 0 : i32
      %dma_wait3A_110 = arith.constant 0 : i32
      %dma_wait3A_111 = tpu.memref_slice %arg7[%dma_wait3A_109, %dma_wait3A_110] : memref<48x16xf32, #tpu.memory_space<vmem>> -> memref<48x16xf32, #tpu.memory_space<vmem>>
      tpu.wait_dma2 semaphore(%run_scoped3A : memref<!tpu.dma_semaphore, #tpu.memory_space<semaphore_mem>>) src(%dma_wait3A_111 : memref<48x16xf32, #tpu.memory_space<vmem>>) dst(%dma_wait3A_108 : memref<48x16xf32, #tpu.memory_space<vmem_shared>>)
      tpu.yield
    }) : () -> ()
    %mul3A_33 = arith.constant 624 : i32
    %mul3A_34 = arith.muli %arg1, %mul3A_33 : i32
    %add3A_35 = arith.constant 192 : i32
    %add3A_36 = arith.addi %mul3A_34, %add3A_35 : i32
    "tpu.region"() ({
      %run_scoped3A = tpu.sem_alloc : memref<!tpu.dma_semaphore, #tpu.memory_space<semaphore_mem>>
      %dma_start3A_92 = arith.constant 0 : i32
      %dma_start3A_93 = arith.constant 0 : i32
      %dma_start3A_94 = tpu.memref_slice %arg7[%dma_start3A_92, %dma_start3A_93] : memref<48x16xf32, #tpu.memory_space<vmem>> -> memref<48x16xf32, #tpu.memory_space<vmem>>
      %dma_start3A_95 = arith.constant 0 : i32
      %dma_start3A_96 = tpu.memref_slice %arg8[%add3A_36, %dma_start3A_95] : memref<10000x16xf32, #tpu.memory_space<vmem_shared>> -> memref<48x16xf32, #tpu.memory_space<vmem_shared>>
      %dma_start3A_97 = arith.constant 0 : i32
      %dma_start3A_98 = tpu.memref_slice %arg8[%add3A_36, %dma_start3A_97] : memref<10000x16xf32, #tpu.memory_space<vmem_shared>> -> memref<48x16xf32, #tpu.memory_space<vmem_shared>>
      %dma_start3A_99 = arith.constant 0 : i32
      %dma_start3A_100 = arith.constant 0 : i32
      %dma_start3A_101 = tpu.memref_slice %arg7[%dma_start3A_99, %dma_start3A_100] : memref<48x16xf32, #tpu.memory_space<vmem>> -> memref<48x16xf32, #tpu.memory_space<vmem>>
      tpu.enqueue_dma source(%dma_start3A_101 : memref<48x16xf32, #tpu.memory_space<vmem>>) target(%dma_start3A_98 : memref<48x16xf32, #tpu.memory_space<vmem_shared>>) target_semaphore(%run_scoped3A : memref<!tpu.dma_semaphore, #tpu.memory_space<semaphore_mem>>)
      %dma_wait3A_102 = arith.constant 0 : i32
      %dma_wait3A_103 = arith.constant 0 : i32
      %dma_wait3A_104 = tpu.memref_slice %arg7[%dma_wait3A_102, %dma_wait3A_103] : memref<48x16xf32, #tpu.memory_space<vmem>> -> memref<48x16xf32, #tpu.memory_space<vmem>>
      %dma_wait3A_105 = arith.constant 0 : i32
      %dma_wait3A_106 = tpu.memref_slice %arg8[%add3A_36, %dma_wait3A_105] : memref<10000x16xf32, #tpu.memory_space<vmem_shared>> -> memref<48x16xf32, #tpu.memory_space<vmem_shared>>
      %dma_wait3A_107 = arith.constant 0 : i32
      %dma_wait3A_108 = tpu.memref_slice %arg8[%add3A_36, %dma_wait3A_107] : memref<10000x16xf32, #tpu.memory_space<vmem_shared>> -> memref<48x16xf32, #tpu.memory_space<vmem_shared>>
      %dma_wait3A_109 = arith.constant 0 : i32
      %dma_wait3A_110 = arith.constant 0 : i32
      %dma_wait3A_111 = tpu.memref_slice %arg7[%dma_wait3A_109, %dma_wait3A_110] : memref<48x16xf32, #tpu.memory_space<vmem>> -> memref<48x16xf32, #tpu.memory_space<vmem>>
      tpu.wait_dma2 semaphore(%run_scoped3A : memref<!tpu.dma_semaphore, #tpu.memory_space<semaphore_mem>>) src(%dma_wait3A_111 : memref<48x16xf32, #tpu.memory_space<vmem>>) dst(%dma_wait3A_108 : memref<48x16xf32, #tpu.memory_space<vmem_shared>>)
      tpu.yield
    }) : () -> ()
    %mul3A_37 = arith.constant 624 : i32
    %mul3A_38 = arith.muli %arg1, %mul3A_37 : i32
    %add3A_39 = arith.constant 240 : i32
    %add3A_40 = arith.addi %mul3A_38, %add3A_39 : i32
    "tpu.region"() ({
      %run_scoped3A = tpu.sem_alloc : memref<!tpu.dma_semaphore, #tpu.memory_space<semaphore_mem>>
      %dma_start3A_92 = arith.constant 0 : i32
      %dma_start3A_93 = arith.constant 0 : i32
      %dma_start3A_94 = tpu.memref_slice %arg7[%dma_start3A_92, %dma_start3A_93] : memref<48x16xf32, #tpu.memory_space<vmem>> -> memref<48x16xf32, #tpu.memory_space<vmem>>
      %dma_start3A_95 = arith.constant 0 : i32
      %dma_start3A_96 = tpu.memref_slice %arg8[%add3A_40, %dma_start3A_95] : memref<10000x16xf32, #tpu.memory_space<vmem_shared>> -> memref<48x16xf32, #tpu.memory_space<vmem_shared>>
      %dma_start3A_97 = arith.constant 0 : i32
      %dma_start3A_98 = tpu.memref_slice %arg8[%add3A_40, %dma_start3A_97] : memref<10000x16xf32, #tpu.memory_space<vmem_shared>> -> memref<48x16xf32, #tpu.memory_space<vmem_shared>>
      %dma_start3A_99 = arith.constant 0 : i32
      %dma_start3A_100 = arith.constant 0 : i32
      %dma_start3A_101 = tpu.memref_slice %arg7[%dma_start3A_99, %dma_start3A_100] : memref<48x16xf32, #tpu.memory_space<vmem>> -> memref<48x16xf32, #tpu.memory_space<vmem>>
      tpu.enqueue_dma source(%dma_start3A_101 : memref<48x16xf32, #tpu.memory_space<vmem>>) target(%dma_start3A_98 : memref<48x16xf32, #tpu.memory_space<vmem_shared>>) target_semaphore(%run_scoped3A : memref<!tpu.dma_semaphore, #tpu.memory_space<semaphore_mem>>)
      %dma_wait3A_102 = arith.constant 0 : i32
      %dma_wait3A_103 = arith.constant 0 : i32
      %dma_wait3A_104 = tpu.memref_slice %arg7[%dma_wait3A_102, %dma_wait3A_103] : memref<48x16xf32, #tpu.memory_space<vmem>> -> memref<48x16xf32, #tpu.memory_space<vmem>>
      %dma_wait3A_105 = arith.constant 0 : i32
      %dma_wait3A_106 = tpu.memref_slice %arg8[%add3A_40, %dma_wait3A_105] : memref<10000x16xf32, #tpu.memory_space<vmem_shared>> -> memref<48x16xf32, #tpu.memory_space<vmem_shared>>
      %dma_wait3A_107 = arith.constant 0 : i32
      %dma_wait3A_108 = tpu.memref_slice %arg8[%add3A_40, %dma_wait3A_107] : memref<10000x16xf32, #tpu.memory_space<vmem_shared>> -> memref<48x16xf32, #tpu.memory_space<vmem_shared>>
      %dma_wait3A_109 = arith.constant 0 : i32
      %dma_wait3A_110 = arith.constant 0 : i32
      %dma_wait3A_111 = tpu.memref_slice %arg7[%dma_wait3A_109, %dma_wait3A_110] : memref<48x16xf32, #tpu.memory_space<vmem>> -> memref<48x16xf32, #tpu.memory_space<vmem>>
      tpu.wait_dma2 semaphore(%run_scoped3A : memref<!tpu.dma_semaphore, #tpu.memory_space<semaphore_mem>>) src(%dma_wait3A_111 : memref<48x16xf32, #tpu.memory_space<vmem>>) dst(%dma_wait3A_108 : memref<48x16xf32, #tpu.memory_space<vmem_shared>>)
      tpu.yield
    }) : () -> ()
    %mul3A_41 = arith.constant 624 : i32
    %mul3A_42 = arith.muli %arg1, %mul3A_41 : i32
    %add3A_43 = arith.constant 288 : i32
    %add3A_44 = arith.addi %mul3A_42, %add3A_43 : i32
    "tpu.region"() ({
      %run_scoped3A = tpu.sem_alloc : memref<!tpu.dma_semaphore, #tpu.memory_space<semaphore_mem>>
      %dma_start3A_92 = arith.constant 0 : i32
      %dma_start3A_93 = arith.constant 0 : i32
      %dma_start3A_94 = tpu.memref_slice %arg7[%dma_start3A_92, %dma_start3A_93] : memref<48x16xf32, #tpu.memory_space<vmem>> -> memref<48x16xf32, #tpu.memory_space<vmem>>
      %dma_start3A_95 = arith.constant 0 : i32
      %dma_start3A_96 = tpu.memref_slice %arg8[%add3A_44, %dma_start3A_95] : memref<10000x16xf32, #tpu.memory_space<vmem_shared>> -> memref<48x16xf32, #tpu.memory_space<vmem_shared>>
      %dma_start3A_97 = arith.constant 0 : i32
      %dma_start3A_98 = tpu.memref_slice %arg8[%add3A_44, %dma_start3A_97] : memref<10000x16xf32, #tpu.memory_space<vmem_shared>> -> memref<48x16xf32, #tpu.memory_space<vmem_shared>>
      %dma_start3A_99 = arith.constant 0 : i32
      %dma_start3A_100 = arith.constant 0 : i32
      %dma_start3A_101 = tpu.memref_slice %arg7[%dma_start3A_99, %dma_start3A_100] : memref<48x16xf32, #tpu.memory_space<vmem>> -> memref<48x16xf32, #tpu.memory_space<vmem>>
      tpu.enqueue_dma source(%dma_start3A_101 : memref<48x16xf32, #tpu.memory_space<vmem>>) target(%dma_start3A_98 : memref<48x16xf32, #tpu.memory_space<vmem_shared>>) target_semaphore(%run_scoped3A : memref<!tpu.dma_semaphore, #tpu.memory_space<semaphore_mem>>)
      %dma_wait3A_102 = arith.constant 0 : i32
      %dma_wait3A_103 = arith.constant 0 : i32
      %dma_wait3A_104 = tpu.memref_slice %arg7[%dma_wait3A_102, %dma_wait3A_103] : memref<48x16xf32, #tpu.memory_space<vmem>> -> memref<48x16xf32, #tpu.memory_space<vmem>>
      %dma_wait3A_105 = arith.constant 0 : i32
      %dma_wait3A_106 = tpu.memref_slice %arg8[%add3A_44, %dma_wait3A_105] : memref<10000x16xf32, #tpu.memory_space<vmem_shared>> -> memref<48x16xf32, #tpu.memory_space<vmem_shared>>
      %dma_wait3A_107 = arith.constant 0 : i32
      %dma_wait3A_108 = tpu.memref_slice %arg8[%add3A_44, %dma_wait3A_107] : memref<10000x16xf32, #tpu.memory_space<vmem_shared>> -> memref<48x16xf32, #tpu.memory_space<vmem_shared>>
      %dma_wait3A_109 = arith.constant 0 : i32
      %dma_wait3A_110 = arith.constant 0 : i32
      %dma_wait3A_111 = tpu.memref_slice %arg7[%dma_wait3A_109, %dma_wait3A_110] : memref<48x16xf32, #tpu.memory_space<vmem>> -> memref<48x16xf32, #tpu.memory_space<vmem>>
      tpu.wait_dma2 semaphore(%run_scoped3A : memref<!tpu.dma_semaphore, #tpu.memory_space<semaphore_mem>>) src(%dma_wait3A_111 : memref<48x16xf32, #tpu.memory_space<vmem>>) dst(%dma_wait3A_108 : memref<48x16xf32, #tpu.memory_space<vmem_shared>>)
      tpu.yield
    }) : () -> ()
    %mul3A_45 = arith.constant 624 : i32
    %mul3A_46 = arith.muli %arg1, %mul3A_45 : i32
    %add3A_47 = arith.constant 336 : i32
    %add3A_48 = arith.addi %mul3A_46, %add3A_47 : i32
    "tpu.region"() ({
      %run_scoped3A = tpu.sem_alloc : memref<!tpu.dma_semaphore, #tpu.memory_space<semaphore_mem>>
      %dma_start3A_92 = arith.constant 0 : i32
      %dma_start3A_93 = arith.constant 0 : i32
      %dma_start3A_94 = tpu.memref_slice %arg7[%dma_start3A_92, %dma_start3A_93] : memref<48x16xf32, #tpu.memory_space<vmem>> -> memref<48x16xf32, #tpu.memory_space<vmem>>
      %dma_start3A_95 = arith.constant 0 : i32
      %dma_start3A_96 = tpu.memref_slice %arg8[%add3A_48, %dma_start3A_95] : memref<10000x16xf32, #tpu.memory_space<vmem_shared>> -> memref<48x16xf32, #tpu.memory_space<vmem_shared>>
      %dma_start3A_97 = arith.constant 0 : i32
      %dma_start3A_98 = tpu.memref_slice %arg8[%add3A_48, %dma_start3A_97] : memref<10000x16xf32, #tpu.memory_space<vmem_shared>> -> memref<48x16xf32, #tpu.memory_space<vmem_shared>>
      %dma_start3A_99 = arith.constant 0 : i32
      %dma_start3A_100 = arith.constant 0 : i32
      %dma_start3A_101 = tpu.memref_slice %arg7[%dma_start3A_99, %dma_start3A_100] : memref<48x16xf32, #tpu.memory_space<vmem>> -> memref<48x16xf32, #tpu.memory_space<vmem>>
      tpu.enqueue_dma source(%dma_start3A_101 : memref<48x16xf32, #tpu.memory_space<vmem>>) target(%dma_start3A_98 : memref<48x16xf32, #tpu.memory_space<vmem_shared>>) target_semaphore(%run_scoped3A : memref<!tpu.dma_semaphore, #tpu.memory_space<semaphore_mem>>)
      %dma_wait3A_102 = arith.constant 0 : i32
      %dma_wait3A_103 = arith.constant 0 : i32
      %dma_wait3A_104 = tpu.memref_slice %arg7[%dma_wait3A_102, %dma_wait3A_103] : memref<48x16xf32, #tpu.memory_space<vmem>> -> memref<48x16xf32, #tpu.memory_space<vmem>>
      %dma_wait3A_105 = arith.constant 0 : i32
      %dma_wait3A_106 = tpu.memref_slice %arg8[%add3A_48, %dma_wait3A_105] : memref<10000x16xf32, #tpu.memory_space<vmem_shared>> -> memref<48x16xf32, #tpu.memory_space<vmem_shared>>
      %dma_wait3A_107 = arith.constant 0 : i32
      %dma_wait3A_108 = tpu.memref_slice %arg8[%add3A_48, %dma_wait3A_107] : memref<10000x16xf32, #tpu.memory_space<vmem_shared>> -> memref<48x16xf32, #tpu.memory_space<vmem_shared>>
      %dma_wait3A_109 = arith.constant 0 : i32
      %dma_wait3A_110 = arith.constant 0 : i32
      %dma_wait3A_111 = tpu.memref_slice %arg7[%dma_wait3A_109, %dma_wait3A_110] : memref<48x16xf32, #tpu.memory_space<vmem>> -> memref<48x16xf32, #tpu.memory_space<vmem>>
      tpu.wait_dma2 semaphore(%run_scoped3A : memref<!tpu.dma_semaphore, #tpu.memory_space<semaphore_mem>>) src(%dma_wait3A_111 : memref<48x16xf32, #tpu.memory_space<vmem>>) dst(%dma_wait3A_108 : memref<48x16xf32, #tpu.memory_space<vmem_shared>>)
      tpu.yield
    }) : () -> ()
    %mul3A_49 = arith.constant 624 : i32
    %mul3A_50 = arith.muli %arg1, %mul3A_49 : i32
    %add3A_51 = arith.constant 384 : i32
    %add3A_52 = arith.addi %mul3A_50, %add3A_51 : i32
    "tpu.region"() ({
      %run_scoped3A = tpu.sem_alloc : memref<!tpu.dma_semaphore, #tpu.memory_space<semaphore_mem>>
      %dma_start3A_92 = arith.constant 0 : i32
      %dma_start3A_93 = arith.constant 0 : i32
      %dma_start3A_94 = tpu.memref_slice %arg7[%dma_start3A_92, %dma_start3A_93] : memref<48x16xf32, #tpu.memory_space<vmem>> -> memref<48x16xf32, #tpu.memory_space<vmem>>
      %dma_start3A_95 = arith.constant 0 : i32
      %dma_start3A_96 = tpu.memref_slice %arg8[%add3A_52, %dma_start3A_95] : memref<10000x16xf32, #tpu.memory_space<vmem_shared>> -> memref<48x16xf32, #tpu.memory_space<vmem_shared>>
      %dma_start3A_97 = arith.constant 0 : i32
      %dma_start3A_98 = tpu.memref_slice %arg8[%add3A_52, %dma_start3A_97] : memref<10000x16xf32, #tpu.memory_space<vmem_shared>> -> memref<48x16xf32, #tpu.memory_space<vmem_shared>>
      %dma_start3A_99 = arith.constant 0 : i32
      %dma_start3A_100 = arith.constant 0 : i32
      %dma_start3A_101 = tpu.memref_slice %arg7[%dma_start3A_99, %dma_start3A_100] : memref<48x16xf32, #tpu.memory_space<vmem>> -> memref<48x16xf32, #tpu.memory_space<vmem>>
      tpu.enqueue_dma source(%dma_start3A_101 : memref<48x16xf32, #tpu.memory_space<vmem>>) target(%dma_start3A_98 : memref<48x16xf32, #tpu.memory_space<vmem_shared>>) target_semaphore(%run_scoped3A : memref<!tpu.dma_semaphore, #tpu.memory_space<semaphore_mem>>)
      %dma_wait3A_102 = arith.constant 0 : i32
      %dma_wait3A_103 = arith.constant 0 : i32
      %dma_wait3A_104 = tpu.memref_slice %arg7[%dma_wait3A_102, %dma_wait3A_103] : memref<48x16xf32, #tpu.memory_space<vmem>> -> memref<48x16xf32, #tpu.memory_space<vmem>>
      %dma_wait3A_105 = arith.constant 0 : i32
      %dma_wait3A_106 = tpu.memref_slice %arg8[%add3A_52, %dma_wait3A_105] : memref<10000x16xf32, #tpu.memory_space<vmem_shared>> -> memref<48x16xf32, #tpu.memory_space<vmem_shared>>
      %dma_wait3A_107 = arith.constant 0 : i32
      %dma_wait3A_108 = tpu.memref_slice %arg8[%add3A_52, %dma_wait3A_107] : memref<10000x16xf32, #tpu.memory_space<vmem_shared>> -> memref<48x16xf32, #tpu.memory_space<vmem_shared>>
      %dma_wait3A_109 = arith.constant 0 : i32
      %dma_wait3A_110 = arith.constant 0 : i32
      %dma_wait3A_111 = tpu.memref_slice %arg7[%dma_wait3A_109, %dma_wait3A_110] : memref<48x16xf32, #tpu.memory_space<vmem>> -> memref<48x16xf32, #tpu.memory_space<vmem>>
      tpu.wait_dma2 semaphore(%run_scoped3A : memref<!tpu.dma_semaphore, #tpu.memory_space<semaphore_mem>>) src(%dma_wait3A_111 : memref<48x16xf32, #tpu.memory_space<vmem>>) dst(%dma_wait3A_108 : memref<48x16xf32, #tpu.memory_space<vmem_shared>>)
      tpu.yield
    }) : () -> ()
    %mul3A_53 = arith.constant 624 : i32
    %mul3A_54 = arith.muli %arg1, %mul3A_53 : i32
    %add3A_55 = arith.constant 432 : i32
    %add3A_56 = arith.addi %mul3A_54, %add3A_55 : i32
    "tpu.region"() ({
      %run_scoped3A = tpu.sem_alloc : memref<!tpu.dma_semaphore, #tpu.memory_space<semaphore_mem>>
      %dma_start3A_92 = arith.constant 0 : i32
      %dma_start3A_93 = arith.constant 0 : i32
      %dma_start3A_94 = tpu.memref_slice %arg7[%dma_start3A_92, %dma_start3A_93] : memref<48x16xf32, #tpu.memory_space<vmem>> -> memref<48x16xf32, #tpu.memory_space<vmem>>
      %dma_start3A_95 = arith.constant 0 : i32
      %dma_start3A_96 = tpu.memref_slice %arg8[%add3A_56, %dma_start3A_95] : memref<10000x16xf32, #tpu.memory_space<vmem_shared>> -> memref<48x16xf32, #tpu.memory_space<vmem_shared>>
      %dma_start3A_97 = arith.constant 0 : i32
      %dma_start3A_98 = tpu.memref_slice %arg8[%add3A_56, %dma_start3A_97] : memref<10000x16xf32, #tpu.memory_space<vmem_shared>> -> memref<48x16xf32, #tpu.memory_space<vmem_shared>>
      %dma_start3A_99 = arith.constant 0 : i32
      %dma_start3A_100 = arith.constant 0 : i32
      %dma_start3A_101 = tpu.memref_slice %arg7[%dma_start3A_99, %dma_start3A_100] : memref<48x16xf32, #tpu.memory_space<vmem>> -> memref<48x16xf32, #tpu.memory_space<vmem>>
      tpu.enqueue_dma source(%dma_start3A_101 : memref<48x16xf32, #tpu.memory_space<vmem>>) target(%dma_start3A_98 : memref<48x16xf32, #tpu.memory_space<vmem_shared>>) target_semaphore(%run_scoped3A : memref<!tpu.dma_semaphore, #tpu.memory_space<semaphore_mem>>)
      %dma_wait3A_102 = arith.constant 0 : i32
      %dma_wait3A_103 = arith.constant 0 : i32
      %dma_wait3A_104 = tpu.memref_slice %arg7[%dma_wait3A_102, %dma_wait3A_103] : memref<48x16xf32, #tpu.memory_space<vmem>> -> memref<48x16xf32, #tpu.memory_space<vmem>>
      %dma_wait3A_105 = arith.constant 0 : i32
      %dma_wait3A_106 = tpu.memref_slice %arg8[%add3A_56, %dma_wait3A_105] : memref<10000x16xf32, #tpu.memory_space<vmem_shared>> -> memref<48x16xf32, #tpu.memory_space<vmem_shared>>
      %dma_wait3A_107 = arith.constant 0 : i32
      %dma_wait3A_108 = tpu.memref_slice %arg8[%add3A_56, %dma_wait3A_107] : memref<10000x16xf32, #tpu.memory_space<vmem_shared>> -> memref<48x16xf32, #tpu.memory_space<vmem_shared>>
      %dma_wait3A_109 = arith.constant 0 : i32
      %dma_wait3A_110 = arith.constant 0 : i32
      %dma_wait3A_111 = tpu.memref_slice %arg7[%dma_wait3A_109, %dma_wait3A_110] : memref<48x16xf32, #tpu.memory_space<vmem>> -> memref<48x16xf32, #tpu.memory_space<vmem>>
      tpu.wait_dma2 semaphore(%run_scoped3A : memref<!tpu.dma_semaphore, #tpu.memory_space<semaphore_mem>>) src(%dma_wait3A_111 : memref<48x16xf32, #tpu.memory_space<vmem>>) dst(%dma_wait3A_108 : memref<48x16xf32, #tpu.memory_space<vmem_shared>>)
      tpu.yield
    }) : () -> ()
    %mul3A_57 = arith.constant 624 : i32
    %mul3A_58 = arith.muli %arg1, %mul3A_57 : i32
    %add3A_59 = arith.constant 480 : i32
    %add3A_60 = arith.addi %mul3A_58, %add3A_59 : i32
    "tpu.region"() ({
      %run_scoped3A = tpu.sem_alloc : memref<!tpu.dma_semaphore, #tpu.memory_space<semaphore_mem>>
      %dma_start3A_92 = arith.constant 0 : i32
      %dma_start3A_93 = arith.constant 0 : i32
      %dma_start3A_94 = tpu.memref_slice %arg7[%dma_start3A_92, %dma_start3A_93] : memref<48x16xf32, #tpu.memory_space<vmem>> -> memref<48x16xf32, #tpu.memory_space<vmem>>
      %dma_start3A_95 = arith.constant 0 : i32
      %dma_start3A_96 = tpu.memref_slice %arg8[%add3A_60, %dma_start3A_95] : memref<10000x16xf32, #tpu.memory_space<vmem_shared>> -> memref<48x16xf32, #tpu.memory_space<vmem_shared>>
      %dma_start3A_97 = arith.constant 0 : i32
      %dma_start3A_98 = tpu.memref_slice %arg8[%add3A_60, %dma_start3A_97] : memref<10000x16xf32, #tpu.memory_space<vmem_shared>> -> memref<48x16xf32, #tpu.memory_space<vmem_shared>>
      %dma_start3A_99 = arith.constant 0 : i32
      %dma_start3A_100 = arith.constant 0 : i32
      %dma_start3A_101 = tpu.memref_slice %arg7[%dma_start3A_99, %dma_start3A_100] : memref<48x16xf32, #tpu.memory_space<vmem>> -> memref<48x16xf32, #tpu.memory_space<vmem>>
      tpu.enqueue_dma source(%dma_start3A_101 : memref<48x16xf32, #tpu.memory_space<vmem>>) target(%dma_start3A_98 : memref<48x16xf32, #tpu.memory_space<vmem_shared>>) target_semaphore(%run_scoped3A : memref<!tpu.dma_semaphore, #tpu.memory_space<semaphore_mem>>)
      %dma_wait3A_102 = arith.constant 0 : i32
      %dma_wait3A_103 = arith.constant 0 : i32
      %dma_wait3A_104 = tpu.memref_slice %arg7[%dma_wait3A_102, %dma_wait3A_103] : memref<48x16xf32, #tpu.memory_space<vmem>> -> memref<48x16xf32, #tpu.memory_space<vmem>>
      %dma_wait3A_105 = arith.constant 0 : i32
      %dma_wait3A_106 = tpu.memref_slice %arg8[%add3A_60, %dma_wait3A_105] : memref<10000x16xf32, #tpu.memory_space<vmem_shared>> -> memref<48x16xf32, #tpu.memory_space<vmem_shared>>
      %dma_wait3A_107 = arith.constant 0 : i32
      %dma_wait3A_108 = tpu.memref_slice %arg8[%add3A_60, %dma_wait3A_107] : memref<10000x16xf32, #tpu.memory_space<vmem_shared>> -> memref<48x16xf32, #tpu.memory_space<vmem_shared>>
      %dma_wait3A_109 = arith.constant 0 : i32
      %dma_wait3A_110 = arith.constant 0 : i32
      %dma_wait3A_111 = tpu.memref_slice %arg7[%dma_wait3A_109, %dma_wait3A_110] : memref<48x16xf32, #tpu.memory_space<vmem>> -> memref<48x16xf32, #tpu.memory_space<vmem>>
      tpu.wait_dma2 semaphore(%run_scoped3A : memref<!tpu.dma_semaphore, #tpu.memory_space<semaphore_mem>>) src(%dma_wait3A_111 : memref<48x16xf32, #tpu.memory_space<vmem>>) dst(%dma_wait3A_108 : memref<48x16xf32, #tpu.memory_space<vmem_shared>>)
      tpu.yield
    }) : () -> ()
    %mul3A_61 = arith.constant 624 : i32
    %mul3A_62 = arith.muli %arg1, %mul3A_61 : i32
    %add3A_63 = arith.constant 528 : i32
    %add3A_64 = arith.addi %mul3A_62, %add3A_63 : i32
    "tpu.region"() ({
      %run_scoped3A = tpu.sem_alloc : memref<!tpu.dma_semaphore, #tpu.memory_space<semaphore_mem>>
      %dma_start3A_92 = arith.constant 0 : i32
      %dma_start3A_93 = arith.constant 0 : i32
      %dma_start3A_94 = tpu.memref_slice %arg7[%dma_start3A_92, %dma_start3A_93] : memref<48x16xf32, #tpu.memory_space<vmem>> -> memref<48x16xf32, #tpu.memory_space<vmem>>
      %dma_start3A_95 = arith.constant 0 : i32
      %dma_start3A_96 = tpu.memref_slice %arg8[%add3A_64, %dma_start3A_95] : memref<10000x16xf32, #tpu.memory_space<vmem_shared>> -> memref<48x16xf32, #tpu.memory_space<vmem_shared>>
      %dma_start3A_97 = arith.constant 0 : i32
      %dma_start3A_98 = tpu.memref_slice %arg8[%add3A_64, %dma_start3A_97] : memref<10000x16xf32, #tpu.memory_space<vmem_shared>> -> memref<48x16xf32, #tpu.memory_space<vmem_shared>>
      %dma_start3A_99 = arith.constant 0 : i32
      %dma_start3A_100 = arith.constant 0 : i32
      %dma_start3A_101 = tpu.memref_slice %arg7[%dma_start3A_99, %dma_start3A_100] : memref<48x16xf32, #tpu.memory_space<vmem>> -> memref<48x16xf32, #tpu.memory_space<vmem>>
      tpu.enqueue_dma source(%dma_start3A_101 : memref<48x16xf32, #tpu.memory_space<vmem>>) target(%dma_start3A_98 : memref<48x16xf32, #tpu.memory_space<vmem_shared>>) target_semaphore(%run_scoped3A : memref<!tpu.dma_semaphore, #tpu.memory_space<semaphore_mem>>)
      %dma_wait3A_102 = arith.constant 0 : i32
      %dma_wait3A_103 = arith.constant 0 : i32
      %dma_wait3A_104 = tpu.memref_slice %arg7[%dma_wait3A_102, %dma_wait3A_103] : memref<48x16xf32, #tpu.memory_space<vmem>> -> memref<48x16xf32, #tpu.memory_space<vmem>>
      %dma_wait3A_105 = arith.constant 0 : i32
      %dma_wait3A_106 = tpu.memref_slice %arg8[%add3A_64, %dma_wait3A_105] : memref<10000x16xf32, #tpu.memory_space<vmem_shared>> -> memref<48x16xf32, #tpu.memory_space<vmem_shared>>
      %dma_wait3A_107 = arith.constant 0 : i32
      %dma_wait3A_108 = tpu.memref_slice %arg8[%add3A_64, %dma_wait3A_107] : memref<10000x16xf32, #tpu.memory_space<vmem_shared>> -> memref<48x16xf32, #tpu.memory_space<vmem_shared>>
      %dma_wait3A_109 = arith.constant 0 : i32
      %dma_wait3A_110 = arith.constant 0 : i32
      %dma_wait3A_111 = tpu.memref_slice %arg7[%dma_wait3A_109, %dma_wait3A_110] : memref<48x16xf32, #tpu.memory_space<vmem>> -> memref<48x16xf32, #tpu.memory_space<vmem>>
      tpu.wait_dma2 semaphore(%run_scoped3A : memref<!tpu.dma_semaphore, #tpu.memory_space<semaphore_mem>>) src(%dma_wait3A_111 : memref<48x16xf32, #tpu.memory_space<vmem>>) dst(%dma_wait3A_108 : memref<48x16xf32, #tpu.memory_space<vmem_shared>>)
      tpu.yield
    }) : () -> ()
    %mul3A_65 = arith.constant 624 : i32
    %mul3A_66 = arith.muli %arg1, %mul3A_65 : i32
    %add3A_67 = arith.constant 576 : i32
    %add3A_68 = arith.addi %mul3A_66, %add3A_67 : i32
    "tpu.region"() ({
      %run_scoped3A = tpu.sem_alloc : memref<!tpu.dma_semaphore, #tpu.memory_space<semaphore_mem>>
      %dma_start3A_92 = arith.constant 0 : i32
      %dma_start3A_93 = arith.constant 0 : i32
      %dma_start3A_94 = tpu.memref_slice %arg7[%dma_start3A_92, %dma_start3A_93] : memref<48x16xf32, #tpu.memory_space<vmem>> -> memref<48x16xf32, #tpu.memory_space<vmem>>
      %dma_start3A_95 = arith.constant 0 : i32
      %dma_start3A_96 = tpu.memref_slice %arg8[%add3A_68, %dma_start3A_95] : memref<10000x16xf32, #tpu.memory_space<vmem_shared>> -> memref<48x16xf32, #tpu.memory_space<vmem_shared>>
      %dma_start3A_97 = arith.constant 0 : i32
      %dma_start3A_98 = tpu.memref_slice %arg8[%add3A_68, %dma_start3A_97] : memref<10000x16xf32, #tpu.memory_space<vmem_shared>> -> memref<48x16xf32, #tpu.memory_space<vmem_shared>>
      %dma_start3A_99 = arith.constant 0 : i32
      %dma_start3A_100 = arith.constant 0 : i32
      %dma_start3A_101 = tpu.memref_slice %arg7[%dma_start3A_99, %dma_start3A_100] : memref<48x16xf32, #tpu.memory_space<vmem>> -> memref<48x16xf32, #tpu.memory_space<vmem>>
      tpu.enqueue_dma source(%dma_start3A_101 : memref<48x16xf32, #tpu.memory_space<vmem>>) target(%dma_start3A_98 : memref<48x16xf32, #tpu.memory_space<vmem_shared>>) target_semaphore(%run_scoped3A : memref<!tpu.dma_semaphore, #tpu.memory_space<semaphore_mem>>)
      %dma_wait3A_102 = arith.constant 0 : i32
      %dma_wait3A_103 = arith.constant 0 : i32
      %dma_wait3A_104 = tpu.memref_slice %arg7[%dma_wait3A_102, %dma_wait3A_103] : memref<48x16xf32, #tpu.memory_space<vmem>> -> memref<48x16xf32, #tpu.memory_space<vmem>>
      %dma_wait3A_105 = arith.constant 0 : i32
      %dma_wait3A_106 = tpu.memref_slice %arg8[%add3A_68, %dma_wait3A_105] : memref<10000x16xf32, #tpu.memory_space<vmem_shared>> -> memref<48x16xf32, #tpu.memory_space<vmem_shared>>
      %dma_wait3A_107 = arith.constant 0 : i32
      %dma_wait3A_108 = tpu.memref_slice %arg8[%add3A_68, %dma_wait3A_107] : memref<10000x16xf32, #tpu.memory_space<vmem_shared>> -> memref<48x16xf32, #tpu.memory_space<vmem_shared>>
      %dma_wait3A_109 = arith.constant 0 : i32
      %dma_wait3A_110 = arith.constant 0 : i32
      %dma_wait3A_111 = tpu.memref_slice %arg7[%dma_wait3A_109, %dma_wait3A_110] : memref<48x16xf32, #tpu.memory_space<vmem>> -> memref<48x16xf32, #tpu.memory_space<vmem>>
      tpu.wait_dma2 semaphore(%run_scoped3A : memref<!tpu.dma_semaphore, #tpu.memory_space<semaphore_mem>>) src(%dma_wait3A_111 : memref<48x16xf32, #tpu.memory_space<vmem>>) dst(%dma_wait3A_108 : memref<48x16xf32, #tpu.memory_space<vmem_shared>>)
      tpu.yield
    }) : () -> ()
    %eq3A = arith.constant 15 : i32
    %eq3A_69 = arith.cmpi eq, %arg1, %eq3A : i32
    %convert_element_type3A = arith.extui %eq3A_69 : i1 to i32
    %cond3A = arith.constant 0 : i32
    %cond3A_70 = arith.cmpi ne, %convert_element_type3A, %cond3A : i32
    scf.if %cond3A_70 {
      "tpu.region"() ({
        %run_scoped3A = tpu.sem_alloc : memref<!tpu.dma_semaphore, #tpu.memory_space<semaphore_mem>>
        %dma_start3A_92 = arith.constant 0 : i32
        %dma_start3A_93 = arith.constant 0 : i32
        %dma_start3A_94 = tpu.memref_slice %arg7[%dma_start3A_92, %dma_start3A_93] : memref<48x16xf32, #tpu.memory_space<vmem>> -> memref<16x16xf32, #tpu.memory_space<vmem>>
        %dma_start3A_95 = arith.constant 9984 : i32
        %dma_start3A_96 = arith.constant 0 : i32
        %dma_start3A_97 = tpu.memref_slice %arg8[%dma_start3A_95, %dma_start3A_96] : memref<10000x16xf32, #tpu.memory_space<vmem_shared>> -> memref<16x16xf32, #tpu.memory_space<vmem_shared>>
        %dma_start3A_98 = arith.constant 9984 : i32
        %dma_start3A_99 = arith.constant 0 : i32
        %dma_start3A_100 = tpu.memref_slice %arg8[%dma_start3A_98, %dma_start3A_99] : memref<10000x16xf32, #tpu.memory_space<vmem_shared>> -> memref<16x16xf32, #tpu.memory_space<vmem_shared>>
        %dma_start3A_101 = arith.constant 0 : i32
        %dma_start3A_102 = arith.constant 0 : i32
        %dma_start3A_103 = tpu.memref_slice %arg7[%dma_start3A_101, %dma_start3A_102] : memref<48x16xf32, #tpu.memory_space<vmem>> -> memref<16x16xf32, #tpu.memory_space<vmem>>
        tpu.enqueue_dma source(%dma_start3A_103 : memref<16x16xf32, #tpu.memory_space<vmem>>) target(%dma_start3A_100 : memref<16x16xf32, #tpu.memory_space<vmem_shared>>) target_semaphore(%run_scoped3A : memref<!tpu.dma_semaphore, #tpu.memory_space<semaphore_mem>>)
        %dma_wait3A_104 = arith.constant 0 : i32
        %dma_wait3A_105 = arith.constant 0 : i32
        %dma_wait3A_106 = tpu.memref_slice %arg7[%dma_wait3A_104, %dma_wait3A_105] : memref<48x16xf32, #tpu.memory_space<vmem>> -> memref<16x16xf32, #tpu.memory_space<vmem>>
        %dma_wait3A_107 = arith.constant 9984 : i32
        %dma_wait3A_108 = arith.constant 0 : i32
        %dma_wait3A_109 = tpu.memref_slice %arg8[%dma_wait3A_107, %dma_wait3A_108] : memref<10000x16xf32, #tpu.memory_space<vmem_shared>> -> memref<16x16xf32, #tpu.memory_space<vmem_shared>>
        %dma_wait3A_110 = arith.constant 9984 : i32
        %dma_wait3A_111 = arith.constant 0 : i32
        %dma_wait3A_112 = tpu.memref_slice %arg8[%dma_wait3A_110, %dma_wait3A_111] : memref<10000x16xf32, #tpu.memory_space<vmem_shared>> -> memref<16x16xf32, #tpu.memory_space<vmem_shared>>
        %dma_wait3A_113 = arith.constant 0 : i32
        %dma_wait3A_114 = arith.constant 0 : i32
        %dma_wait3A_115 = tpu.memref_slice %arg7[%dma_wait3A_113, %dma_wait3A_114] : memref<48x16xf32, #tpu.memory_space<vmem>> -> memref<16x16xf32, #tpu.memory_space<vmem>>
        tpu.wait_dma2 semaphore(%run_scoped3A : memref<!tpu.dma_semaphore, #tpu.memory_space<semaphore_mem>>) src(%dma_wait3A_115 : memref<16x16xf32, #tpu.memory_space<vmem>>) dst(%dma_wait3A_112 : memref<16x16xf32, #tpu.memory_space<vmem_shared>>)
        tpu.yield
      }) : () -> ()
    } else {
    }
    %dma_wait3A = arith.constant 0 : i32
    %dma_wait3A_71 = tpu.memref_slice %arg2[%add3A, %dma_wait3A] : memref<32x10000xi32, #tpu.memory_space<hbm>> -> memref<1x10000xi32, #tpu.memory_space<hbm>>
    %dma_wait3A_72 = tpu.memref_squeeze %dma_wait3A_71 : memref<1x10000xi32, #tpu.memory_space<hbm>> -> memref<10000xi32, #tpu.memory_space<hbm>>
    %dma_wait3A_73 = arith.constant 0 : i32
    %dma_wait3A_74 = tpu.memref_slice %arg2[%add3A, %dma_wait3A_73] : memref<32x10000xi32, #tpu.memory_space<hbm>> -> memref<1x10000xi32, #tpu.memory_space<hbm>>
    %dma_wait3A_75 = tpu.memref_squeeze %dma_wait3A_74 : memref<1x10000xi32, #tpu.memory_space<hbm>> -> memref<10000xi32, #tpu.memory_space<hbm>>
    tpu.wait_dma2 semaphore(%arg9 : memref<!tpu.dma_semaphore, #tpu.memory_space<semaphore_mem>>) src(%dma_wait3A_75 : memref<10000xi32, #tpu.memory_space<hbm>>) dst(%arg4 : memref<10000xi32, #tpu.memory_space<vmem>>)
    %barrier3A = arith.constant 0 : index
    tpu.barrier barrier_id(%barrier3A)
    %scan3A_76 = arith.constant 0 : i32
    %scan3A_77 = arith.constant 0 : i32
    %scan3A_78 = arith.constant 125 : i32
    %scan3A_79 = arith.addi %scan3A_77, %scan3A_78 : i32
    %scan3A_80 = arith.constant 1 : i32
    scf.for %scan3A_92 = %scan3A_77 to %scan3A_79 step %scan3A_80  : i32 {
      %mul3A_93 = arith.constant 80 : i32
      %mul3A_94 = arith.muli %scan3A_92, %mul3A_93 : i32
      %add3A_95 = arith.constant 0 : i32
      %add3A_96 = arith.addi %mul3A_94, %add3A_95 : i32
      %get3A = arith.index_cast %add3A_96 : i32 to index
      %get3A_97 = tpu.vector_load %arg4[%get3A] {strides = array<i32>} : memref<10000xi32, #tpu.memory_space<vmem>>, vector<16xi32>,
      %get3A_98 = vector.shape_cast %get3A_97 : vector<16xi32> to vector<16xi32>
      %swap3A = arith.constant 0 : index
      %swap3A_99 = tpu.vector_load %arg5[%swap3A] {strides = array<i32>} : memref<80xi32, #tpu.memory_space<vmem>>, vector<16xi32>,
      %swap3A_100 = vector.shape_cast %swap3A_99 : vector<16xi32> to vector<16xi32>
      %swap3A_101 = vector.shape_cast %get3A_98 : vector<16xi32> to vector<16xi32>
      tpu.vector_store %arg5[%swap3A], %swap3A_101 {strides = array<i32>} : memref<80xi32, #tpu.memory_space<vmem>>, vector<16xi32>,
      %mul3A_102 = arith.constant 80 : i32
      %mul3A_103 = arith.muli %scan3A_92, %mul3A_102 : i32
      %add3A_104 = arith.constant 16 : i32
      %add3A_105 = arith.addi %mul3A_103, %add3A_104 : i32
      %get3A_106 = arith.index_cast %add3A_105 : i32 to index
      %get3A_107 = tpu.vector_load %arg4[%get3A_106] {strides = array<i32>} : memref<10000xi32, #tpu.memory_space<vmem>>, vector<16xi32>,
      %get3A_108 = vector.shape_cast %get3A_107 : vector<16xi32> to vector<16xi32>
      %swap3A_109 = arith.constant 16 : index
      %swap3A_110 = tpu.vector_load %arg5[%swap3A_109] {strides = array<i32>} : memref<80xi32, #tpu.memory_space<vmem>>, vector<16xi32>,
      %swap3A_111 = vector.shape_cast %swap3A_110 : vector<16xi32> to vector<16xi32>
      %swap3A_112 = vector.shape_cast %get3A_108 : vector<16xi32> to vector<16xi32>
      tpu.vector_store %arg5[%swap3A_109], %swap3A_112 {strides = array<i32>} : memref<80xi32, #tpu.memory_space<vmem>>, vector<16xi32>,
      %mul3A_113 = arith.constant 80 : i32
      %mul3A_114 = arith.muli %scan3A_92, %mul3A_113 : i32
      %add3A_115 = arith.constant 32 : i32
      %add3A_116 = arith.addi %mul3A_114, %add3A_115 : i32
      %get3A_117 = arith.index_cast %add3A_116 : i32 to index
      %get3A_118 = tpu.vector_load %arg4[%get3A_117] {strides = array<i32>} : memref<10000xi32, #tpu.memory_space<vmem>>, vector<16xi32>,
      %get3A_119 = vector.shape_cast %get3A_118 : vector<16xi32> to vector<16xi32>
      %swap3A_120 = arith.constant 32 : index
      %swap3A_121 = tpu.vector_load %arg5[%swap3A_120] {strides = array<i32>} : memref<80xi32, #tpu.memory_space<vmem>>, vector<16xi32>,
      %swap3A_122 = vector.shape_cast %swap3A_121 : vector<16xi32> to vector<16xi32>
      %swap3A_123 = vector.shape_cast %get3A_119 : vector<16xi32> to vector<16xi32>
      tpu.vector_store %arg5[%swap3A_120], %swap3A_123 {strides = array<i32>} : memref<80xi32, #tpu.memory_space<vmem>>, vector<16xi32>,
      %mul3A_124 = arith.constant 80 : i32
      %mul3A_125 = arith.muli %scan3A_92, %mul3A_124 : i32
      %add3A_126 = arith.constant 48 : i32
      %add3A_127 = arith.addi %mul3A_125, %add3A_126 : i32
      %get3A_128 = arith.index_cast %add3A_127 : i32 to index
      %get3A_129 = tpu.vector_load %arg4[%get3A_128] {strides = array<i32>} : memref<10000xi32, #tpu.memory_space<vmem>>, vector<16xi32>,
      %get3A_130 = vector.shape_cast %get3A_129 : vector<16xi32> to vector<16xi32>
      %swap3A_131 = arith.constant 48 : index
      %swap3A_132 = tpu.vector_load %arg5[%swap3A_131] {strides = array<i32>} : memref<80xi32, #tpu.memory_space<vmem>>, vector<16xi32>,
      %swap3A_133 = vector.shape_cast %swap3A_132 : vector<16xi32> to vector<16xi32>
      %swap3A_134 = vector.shape_cast %get3A_130 : vector<16xi32> to vector<16xi32>
      tpu.vector_store %arg5[%swap3A_131], %swap3A_134 {strides = array<i32>} : memref<80xi32, #tpu.memory_space<vmem>>, vector<16xi32>,
      %mul3A_135 = arith.constant 80 : i32
      %mul3A_136 = arith.muli %scan3A_92, %mul3A_135 : i32
      %add3A_137 = arith.constant 64 : i32
      %add3A_138 = arith.addi %mul3A_136, %add3A_137 : i32
      %get3A_139 = arith.index_cast %add3A_138 : i32 to index
      %get3A_140 = tpu.vector_load %arg4[%get3A_139] {strides = array<i32>} : memref<10000xi32, #tpu.memory_space<vmem>>, vector<16xi32>,
      %get3A_141 = vector.shape_cast %get3A_140 : vector<16xi32> to vector<16xi32>
      %swap3A_142 = arith.constant 64 : index
      %swap3A_143 = tpu.vector_load %arg5[%swap3A_142] {strides = array<i32>} : memref<80xi32, #tpu.memory_space<vmem>>, vector<16xi32>,
      %swap3A_144 = vector.shape_cast %swap3A_143 : vector<16xi32> to vector<16xi32>
      %swap3A_145 = vector.shape_cast %get3A_141 : vector<16xi32> to vector<16xi32>
      tpu.vector_store %arg5[%swap3A_142], %swap3A_145 {strides = array<i32>} : memref<80xi32, #tpu.memory_space<vmem>>, vector<16xi32>,
      "tpu.region"() ({
        %run_scoped3A = tpu.sem_alloc : memref<!tpu.dma_semaphore, #tpu.memory_space<semaphore_mem>>
        %dma_start3A_146 = arith.constant 0 : i32
        %dma_start3A_147 = arith.constant 0 : i32
        %dma_start3A_148 = tpu.memref_slice %arg8[%dma_start3A_146, %dma_start3A_147] : memref<10000x16xf32, #tpu.memory_space<vmem_shared>> -> memref<10000x16xf32, #tpu.memory_space<vmem_shared>>
        tpu.enqueue_indirect_dma source(%arg6 : memref<80x16xf32, #tpu.memory_space<vmem>>) target(%dma_start3A_148 : memref<10000x16xf32, #tpu.memory_space<vmem_shared>>) offsets(%arg5 : memref<80xi32, #tpu.memory_space<vmem>>) semaphore(%run_scoped3A : memref<!tpu.dma_semaphore, #tpu.memory_space<semaphore_mem>>) {add = true}
        %dma_wait3A_149 = arith.constant 0 : i32
        %dma_wait3A_150 = arith.constant 0 : i32
        %dma_wait3A_151 = tpu.memref_slice %arg8[%dma_wait3A_149, %dma_wait3A_150] : memref<10000x16xf32, #tpu.memory_space<vmem_shared>> -> memref<10000x16xf32, #tpu.memory_space<vmem_shared>>
        tpu.wait_indirect_dma semaphore(%run_scoped3A : memref<!tpu.dma_semaphore, #tpu.memory_space<semaphore_mem>>) src(%arg6 : memref<80x16xf32, #tpu.memory_space<vmem>>) dst(%dma_wait3A_151 : memref<10000x16xf32, #tpu.memory_space<vmem_shared>>)
        tpu.yield
      }) : () -> ()
    }
    %scan3A_81 = arith.constant 125 : i32
    %barrier3A_82 = arith.constant 0 : index
    tpu.barrier barrier_id(%barrier3A_82)
    %mul3A_83 = arith.constant 624 : i32
    %mul3A_84 = arith.muli %arg1, %mul3A_83 : i32
    %mul3A_85 = arith.constant 624 : i32
    %mul3A_86 = arith.muli %arg1, %mul3A_85 : i32
    "tpu.region"() ({
      %run_scoped3A = tpu.sem_alloc : memref<!tpu.dma_semaphore, #tpu.memory_space<semaphore_mem>>
      %dma_start3A_92 = arith.constant 0 : i32
      %dma_start3A_93 = arith.constant 0 : i32
      %dma_start3A_94 = tpu.memref_slice %arg3[%arg0, %dma_start3A_92, %dma_start3A_93] : memref<2x10000x16xf32, #tpu.memory_space<hbm>> -> memref<1x10000x16xf32, #tpu.memory_space<hbm>>
      %dma_start3A_95 = tpu.memref_squeeze %dma_start3A_94 : memref<1x10000x16xf32, #tpu.memory_space<hbm>> -> memref<10000x16xf32, #tpu.memory_space<hbm>>
      %dma_start3A_96 = arith.constant 0 : i32
      %dma_start3A_97 = tpu.memref_slice %dma_start3A_95[%mul3A_86, %dma_start3A_96] : memref<10000x16xf32, #tpu.memory_space<hbm>> -> memref<624x16xf32, #tpu.memory_space<hbm>>
      %dma_start3A_98 = arith.constant 0 : i32
      %dma_start3A_99 = tpu.memref_slice %arg8[%mul3A_84, %dma_start3A_98] : memref<10000x16xf32, #tpu.memory_space<vmem_shared>> -> memref<624x16xf32, #tpu.memory_space<vmem_shared>>
      tpu.enqueue_dma source(%dma_start3A_99 : memref<624x16xf32, #tpu.memory_space<vmem_shared>>) target(%dma_start3A_97 : memref<624x16xf32, #tpu.memory_space<hbm>>) target_semaphore(%run_scoped3A : memref<!tpu.dma_semaphore, #tpu.memory_space<semaphore_mem>>)
      %dma_wait3A_100 = arith.constant 0 : i32
      %dma_wait3A_101 = arith.constant 0 : i32
      %dma_wait3A_102 = tpu.memref_slice %arg3[%arg0, %dma_wait3A_100, %dma_wait3A_101] : memref<2x10000x16xf32, #tpu.memory_space<hbm>> -> memref<1x10000x16xf32, #tpu.memory_space<hbm>>
      %dma_wait3A_103 = tpu.memref_squeeze %dma_wait3A_102 : memref<1x10000x16xf32, #tpu.memory_space<hbm>> -> memref<10000x16xf32, #tpu.memory_space<hbm>>
      %dma_wait3A_104 = arith.constant 0 : i32
      %dma_wait3A_105 = tpu.memref_slice %dma_wait3A_103[%mul3A_86, %dma_wait3A_104] : memref<10000x16xf32, #tpu.memory_space<hbm>> -> memref<624x16xf32, #tpu.memory_space<hbm>>
      %dma_wait3A_106 = arith.constant 0 : i32
      %dma_wait3A_107 = tpu.memref_slice %arg8[%mul3A_84, %dma_wait3A_106] : memref<10000x16xf32, #tpu.memory_space<vmem_shared>> -> memref<624x16xf32, #tpu.memory_space<vmem_shared>>
      tpu.wait_dma2 semaphore(%run_scoped3A : memref<!tpu.dma_semaphore, #tpu.memory_space<semaphore_mem>>) src(%dma_wait3A_107 : memref<624x16xf32, #tpu.memory_space<vmem_shared>>) dst(%dma_wait3A_105 : memref<624x16xf32, #tpu.memory_space<hbm>>)
      tpu.yield
    }) : () -> ()
    %eq3A_87 = arith.constant 15 : i32
    %eq3A_88 = arith.cmpi eq, %arg1, %eq3A_87 : i32
    %convert_element_type3A_89 = arith.extui %eq3A_88 : i1 to i32
    %cond3A_90 = arith.constant 0 : i32
    %cond3A_91 = arith.cmpi ne, %convert_element_type3A_89, %cond3A_90 : i32
    scf.if %cond3A_91 {
      "tpu.region"() ({
        %run_scoped3A = tpu.sem_alloc : memref<!tpu.dma_semaphore, #tpu.memory_space<semaphore_mem>>
        %dma_start3A_92 = arith.constant 0 : i32
        %dma_start3A_93 = arith.constant 0 : i32
        %dma_start3A_94 = tpu.memref_slice %arg3[%arg0, %dma_start3A_92, %dma_start3A_93] : memref<2x10000x16xf32, #tpu.memory_space<hbm>> -> memref<1x10000x16xf32, #tpu.memory_space<hbm>>
        %dma_start3A_95 = tpu.memref_squeeze %dma_start3A_94 : memref<1x10000x16xf32, #tpu.memory_space<hbm>> -> memref<10000x16xf32, #tpu.memory_space<hbm>>
        %dma_start3A_96 = arith.constant 9984 : i32
        %dma_start3A_97 = arith.constant 0 : i32
        %dma_start3A_98 = tpu.memref_slice %dma_start3A_95[%dma_start3A_96, %dma_start3A_97] : memref<10000x16xf32, #tpu.memory_space<hbm>> -> memref<16x16xf32, #tpu.memory_space<hbm>>
        %dma_start3A_99 = arith.constant 9984 : i32
        %dma_start3A_100 = arith.constant 0 : i32
        %dma_start3A_101 = tpu.memref_slice %arg8[%dma_start3A_99, %dma_start3A_100] : memref<10000x16xf32, #tpu.memory_space<vmem_shared>> -> memref<16x16xf32, #tpu.memory_space<vmem_shared>>
        tpu.enqueue_dma source(%dma_start3A_101 : memref<16x16xf32, #tpu.memory_space<vmem_shared>>) target(%dma_start3A_98 : memref<16x16xf32, #tpu.memory_space<hbm>>) target_semaphore(%run_scoped3A : memref<!tpu.dma_semaphore, #tpu.memory_space<semaphore_mem>>)
        %dma_wait3A_102 = arith.constant 0 : i32
        %dma_wait3A_103 = arith.constant 0 : i32
        %dma_wait3A_104 = tpu.memref_slice %arg3[%arg0, %dma_wait3A_102, %dma_wait3A_103] : memref<2x10000x16xf32, #tpu.memory_space<hbm>> -> memref<1x10000x16xf32, #tpu.memory_space<hbm>>
        %dma_wait3A_105 = tpu.memref_squeeze %dma_wait3A_104 : memref<1x10000x16xf32, #tpu.memory_space<hbm>> -> memref<10000x16xf32, #tpu.memory_space<hbm>>
        %dma_wait3A_106 = arith.constant 9984 : i32
        %dma_wait3A_107 = arith.constant 0 : i32
        %dma_wait3A_108 = tpu.memref_slice %dma_wait3A_105[%dma_wait3A_106, %dma_wait3A_107] : memref<10000x16xf32, #tpu.memory_space<hbm>> -> memref<16x16xf32, #tpu.memory_space<hbm>>
        %dma_wait3A_109 = arith.constant 9984 : i32
        %dma_wait3A_110 = arith.constant 0 : i32
        %dma_wait3A_111 = tpu.memref_slice %arg8[%dma_wait3A_109, %dma_wait3A_110] : memref<10000x16xf32, #tpu.memory_space<vmem_shared>> -> memref<16x16xf32, #tpu.memory_space<vmem_shared>>
        tpu.wait_dma2 semaphore(%run_scoped3A : memref<!tpu.dma_semaphore, #tpu.memory_space<semaphore_mem>>) src(%dma_wait3A_111 : memref<16x16xf32, #tpu.memory_space<vmem_shared>>) dst(%dma_wait3A_108 : memref<16x16xf32, #tpu.memory_space<hbm>>)
        tpu.yield
      }) : () -> ()
    } else {
    }
    return
  }
}

#map = affine_map<(d0, d1) -> (0, 0)>
#map1 = affine_map<(d0, d1) -> (0, 0, 0)>
module attributes {stable_mosaic.version = 14 : i64} {
  func.func @_prop_body(%arg0: i32, %arg1: i32, %arg2: memref<10000x128xf32, #tpu.memory_space<hbm>>, %arg3: memref<32x10000xi32, #tpu.memory_space<hbm>>, %arg4: memref<32x10000xi32, #tpu.memory_space<hbm>>, %arg5: memref<2x10000x128xf32, #tpu.memory_space<hbm>>, %arg6: memref<10000xi32, #tpu.memory_space<vmem>>, %arg7: memref<10000xi32, #tpu.memory_space<vmem>>, %arg8: memref<80xi32, #tpu.memory_space<vmem>>, %arg9: memref<80xi32, #tpu.memory_space<vmem>>, %arg10: memref<80xi32, #tpu.memory_space<vmem>>, %arg11: memref<80xi32, #tpu.memory_space<vmem>>, %arg12: memref<80x128xf32, #tpu.memory_space<vmem>>, %arg13: memref<80x128xf32, #tpu.memory_space<vmem>>, %arg14: memref<48x128xf32, #tpu.memory_space<vmem>>, %arg15: memref<10000x128xf32, #tpu.memory_space<vmem_shared>>, %arg16: memref<!tpu.dma_semaphore, #tpu.memory_space<semaphore_mem>>, %arg17: memref<!tpu.dma_semaphore, #tpu.memory_space<semaphore_mem>>, %arg18: memref<!tpu.dma_semaphore, #tpu.memory_space<semaphore_mem>>, %arg19: memref<!tpu.dma_semaphore, #tpu.memory_space<semaphore_mem>>) attributes {dimension_semantics = [#tpu.dimension_semantics<core_parallel>, #tpu.dimension_semantics<subcore_parallel>], iteration_bounds = array<i64: 2, 16>, scalar_prefetch = 0 : i64, scratch_operands = 14 : i64, tpu.core_type = #tpu.core_type<sc_vector_subcore>, window_params = [{transform_indices = #map}, {transform_indices = #map}, {transform_indices = #map}, {transform_indices = #map1}]} {
    %mul3A = arith.constant 16 : i32
    %mul3A_0 = arith.muli %arg0, %mul3A : i32
    %add3A = arith.addi %mul3A_0, %arg1 : i32
    %dma_start3A = arith.constant 0 : i32
    %dma_start3A_1 = tpu.memref_slice %arg3[%add3A, %dma_start3A] : memref<32x10000xi32, #tpu.memory_space<hbm>> -> memref<1x10000xi32, #tpu.memory_space<hbm>>
    %dma_start3A_2 = tpu.memref_squeeze %dma_start3A_1 : memref<1x10000xi32, #tpu.memory_space<hbm>> -> memref<10000xi32, #tpu.memory_space<hbm>>
    %dma_start3A_3 = arith.constant 0 : i32
    %dma_start3A_4 = tpu.memref_slice %arg3[%add3A, %dma_start3A_3] : memref<32x10000xi32, #tpu.memory_space<hbm>> -> memref<1x10000xi32, #tpu.memory_space<hbm>>
    %dma_start3A_5 = tpu.memref_squeeze %dma_start3A_4 : memref<1x10000xi32, #tpu.memory_space<hbm>> -> memref<10000xi32, #tpu.memory_space<hbm>>
    tpu.enqueue_dma source(%dma_start3A_5 : memref<10000xi32, #tpu.memory_space<hbm>>) target(%arg6 : memref<10000xi32, #tpu.memory_space<vmem>>) target_semaphore(%arg16 : memref<!tpu.dma_semaphore, #tpu.memory_space<semaphore_mem>>)
    %dma_start3A_6 = arith.constant 0 : i32
    %dma_start3A_7 = tpu.memref_slice %arg4[%add3A, %dma_start3A_6] : memref<32x10000xi32, #tpu.memory_space<hbm>> -> memref<1x10000xi32, #tpu.memory_space<hbm>>
    %dma_start3A_8 = tpu.memref_squeeze %dma_start3A_7 : memref<1x10000xi32, #tpu.memory_space<hbm>> -> memref<10000xi32, #tpu.memory_space<hbm>>
    %dma_start3A_9 = arith.constant 0 : i32
    %dma_start3A_10 = tpu.memref_slice %arg4[%add3A, %dma_start3A_9] : memref<32x10000xi32, #tpu.memory_space<hbm>> -> memref<1x10000xi32, #tpu.memory_space<hbm>>
    %dma_start3A_11 = tpu.memref_squeeze %dma_start3A_10 : memref<1x10000xi32, #tpu.memory_space<hbm>> -> memref<10000xi32, #tpu.memory_space<hbm>>
    tpu.enqueue_dma source(%dma_start3A_11 : memref<10000xi32, #tpu.memory_space<hbm>>) target(%arg7 : memref<10000xi32, #tpu.memory_space<vmem>>) target_semaphore(%arg17 : memref<!tpu.dma_semaphore, #tpu.memory_space<semaphore_mem>>)
    %scan3A = arith.constant 0 : i32
    %scan3A_12 = arith.constant 0 : i32
    %scan3A_13 = arith.constant 48 : i32
    %scan3A_14 = arith.addi %scan3A_12, %scan3A_13 : i32
    %scan3A_15 = arith.constant 1 : i32
    scf.for %scan3A_178 = %scan3A_12 to %scan3A_14 step %scan3A_15  : i32 {
      %broadcast_in_dim3A = arith.constant 0.000000e+00 : f32
      %broadcast_in_dim3A_179 = vector.broadcast %broadcast_in_dim3A : f32 to vector<16xf32>
      %swap3A_180 = arith.index_cast %scan3A_178 : i32 to index
      %swap3A_181 = arith.constant 0 : index
      %swap3A_182 = tpu.vector_load %arg14[%swap3A_180, %swap3A_181] {strides = array<i32>} : memref<48x128xf32, #tpu.memory_space<vmem>>, vector<1x16xf32>,
      %swap3A_183 = vector.shape_cast %swap3A_182 : vector<1x16xf32> to vector<16xf32>
      %swap3A_184 = vector.shape_cast %broadcast_in_dim3A_179 : vector<16xf32> to vector<1x16xf32>
      tpu.vector_store %arg14[%swap3A_180, %swap3A_181], %swap3A_184 {strides = array<i32>} : memref<48x128xf32, #tpu.memory_space<vmem>>, vector<1x16xf32>,
      %broadcast_in_dim3A_185 = arith.constant 0.000000e+00 : f32
      %broadcast_in_dim3A_186 = vector.broadcast %broadcast_in_dim3A_185 : f32 to vector<16xf32>
      %swap3A_187 = arith.index_cast %scan3A_178 : i32 to index
      %swap3A_188 = arith.constant 16 : index
      %swap3A_189 = tpu.vector_load %arg14[%swap3A_187, %swap3A_188] {strides = array<i32>} : memref<48x128xf32, #tpu.memory_space<vmem>>, vector<1x16xf32>,
      %swap3A_190 = vector.shape_cast %swap3A_189 : vector<1x16xf32> to vector<16xf32>
      %swap3A_191 = vector.shape_cast %broadcast_in_dim3A_186 : vector<16xf32> to vector<1x16xf32>
      tpu.vector_store %arg14[%swap3A_187, %swap3A_188], %swap3A_191 {strides = array<i32>} : memref<48x128xf32, #tpu.memory_space<vmem>>, vector<1x16xf32>,
      %broadcast_in_dim3A_192 = arith.constant 0.000000e+00 : f32
      %broadcast_in_dim3A_193 = vector.broadcast %broadcast_in_dim3A_192 : f32 to vector<16xf32>
      %swap3A_194 = arith.index_cast %scan3A_178 : i32 to index
      %swap3A_195 = arith.constant 32 : index
      %swap3A_196 = tpu.vector_load %arg14[%swap3A_194, %swap3A_195] {strides = array<i32>} : memref<48x128xf32, #tpu.memory_space<vmem>>, vector<1x16xf32>,
      %swap3A_197 = vector.shape_cast %swap3A_196 : vector<1x16xf32> to vector<16xf32>
      %swap3A_198 = vector.shape_cast %broadcast_in_dim3A_193 : vector<16xf32> to vector<1x16xf32>
      tpu.vector_store %arg14[%swap3A_194, %swap3A_195], %swap3A_198 {strides = array<i32>} : memref<48x128xf32, #tpu.memory_space<vmem>>, vector<1x16xf32>,
      %broadcast_in_dim3A_199 = arith.constant 0.000000e+00 : f32
      %broadcast_in_dim3A_200 = vector.broadcast %broadcast_in_dim3A_199 : f32 to vector<16xf32>
      %swap3A_201 = arith.index_cast %scan3A_178 : i32 to index
      %swap3A_202 = arith.constant 48 : index
      %swap3A_203 = tpu.vector_load %arg14[%swap3A_201, %swap3A_202] {strides = array<i32>} : memref<48x128xf32, #tpu.memory_space<vmem>>, vector<1x16xf32>,
      %swap3A_204 = vector.shape_cast %swap3A_203 : vector<1x16xf32> to vector<16xf32>
      %swap3A_205 = vector.shape_cast %broadcast_in_dim3A_200 : vector<16xf32> to vector<1x16xf32>
      tpu.vector_store %arg14[%swap3A_201, %swap3A_202], %swap3A_205 {strides = array<i32>} : memref<48x128xf32, #tpu.memory_space<vmem>>, vector<1x16xf32>,
      %broadcast_in_dim3A_206 = arith.constant 0.000000e+00 : f32
      %broadcast_in_dim3A_207 = vector.broadcast %broadcast_in_dim3A_206 : f32 to vector<16xf32>
      %swap3A_208 = arith.index_cast %scan3A_178 : i32 to index
      %swap3A_209 = arith.constant 64 : index
      %swap3A_210 = tpu.vector_load %arg14[%swap3A_208, %swap3A_209] {strides = array<i32>} : memref<48x128xf32, #tpu.memory_space<vmem>>, vector<1x16xf32>,
      %swap3A_211 = vector.shape_cast %swap3A_210 : vector<1x16xf32> to vector<16xf32>
      %swap3A_212 = vector.shape_cast %broadcast_in_dim3A_207 : vector<16xf32> to vector<1x16xf32>
      tpu.vector_store %arg14[%swap3A_208, %swap3A_209], %swap3A_212 {strides = array<i32>} : memref<48x128xf32, #tpu.memory_space<vmem>>, vector<1x16xf32>,
      %broadcast_in_dim3A_213 = arith.constant 0.000000e+00 : f32
      %broadcast_in_dim3A_214 = vector.broadcast %broadcast_in_dim3A_213 : f32 to vector<16xf32>
      %swap3A_215 = arith.index_cast %scan3A_178 : i32 to index
      %swap3A_216 = arith.constant 80 : index
      %swap3A_217 = tpu.vector_load %arg14[%swap3A_215, %swap3A_216] {strides = array<i32>} : memref<48x128xf32, #tpu.memory_space<vmem>>, vector<1x16xf32>,
      %swap3A_218 = vector.shape_cast %swap3A_217 : vector<1x16xf32> to vector<16xf32>
      %swap3A_219 = vector.shape_cast %broadcast_in_dim3A_214 : vector<16xf32> to vector<1x16xf32>
      tpu.vector_store %arg14[%swap3A_215, %swap3A_216], %swap3A_219 {strides = array<i32>} : memref<48x128xf32, #tpu.memory_space<vmem>>, vector<1x16xf32>,
      %broadcast_in_dim3A_220 = arith.constant 0.000000e+00 : f32
      %broadcast_in_dim3A_221 = vector.broadcast %broadcast_in_dim3A_220 : f32 to vector<16xf32>
      %swap3A_222 = arith.index_cast %scan3A_178 : i32 to index
      %swap3A_223 = arith.constant 96 : index
      %swap3A_224 = tpu.vector_load %arg14[%swap3A_222, %swap3A_223] {strides = array<i32>} : memref<48x128xf32, #tpu.memory_space<vmem>>, vector<1x16xf32>,
      %swap3A_225 = vector.shape_cast %swap3A_224 : vector<1x16xf32> to vector<16xf32>
      %swap3A_226 = vector.shape_cast %broadcast_in_dim3A_221 : vector<16xf32> to vector<1x16xf32>
      tpu.vector_store %arg14[%swap3A_222, %swap3A_223], %swap3A_226 {strides = array<i32>} : memref<48x128xf32, #tpu.memory_space<vmem>>, vector<1x16xf32>,
      %broadcast_in_dim3A_227 = arith.constant 0.000000e+00 : f32
      %broadcast_in_dim3A_228 = vector.broadcast %broadcast_in_dim3A_227 : f32 to vector<16xf32>
      %swap3A_229 = arith.index_cast %scan3A_178 : i32 to index
      %swap3A_230 = arith.constant 112 : index
      %swap3A_231 = tpu.vector_load %arg14[%swap3A_229, %swap3A_230] {strides = array<i32>} : memref<48x128xf32, #tpu.memory_space<vmem>>, vector<1x16xf32>,
      %swap3A_232 = vector.shape_cast %swap3A_231 : vector<1x16xf32> to vector<16xf32>
      %swap3A_233 = vector.shape_cast %broadcast_in_dim3A_228 : vector<16xf32> to vector<1x16xf32>
      tpu.vector_store %arg14[%swap3A_229, %swap3A_230], %swap3A_233 {strides = array<i32>} : memref<48x128xf32, #tpu.memory_space<vmem>>, vector<1x16xf32>,
    }
    %scan3A_16 = arith.constant 48 : i32
    %mul3A_17 = arith.constant 624 : i32
    %mul3A_18 = arith.muli %arg1, %mul3A_17 : i32
    %add3A_19 = arith.constant 0 : i32
    %add3A_20 = arith.addi %mul3A_18, %add3A_19 : i32
    "tpu.region"() ({
      %run_scoped3A = tpu.sem_alloc : memref<!tpu.dma_semaphore, #tpu.memory_space<semaphore_mem>>
      %dma_start3A_178 = arith.constant 0 : i32
      %dma_start3A_179 = arith.constant 0 : i32
      %dma_start3A_180 = tpu.memref_slice %arg14[%dma_start3A_178, %dma_start3A_179] : memref<48x128xf32, #tpu.memory_space<vmem>> -> memref<48x128xf32, #tpu.memory_space<vmem>>
      %dma_start3A_181 = arith.constant 0 : i32
      %dma_start3A_182 = tpu.memref_slice %arg15[%add3A_20, %dma_start3A_181] : memref<10000x128xf32, #tpu.memory_space<vmem_shared>> -> memref<48x128xf32, #tpu.memory_space<vmem_shared>>
      %dma_start3A_183 = arith.constant 0 : i32
      %dma_start3A_184 = tpu.memref_slice %arg15[%add3A_20, %dma_start3A_183] : memref<10000x128xf32, #tpu.memory_space<vmem_shared>> -> memref<48x128xf32, #tpu.memory_space<vmem_shared>>
      %dma_start3A_185 = arith.constant 0 : i32
      %dma_start3A_186 = arith.constant 0 : i32
      %dma_start3A_187 = tpu.memref_slice %arg14[%dma_start3A_185, %dma_start3A_186] : memref<48x128xf32, #tpu.memory_space<vmem>> -> memref<48x128xf32, #tpu.memory_space<vmem>>
      tpu.enqueue_dma source(%dma_start3A_187 : memref<48x128xf32, #tpu.memory_space<vmem>>) target(%dma_start3A_184 : memref<48x128xf32, #tpu.memory_space<vmem_shared>>) target_semaphore(%run_scoped3A : memref<!tpu.dma_semaphore, #tpu.memory_space<semaphore_mem>>)
      %dma_wait3A_188 = arith.constant 0 : i32
      %dma_wait3A_189 = arith.constant 0 : i32
      %dma_wait3A_190 = tpu.memref_slice %arg14[%dma_wait3A_188, %dma_wait3A_189] : memref<48x128xf32, #tpu.memory_space<vmem>> -> memref<48x128xf32, #tpu.memory_space<vmem>>
      %dma_wait3A_191 = arith.constant 0 : i32
      %dma_wait3A_192 = tpu.memref_slice %arg15[%add3A_20, %dma_wait3A_191] : memref<10000x128xf32, #tpu.memory_space<vmem_shared>> -> memref<48x128xf32, #tpu.memory_space<vmem_shared>>
      %dma_wait3A_193 = arith.constant 0 : i32
      %dma_wait3A_194 = tpu.memref_slice %arg15[%add3A_20, %dma_wait3A_193] : memref<10000x128xf32, #tpu.memory_space<vmem_shared>> -> memref<48x128xf32, #tpu.memory_space<vmem_shared>>
      %dma_wait3A_195 = arith.constant 0 : i32
      %dma_wait3A_196 = arith.constant 0 : i32
      %dma_wait3A_197 = tpu.memref_slice %arg14[%dma_wait3A_195, %dma_wait3A_196] : memref<48x128xf32, #tpu.memory_space<vmem>> -> memref<48x128xf32, #tpu.memory_space<vmem>>
      tpu.wait_dma2 semaphore(%run_scoped3A : memref<!tpu.dma_semaphore, #tpu.memory_space<semaphore_mem>>) src(%dma_wait3A_197 : memref<48x128xf32, #tpu.memory_space<vmem>>) dst(%dma_wait3A_194 : memref<48x128xf32, #tpu.memory_space<vmem_shared>>)
      tpu.yield
    }) : () -> ()
    %mul3A_21 = arith.constant 624 : i32
    %mul3A_22 = arith.muli %arg1, %mul3A_21 : i32
    %add3A_23 = arith.constant 48 : i32
    %add3A_24 = arith.addi %mul3A_22, %add3A_23 : i32
    "tpu.region"() ({
      %run_scoped3A = tpu.sem_alloc : memref<!tpu.dma_semaphore, #tpu.memory_space<semaphore_mem>>
      %dma_start3A_178 = arith.constant 0 : i32
      %dma_start3A_179 = arith.constant 0 : i32
      %dma_start3A_180 = tpu.memref_slice %arg14[%dma_start3A_178, %dma_start3A_179] : memref<48x128xf32, #tpu.memory_space<vmem>> -> memref<48x128xf32, #tpu.memory_space<vmem>>
      %dma_start3A_181 = arith.constant 0 : i32
      %dma_start3A_182 = tpu.memref_slice %arg15[%add3A_24, %dma_start3A_181] : memref<10000x128xf32, #tpu.memory_space<vmem_shared>> -> memref<48x128xf32, #tpu.memory_space<vmem_shared>>
      %dma_start3A_183 = arith.constant 0 : i32
      %dma_start3A_184 = tpu.memref_slice %arg15[%add3A_24, %dma_start3A_183] : memref<10000x128xf32, #tpu.memory_space<vmem_shared>> -> memref<48x128xf32, #tpu.memory_space<vmem_shared>>
      %dma_start3A_185 = arith.constant 0 : i32
      %dma_start3A_186 = arith.constant 0 : i32
      %dma_start3A_187 = tpu.memref_slice %arg14[%dma_start3A_185, %dma_start3A_186] : memref<48x128xf32, #tpu.memory_space<vmem>> -> memref<48x128xf32, #tpu.memory_space<vmem>>
      tpu.enqueue_dma source(%dma_start3A_187 : memref<48x128xf32, #tpu.memory_space<vmem>>) target(%dma_start3A_184 : memref<48x128xf32, #tpu.memory_space<vmem_shared>>) target_semaphore(%run_scoped3A : memref<!tpu.dma_semaphore, #tpu.memory_space<semaphore_mem>>)
      %dma_wait3A_188 = arith.constant 0 : i32
      %dma_wait3A_189 = arith.constant 0 : i32
      %dma_wait3A_190 = tpu.memref_slice %arg14[%dma_wait3A_188, %dma_wait3A_189] : memref<48x128xf32, #tpu.memory_space<vmem>> -> memref<48x128xf32, #tpu.memory_space<vmem>>
      %dma_wait3A_191 = arith.constant 0 : i32
      %dma_wait3A_192 = tpu.memref_slice %arg15[%add3A_24, %dma_wait3A_191] : memref<10000x128xf32, #tpu.memory_space<vmem_shared>> -> memref<48x128xf32, #tpu.memory_space<vmem_shared>>
      %dma_wait3A_193 = arith.constant 0 : i32
      %dma_wait3A_194 = tpu.memref_slice %arg15[%add3A_24, %dma_wait3A_193] : memref<10000x128xf32, #tpu.memory_space<vmem_shared>> -> memref<48x128xf32, #tpu.memory_space<vmem_shared>>
      %dma_wait3A_195 = arith.constant 0 : i32
      %dma_wait3A_196 = arith.constant 0 : i32
      %dma_wait3A_197 = tpu.memref_slice %arg14[%dma_wait3A_195, %dma_wait3A_196] : memref<48x128xf32, #tpu.memory_space<vmem>> -> memref<48x128xf32, #tpu.memory_space<vmem>>
      tpu.wait_dma2 semaphore(%run_scoped3A : memref<!tpu.dma_semaphore, #tpu.memory_space<semaphore_mem>>) src(%dma_wait3A_197 : memref<48x128xf32, #tpu.memory_space<vmem>>) dst(%dma_wait3A_194 : memref<48x128xf32, #tpu.memory_space<vmem_shared>>)
      tpu.yield
    }) : () -> ()
    %mul3A_25 = arith.constant 624 : i32
    %mul3A_26 = arith.muli %arg1, %mul3A_25 : i32
    %add3A_27 = arith.constant 96 : i32
    %add3A_28 = arith.addi %mul3A_26, %add3A_27 : i32
    "tpu.region"() ({
      %run_scoped3A = tpu.sem_alloc : memref<!tpu.dma_semaphore, #tpu.memory_space<semaphore_mem>>
      %dma_start3A_178 = arith.constant 0 : i32
      %dma_start3A_179 = arith.constant 0 : i32
      %dma_start3A_180 = tpu.memref_slice %arg14[%dma_start3A_178, %dma_start3A_179] : memref<48x128xf32, #tpu.memory_space<vmem>> -> memref<48x128xf32, #tpu.memory_space<vmem>>
      %dma_start3A_181 = arith.constant 0 : i32
      %dma_start3A_182 = tpu.memref_slice %arg15[%add3A_28, %dma_start3A_181] : memref<10000x128xf32, #tpu.memory_space<vmem_shared>> -> memref<48x128xf32, #tpu.memory_space<vmem_shared>>
      %dma_start3A_183 = arith.constant 0 : i32
      %dma_start3A_184 = tpu.memref_slice %arg15[%add3A_28, %dma_start3A_183] : memref<10000x128xf32, #tpu.memory_space<vmem_shared>> -> memref<48x128xf32, #tpu.memory_space<vmem_shared>>
      %dma_start3A_185 = arith.constant 0 : i32
      %dma_start3A_186 = arith.constant 0 : i32
      %dma_start3A_187 = tpu.memref_slice %arg14[%dma_start3A_185, %dma_start3A_186] : memref<48x128xf32, #tpu.memory_space<vmem>> -> memref<48x128xf32, #tpu.memory_space<vmem>>
      tpu.enqueue_dma source(%dma_start3A_187 : memref<48x128xf32, #tpu.memory_space<vmem>>) target(%dma_start3A_184 : memref<48x128xf32, #tpu.memory_space<vmem_shared>>) target_semaphore(%run_scoped3A : memref<!tpu.dma_semaphore, #tpu.memory_space<semaphore_mem>>)
      %dma_wait3A_188 = arith.constant 0 : i32
      %dma_wait3A_189 = arith.constant 0 : i32
      %dma_wait3A_190 = tpu.memref_slice %arg14[%dma_wait3A_188, %dma_wait3A_189] : memref<48x128xf32, #tpu.memory_space<vmem>> -> memref<48x128xf32, #tpu.memory_space<vmem>>
      %dma_wait3A_191 = arith.constant 0 : i32
      %dma_wait3A_192 = tpu.memref_slice %arg15[%add3A_28, %dma_wait3A_191] : memref<10000x128xf32, #tpu.memory_space<vmem_shared>> -> memref<48x128xf32, #tpu.memory_space<vmem_shared>>
      %dma_wait3A_193 = arith.constant 0 : i32
      %dma_wait3A_194 = tpu.memref_slice %arg15[%add3A_28, %dma_wait3A_193] : memref<10000x128xf32, #tpu.memory_space<vmem_shared>> -> memref<48x128xf32, #tpu.memory_space<vmem_shared>>
      %dma_wait3A_195 = arith.constant 0 : i32
      %dma_wait3A_196 = arith.constant 0 : i32
      %dma_wait3A_197 = tpu.memref_slice %arg14[%dma_wait3A_195, %dma_wait3A_196] : memref<48x128xf32, #tpu.memory_space<vmem>> -> memref<48x128xf32, #tpu.memory_space<vmem>>
      tpu.wait_dma2 semaphore(%run_scoped3A : memref<!tpu.dma_semaphore, #tpu.memory_space<semaphore_mem>>) src(%dma_wait3A_197 : memref<48x128xf32, #tpu.memory_space<vmem>>) dst(%dma_wait3A_194 : memref<48x128xf32, #tpu.memory_space<vmem_shared>>)
      tpu.yield
    }) : () -> ()
    %mul3A_29 = arith.constant 624 : i32
    %mul3A_30 = arith.muli %arg1, %mul3A_29 : i32
    %add3A_31 = arith.constant 144 : i32
    %add3A_32 = arith.addi %mul3A_30, %add3A_31 : i32
    "tpu.region"() ({
      %run_scoped3A = tpu.sem_alloc : memref<!tpu.dma_semaphore, #tpu.memory_space<semaphore_mem>>
      %dma_start3A_178 = arith.constant 0 : i32
      %dma_start3A_179 = arith.constant 0 : i32
      %dma_start3A_180 = tpu.memref_slice %arg14[%dma_start3A_178, %dma_start3A_179] : memref<48x128xf32, #tpu.memory_space<vmem>> -> memref<48x128xf32, #tpu.memory_space<vmem>>
      %dma_start3A_181 = arith.constant 0 : i32
      %dma_start3A_182 = tpu.memref_slice %arg15[%add3A_32, %dma_start3A_181] : memref<10000x128xf32, #tpu.memory_space<vmem_shared>> -> memref<48x128xf32, #tpu.memory_space<vmem_shared>>
      %dma_start3A_183 = arith.constant 0 : i32
      %dma_start3A_184 = tpu.memref_slice %arg15[%add3A_32, %dma_start3A_183] : memref<10000x128xf32, #tpu.memory_space<vmem_shared>> -> memref<48x128xf32, #tpu.memory_space<vmem_shared>>
      %dma_start3A_185 = arith.constant 0 : i32
      %dma_start3A_186 = arith.constant 0 : i32
      %dma_start3A_187 = tpu.memref_slice %arg14[%dma_start3A_185, %dma_start3A_186] : memref<48x128xf32, #tpu.memory_space<vmem>> -> memref<48x128xf32, #tpu.memory_space<vmem>>
      tpu.enqueue_dma source(%dma_start3A_187 : memref<48x128xf32, #tpu.memory_space<vmem>>) target(%dma_start3A_184 : memref<48x128xf32, #tpu.memory_space<vmem_shared>>) target_semaphore(%run_scoped3A : memref<!tpu.dma_semaphore, #tpu.memory_space<semaphore_mem>>)
      %dma_wait3A_188 = arith.constant 0 : i32
      %dma_wait3A_189 = arith.constant 0 : i32
      %dma_wait3A_190 = tpu.memref_slice %arg14[%dma_wait3A_188, %dma_wait3A_189] : memref<48x128xf32, #tpu.memory_space<vmem>> -> memref<48x128xf32, #tpu.memory_space<vmem>>
      %dma_wait3A_191 = arith.constant 0 : i32
      %dma_wait3A_192 = tpu.memref_slice %arg15[%add3A_32, %dma_wait3A_191] : memref<10000x128xf32, #tpu.memory_space<vmem_shared>> -> memref<48x128xf32, #tpu.memory_space<vmem_shared>>
      %dma_wait3A_193 = arith.constant 0 : i32
      %dma_wait3A_194 = tpu.memref_slice %arg15[%add3A_32, %dma_wait3A_193] : memref<10000x128xf32, #tpu.memory_space<vmem_shared>> -> memref<48x128xf32, #tpu.memory_space<vmem_shared>>
      %dma_wait3A_195 = arith.constant 0 : i32
      %dma_wait3A_196 = arith.constant 0 : i32
      %dma_wait3A_197 = tpu.memref_slice %arg14[%dma_wait3A_195, %dma_wait3A_196] : memref<48x128xf32, #tpu.memory_space<vmem>> -> memref<48x128xf32, #tpu.memory_space<vmem>>
      tpu.wait_dma2 semaphore(%run_scoped3A : memref<!tpu.dma_semaphore, #tpu.memory_space<semaphore_mem>>) src(%dma_wait3A_197 : memref<48x128xf32, #tpu.memory_space<vmem>>) dst(%dma_wait3A_194 : memref<48x128xf32, #tpu.memory_space<vmem_shared>>)
      tpu.yield
    }) : () -> ()
    %mul3A_33 = arith.constant 624 : i32
    %mul3A_34 = arith.muli %arg1, %mul3A_33 : i32
    %add3A_35 = arith.constant 192 : i32
    %add3A_36 = arith.addi %mul3A_34, %add3A_35 : i32
    "tpu.region"() ({
      %run_scoped3A = tpu.sem_alloc : memref<!tpu.dma_semaphore, #tpu.memory_space<semaphore_mem>>
      %dma_start3A_178 = arith.constant 0 : i32
      %dma_start3A_179 = arith.constant 0 : i32
      %dma_start3A_180 = tpu.memref_slice %arg14[%dma_start3A_178, %dma_start3A_179] : memref<48x128xf32, #tpu.memory_space<vmem>> -> memref<48x128xf32, #tpu.memory_space<vmem>>
      %dma_start3A_181 = arith.constant 0 : i32
      %dma_start3A_182 = tpu.memref_slice %arg15[%add3A_36, %dma_start3A_181] : memref<10000x128xf32, #tpu.memory_space<vmem_shared>> -> memref<48x128xf32, #tpu.memory_space<vmem_shared>>
      %dma_start3A_183 = arith.constant 0 : i32
      %dma_start3A_184 = tpu.memref_slice %arg15[%add3A_36, %dma_start3A_183] : memref<10000x128xf32, #tpu.memory_space<vmem_shared>> -> memref<48x128xf32, #tpu.memory_space<vmem_shared>>
      %dma_start3A_185 = arith.constant 0 : i32
      %dma_start3A_186 = arith.constant 0 : i32
      %dma_start3A_187 = tpu.memref_slice %arg14[%dma_start3A_185, %dma_start3A_186] : memref<48x128xf32, #tpu.memory_space<vmem>> -> memref<48x128xf32, #tpu.memory_space<vmem>>
      tpu.enqueue_dma source(%dma_start3A_187 : memref<48x128xf32, #tpu.memory_space<vmem>>) target(%dma_start3A_184 : memref<48x128xf32, #tpu.memory_space<vmem_shared>>) target_semaphore(%run_scoped3A : memref<!tpu.dma_semaphore, #tpu.memory_space<semaphore_mem>>)
      %dma_wait3A_188 = arith.constant 0 : i32
      %dma_wait3A_189 = arith.constant 0 : i32
      %dma_wait3A_190 = tpu.memref_slice %arg14[%dma_wait3A_188, %dma_wait3A_189] : memref<48x128xf32, #tpu.memory_space<vmem>> -> memref<48x128xf32, #tpu.memory_space<vmem>>
      %dma_wait3A_191 = arith.constant 0 : i32
      %dma_wait3A_192 = tpu.memref_slice %arg15[%add3A_36, %dma_wait3A_191] : memref<10000x128xf32, #tpu.memory_space<vmem_shared>> -> memref<48x128xf32, #tpu.memory_space<vmem_shared>>
      %dma_wait3A_193 = arith.constant 0 : i32
      %dma_wait3A_194 = tpu.memref_slice %arg15[%add3A_36, %dma_wait3A_193] : memref<10000x128xf32, #tpu.memory_space<vmem_shared>> -> memref<48x128xf32, #tpu.memory_space<vmem_shared>>
      %dma_wait3A_195 = arith.constant 0 : i32
      %dma_wait3A_196 = arith.constant 0 : i32
      %dma_wait3A_197 = tpu.memref_slice %arg14[%dma_wait3A_195, %dma_wait3A_196] : memref<48x128xf32, #tpu.memory_space<vmem>> -> memref<48x128xf32, #tpu.memory_space<vmem>>
      tpu.wait_dma2 semaphore(%run_scoped3A : memref<!tpu.dma_semaphore, #tpu.memory_space<semaphore_mem>>) src(%dma_wait3A_197 : memref<48x128xf32, #tpu.memory_space<vmem>>) dst(%dma_wait3A_194 : memref<48x128xf32, #tpu.memory_space<vmem_shared>>)
      tpu.yield
    }) : () -> ()
    %mul3A_37 = arith.constant 624 : i32
    %mul3A_38 = arith.muli %arg1, %mul3A_37 : i32
    %add3A_39 = arith.constant 240 : i32
    %add3A_40 = arith.addi %mul3A_38, %add3A_39 : i32
    "tpu.region"() ({
      %run_scoped3A = tpu.sem_alloc : memref<!tpu.dma_semaphore, #tpu.memory_space<semaphore_mem>>
      %dma_start3A_178 = arith.constant 0 : i32
      %dma_start3A_179 = arith.constant 0 : i32
      %dma_start3A_180 = tpu.memref_slice %arg14[%dma_start3A_178, %dma_start3A_179] : memref<48x128xf32, #tpu.memory_space<vmem>> -> memref<48x128xf32, #tpu.memory_space<vmem>>
      %dma_start3A_181 = arith.constant 0 : i32
      %dma_start3A_182 = tpu.memref_slice %arg15[%add3A_40, %dma_start3A_181] : memref<10000x128xf32, #tpu.memory_space<vmem_shared>> -> memref<48x128xf32, #tpu.memory_space<vmem_shared>>
      %dma_start3A_183 = arith.constant 0 : i32
      %dma_start3A_184 = tpu.memref_slice %arg15[%add3A_40, %dma_start3A_183] : memref<10000x128xf32, #tpu.memory_space<vmem_shared>> -> memref<48x128xf32, #tpu.memory_space<vmem_shared>>
      %dma_start3A_185 = arith.constant 0 : i32
      %dma_start3A_186 = arith.constant 0 : i32
      %dma_start3A_187 = tpu.memref_slice %arg14[%dma_start3A_185, %dma_start3A_186] : memref<48x128xf32, #tpu.memory_space<vmem>> -> memref<48x128xf32, #tpu.memory_space<vmem>>
      tpu.enqueue_dma source(%dma_start3A_187 : memref<48x128xf32, #tpu.memory_space<vmem>>) target(%dma_start3A_184 : memref<48x128xf32, #tpu.memory_space<vmem_shared>>) target_semaphore(%run_scoped3A : memref<!tpu.dma_semaphore, #tpu.memory_space<semaphore_mem>>)
      %dma_wait3A_188 = arith.constant 0 : i32
      %dma_wait3A_189 = arith.constant 0 : i32
      %dma_wait3A_190 = tpu.memref_slice %arg14[%dma_wait3A_188, %dma_wait3A_189] : memref<48x128xf32, #tpu.memory_space<vmem>> -> memref<48x128xf32, #tpu.memory_space<vmem>>
      %dma_wait3A_191 = arith.constant 0 : i32
      %dma_wait3A_192 = tpu.memref_slice %arg15[%add3A_40, %dma_wait3A_191] : memref<10000x128xf32, #tpu.memory_space<vmem_shared>> -> memref<48x128xf32, #tpu.memory_space<vmem_shared>>
      %dma_wait3A_193 = arith.constant 0 : i32
      %dma_wait3A_194 = tpu.memref_slice %arg15[%add3A_40, %dma_wait3A_193] : memref<10000x128xf32, #tpu.memory_space<vmem_shared>> -> memref<48x128xf32, #tpu.memory_space<vmem_shared>>
      %dma_wait3A_195 = arith.constant 0 : i32
      %dma_wait3A_196 = arith.constant 0 : i32
      %dma_wait3A_197 = tpu.memref_slice %arg14[%dma_wait3A_195, %dma_wait3A_196] : memref<48x128xf32, #tpu.memory_space<vmem>> -> memref<48x128xf32, #tpu.memory_space<vmem>>
      tpu.wait_dma2 semaphore(%run_scoped3A : memref<!tpu.dma_semaphore, #tpu.memory_space<semaphore_mem>>) src(%dma_wait3A_197 : memref<48x128xf32, #tpu.memory_space<vmem>>) dst(%dma_wait3A_194 : memref<48x128xf32, #tpu.memory_space<vmem_shared>>)
      tpu.yield
    }) : () -> ()
    %mul3A_41 = arith.constant 624 : i32
    %mul3A_42 = arith.muli %arg1, %mul3A_41 : i32
    %add3A_43 = arith.constant 288 : i32
    %add3A_44 = arith.addi %mul3A_42, %add3A_43 : i32
    "tpu.region"() ({
      %run_scoped3A = tpu.sem_alloc : memref<!tpu.dma_semaphore, #tpu.memory_space<semaphore_mem>>
      %dma_start3A_178 = arith.constant 0 : i32
      %dma_start3A_179 = arith.constant 0 : i32
      %dma_start3A_180 = tpu.memref_slice %arg14[%dma_start3A_178, %dma_start3A_179] : memref<48x128xf32, #tpu.memory_space<vmem>> -> memref<48x128xf32, #tpu.memory_space<vmem>>
      %dma_start3A_181 = arith.constant 0 : i32
      %dma_start3A_182 = tpu.memref_slice %arg15[%add3A_44, %dma_start3A_181] : memref<10000x128xf32, #tpu.memory_space<vmem_shared>> -> memref<48x128xf32, #tpu.memory_space<vmem_shared>>
      %dma_start3A_183 = arith.constant 0 : i32
      %dma_start3A_184 = tpu.memref_slice %arg15[%add3A_44, %dma_start3A_183] : memref<10000x128xf32, #tpu.memory_space<vmem_shared>> -> memref<48x128xf32, #tpu.memory_space<vmem_shared>>
      %dma_start3A_185 = arith.constant 0 : i32
      %dma_start3A_186 = arith.constant 0 : i32
      %dma_start3A_187 = tpu.memref_slice %arg14[%dma_start3A_185, %dma_start3A_186] : memref<48x128xf32, #tpu.memory_space<vmem>> -> memref<48x128xf32, #tpu.memory_space<vmem>>
      tpu.enqueue_dma source(%dma_start3A_187 : memref<48x128xf32, #tpu.memory_space<vmem>>) target(%dma_start3A_184 : memref<48x128xf32, #tpu.memory_space<vmem_shared>>) target_semaphore(%run_scoped3A : memref<!tpu.dma_semaphore, #tpu.memory_space<semaphore_mem>>)
      %dma_wait3A_188 = arith.constant 0 : i32
      %dma_wait3A_189 = arith.constant 0 : i32
      %dma_wait3A_190 = tpu.memref_slice %arg14[%dma_wait3A_188, %dma_wait3A_189] : memref<48x128xf32, #tpu.memory_space<vmem>> -> memref<48x128xf32, #tpu.memory_space<vmem>>
      %dma_wait3A_191 = arith.constant 0 : i32
      %dma_wait3A_192 = tpu.memref_slice %arg15[%add3A_44, %dma_wait3A_191] : memref<10000x128xf32, #tpu.memory_space<vmem_shared>> -> memref<48x128xf32, #tpu.memory_space<vmem_shared>>
      %dma_wait3A_193 = arith.constant 0 : i32
      %dma_wait3A_194 = tpu.memref_slice %arg15[%add3A_44, %dma_wait3A_193] : memref<10000x128xf32, #tpu.memory_space<vmem_shared>> -> memref<48x128xf32, #tpu.memory_space<vmem_shared>>
      %dma_wait3A_195 = arith.constant 0 : i32
      %dma_wait3A_196 = arith.constant 0 : i32
      %dma_wait3A_197 = tpu.memref_slice %arg14[%dma_wait3A_195, %dma_wait3A_196] : memref<48x128xf32, #tpu.memory_space<vmem>> -> memref<48x128xf32, #tpu.memory_space<vmem>>
      tpu.wait_dma2 semaphore(%run_scoped3A : memref<!tpu.dma_semaphore, #tpu.memory_space<semaphore_mem>>) src(%dma_wait3A_197 : memref<48x128xf32, #tpu.memory_space<vmem>>) dst(%dma_wait3A_194 : memref<48x128xf32, #tpu.memory_space<vmem_shared>>)
      tpu.yield
    }) : () -> ()
    %mul3A_45 = arith.constant 624 : i32
    %mul3A_46 = arith.muli %arg1, %mul3A_45 : i32
    %add3A_47 = arith.constant 336 : i32
    %add3A_48 = arith.addi %mul3A_46, %add3A_47 : i32
    "tpu.region"() ({
      %run_scoped3A = tpu.sem_alloc : memref<!tpu.dma_semaphore, #tpu.memory_space<semaphore_mem>>
      %dma_start3A_178 = arith.constant 0 : i32
      %dma_start3A_179 = arith.constant 0 : i32
      %dma_start3A_180 = tpu.memref_slice %arg14[%dma_start3A_178, %dma_start3A_179] : memref<48x128xf32, #tpu.memory_space<vmem>> -> memref<48x128xf32, #tpu.memory_space<vmem>>
      %dma_start3A_181 = arith.constant 0 : i32
      %dma_start3A_182 = tpu.memref_slice %arg15[%add3A_48, %dma_start3A_181] : memref<10000x128xf32, #tpu.memory_space<vmem_shared>> -> memref<48x128xf32, #tpu.memory_space<vmem_shared>>
      %dma_start3A_183 = arith.constant 0 : i32
      %dma_start3A_184 = tpu.memref_slice %arg15[%add3A_48, %dma_start3A_183] : memref<10000x128xf32, #tpu.memory_space<vmem_shared>> -> memref<48x128xf32, #tpu.memory_space<vmem_shared>>
      %dma_start3A_185 = arith.constant 0 : i32
      %dma_start3A_186 = arith.constant 0 : i32
      %dma_start3A_187 = tpu.memref_slice %arg14[%dma_start3A_185, %dma_start3A_186] : memref<48x128xf32, #tpu.memory_space<vmem>> -> memref<48x128xf32, #tpu.memory_space<vmem>>
      tpu.enqueue_dma source(%dma_start3A_187 : memref<48x128xf32, #tpu.memory_space<vmem>>) target(%dma_start3A_184 : memref<48x128xf32, #tpu.memory_space<vmem_shared>>) target_semaphore(%run_scoped3A : memref<!tpu.dma_semaphore, #tpu.memory_space<semaphore_mem>>)
      %dma_wait3A_188 = arith.constant 0 : i32
      %dma_wait3A_189 = arith.constant 0 : i32
      %dma_wait3A_190 = tpu.memref_slice %arg14[%dma_wait3A_188, %dma_wait3A_189] : memref<48x128xf32, #tpu.memory_space<vmem>> -> memref<48x128xf32, #tpu.memory_space<vmem>>
      %dma_wait3A_191 = arith.constant 0 : i32
      %dma_wait3A_192 = tpu.memref_slice %arg15[%add3A_48, %dma_wait3A_191] : memref<10000x128xf32, #tpu.memory_space<vmem_shared>> -> memref<48x128xf32, #tpu.memory_space<vmem_shared>>
      %dma_wait3A_193 = arith.constant 0 : i32
      %dma_wait3A_194 = tpu.memref_slice %arg15[%add3A_48, %dma_wait3A_193] : memref<10000x128xf32, #tpu.memory_space<vmem_shared>> -> memref<48x128xf32, #tpu.memory_space<vmem_shared>>
      %dma_wait3A_195 = arith.constant 0 : i32
      %dma_wait3A_196 = arith.constant 0 : i32
      %dma_wait3A_197 = tpu.memref_slice %arg14[%dma_wait3A_195, %dma_wait3A_196] : memref<48x128xf32, #tpu.memory_space<vmem>> -> memref<48x128xf32, #tpu.memory_space<vmem>>
      tpu.wait_dma2 semaphore(%run_scoped3A : memref<!tpu.dma_semaphore, #tpu.memory_space<semaphore_mem>>) src(%dma_wait3A_197 : memref<48x128xf32, #tpu.memory_space<vmem>>) dst(%dma_wait3A_194 : memref<48x128xf32, #tpu.memory_space<vmem_shared>>)
      tpu.yield
    }) : () -> ()
    %mul3A_49 = arith.constant 624 : i32
    %mul3A_50 = arith.muli %arg1, %mul3A_49 : i32
    %add3A_51 = arith.constant 384 : i32
    %add3A_52 = arith.addi %mul3A_50, %add3A_51 : i32
    "tpu.region"() ({
      %run_scoped3A = tpu.sem_alloc : memref<!tpu.dma_semaphore, #tpu.memory_space<semaphore_mem>>
      %dma_start3A_178 = arith.constant 0 : i32
      %dma_start3A_179 = arith.constant 0 : i32
      %dma_start3A_180 = tpu.memref_slice %arg14[%dma_start3A_178, %dma_start3A_179] : memref<48x128xf32, #tpu.memory_space<vmem>> -> memref<48x128xf32, #tpu.memory_space<vmem>>
      %dma_start3A_181 = arith.constant 0 : i32
      %dma_start3A_182 = tpu.memref_slice %arg15[%add3A_52, %dma_start3A_181] : memref<10000x128xf32, #tpu.memory_space<vmem_shared>> -> memref<48x128xf32, #tpu.memory_space<vmem_shared>>
      %dma_start3A_183 = arith.constant 0 : i32
      %dma_start3A_184 = tpu.memref_slice %arg15[%add3A_52, %dma_start3A_183] : memref<10000x128xf32, #tpu.memory_space<vmem_shared>> -> memref<48x128xf32, #tpu.memory_space<vmem_shared>>
      %dma_start3A_185 = arith.constant 0 : i32
      %dma_start3A_186 = arith.constant 0 : i32
      %dma_start3A_187 = tpu.memref_slice %arg14[%dma_start3A_185, %dma_start3A_186] : memref<48x128xf32, #tpu.memory_space<vmem>> -> memref<48x128xf32, #tpu.memory_space<vmem>>
      tpu.enqueue_dma source(%dma_start3A_187 : memref<48x128xf32, #tpu.memory_space<vmem>>) target(%dma_start3A_184 : memref<48x128xf32, #tpu.memory_space<vmem_shared>>) target_semaphore(%run_scoped3A : memref<!tpu.dma_semaphore, #tpu.memory_space<semaphore_mem>>)
      %dma_wait3A_188 = arith.constant 0 : i32
      %dma_wait3A_189 = arith.constant 0 : i32
      %dma_wait3A_190 = tpu.memref_slice %arg14[%dma_wait3A_188, %dma_wait3A_189] : memref<48x128xf32, #tpu.memory_space<vmem>> -> memref<48x128xf32, #tpu.memory_space<vmem>>
      %dma_wait3A_191 = arith.constant 0 : i32
      %dma_wait3A_192 = tpu.memref_slice %arg15[%add3A_52, %dma_wait3A_191] : memref<10000x128xf32, #tpu.memory_space<vmem_shared>> -> memref<48x128xf32, #tpu.memory_space<vmem_shared>>
      %dma_wait3A_193 = arith.constant 0 : i32
      %dma_wait3A_194 = tpu.memref_slice %arg15[%add3A_52, %dma_wait3A_193] : memref<10000x128xf32, #tpu.memory_space<vmem_shared>> -> memref<48x128xf32, #tpu.memory_space<vmem_shared>>
      %dma_wait3A_195 = arith.constant 0 : i32
      %dma_wait3A_196 = arith.constant 0 : i32
      %dma_wait3A_197 = tpu.memref_slice %arg14[%dma_wait3A_195, %dma_wait3A_196] : memref<48x128xf32, #tpu.memory_space<vmem>> -> memref<48x128xf32, #tpu.memory_space<vmem>>
      tpu.wait_dma2 semaphore(%run_scoped3A : memref<!tpu.dma_semaphore, #tpu.memory_space<semaphore_mem>>) src(%dma_wait3A_197 : memref<48x128xf32, #tpu.memory_space<vmem>>) dst(%dma_wait3A_194 : memref<48x128xf32, #tpu.memory_space<vmem_shared>>)
      tpu.yield
    }) : () -> ()
    %mul3A_53 = arith.constant 624 : i32
    %mul3A_54 = arith.muli %arg1, %mul3A_53 : i32
    %add3A_55 = arith.constant 432 : i32
    %add3A_56 = arith.addi %mul3A_54, %add3A_55 : i32
    "tpu.region"() ({
      %run_scoped3A = tpu.sem_alloc : memref<!tpu.dma_semaphore, #tpu.memory_space<semaphore_mem>>
      %dma_start3A_178 = arith.constant 0 : i32
      %dma_start3A_179 = arith.constant 0 : i32
      %dma_start3A_180 = tpu.memref_slice %arg14[%dma_start3A_178, %dma_start3A_179] : memref<48x128xf32, #tpu.memory_space<vmem>> -> memref<48x128xf32, #tpu.memory_space<vmem>>
      %dma_start3A_181 = arith.constant 0 : i32
      %dma_start3A_182 = tpu.memref_slice %arg15[%add3A_56, %dma_start3A_181] : memref<10000x128xf32, #tpu.memory_space<vmem_shared>> -> memref<48x128xf32, #tpu.memory_space<vmem_shared>>
      %dma_start3A_183 = arith.constant 0 : i32
      %dma_start3A_184 = tpu.memref_slice %arg15[%add3A_56, %dma_start3A_183] : memref<10000x128xf32, #tpu.memory_space<vmem_shared>> -> memref<48x128xf32, #tpu.memory_space<vmem_shared>>
      %dma_start3A_185 = arith.constant 0 : i32
      %dma_start3A_186 = arith.constant 0 : i32
      %dma_start3A_187 = tpu.memref_slice %arg14[%dma_start3A_185, %dma_start3A_186] : memref<48x128xf32, #tpu.memory_space<vmem>> -> memref<48x128xf32, #tpu.memory_space<vmem>>
      tpu.enqueue_dma source(%dma_start3A_187 : memref<48x128xf32, #tpu.memory_space<vmem>>) target(%dma_start3A_184 : memref<48x128xf32, #tpu.memory_space<vmem_shared>>) target_semaphore(%run_scoped3A : memref<!tpu.dma_semaphore, #tpu.memory_space<semaphore_mem>>)
      %dma_wait3A_188 = arith.constant 0 : i32
      %dma_wait3A_189 = arith.constant 0 : i32
      %dma_wait3A_190 = tpu.memref_slice %arg14[%dma_wait3A_188, %dma_wait3A_189] : memref<48x128xf32, #tpu.memory_space<vmem>> -> memref<48x128xf32, #tpu.memory_space<vmem>>
      %dma_wait3A_191 = arith.constant 0 : i32
      %dma_wait3A_192 = tpu.memref_slice %arg15[%add3A_56, %dma_wait3A_191] : memref<10000x128xf32, #tpu.memory_space<vmem_shared>> -> memref<48x128xf32, #tpu.memory_space<vmem_shared>>
      %dma_wait3A_193 = arith.constant 0 : i32
      %dma_wait3A_194 = tpu.memref_slice %arg15[%add3A_56, %dma_wait3A_193] : memref<10000x128xf32, #tpu.memory_space<vmem_shared>> -> memref<48x128xf32, #tpu.memory_space<vmem_shared>>
      %dma_wait3A_195 = arith.constant 0 : i32
      %dma_wait3A_196 = arith.constant 0 : i32
      %dma_wait3A_197 = tpu.memref_slice %arg14[%dma_wait3A_195, %dma_wait3A_196] : memref<48x128xf32, #tpu.memory_space<vmem>> -> memref<48x128xf32, #tpu.memory_space<vmem>>
      tpu.wait_dma2 semaphore(%run_scoped3A : memref<!tpu.dma_semaphore, #tpu.memory_space<semaphore_mem>>) src(%dma_wait3A_197 : memref<48x128xf32, #tpu.memory_space<vmem>>) dst(%dma_wait3A_194 : memref<48x128xf32, #tpu.memory_space<vmem_shared>>)
      tpu.yield
    }) : () -> ()
    %mul3A_57 = arith.constant 624 : i32
    %mul3A_58 = arith.muli %arg1, %mul3A_57 : i32
    %add3A_59 = arith.constant 480 : i32
    %add3A_60 = arith.addi %mul3A_58, %add3A_59 : i32
    "tpu.region"() ({
      %run_scoped3A = tpu.sem_alloc : memref<!tpu.dma_semaphore, #tpu.memory_space<semaphore_mem>>
      %dma_start3A_178 = arith.constant 0 : i32
      %dma_start3A_179 = arith.constant 0 : i32
      %dma_start3A_180 = tpu.memref_slice %arg14[%dma_start3A_178, %dma_start3A_179] : memref<48x128xf32, #tpu.memory_space<vmem>> -> memref<48x128xf32, #tpu.memory_space<vmem>>
      %dma_start3A_181 = arith.constant 0 : i32
      %dma_start3A_182 = tpu.memref_slice %arg15[%add3A_60, %dma_start3A_181] : memref<10000x128xf32, #tpu.memory_space<vmem_shared>> -> memref<48x128xf32, #tpu.memory_space<vmem_shared>>
      %dma_start3A_183 = arith.constant 0 : i32
      %dma_start3A_184 = tpu.memref_slice %arg15[%add3A_60, %dma_start3A_183] : memref<10000x128xf32, #tpu.memory_space<vmem_shared>> -> memref<48x128xf32, #tpu.memory_space<vmem_shared>>
      %dma_start3A_185 = arith.constant 0 : i32
      %dma_start3A_186 = arith.constant 0 : i32
      %dma_start3A_187 = tpu.memref_slice %arg14[%dma_start3A_185, %dma_start3A_186] : memref<48x128xf32, #tpu.memory_space<vmem>> -> memref<48x128xf32, #tpu.memory_space<vmem>>
      tpu.enqueue_dma source(%dma_start3A_187 : memref<48x128xf32, #tpu.memory_space<vmem>>) target(%dma_start3A_184 : memref<48x128xf32, #tpu.memory_space<vmem_shared>>) target_semaphore(%run_scoped3A : memref<!tpu.dma_semaphore, #tpu.memory_space<semaphore_mem>>)
      %dma_wait3A_188 = arith.constant 0 : i32
      %dma_wait3A_189 = arith.constant 0 : i32
      %dma_wait3A_190 = tpu.memref_slice %arg14[%dma_wait3A_188, %dma_wait3A_189] : memref<48x128xf32, #tpu.memory_space<vmem>> -> memref<48x128xf32, #tpu.memory_space<vmem>>
      %dma_wait3A_191 = arith.constant 0 : i32
      %dma_wait3A_192 = tpu.memref_slice %arg15[%add3A_60, %dma_wait3A_191] : memref<10000x128xf32, #tpu.memory_space<vmem_shared>> -> memref<48x128xf32, #tpu.memory_space<vmem_shared>>
      %dma_wait3A_193 = arith.constant 0 : i32
      %dma_wait3A_194 = tpu.memref_slice %arg15[%add3A_60, %dma_wait3A_193] : memref<10000x128xf32, #tpu.memory_space<vmem_shared>> -> memref<48x128xf32, #tpu.memory_space<vmem_shared>>
      %dma_wait3A_195 = arith.constant 0 : i32
      %dma_wait3A_196 = arith.constant 0 : i32
      %dma_wait3A_197 = tpu.memref_slice %arg14[%dma_wait3A_195, %dma_wait3A_196] : memref<48x128xf32, #tpu.memory_space<vmem>> -> memref<48x128xf32, #tpu.memory_space<vmem>>
      tpu.wait_dma2 semaphore(%run_scoped3A : memref<!tpu.dma_semaphore, #tpu.memory_space<semaphore_mem>>) src(%dma_wait3A_197 : memref<48x128xf32, #tpu.memory_space<vmem>>) dst(%dma_wait3A_194 : memref<48x128xf32, #tpu.memory_space<vmem_shared>>)
      tpu.yield
    }) : () -> ()
    %mul3A_61 = arith.constant 624 : i32
    %mul3A_62 = arith.muli %arg1, %mul3A_61 : i32
    %add3A_63 = arith.constant 528 : i32
    %add3A_64 = arith.addi %mul3A_62, %add3A_63 : i32
    "tpu.region"() ({
      %run_scoped3A = tpu.sem_alloc : memref<!tpu.dma_semaphore, #tpu.memory_space<semaphore_mem>>
      %dma_start3A_178 = arith.constant 0 : i32
      %dma_start3A_179 = arith.constant 0 : i32
      %dma_start3A_180 = tpu.memref_slice %arg14[%dma_start3A_178, %dma_start3A_179] : memref<48x128xf32, #tpu.memory_space<vmem>> -> memref<48x128xf32, #tpu.memory_space<vmem>>
      %dma_start3A_181 = arith.constant 0 : i32
      %dma_start3A_182 = tpu.memref_slice %arg15[%add3A_64, %dma_start3A_181] : memref<10000x128xf32, #tpu.memory_space<vmem_shared>> -> memref<48x128xf32, #tpu.memory_space<vmem_shared>>
      %dma_start3A_183 = arith.constant 0 : i32
      %dma_start3A_184 = tpu.memref_slice %arg15[%add3A_64, %dma_start3A_183] : memref<10000x128xf32, #tpu.memory_space<vmem_shared>> -> memref<48x128xf32, #tpu.memory_space<vmem_shared>>
      %dma_start3A_185 = arith.constant 0 : i32
      %dma_start3A_186 = arith.constant 0 : i32
      %dma_start3A_187 = tpu.memref_slice %arg14[%dma_start3A_185, %dma_start3A_186] : memref<48x128xf32, #tpu.memory_space<vmem>> -> memref<48x128xf32, #tpu.memory_space<vmem>>
      tpu.enqueue_dma source(%dma_start3A_187 : memref<48x128xf32, #tpu.memory_space<vmem>>) target(%dma_start3A_184 : memref<48x128xf32, #tpu.memory_space<vmem_shared>>) target_semaphore(%run_scoped3A : memref<!tpu.dma_semaphore, #tpu.memory_space<semaphore_mem>>)
      %dma_wait3A_188 = arith.constant 0 : i32
      %dma_wait3A_189 = arith.constant 0 : i32
      %dma_wait3A_190 = tpu.memref_slice %arg14[%dma_wait3A_188, %dma_wait3A_189] : memref<48x128xf32, #tpu.memory_space<vmem>> -> memref<48x128xf32, #tpu.memory_space<vmem>>
      %dma_wait3A_191 = arith.constant 0 : i32
      %dma_wait3A_192 = tpu.memref_slice %arg15[%add3A_64, %dma_wait3A_191] : memref<10000x128xf32, #tpu.memory_space<vmem_shared>> -> memref<48x128xf32, #tpu.memory_space<vmem_shared>>
      %dma_wait3A_193 = arith.constant 0 : i32
      %dma_wait3A_194 = tpu.memref_slice %arg15[%add3A_64, %dma_wait3A_193] : memref<10000x128xf32, #tpu.memory_space<vmem_shared>> -> memref<48x128xf32, #tpu.memory_space<vmem_shared>>
      %dma_wait3A_195 = arith.constant 0 : i32
      %dma_wait3A_196 = arith.constant 0 : i32
      %dma_wait3A_197 = tpu.memref_slice %arg14[%dma_wait3A_195, %dma_wait3A_196] : memref<48x128xf32, #tpu.memory_space<vmem>> -> memref<48x128xf32, #tpu.memory_space<vmem>>
      tpu.wait_dma2 semaphore(%run_scoped3A : memref<!tpu.dma_semaphore, #tpu.memory_space<semaphore_mem>>) src(%dma_wait3A_197 : memref<48x128xf32, #tpu.memory_space<vmem>>) dst(%dma_wait3A_194 : memref<48x128xf32, #tpu.memory_space<vmem_shared>>)
      tpu.yield
    }) : () -> ()
    %mul3A_65 = arith.constant 624 : i32
    %mul3A_66 = arith.muli %arg1, %mul3A_65 : i32
    %add3A_67 = arith.constant 576 : i32
    %add3A_68 = arith.addi %mul3A_66, %add3A_67 : i32
    "tpu.region"() ({
      %run_scoped3A = tpu.sem_alloc : memref<!tpu.dma_semaphore, #tpu.memory_space<semaphore_mem>>
      %dma_start3A_178 = arith.constant 0 : i32
      %dma_start3A_179 = arith.constant 0 : i32
      %dma_start3A_180 = tpu.memref_slice %arg14[%dma_start3A_178, %dma_start3A_179] : memref<48x128xf32, #tpu.memory_space<vmem>> -> memref<48x128xf32, #tpu.memory_space<vmem>>
      %dma_start3A_181 = arith.constant 0 : i32
      %dma_start3A_182 = tpu.memref_slice %arg15[%add3A_68, %dma_start3A_181] : memref<10000x128xf32, #tpu.memory_space<vmem_shared>> -> memref<48x128xf32, #tpu.memory_space<vmem_shared>>
      %dma_start3A_183 = arith.constant 0 : i32
      %dma_start3A_184 = tpu.memref_slice %arg15[%add3A_68, %dma_start3A_183] : memref<10000x128xf32, #tpu.memory_space<vmem_shared>> -> memref<48x128xf32, #tpu.memory_space<vmem_shared>>
      %dma_start3A_185 = arith.constant 0 : i32
      %dma_start3A_186 = arith.constant 0 : i32
      %dma_start3A_187 = tpu.memref_slice %arg14[%dma_start3A_185, %dma_start3A_186] : memref<48x128xf32, #tpu.memory_space<vmem>> -> memref<48x128xf32, #tpu.memory_space<vmem>>
      tpu.enqueue_dma source(%dma_start3A_187 : memref<48x128xf32, #tpu.memory_space<vmem>>) target(%dma_start3A_184 : memref<48x128xf32, #tpu.memory_space<vmem_shared>>) target_semaphore(%run_scoped3A : memref<!tpu.dma_semaphore, #tpu.memory_space<semaphore_mem>>)
      %dma_wait3A_188 = arith.constant 0 : i32
      %dma_wait3A_189 = arith.constant 0 : i32
      %dma_wait3A_190 = tpu.memref_slice %arg14[%dma_wait3A_188, %dma_wait3A_189] : memref<48x128xf32, #tpu.memory_space<vmem>> -> memref<48x128xf32, #tpu.memory_space<vmem>>
      %dma_wait3A_191 = arith.constant 0 : i32
      %dma_wait3A_192 = tpu.memref_slice %arg15[%add3A_68, %dma_wait3A_191] : memref<10000x128xf32, #tpu.memory_space<vmem_shared>> -> memref<48x128xf32, #tpu.memory_space<vmem_shared>>
      %dma_wait3A_193 = arith.constant 0 : i32
      %dma_wait3A_194 = tpu.memref_slice %arg15[%add3A_68, %dma_wait3A_193] : memref<10000x128xf32, #tpu.memory_space<vmem_shared>> -> memref<48x128xf32, #tpu.memory_space<vmem_shared>>
      %dma_wait3A_195 = arith.constant 0 : i32
      %dma_wait3A_196 = arith.constant 0 : i32
      %dma_wait3A_197 = tpu.memref_slice %arg14[%dma_wait3A_195, %dma_wait3A_196] : memref<48x128xf32, #tpu.memory_space<vmem>> -> memref<48x128xf32, #tpu.memory_space<vmem>>
      tpu.wait_dma2 semaphore(%run_scoped3A : memref<!tpu.dma_semaphore, #tpu.memory_space<semaphore_mem>>) src(%dma_wait3A_197 : memref<48x128xf32, #tpu.memory_space<vmem>>) dst(%dma_wait3A_194 : memref<48x128xf32, #tpu.memory_space<vmem_shared>>)
      tpu.yield
    }) : () -> ()
    %eq3A = arith.constant 15 : i32
    %eq3A_69 = arith.cmpi eq, %arg1, %eq3A : i32
    %convert_element_type3A = arith.extui %eq3A_69 : i1 to i32
    %cond3A = arith.constant 0 : i32
    %cond3A_70 = arith.cmpi ne, %convert_element_type3A, %cond3A : i32
    scf.if %cond3A_70 {
      "tpu.region"() ({
        %run_scoped3A = tpu.sem_alloc : memref<!tpu.dma_semaphore, #tpu.memory_space<semaphore_mem>>
        %dma_start3A_178 = arith.constant 0 : i32
        %dma_start3A_179 = arith.constant 0 : i32
        %dma_start3A_180 = tpu.memref_slice %arg14[%dma_start3A_178, %dma_start3A_179] : memref<48x128xf32, #tpu.memory_space<vmem>> -> memref<16x128xf32, #tpu.memory_space<vmem>>
        %dma_start3A_181 = arith.constant 9984 : i32
        %dma_start3A_182 = arith.constant 0 : i32
        %dma_start3A_183 = tpu.memref_slice %arg15[%dma_start3A_181, %dma_start3A_182] : memref<10000x128xf32, #tpu.memory_space<vmem_shared>> -> memref<16x128xf32, #tpu.memory_space<vmem_shared>>
        %dma_start3A_184 = arith.constant 9984 : i32
        %dma_start3A_185 = arith.constant 0 : i32
        %dma_start3A_186 = tpu.memref_slice %arg15[%dma_start3A_184, %dma_start3A_185] : memref<10000x128xf32, #tpu.memory_space<vmem_shared>> -> memref<16x128xf32, #tpu.memory_space<vmem_shared>>
        %dma_start3A_187 = arith.constant 0 : i32
        %dma_start3A_188 = arith.constant 0 : i32
        %dma_start3A_189 = tpu.memref_slice %arg14[%dma_start3A_187, %dma_start3A_188] : memref<48x128xf32, #tpu.memory_space<vmem>> -> memref<16x128xf32, #tpu.memory_space<vmem>>
        tpu.enqueue_dma source(%dma_start3A_189 : memref<16x128xf32, #tpu.memory_space<vmem>>) target(%dma_start3A_186 : memref<16x128xf32, #tpu.memory_space<vmem_shared>>) target_semaphore(%run_scoped3A : memref<!tpu.dma_semaphore, #tpu.memory_space<semaphore_mem>>)
        %dma_wait3A_190 = arith.constant 0 : i32
        %dma_wait3A_191 = arith.constant 0 : i32
        %dma_wait3A_192 = tpu.memref_slice %arg14[%dma_wait3A_190, %dma_wait3A_191] : memref<48x128xf32, #tpu.memory_space<vmem>> -> memref<16x128xf32, #tpu.memory_space<vmem>>
        %dma_wait3A_193 = arith.constant 9984 : i32
        %dma_wait3A_194 = arith.constant 0 : i32
        %dma_wait3A_195 = tpu.memref_slice %arg15[%dma_wait3A_193, %dma_wait3A_194] : memref<10000x128xf32, #tpu.memory_space<vmem_shared>> -> memref<16x128xf32, #tpu.memory_space<vmem_shared>>
        %dma_wait3A_196 = arith.constant 9984 : i32
        %dma_wait3A_197 = arith.constant 0 : i32
        %dma_wait3A_198 = tpu.memref_slice %arg15[%dma_wait3A_196, %dma_wait3A_197] : memref<10000x128xf32, #tpu.memory_space<vmem_shared>> -> memref<16x128xf32, #tpu.memory_space<vmem_shared>>
        %dma_wait3A_199 = arith.constant 0 : i32
        %dma_wait3A_200 = arith.constant 0 : i32
        %dma_wait3A_201 = tpu.memref_slice %arg14[%dma_wait3A_199, %dma_wait3A_200] : memref<48x128xf32, #tpu.memory_space<vmem>> -> memref<16x128xf32, #tpu.memory_space<vmem>>
        tpu.wait_dma2 semaphore(%run_scoped3A : memref<!tpu.dma_semaphore, #tpu.memory_space<semaphore_mem>>) src(%dma_wait3A_201 : memref<16x128xf32, #tpu.memory_space<vmem>>) dst(%dma_wait3A_198 : memref<16x128xf32, #tpu.memory_space<vmem_shared>>)
        tpu.yield
      }) : () -> ()
    } else {
    }
    %dma_wait3A = arith.constant 0 : i32
    %dma_wait3A_71 = tpu.memref_slice %arg3[%add3A, %dma_wait3A] : memref<32x10000xi32, #tpu.memory_space<hbm>> -> memref<1x10000xi32, #tpu.memory_space<hbm>>
    %dma_wait3A_72 = tpu.memref_squeeze %dma_wait3A_71 : memref<1x10000xi32, #tpu.memory_space<hbm>> -> memref<10000xi32, #tpu.memory_space<hbm>>
    %dma_wait3A_73 = arith.constant 0 : i32
    %dma_wait3A_74 = tpu.memref_slice %arg3[%add3A, %dma_wait3A_73] : memref<32x10000xi32, #tpu.memory_space<hbm>> -> memref<1x10000xi32, #tpu.memory_space<hbm>>
    %dma_wait3A_75 = tpu.memref_squeeze %dma_wait3A_74 : memref<1x10000xi32, #tpu.memory_space<hbm>> -> memref<10000xi32, #tpu.memory_space<hbm>>
    tpu.wait_dma2 semaphore(%arg16 : memref<!tpu.dma_semaphore, #tpu.memory_space<semaphore_mem>>) src(%dma_wait3A_75 : memref<10000xi32, #tpu.memory_space<hbm>>) dst(%arg6 : memref<10000xi32, #tpu.memory_space<vmem>>)
    %dma_wait3A_76 = arith.constant 0 : i32
    %dma_wait3A_77 = tpu.memref_slice %arg4[%add3A, %dma_wait3A_76] : memref<32x10000xi32, #tpu.memory_space<hbm>> -> memref<1x10000xi32, #tpu.memory_space<hbm>>
    %dma_wait3A_78 = tpu.memref_squeeze %dma_wait3A_77 : memref<1x10000xi32, #tpu.memory_space<hbm>> -> memref<10000xi32, #tpu.memory_space<hbm>>
    %dma_wait3A_79 = arith.constant 0 : i32
    %dma_wait3A_80 = tpu.memref_slice %arg4[%add3A, %dma_wait3A_79] : memref<32x10000xi32, #tpu.memory_space<hbm>> -> memref<1x10000xi32, #tpu.memory_space<hbm>>
    %dma_wait3A_81 = tpu.memref_squeeze %dma_wait3A_80 : memref<1x10000xi32, #tpu.memory_space<hbm>> -> memref<10000xi32, #tpu.memory_space<hbm>>
    tpu.wait_dma2 semaphore(%arg17 : memref<!tpu.dma_semaphore, #tpu.memory_space<semaphore_mem>>) src(%dma_wait3A_81 : memref<10000xi32, #tpu.memory_space<hbm>>) dst(%arg7 : memref<10000xi32, #tpu.memory_space<vmem>>)
    %barrier3A = arith.constant 0 : index
    tpu.barrier barrier_id(%barrier3A)
    %scan3A_82 = arith.constant 0 : i32
    %scan3A_83 = arith.constant 0 : i32
    %scan3A_84 = arith.constant 62 : i32
    %scan3A_85 = arith.addi %scan3A_83, %scan3A_84 : i32
    %scan3A_86 = arith.constant 1 : i32
    scf.for %scan3A_178 = %scan3A_83 to %scan3A_85 step %scan3A_86  : i32 {
      %mul3A_179 = arith.constant 2 : i32
      %mul3A_180 = arith.muli %mul3A_179, %scan3A_178 : i32
      %mul3A_181 = arith.constant 80 : i32
      %mul3A_182 = arith.muli %mul3A_180, %mul3A_181 : i32
      %add3A_183 = arith.constant 0 : i32
      %add3A_184 = arith.addi %mul3A_182, %add3A_183 : i32
      %get3A_185 = arith.index_cast %add3A_184 : i32 to index
      %get3A_186 = tpu.vector_load %arg6[%get3A_185] {strides = array<i32>} : memref<10000xi32, #tpu.memory_space<vmem>>, vector<16xi32>,
      %get3A_187 = vector.shape_cast %get3A_186 : vector<16xi32> to vector<16xi32>
      %swap3A_188 = arith.constant 0 : index
      %swap3A_189 = tpu.vector_load %arg8[%swap3A_188] {strides = array<i32>} : memref<80xi32, #tpu.memory_space<vmem>>, vector<16xi32>,
      %swap3A_190 = vector.shape_cast %swap3A_189 : vector<16xi32> to vector<16xi32>
      %swap3A_191 = vector.shape_cast %get3A_187 : vector<16xi32> to vector<16xi32>
      tpu.vector_store %arg8[%swap3A_188], %swap3A_191 {strides = array<i32>} : memref<80xi32, #tpu.memory_space<vmem>>, vector<16xi32>,
      %mul3A_192 = arith.constant 80 : i32
      %mul3A_193 = arith.muli %mul3A_180, %mul3A_192 : i32
      %add3A_194 = arith.constant 16 : i32
      %add3A_195 = arith.addi %mul3A_193, %add3A_194 : i32
      %get3A_196 = arith.index_cast %add3A_195 : i32 to index
      %get3A_197 = tpu.vector_load %arg6[%get3A_196] {strides = array<i32>} : memref<10000xi32, #tpu.memory_space<vmem>>, vector<16xi32>,
      %get3A_198 = vector.shape_cast %get3A_197 : vector<16xi32> to vector<16xi32>
      %swap3A_199 = arith.constant 16 : index
      %swap3A_200 = tpu.vector_load %arg8[%swap3A_199] {strides = array<i32>} : memref<80xi32, #tpu.memory_space<vmem>>, vector<16xi32>,
      %swap3A_201 = vector.shape_cast %swap3A_200 : vector<16xi32> to vector<16xi32>
      %swap3A_202 = vector.shape_cast %get3A_198 : vector<16xi32> to vector<16xi32>
      tpu.vector_store %arg8[%swap3A_199], %swap3A_202 {strides = array<i32>} : memref<80xi32, #tpu.memory_space<vmem>>, vector<16xi32>,
      %mul3A_203 = arith.constant 80 : i32
      %mul3A_204 = arith.muli %mul3A_180, %mul3A_203 : i32
      %add3A_205 = arith.constant 32 : i32
      %add3A_206 = arith.addi %mul3A_204, %add3A_205 : i32
      %get3A_207 = arith.index_cast %add3A_206 : i32 to index
      %get3A_208 = tpu.vector_load %arg6[%get3A_207] {strides = array<i32>} : memref<10000xi32, #tpu.memory_space<vmem>>, vector<16xi32>,
      %get3A_209 = vector.shape_cast %get3A_208 : vector<16xi32> to vector<16xi32>
      %swap3A_210 = arith.constant 32 : index
      %swap3A_211 = tpu.vector_load %arg8[%swap3A_210] {strides = array<i32>} : memref<80xi32, #tpu.memory_space<vmem>>, vector<16xi32>,
      %swap3A_212 = vector.shape_cast %swap3A_211 : vector<16xi32> to vector<16xi32>
      %swap3A_213 = vector.shape_cast %get3A_209 : vector<16xi32> to vector<16xi32>
      tpu.vector_store %arg8[%swap3A_210], %swap3A_213 {strides = array<i32>} : memref<80xi32, #tpu.memory_space<vmem>>, vector<16xi32>,
      %mul3A_214 = arith.constant 80 : i32
      %mul3A_215 = arith.muli %mul3A_180, %mul3A_214 : i32
      %add3A_216 = arith.constant 48 : i32
      %add3A_217 = arith.addi %mul3A_215, %add3A_216 : i32
      %get3A_218 = arith.index_cast %add3A_217 : i32 to index
      %get3A_219 = tpu.vector_load %arg6[%get3A_218] {strides = array<i32>} : memref<10000xi32, #tpu.memory_space<vmem>>, vector<16xi32>,
      %get3A_220 = vector.shape_cast %get3A_219 : vector<16xi32> to vector<16xi32>
      %swap3A_221 = arith.constant 48 : index
      %swap3A_222 = tpu.vector_load %arg8[%swap3A_221] {strides = array<i32>} : memref<80xi32, #tpu.memory_space<vmem>>, vector<16xi32>,
      %swap3A_223 = vector.shape_cast %swap3A_222 : vector<16xi32> to vector<16xi32>
      %swap3A_224 = vector.shape_cast %get3A_220 : vector<16xi32> to vector<16xi32>
      tpu.vector_store %arg8[%swap3A_221], %swap3A_224 {strides = array<i32>} : memref<80xi32, #tpu.memory_space<vmem>>, vector<16xi32>,
      %mul3A_225 = arith.constant 80 : i32
      %mul3A_226 = arith.muli %mul3A_180, %mul3A_225 : i32
      %add3A_227 = arith.constant 64 : i32
      %add3A_228 = arith.addi %mul3A_226, %add3A_227 : i32
      %get3A_229 = arith.index_cast %add3A_228 : i32 to index
      %get3A_230 = tpu.vector_load %arg6[%get3A_229] {strides = array<i32>} : memref<10000xi32, #tpu.memory_space<vmem>>, vector<16xi32>,
      %get3A_231 = vector.shape_cast %get3A_230 : vector<16xi32> to vector<16xi32>
      %swap3A_232 = arith.constant 64 : index
      %swap3A_233 = tpu.vector_load %arg8[%swap3A_232] {strides = array<i32>} : memref<80xi32, #tpu.memory_space<vmem>>, vector<16xi32>,
      %swap3A_234 = vector.shape_cast %swap3A_233 : vector<16xi32> to vector<16xi32>
      %swap3A_235 = vector.shape_cast %get3A_231 : vector<16xi32> to vector<16xi32>
      tpu.vector_store %arg8[%swap3A_232], %swap3A_235 {strides = array<i32>} : memref<80xi32, #tpu.memory_space<vmem>>, vector<16xi32>,
      %dma_start3A_236 = arith.constant 0 : i32
      %dma_start3A_237 = arith.constant 0 : i32
      %dma_start3A_238 = tpu.memref_slice %arg2[%dma_start3A_236, %dma_start3A_237] : memref<10000x128xf32, #tpu.memory_space<hbm>> -> memref<10000x128xf32, #tpu.memory_space<hbm>>
      tpu.enqueue_indirect_dma source(%dma_start3A_238 : memref<10000x128xf32, #tpu.memory_space<hbm>>) target(%arg12 : memref<80x128xf32, #tpu.memory_space<vmem>>) offsets(%arg8 : memref<80xi32, #tpu.memory_space<vmem>>) semaphore(%arg16 : memref<!tpu.dma_semaphore, #tpu.memory_space<semaphore_mem>>)
      %add3A_239 = arith.constant 1 : i32
      %add3A_240 = arith.addi %mul3A_180, %add3A_239 : i32
      %mul3A_241 = arith.constant 80 : i32
      %mul3A_242 = arith.muli %add3A_240, %mul3A_241 : i32
      %add3A_243 = arith.constant 0 : i32
      %add3A_244 = arith.addi %mul3A_242, %add3A_243 : i32
      %get3A_245 = arith.index_cast %add3A_244 : i32 to index
      %get3A_246 = tpu.vector_load %arg6[%get3A_245] {strides = array<i32>} : memref<10000xi32, #tpu.memory_space<vmem>>, vector<16xi32>,
      %get3A_247 = vector.shape_cast %get3A_246 : vector<16xi32> to vector<16xi32>
      %swap3A_248 = arith.constant 0 : index
      %swap3A_249 = tpu.vector_load %arg9[%swap3A_248] {strides = array<i32>} : memref<80xi32, #tpu.memory_space<vmem>>, vector<16xi32>,
      %swap3A_250 = vector.shape_cast %swap3A_249 : vector<16xi32> to vector<16xi32>
      %swap3A_251 = vector.shape_cast %get3A_247 : vector<16xi32> to vector<16xi32>
      tpu.vector_store %arg9[%swap3A_248], %swap3A_251 {strides = array<i32>} : memref<80xi32, #tpu.memory_space<vmem>>, vector<16xi32>,
      %mul3A_252 = arith.constant 80 : i32
      %mul3A_253 = arith.muli %add3A_240, %mul3A_252 : i32
      %add3A_254 = arith.constant 16 : i32
      %add3A_255 = arith.addi %mul3A_253, %add3A_254 : i32
      %get3A_256 = arith.index_cast %add3A_255 : i32 to index
      %get3A_257 = tpu.vector_load %arg6[%get3A_256] {strides = array<i32>} : memref<10000xi32, #tpu.memory_space<vmem>>, vector<16xi32>,
      %get3A_258 = vector.shape_cast %get3A_257 : vector<16xi32> to vector<16xi32>
      %swap3A_259 = arith.constant 16 : index
      %swap3A_260 = tpu.vector_load %arg9[%swap3A_259] {strides = array<i32>} : memref<80xi32, #tpu.memory_space<vmem>>, vector<16xi32>,
      %swap3A_261 = vector.shape_cast %swap3A_260 : vector<16xi32> to vector<16xi32>
      %swap3A_262 = vector.shape_cast %get3A_258 : vector<16xi32> to vector<16xi32>
      tpu.vector_store %arg9[%swap3A_259], %swap3A_262 {strides = array<i32>} : memref<80xi32, #tpu.memory_space<vmem>>, vector<16xi32>,
      %mul3A_263 = arith.constant 80 : i32
      %mul3A_264 = arith.muli %add3A_240, %mul3A_263 : i32
      %add3A_265 = arith.constant 32 : i32
      %add3A_266 = arith.addi %mul3A_264, %add3A_265 : i32
      %get3A_267 = arith.index_cast %add3A_266 : i32 to index
      %get3A_268 = tpu.vector_load %arg6[%get3A_267] {strides = array<i32>} : memref<10000xi32, #tpu.memory_space<vmem>>, vector<16xi32>,
      %get3A_269 = vector.shape_cast %get3A_268 : vector<16xi32> to vector<16xi32>
      %swap3A_270 = arith.constant 32 : index
      %swap3A_271 = tpu.vector_load %arg9[%swap3A_270] {strides = array<i32>} : memref<80xi32, #tpu.memory_space<vmem>>, vector<16xi32>,
      %swap3A_272 = vector.shape_cast %swap3A_271 : vector<16xi32> to vector<16xi32>
      %swap3A_273 = vector.shape_cast %get3A_269 : vector<16xi32> to vector<16xi32>
      tpu.vector_store %arg9[%swap3A_270], %swap3A_273 {strides = array<i32>} : memref<80xi32, #tpu.memory_space<vmem>>, vector<16xi32>,
      %mul3A_274 = arith.constant 80 : i32
      %mul3A_275 = arith.muli %add3A_240, %mul3A_274 : i32
      %add3A_276 = arith.constant 48 : i32
      %add3A_277 = arith.addi %mul3A_275, %add3A_276 : i32
      %get3A_278 = arith.index_cast %add3A_277 : i32 to index
      %get3A_279 = tpu.vector_load %arg6[%get3A_278] {strides = array<i32>} : memref<10000xi32, #tpu.memory_space<vmem>>, vector<16xi32>,
      %get3A_280 = vector.shape_cast %get3A_279 : vector<16xi32> to vector<16xi32>
      %swap3A_281 = arith.constant 48 : index
      %swap3A_282 = tpu.vector_load %arg9[%swap3A_281] {strides = array<i32>} : memref<80xi32, #tpu.memory_space<vmem>>, vector<16xi32>,
      %swap3A_283 = vector.shape_cast %swap3A_282 : vector<16xi32> to vector<16xi32>
      %swap3A_284 = vector.shape_cast %get3A_280 : vector<16xi32> to vector<16xi32>
      tpu.vector_store %arg9[%swap3A_281], %swap3A_284 {strides = array<i32>} : memref<80xi32, #tpu.memory_space<vmem>>, vector<16xi32>,
      %mul3A_285 = arith.constant 80 : i32
      %mul3A_286 = arith.muli %add3A_240, %mul3A_285 : i32
      %add3A_287 = arith.constant 64 : i32
      %add3A_288 = arith.addi %mul3A_286, %add3A_287 : i32
      %get3A_289 = arith.index_cast %add3A_288 : i32 to index
      %get3A_290 = tpu.vector_load %arg6[%get3A_289] {strides = array<i32>} : memref<10000xi32, #tpu.memory_space<vmem>>, vector<16xi32>,
      %get3A_291 = vector.shape_cast %get3A_290 : vector<16xi32> to vector<16xi32>
      %swap3A_292 = arith.constant 64 : index
      %swap3A_293 = tpu.vector_load %arg9[%swap3A_292] {strides = array<i32>} : memref<80xi32, #tpu.memory_space<vmem>>, vector<16xi32>,
      %swap3A_294 = vector.shape_cast %swap3A_293 : vector<16xi32> to vector<16xi32>
      %swap3A_295 = vector.shape_cast %get3A_291 : vector<16xi32> to vector<16xi32>
      tpu.vector_store %arg9[%swap3A_292], %swap3A_295 {strides = array<i32>} : memref<80xi32, #tpu.memory_space<vmem>>, vector<16xi32>,
      %dma_start3A_296 = arith.constant 0 : i32
      %dma_start3A_297 = arith.constant 0 : i32
      %dma_start3A_298 = tpu.memref_slice %arg2[%dma_start3A_296, %dma_start3A_297] : memref<10000x128xf32, #tpu.memory_space<hbm>> -> memref<10000x128xf32, #tpu.memory_space<hbm>>
      tpu.enqueue_indirect_dma source(%dma_start3A_298 : memref<10000x128xf32, #tpu.memory_space<hbm>>) target(%arg13 : memref<80x128xf32, #tpu.memory_space<vmem>>) offsets(%arg9 : memref<80xi32, #tpu.memory_space<vmem>>) semaphore(%arg17 : memref<!tpu.dma_semaphore, #tpu.memory_space<semaphore_mem>>)
      %dma_wait3A_299 = arith.constant 0 : i32
      %dma_wait3A_300 = arith.constant 0 : i32
      %dma_wait3A_301 = tpu.memref_slice %arg2[%dma_wait3A_299, %dma_wait3A_300] : memref<10000x128xf32, #tpu.memory_space<hbm>> -> memref<10000x128xf32, #tpu.memory_space<hbm>>
      tpu.wait_indirect_dma semaphore(%arg16 : memref<!tpu.dma_semaphore, #tpu.memory_space<semaphore_mem>>) src(%dma_wait3A_301 : memref<10000x128xf32, #tpu.memory_space<hbm>>) dst(%arg12 : memref<80x128xf32, #tpu.memory_space<vmem>>)
      %dma_wait3A_302 = arith.constant 0 : i32
      %dma_wait3A_303 = arith.constant 0 : i32
      %dma_wait3A_304 = tpu.memref_slice %arg2[%dma_wait3A_302, %dma_wait3A_303] : memref<10000x128xf32, #tpu.memory_space<hbm>> -> memref<10000x128xf32, #tpu.memory_space<hbm>>
      tpu.wait_indirect_dma semaphore(%arg17 : memref<!tpu.dma_semaphore, #tpu.memory_space<semaphore_mem>>) src(%dma_wait3A_304 : memref<10000x128xf32, #tpu.memory_space<hbm>>) dst(%arg13 : memref<80x128xf32, #tpu.memory_space<vmem>>)
      %mul3A_305 = arith.constant 80 : i32
      %mul3A_306 = arith.muli %mul3A_180, %mul3A_305 : i32
      %add3A_307 = arith.constant 0 : i32
      %add3A_308 = arith.addi %mul3A_306, %add3A_307 : i32
      %get3A_309 = arith.index_cast %add3A_308 : i32 to index
      %get3A_310 = tpu.vector_load %arg7[%get3A_309] {strides = array<i32>} : memref<10000xi32, #tpu.memory_space<vmem>>, vector<16xi32>,
      %get3A_311 = vector.shape_cast %get3A_310 : vector<16xi32> to vector<16xi32>
      %swap3A_312 = arith.constant 0 : index
      %swap3A_313 = tpu.vector_load %arg10[%swap3A_312] {strides = array<i32>} : memref<80xi32, #tpu.memory_space<vmem>>, vector<16xi32>,
      %swap3A_314 = vector.shape_cast %swap3A_313 : vector<16xi32> to vector<16xi32>
      %swap3A_315 = vector.shape_cast %get3A_311 : vector<16xi32> to vector<16xi32>
      tpu.vector_store %arg10[%swap3A_312], %swap3A_315 {strides = array<i32>} : memref<80xi32, #tpu.memory_space<vmem>>, vector<16xi32>,
      %mul3A_316 = arith.constant 80 : i32
      %mul3A_317 = arith.muli %mul3A_180, %mul3A_316 : i32
      %add3A_318 = arith.constant 16 : i32
      %add3A_319 = arith.addi %mul3A_317, %add3A_318 : i32
      %get3A_320 = arith.index_cast %add3A_319 : i32 to index
      %get3A_321 = tpu.vector_load %arg7[%get3A_320] {strides = array<i32>} : memref<10000xi32, #tpu.memory_space<vmem>>, vector<16xi32>,
      %get3A_322 = vector.shape_cast %get3A_321 : vector<16xi32> to vector<16xi32>
      %swap3A_323 = arith.constant 16 : index
      %swap3A_324 = tpu.vector_load %arg10[%swap3A_323] {strides = array<i32>} : memref<80xi32, #tpu.memory_space<vmem>>, vector<16xi32>,
      %swap3A_325 = vector.shape_cast %swap3A_324 : vector<16xi32> to vector<16xi32>
      %swap3A_326 = vector.shape_cast %get3A_322 : vector<16xi32> to vector<16xi32>
      tpu.vector_store %arg10[%swap3A_323], %swap3A_326 {strides = array<i32>} : memref<80xi32, #tpu.memory_space<vmem>>, vector<16xi32>,
      %mul3A_327 = arith.constant 80 : i32
      %mul3A_328 = arith.muli %mul3A_180, %mul3A_327 : i32
      %add3A_329 = arith.constant 32 : i32
      %add3A_330 = arith.addi %mul3A_328, %add3A_329 : i32
      %get3A_331 = arith.index_cast %add3A_330 : i32 to index
      %get3A_332 = tpu.vector_load %arg7[%get3A_331] {strides = array<i32>} : memref<10000xi32, #tpu.memory_space<vmem>>, vector<16xi32>,
      %get3A_333 = vector.shape_cast %get3A_332 : vector<16xi32> to vector<16xi32>
      %swap3A_334 = arith.constant 32 : index
      %swap3A_335 = tpu.vector_load %arg10[%swap3A_334] {strides = array<i32>} : memref<80xi32, #tpu.memory_space<vmem>>, vector<16xi32>,
      %swap3A_336 = vector.shape_cast %swap3A_335 : vector<16xi32> to vector<16xi32>
      %swap3A_337 = vector.shape_cast %get3A_333 : vector<16xi32> to vector<16xi32>
      tpu.vector_store %arg10[%swap3A_334], %swap3A_337 {strides = array<i32>} : memref<80xi32, #tpu.memory_space<vmem>>, vector<16xi32>,
      %mul3A_338 = arith.constant 80 : i32
      %mul3A_339 = arith.muli %mul3A_180, %mul3A_338 : i32
      %add3A_340 = arith.constant 48 : i32
      %add3A_341 = arith.addi %mul3A_339, %add3A_340 : i32
      %get3A_342 = arith.index_cast %add3A_341 : i32 to index
      %get3A_343 = tpu.vector_load %arg7[%get3A_342] {strides = array<i32>} : memref<10000xi32, #tpu.memory_space<vmem>>, vector<16xi32>,
      %get3A_344 = vector.shape_cast %get3A_343 : vector<16xi32> to vector<16xi32>
      %swap3A_345 = arith.constant 48 : index
      %swap3A_346 = tpu.vector_load %arg10[%swap3A_345] {strides = array<i32>} : memref<80xi32, #tpu.memory_space<vmem>>, vector<16xi32>,
      %swap3A_347 = vector.shape_cast %swap3A_346 : vector<16xi32> to vector<16xi32>
      %swap3A_348 = vector.shape_cast %get3A_344 : vector<16xi32> to vector<16xi32>
      tpu.vector_store %arg10[%swap3A_345], %swap3A_348 {strides = array<i32>} : memref<80xi32, #tpu.memory_space<vmem>>, vector<16xi32>,
      %mul3A_349 = arith.constant 80 : i32
      %mul3A_350 = arith.muli %mul3A_180, %mul3A_349 : i32
      %add3A_351 = arith.constant 64 : i32
      %add3A_352 = arith.addi %mul3A_350, %add3A_351 : i32
      %get3A_353 = arith.index_cast %add3A_352 : i32 to index
      %get3A_354 = tpu.vector_load %arg7[%get3A_353] {strides = array<i32>} : memref<10000xi32, #tpu.memory_space<vmem>>, vector<16xi32>,
      %get3A_355 = vector.shape_cast %get3A_354 : vector<16xi32> to vector<16xi32>
      %swap3A_356 = arith.constant 64 : index
      %swap3A_357 = tpu.vector_load %arg10[%swap3A_356] {strides = array<i32>} : memref<80xi32, #tpu.memory_space<vmem>>, vector<16xi32>,
      %swap3A_358 = vector.shape_cast %swap3A_357 : vector<16xi32> to vector<16xi32>
      %swap3A_359 = vector.shape_cast %get3A_355 : vector<16xi32> to vector<16xi32>
      tpu.vector_store %arg10[%swap3A_356], %swap3A_359 {strides = array<i32>} : memref<80xi32, #tpu.memory_space<vmem>>, vector<16xi32>,
      %dma_start3A_360 = arith.constant 0 : i32
      %dma_start3A_361 = arith.constant 0 : i32
      %dma_start3A_362 = tpu.memref_slice %arg15[%dma_start3A_360, %dma_start3A_361] : memref<10000x128xf32, #tpu.memory_space<vmem_shared>> -> memref<10000x128xf32, #tpu.memory_space<vmem_shared>>
      tpu.enqueue_indirect_dma source(%arg12 : memref<80x128xf32, #tpu.memory_space<vmem>>) target(%dma_start3A_362 : memref<10000x128xf32, #tpu.memory_space<vmem_shared>>) offsets(%arg10 : memref<80xi32, #tpu.memory_space<vmem>>) semaphore(%arg18 : memref<!tpu.dma_semaphore, #tpu.memory_space<semaphore_mem>>) {add = true}
      %add3A_363 = arith.constant 1 : i32
      %add3A_364 = arith.addi %mul3A_180, %add3A_363 : i32
      %mul3A_365 = arith.constant 80 : i32
      %mul3A_366 = arith.muli %add3A_364, %mul3A_365 : i32
      %add3A_367 = arith.constant 0 : i32
      %add3A_368 = arith.addi %mul3A_366, %add3A_367 : i32
      %get3A_369 = arith.index_cast %add3A_368 : i32 to index
      %get3A_370 = tpu.vector_load %arg7[%get3A_369] {strides = array<i32>} : memref<10000xi32, #tpu.memory_space<vmem>>, vector<16xi32>,
      %get3A_371 = vector.shape_cast %get3A_370 : vector<16xi32> to vector<16xi32>
      %swap3A_372 = arith.constant 0 : index
      %swap3A_373 = tpu.vector_load %arg11[%swap3A_372] {strides = array<i32>} : memref<80xi32, #tpu.memory_space<vmem>>, vector<16xi32>,
      %swap3A_374 = vector.shape_cast %swap3A_373 : vector<16xi32> to vector<16xi32>
      %swap3A_375 = vector.shape_cast %get3A_371 : vector<16xi32> to vector<16xi32>
      tpu.vector_store %arg11[%swap3A_372], %swap3A_375 {strides = array<i32>} : memref<80xi32, #tpu.memory_space<vmem>>, vector<16xi32>,
      %mul3A_376 = arith.constant 80 : i32
      %mul3A_377 = arith.muli %add3A_364, %mul3A_376 : i32
      %add3A_378 = arith.constant 16 : i32
      %add3A_379 = arith.addi %mul3A_377, %add3A_378 : i32
      %get3A_380 = arith.index_cast %add3A_379 : i32 to index
      %get3A_381 = tpu.vector_load %arg7[%get3A_380] {strides = array<i32>} : memref<10000xi32, #tpu.memory_space<vmem>>, vector<16xi32>,
      %get3A_382 = vector.shape_cast %get3A_381 : vector<16xi32> to vector<16xi32>
      %swap3A_383 = arith.constant 16 : index
      %swap3A_384 = tpu.vector_load %arg11[%swap3A_383] {strides = array<i32>} : memref<80xi32, #tpu.memory_space<vmem>>, vector<16xi32>,
      %swap3A_385 = vector.shape_cast %swap3A_384 : vector<16xi32> to vector<16xi32>
      %swap3A_386 = vector.shape_cast %get3A_382 : vector<16xi32> to vector<16xi32>
      tpu.vector_store %arg11[%swap3A_383], %swap3A_386 {strides = array<i32>} : memref<80xi32, #tpu.memory_space<vmem>>, vector<16xi32>,
      %mul3A_387 = arith.constant 80 : i32
      %mul3A_388 = arith.muli %add3A_364, %mul3A_387 : i32
      %add3A_389 = arith.constant 32 : i32
      %add3A_390 = arith.addi %mul3A_388, %add3A_389 : i32
      %get3A_391 = arith.index_cast %add3A_390 : i32 to index
      %get3A_392 = tpu.vector_load %arg7[%get3A_391] {strides = array<i32>} : memref<10000xi32, #tpu.memory_space<vmem>>, vector<16xi32>,
      %get3A_393 = vector.shape_cast %get3A_392 : vector<16xi32> to vector<16xi32>
      %swap3A_394 = arith.constant 32 : index
      %swap3A_395 = tpu.vector_load %arg11[%swap3A_394] {strides = array<i32>} : memref<80xi32, #tpu.memory_space<vmem>>, vector<16xi32>,
      %swap3A_396 = vector.shape_cast %swap3A_395 : vector<16xi32> to vector<16xi32>
      %swap3A_397 = vector.shape_cast %get3A_393 : vector<16xi32> to vector<16xi32>
      tpu.vector_store %arg11[%swap3A_394], %swap3A_397 {strides = array<i32>} : memref<80xi32, #tpu.memory_space<vmem>>, vector<16xi32>,
      %mul3A_398 = arith.constant 80 : i32
      %mul3A_399 = arith.muli %add3A_364, %mul3A_398 : i32
      %add3A_400 = arith.constant 48 : i32
      %add3A_401 = arith.addi %mul3A_399, %add3A_400 : i32
      %get3A_402 = arith.index_cast %add3A_401 : i32 to index
      %get3A_403 = tpu.vector_load %arg7[%get3A_402] {strides = array<i32>} : memref<10000xi32, #tpu.memory_space<vmem>>, vector<16xi32>,
      %get3A_404 = vector.shape_cast %get3A_403 : vector<16xi32> to vector<16xi32>
      %swap3A_405 = arith.constant 48 : index
      %swap3A_406 = tpu.vector_load %arg11[%swap3A_405] {strides = array<i32>} : memref<80xi32, #tpu.memory_space<vmem>>, vector<16xi32>,
      %swap3A_407 = vector.shape_cast %swap3A_406 : vector<16xi32> to vector<16xi32>
      %swap3A_408 = vector.shape_cast %get3A_404 : vector<16xi32> to vector<16xi32>
      tpu.vector_store %arg11[%swap3A_405], %swap3A_408 {strides = array<i32>} : memref<80xi32, #tpu.memory_space<vmem>>, vector<16xi32>,
      %mul3A_409 = arith.constant 80 : i32
      %mul3A_410 = arith.muli %add3A_364, %mul3A_409 : i32
      %add3A_411 = arith.constant 64 : i32
      %add3A_412 = arith.addi %mul3A_410, %add3A_411 : i32
      %get3A_413 = arith.index_cast %add3A_412 : i32 to index
      %get3A_414 = tpu.vector_load %arg7[%get3A_413] {strides = array<i32>} : memref<10000xi32, #tpu.memory_space<vmem>>, vector<16xi32>,
      %get3A_415 = vector.shape_cast %get3A_414 : vector<16xi32> to vector<16xi32>
      %swap3A_416 = arith.constant 64 : index
      %swap3A_417 = tpu.vector_load %arg11[%swap3A_416] {strides = array<i32>} : memref<80xi32, #tpu.memory_space<vmem>>, vector<16xi32>,
      %swap3A_418 = vector.shape_cast %swap3A_417 : vector<16xi32> to vector<16xi32>
      %swap3A_419 = vector.shape_cast %get3A_415 : vector<16xi32> to vector<16xi32>
      tpu.vector_store %arg11[%swap3A_416], %swap3A_419 {strides = array<i32>} : memref<80xi32, #tpu.memory_space<vmem>>, vector<16xi32>,
      %dma_start3A_420 = arith.constant 0 : i32
      %dma_start3A_421 = arith.constant 0 : i32
      %dma_start3A_422 = tpu.memref_slice %arg15[%dma_start3A_420, %dma_start3A_421] : memref<10000x128xf32, #tpu.memory_space<vmem_shared>> -> memref<10000x128xf32, #tpu.memory_space<vmem_shared>>
      tpu.enqueue_indirect_dma source(%arg13 : memref<80x128xf32, #tpu.memory_space<vmem>>) target(%dma_start3A_422 : memref<10000x128xf32, #tpu.memory_space<vmem_shared>>) offsets(%arg11 : memref<80xi32, #tpu.memory_space<vmem>>) semaphore(%arg19 : memref<!tpu.dma_semaphore, #tpu.memory_space<semaphore_mem>>) {add = true}
      %dma_wait3A_423 = arith.constant 0 : i32
      %dma_wait3A_424 = arith.constant 0 : i32
      %dma_wait3A_425 = tpu.memref_slice %arg15[%dma_wait3A_423, %dma_wait3A_424] : memref<10000x128xf32, #tpu.memory_space<vmem_shared>> -> memref<10000x128xf32, #tpu.memory_space<vmem_shared>>
      tpu.wait_indirect_dma semaphore(%arg18 : memref<!tpu.dma_semaphore, #tpu.memory_space<semaphore_mem>>) src(%arg12 : memref<80x128xf32, #tpu.memory_space<vmem>>) dst(%dma_wait3A_425 : memref<10000x128xf32, #tpu.memory_space<vmem_shared>>)
      %dma_wait3A_426 = arith.constant 0 : i32
      %dma_wait3A_427 = arith.constant 0 : i32
      %dma_wait3A_428 = tpu.memref_slice %arg15[%dma_wait3A_426, %dma_wait3A_427] : memref<10000x128xf32, #tpu.memory_space<vmem_shared>> -> memref<10000x128xf32, #tpu.memory_space<vmem_shared>>
      tpu.wait_indirect_dma semaphore(%arg19 : memref<!tpu.dma_semaphore, #tpu.memory_space<semaphore_mem>>) src(%arg13 : memref<80x128xf32, #tpu.memory_space<vmem>>) dst(%dma_wait3A_428 : memref<10000x128xf32, #tpu.memory_space<vmem_shared>>)
    }
    %scan3A_87 = arith.constant 62 : i32
    %get3A = arith.constant 9920 : index
    %get3A_88 = tpu.vector_load %arg6[%get3A] {strides = array<i32>} : memref<10000xi32, #tpu.memory_space<vmem>>, vector<16xi32>,
    %get3A_89 = vector.shape_cast %get3A_88 : vector<16xi32> to vector<16xi32>
    %swap3A = arith.constant 0 : index
    %swap3A_90 = tpu.vector_load %arg8[%swap3A] {strides = array<i32>} : memref<80xi32, #tpu.memory_space<vmem>>, vector<16xi32>,
    %swap3A_91 = vector.shape_cast %swap3A_90 : vector<16xi32> to vector<16xi32>
    %swap3A_92 = vector.shape_cast %get3A_89 : vector<16xi32> to vector<16xi32>
    tpu.vector_store %arg8[%swap3A], %swap3A_92 {strides = array<i32>} : memref<80xi32, #tpu.memory_space<vmem>>, vector<16xi32>,
    %get3A_93 = arith.constant 9936 : index
    %get3A_94 = tpu.vector_load %arg6[%get3A_93] {strides = array<i32>} : memref<10000xi32, #tpu.memory_space<vmem>>, vector<16xi32>,
    %get3A_95 = vector.shape_cast %get3A_94 : vector<16xi32> to vector<16xi32>
    %swap3A_96 = arith.constant 16 : index
    %swap3A_97 = tpu.vector_load %arg8[%swap3A_96] {strides = array<i32>} : memref<80xi32, #tpu.memory_space<vmem>>, vector<16xi32>,
    %swap3A_98 = vector.shape_cast %swap3A_97 : vector<16xi32> to vector<16xi32>
    %swap3A_99 = vector.shape_cast %get3A_95 : vector<16xi32> to vector<16xi32>
    tpu.vector_store %arg8[%swap3A_96], %swap3A_99 {strides = array<i32>} : memref<80xi32, #tpu.memory_space<vmem>>, vector<16xi32>,
    %get3A_100 = arith.constant 9952 : index
    %get3A_101 = tpu.vector_load %arg6[%get3A_100] {strides = array<i32>} : memref<10000xi32, #tpu.memory_space<vmem>>, vector<16xi32>,
    %get3A_102 = vector.shape_cast %get3A_101 : vector<16xi32> to vector<16xi32>
    %swap3A_103 = arith.constant 32 : index
    %swap3A_104 = tpu.vector_load %arg8[%swap3A_103] {strides = array<i32>} : memref<80xi32, #tpu.memory_space<vmem>>, vector<16xi32>,
    %swap3A_105 = vector.shape_cast %swap3A_104 : vector<16xi32> to vector<16xi32>
    %swap3A_106 = vector.shape_cast %get3A_102 : vector<16xi32> to vector<16xi32>
    tpu.vector_store %arg8[%swap3A_103], %swap3A_106 {strides = array<i32>} : memref<80xi32, #tpu.memory_space<vmem>>, vector<16xi32>,
    %get3A_107 = arith.constant 9968 : index
    %get3A_108 = tpu.vector_load %arg6[%get3A_107] {strides = array<i32>} : memref<10000xi32, #tpu.memory_space<vmem>>, vector<16xi32>,
    %get3A_109 = vector.shape_cast %get3A_108 : vector<16xi32> to vector<16xi32>
    %swap3A_110 = arith.constant 48 : index
    %swap3A_111 = tpu.vector_load %arg8[%swap3A_110] {strides = array<i32>} : memref<80xi32, #tpu.memory_space<vmem>>, vector<16xi32>,
    %swap3A_112 = vector.shape_cast %swap3A_111 : vector<16xi32> to vector<16xi32>
    %swap3A_113 = vector.shape_cast %get3A_109 : vector<16xi32> to vector<16xi32>
    tpu.vector_store %arg8[%swap3A_110], %swap3A_113 {strides = array<i32>} : memref<80xi32, #tpu.memory_space<vmem>>, vector<16xi32>,
    %get3A_114 = arith.constant 9984 : index
    %get3A_115 = tpu.vector_load %arg6[%get3A_114] {strides = array<i32>} : memref<10000xi32, #tpu.memory_space<vmem>>, vector<16xi32>,
    %get3A_116 = vector.shape_cast %get3A_115 : vector<16xi32> to vector<16xi32>
    %swap3A_117 = arith.constant 64 : index
    %swap3A_118 = tpu.vector_load %arg8[%swap3A_117] {strides = array<i32>} : memref<80xi32, #tpu.memory_space<vmem>>, vector<16xi32>,
    %swap3A_119 = vector.shape_cast %swap3A_118 : vector<16xi32> to vector<16xi32>
    %swap3A_120 = vector.shape_cast %get3A_116 : vector<16xi32> to vector<16xi32>
    tpu.vector_store %arg8[%swap3A_117], %swap3A_120 {strides = array<i32>} : memref<80xi32, #tpu.memory_space<vmem>>, vector<16xi32>,
    %dma_start3A_121 = arith.constant 0 : i32
    %dma_start3A_122 = arith.constant 0 : i32
    %dma_start3A_123 = tpu.memref_slice %arg2[%dma_start3A_121, %dma_start3A_122] : memref<10000x128xf32, #tpu.memory_space<hbm>> -> memref<10000x128xf32, #tpu.memory_space<hbm>>
    tpu.enqueue_indirect_dma source(%dma_start3A_123 : memref<10000x128xf32, #tpu.memory_space<hbm>>) target(%arg12 : memref<80x128xf32, #tpu.memory_space<vmem>>) offsets(%arg8 : memref<80xi32, #tpu.memory_space<vmem>>) semaphore(%arg16 : memref<!tpu.dma_semaphore, #tpu.memory_space<semaphore_mem>>)
    %dma_wait3A_124 = arith.constant 0 : i32
    %dma_wait3A_125 = arith.constant 0 : i32
    %dma_wait3A_126 = tpu.memref_slice %arg2[%dma_wait3A_124, %dma_wait3A_125] : memref<10000x128xf32, #tpu.memory_space<hbm>> -> memref<10000x128xf32, #tpu.memory_space<hbm>>
    tpu.wait_indirect_dma semaphore(%arg16 : memref<!tpu.dma_semaphore, #tpu.memory_space<semaphore_mem>>) src(%dma_wait3A_126 : memref<10000x128xf32, #tpu.memory_space<hbm>>) dst(%arg12 : memref<80x128xf32, #tpu.memory_space<vmem>>)
    %get3A_127 = arith.constant 9920 : index
    %get3A_128 = tpu.vector_load %arg7[%get3A_127] {strides = array<i32>} : memref<10000xi32, #tpu.memory_space<vmem>>, vector<16xi32>,
    %get3A_129 = vector.shape_cast %get3A_128 : vector<16xi32> to vector<16xi32>
    %swap3A_130 = arith.constant 0 : index
    %swap3A_131 = tpu.vector_load %arg10[%swap3A_130] {strides = array<i32>} : memref<80xi32, #tpu.memory_space<vmem>>, vector<16xi32>,
    %swap3A_132 = vector.shape_cast %swap3A_131 : vector<16xi32> to vector<16xi32>
    %swap3A_133 = vector.shape_cast %get3A_129 : vector<16xi32> to vector<16xi32>
    tpu.vector_store %arg10[%swap3A_130], %swap3A_133 {strides = array<i32>} : memref<80xi32, #tpu.memory_space<vmem>>, vector<16xi32>,
    %get3A_134 = arith.constant 9936 : index
    %get3A_135 = tpu.vector_load %arg7[%get3A_134] {strides = array<i32>} : memref<10000xi32, #tpu.memory_space<vmem>>, vector<16xi32>,
    %get3A_136 = vector.shape_cast %get3A_135 : vector<16xi32> to vector<16xi32>
    %swap3A_137 = arith.constant 16 : index
    %swap3A_138 = tpu.vector_load %arg10[%swap3A_137] {strides = array<i32>} : memref<80xi32, #tpu.memory_space<vmem>>, vector<16xi32>,
    %swap3A_139 = vector.shape_cast %swap3A_138 : vector<16xi32> to vector<16xi32>
    %swap3A_140 = vector.shape_cast %get3A_136 : vector<16xi32> to vector<16xi32>
    tpu.vector_store %arg10[%swap3A_137], %swap3A_140 {strides = array<i32>} : memref<80xi32, #tpu.memory_space<vmem>>, vector<16xi32>,
    %get3A_141 = arith.constant 9952 : index
    %get3A_142 = tpu.vector_load %arg7[%get3A_141] {strides = array<i32>} : memref<10000xi32, #tpu.memory_space<vmem>>, vector<16xi32>,
    %get3A_143 = vector.shape_cast %get3A_142 : vector<16xi32> to vector<16xi32>
    %swap3A_144 = arith.constant 32 : index
    %swap3A_145 = tpu.vector_load %arg10[%swap3A_144] {strides = array<i32>} : memref<80xi32, #tpu.memory_space<vmem>>, vector<16xi32>,
    %swap3A_146 = vector.shape_cast %swap3A_145 : vector<16xi32> to vector<16xi32>
    %swap3A_147 = vector.shape_cast %get3A_143 : vector<16xi32> to vector<16xi32>
    tpu.vector_store %arg10[%swap3A_144], %swap3A_147 {strides = array<i32>} : memref<80xi32, #tpu.memory_space<vmem>>, vector<16xi32>,
    %get3A_148 = arith.constant 9968 : index
    %get3A_149 = tpu.vector_load %arg7[%get3A_148] {strides = array<i32>} : memref<10000xi32, #tpu.memory_space<vmem>>, vector<16xi32>,
    %get3A_150 = vector.shape_cast %get3A_149 : vector<16xi32> to vector<16xi32>
    %swap3A_151 = arith.constant 48 : index
    %swap3A_152 = tpu.vector_load %arg10[%swap3A_151] {strides = array<i32>} : memref<80xi32, #tpu.memory_space<vmem>>, vector<16xi32>,
    %swap3A_153 = vector.shape_cast %swap3A_152 : vector<16xi32> to vector<16xi32>
    %swap3A_154 = vector.shape_cast %get3A_150 : vector<16xi32> to vector<16xi32>
    tpu.vector_store %arg10[%swap3A_151], %swap3A_154 {strides = array<i32>} : memref<80xi32, #tpu.memory_space<vmem>>, vector<16xi32>,
    %get3A_155 = arith.constant 9984 : index
    %get3A_156 = tpu.vector_load %arg7[%get3A_155] {strides = array<i32>} : memref<10000xi32, #tpu.memory_space<vmem>>, vector<16xi32>,
    %get3A_157 = vector.shape_cast %get3A_156 : vector<16xi32> to vector<16xi32>
    %swap3A_158 = arith.constant 64 : index
    %swap3A_159 = tpu.vector_load %arg10[%swap3A_158] {strides = array<i32>} : memref<80xi32, #tpu.memory_space<vmem>>, vector<16xi32>,
    %swap3A_160 = vector.shape_cast %swap3A_159 : vector<16xi32> to vector<16xi32>
    %swap3A_161 = vector.shape_cast %get3A_157 : vector<16xi32> to vector<16xi32>
    tpu.vector_store %arg10[%swap3A_158], %swap3A_161 {strides = array<i32>} : memref<80xi32, #tpu.memory_space<vmem>>, vector<16xi32>,
    %dma_start3A_162 = arith.constant 0 : i32
    %dma_start3A_163 = arith.constant 0 : i32
    %dma_start3A_164 = tpu.memref_slice %arg15[%dma_start3A_162, %dma_start3A_163] : memref<10000x128xf32, #tpu.memory_space<vmem_shared>> -> memref<10000x128xf32, #tpu.memory_space<vmem_shared>>
    tpu.enqueue_indirect_dma source(%arg12 : memref<80x128xf32, #tpu.memory_space<vmem>>) target(%dma_start3A_164 : memref<10000x128xf32, #tpu.memory_space<vmem_shared>>) offsets(%arg10 : memref<80xi32, #tpu.memory_space<vmem>>) semaphore(%arg18 : memref<!tpu.dma_semaphore, #tpu.memory_space<semaphore_mem>>) {add = true}
    %dma_wait3A_165 = arith.constant 0 : i32
    %dma_wait3A_166 = arith.constant 0 : i32
    %dma_wait3A_167 = tpu.memref_slice %arg15[%dma_wait3A_165, %dma_wait3A_166] : memref<10000x128xf32, #tpu.memory_space<vmem_shared>> -> memref<10000x128xf32, #tpu.memory_space<vmem_shared>>
    tpu.wait_indirect_dma semaphore(%arg18 : memref<!tpu.dma_semaphore, #tpu.memory_space<semaphore_mem>>) src(%arg12 : memref<80x128xf32, #tpu.memory_space<vmem>>) dst(%dma_wait3A_167 : memref<10000x128xf32, #tpu.memory_space<vmem_shared>>)
    %barrier3A_168 = arith.constant 0 : index
    tpu.barrier barrier_id(%barrier3A_168)
    %mul3A_169 = arith.constant 624 : i32
    %mul3A_170 = arith.muli %arg1, %mul3A_169 : i32
    %mul3A_171 = arith.constant 624 : i32
    %mul3A_172 = arith.muli %arg1, %mul3A_171 : i32
    "tpu.region"() ({
      %run_scoped3A = tpu.sem_alloc : memref<!tpu.dma_semaphore, #tpu.memory_space<semaphore_mem>>
      %dma_start3A_178 = arith.constant 0 : i32
      %dma_start3A_179 = arith.constant 0 : i32
      %dma_start3A_180 = tpu.memref_slice %arg5[%arg0, %dma_start3A_178, %dma_start3A_179] : memref<2x10000x128xf32, #tpu.memory_space<hbm>> -> memref<1x10000x128xf32, #tpu.memory_space<hbm>>
      %dma_start3A_181 = tpu.memref_squeeze %dma_start3A_180 : memref<1x10000x128xf32, #tpu.memory_space<hbm>> -> memref<10000x128xf32, #tpu.memory_space<hbm>>
      %dma_start3A_182 = arith.constant 0 : i32
      %dma_start3A_183 = tpu.memref_slice %dma_start3A_181[%mul3A_172, %dma_start3A_182] : memref<10000x128xf32, #tpu.memory_space<hbm>> -> memref<624x128xf32, #tpu.memory_space<hbm>>
      %dma_start3A_184 = arith.constant 0 : i32
      %dma_start3A_185 = tpu.memref_slice %arg15[%mul3A_170, %dma_start3A_184] : memref<10000x128xf32, #tpu.memory_space<vmem_shared>> -> memref<624x128xf32, #tpu.memory_space<vmem_shared>>
      tpu.enqueue_dma source(%dma_start3A_185 : memref<624x128xf32, #tpu.memory_space<vmem_shared>>) target(%dma_start3A_183 : memref<624x128xf32, #tpu.memory_space<hbm>>) target_semaphore(%run_scoped3A : memref<!tpu.dma_semaphore, #tpu.memory_space<semaphore_mem>>)
      %dma_wait3A_186 = arith.constant 0 : i32
      %dma_wait3A_187 = arith.constant 0 : i32
      %dma_wait3A_188 = tpu.memref_slice %arg5[%arg0, %dma_wait3A_186, %dma_wait3A_187] : memref<2x10000x128xf32, #tpu.memory_space<hbm>> -> memref<1x10000x128xf32, #tpu.memory_space<hbm>>
      %dma_wait3A_189 = tpu.memref_squeeze %dma_wait3A_188 : memref<1x10000x128xf32, #tpu.memory_space<hbm>> -> memref<10000x128xf32, #tpu.memory_space<hbm>>
      %dma_wait3A_190 = arith.constant 0 : i32
      %dma_wait3A_191 = tpu.memref_slice %dma_wait3A_189[%mul3A_172, %dma_wait3A_190] : memref<10000x128xf32, #tpu.memory_space<hbm>> -> memref<624x128xf32, #tpu.memory_space<hbm>>
      %dma_wait3A_192 = arith.constant 0 : i32
      %dma_wait3A_193 = tpu.memref_slice %arg15[%mul3A_170, %dma_wait3A_192] : memref<10000x128xf32, #tpu.memory_space<vmem_shared>> -> memref<624x128xf32, #tpu.memory_space<vmem_shared>>
      tpu.wait_dma2 semaphore(%run_scoped3A : memref<!tpu.dma_semaphore, #tpu.memory_space<semaphore_mem>>) src(%dma_wait3A_193 : memref<624x128xf32, #tpu.memory_space<vmem_shared>>) dst(%dma_wait3A_191 : memref<624x128xf32, #tpu.memory_space<hbm>>)
      tpu.yield
    }) : () -> ()
    %eq3A_173 = arith.constant 15 : i32
    %eq3A_174 = arith.cmpi eq, %arg1, %eq3A_173 : i32
    %convert_element_type3A_175 = arith.extui %eq3A_174 : i1 to i32
    %cond3A_176 = arith.constant 0 : i32
    %cond3A_177 = arith.cmpi ne, %convert_element_type3A_175, %cond3A_176 : i32
    scf.if %cond3A_177 {
      "tpu.region"() ({
        %run_scoped3A = tpu.sem_alloc : memref<!tpu.dma_semaphore, #tpu.memory_space<semaphore_mem>>
        %dma_start3A_178 = arith.constant 0 : i32
        %dma_start3A_179 = arith.constant 0 : i32
        %dma_start3A_180 = tpu.memref_slice %arg5[%arg0, %dma_start3A_178, %dma_start3A_179] : memref<2x10000x128xf32, #tpu.memory_space<hbm>> -> memref<1x10000x128xf32, #tpu.memory_space<hbm>>
        %dma_start3A_181 = tpu.memref_squeeze %dma_start3A_180 : memref<1x10000x128xf32, #tpu.memory_space<hbm>> -> memref<10000x128xf32, #tpu.memory_space<hbm>>
        %dma_start3A_182 = arith.constant 9984 : i32
        %dma_start3A_183 = arith.constant 0 : i32
        %dma_start3A_184 = tpu.memref_slice %dma_start3A_181[%dma_start3A_182, %dma_start3A_183] : memref<10000x128xf32, #tpu.memory_space<hbm>> -> memref<16x128xf32, #tpu.memory_space<hbm>>
        %dma_start3A_185 = arith.constant 9984 : i32
        %dma_start3A_186 = arith.constant 0 : i32
        %dma_start3A_187 = tpu.memref_slice %arg15[%dma_start3A_185, %dma_start3A_186] : memref<10000x128xf32, #tpu.memory_space<vmem_shared>> -> memref<16x128xf32, #tpu.memory_space<vmem_shared>>
        tpu.enqueue_dma source(%dma_start3A_187 : memref<16x128xf32, #tpu.memory_space<vmem_shared>>) target(%dma_start3A_184 : memref<16x128xf32, #tpu.memory_space<hbm>>) target_semaphore(%run_scoped3A : memref<!tpu.dma_semaphore, #tpu.memory_space<semaphore_mem>>)
        %dma_wait3A_188 = arith.constant 0 : i32
        %dma_wait3A_189 = arith.constant 0 : i32
        %dma_wait3A_190 = tpu.memref_slice %arg5[%arg0, %dma_wait3A_188, %dma_wait3A_189] : memref<2x10000x128xf32, #tpu.memory_space<hbm>> -> memref<1x10000x128xf32, #tpu.memory_space<hbm>>
        %dma_wait3A_191 = tpu.memref_squeeze %dma_wait3A_190 : memref<1x10000x128xf32, #tpu.memory_space<hbm>> -> memref<10000x128xf32, #tpu.memory_space<hbm>>
        %dma_wait3A_192 = arith.constant 9984 : i32
        %dma_wait3A_193 = arith.constant 0 : i32
        %dma_wait3A_194 = tpu.memref_slice %dma_wait3A_191[%dma_wait3A_192, %dma_wait3A_193] : memref<10000x128xf32, #tpu.memory_space<hbm>> -> memref<16x128xf32, #tpu.memory_space<hbm>>
        %dma_wait3A_195 = arith.constant 9984 : i32
        %dma_wait3A_196 = arith.constant 0 : i32
        %dma_wait3A_197 = tpu.memref_slice %arg15[%dma_wait3A_195, %dma_wait3A_196] : memref<10000x128xf32, #tpu.memory_space<vmem_shared>> -> memref<16x128xf32, #tpu.memory_space<vmem_shared>>
        tpu.wait_dma2 semaphore(%run_scoped3A : memref<!tpu.dma_semaphore, #tpu.memory_space<semaphore_mem>>) src(%dma_wait3A_197 : memref<16x128xf32, #tpu.memory_space<vmem_shared>>) dst(%dma_wait3A_194 : memref<16x128xf32, #tpu.memory_space<hbm>>)
        tpu.yield
      }) : () -> ()
    } else {
    }
    return
  }
}

#map = affine_map<(d0, d1) -> (0, 0)>
#map1 = affine_map<(d0, d1) -> (0, 0, 0)>
module attributes {stable_mosaic.version = 14 : i64} {
  func.func @_prop_body(%arg0: i32, %arg1: i32, %arg2: memref<10000x128xf32, #tpu.memory_space<hbm>>, %arg3: memref<32x10000xi32, #tpu.memory_space<hbm>>, %arg4: memref<32x10000xi32, #tpu.memory_space<hbm>>, %arg5: memref<2x10000x128xf32, #tpu.memory_space<hbm>>, %arg6: memref<10000xi32, #tpu.memory_space<vmem>>, %arg7: memref<10000xi32, #tpu.memory_space<vmem>>, %arg8: memref<80xi32, #tpu.memory_space<vmem>>, %arg9: memref<80xi32, #tpu.memory_space<vmem>>, %arg10: memref<80xi32, #tpu.memory_space<vmem>>, %arg11: memref<80xi32, #tpu.memory_space<vmem>>, %arg12: memref<80x128xf32, #tpu.memory_space<vmem>>, %arg13: memref<80x128xf32, #tpu.memory_space<vmem>>, %arg14: memref<48x128xf32, #tpu.memory_space<vmem>>, %arg15: memref<10000x128xf32, #tpu.memory_space<vmem_shared>>, %arg16: memref<!tpu.dma_semaphore, #tpu.memory_space<semaphore_mem>>, %arg17: memref<!tpu.dma_semaphore, #tpu.memory_space<semaphore_mem>>, %arg18: memref<!tpu.dma_semaphore, #tpu.memory_space<semaphore_mem>>, %arg19: memref<!tpu.dma_semaphore, #tpu.memory_space<semaphore_mem>>) attributes {dimension_semantics = [#tpu.dimension_semantics<core_parallel>, #tpu.dimension_semantics<subcore_parallel>], iteration_bounds = array<i64: 2, 16>, scalar_prefetch = 0 : i64, scratch_operands = 14 : i64, tpu.core_type = #tpu.core_type<sc_vector_subcore>, window_params = [{transform_indices = #map}, {transform_indices = #map}, {transform_indices = #map}, {transform_indices = #map1}]} {
    %mul3A = arith.constant 16 : i32
    %mul3A_0 = arith.muli %arg0, %mul3A : i32
    %add3A = arith.addi %mul3A_0, %arg1 : i32
    %dma_start3A = arith.constant 0 : i32
    %dma_start3A_1 = tpu.memref_slice %arg3[%add3A, %dma_start3A] : memref<32x10000xi32, #tpu.memory_space<hbm>> -> memref<1x10000xi32, #tpu.memory_space<hbm>>
    %dma_start3A_2 = tpu.memref_squeeze %dma_start3A_1 : memref<1x10000xi32, #tpu.memory_space<hbm>> -> memref<10000xi32, #tpu.memory_space<hbm>>
    %dma_start3A_3 = arith.constant 0 : i32
    %dma_start3A_4 = tpu.memref_slice %arg3[%add3A, %dma_start3A_3] : memref<32x10000xi32, #tpu.memory_space<hbm>> -> memref<1x10000xi32, #tpu.memory_space<hbm>>
    %dma_start3A_5 = tpu.memref_squeeze %dma_start3A_4 : memref<1x10000xi32, #tpu.memory_space<hbm>> -> memref<10000xi32, #tpu.memory_space<hbm>>
    tpu.enqueue_dma source(%dma_start3A_5 : memref<10000xi32, #tpu.memory_space<hbm>>) target(%arg6 : memref<10000xi32, #tpu.memory_space<vmem>>) target_semaphore(%arg16 : memref<!tpu.dma_semaphore, #tpu.memory_space<semaphore_mem>>)
    %dma_start3A_6 = arith.constant 0 : i32
    %dma_start3A_7 = tpu.memref_slice %arg4[%add3A, %dma_start3A_6] : memref<32x10000xi32, #tpu.memory_space<hbm>> -> memref<1x10000xi32, #tpu.memory_space<hbm>>
    %dma_start3A_8 = tpu.memref_squeeze %dma_start3A_7 : memref<1x10000xi32, #tpu.memory_space<hbm>> -> memref<10000xi32, #tpu.memory_space<hbm>>
    %dma_start3A_9 = arith.constant 0 : i32
    %dma_start3A_10 = tpu.memref_slice %arg4[%add3A, %dma_start3A_9] : memref<32x10000xi32, #tpu.memory_space<hbm>> -> memref<1x10000xi32, #tpu.memory_space<hbm>>
    %dma_start3A_11 = tpu.memref_squeeze %dma_start3A_10 : memref<1x10000xi32, #tpu.memory_space<hbm>> -> memref<10000xi32, #tpu.memory_space<hbm>>
    tpu.enqueue_dma source(%dma_start3A_11 : memref<10000xi32, #tpu.memory_space<hbm>>) target(%arg7 : memref<10000xi32, #tpu.memory_space<vmem>>) target_semaphore(%arg17 : memref<!tpu.dma_semaphore, #tpu.memory_space<semaphore_mem>>)
    %scan3A = arith.constant 0 : i32
    %scan3A_12 = arith.constant 0 : i32
    %scan3A_13 = arith.constant 48 : i32
    %scan3A_14 = arith.addi %scan3A_12, %scan3A_13 : i32
    %scan3A_15 = arith.constant 1 : i32
    scf.for %scan3A_178 = %scan3A_12 to %scan3A_14 step %scan3A_15  : i32 {
      %broadcast_in_dim3A = arith.constant 0.000000e+00 : f32
      %broadcast_in_dim3A_179 = vector.broadcast %broadcast_in_dim3A : f32 to vector<16xf32>
      %swap3A_180 = arith.index_cast %scan3A_178 : i32 to index
      %swap3A_181 = arith.constant 0 : index
      %swap3A_182 = tpu.vector_load %arg14[%swap3A_180, %swap3A_181] {strides = array<i32>} : memref<48x128xf32, #tpu.memory_space<vmem>>, vector<1x16xf32>,
      %swap3A_183 = vector.shape_cast %swap3A_182 : vector<1x16xf32> to vector<16xf32>
      %swap3A_184 = vector.shape_cast %broadcast_in_dim3A_179 : vector<16xf32> to vector<1x16xf32>
      tpu.vector_store %arg14[%swap3A_180, %swap3A_181], %swap3A_184 {strides = array<i32>} : memref<48x128xf32, #tpu.memory_space<vmem>>, vector<1x16xf32>,
      %broadcast_in_dim3A_185 = arith.constant 0.000000e+00 : f32
      %broadcast_in_dim3A_186 = vector.broadcast %broadcast_in_dim3A_185 : f32 to vector<16xf32>
      %swap3A_187 = arith.index_cast %scan3A_178 : i32 to index
      %swap3A_188 = arith.constant 16 : index
      %swap3A_189 = tpu.vector_load %arg14[%swap3A_187, %swap3A_188] {strides = array<i32>} : memref<48x128xf32, #tpu.memory_space<vmem>>, vector<1x16xf32>,
      %swap3A_190 = vector.shape_cast %swap3A_189 : vector<1x16xf32> to vector<16xf32>
      %swap3A_191 = vector.shape_cast %broadcast_in_dim3A_186 : vector<16xf32> to vector<1x16xf32>
      tpu.vector_store %arg14[%swap3A_187, %swap3A_188], %swap3A_191 {strides = array<i32>} : memref<48x128xf32, #tpu.memory_space<vmem>>, vector<1x16xf32>,
      %broadcast_in_dim3A_192 = arith.constant 0.000000e+00 : f32
      %broadcast_in_dim3A_193 = vector.broadcast %broadcast_in_dim3A_192 : f32 to vector<16xf32>
      %swap3A_194 = arith.index_cast %scan3A_178 : i32 to index
      %swap3A_195 = arith.constant 32 : index
      %swap3A_196 = tpu.vector_load %arg14[%swap3A_194, %swap3A_195] {strides = array<i32>} : memref<48x128xf32, #tpu.memory_space<vmem>>, vector<1x16xf32>,
      %swap3A_197 = vector.shape_cast %swap3A_196 : vector<1x16xf32> to vector<16xf32>
      %swap3A_198 = vector.shape_cast %broadcast_in_dim3A_193 : vector<16xf32> to vector<1x16xf32>
      tpu.vector_store %arg14[%swap3A_194, %swap3A_195], %swap3A_198 {strides = array<i32>} : memref<48x128xf32, #tpu.memory_space<vmem>>, vector<1x16xf32>,
      %broadcast_in_dim3A_199 = arith.constant 0.000000e+00 : f32
      %broadcast_in_dim3A_200 = vector.broadcast %broadcast_in_dim3A_199 : f32 to vector<16xf32>
      %swap3A_201 = arith.index_cast %scan3A_178 : i32 to index
      %swap3A_202 = arith.constant 48 : index
      %swap3A_203 = tpu.vector_load %arg14[%swap3A_201, %swap3A_202] {strides = array<i32>} : memref<48x128xf32, #tpu.memory_space<vmem>>, vector<1x16xf32>,
      %swap3A_204 = vector.shape_cast %swap3A_203 : vector<1x16xf32> to vector<16xf32>
      %swap3A_205 = vector.shape_cast %broadcast_in_dim3A_200 : vector<16xf32> to vector<1x16xf32>
      tpu.vector_store %arg14[%swap3A_201, %swap3A_202], %swap3A_205 {strides = array<i32>} : memref<48x128xf32, #tpu.memory_space<vmem>>, vector<1x16xf32>,
      %broadcast_in_dim3A_206 = arith.constant 0.000000e+00 : f32
      %broadcast_in_dim3A_207 = vector.broadcast %broadcast_in_dim3A_206 : f32 to vector<16xf32>
      %swap3A_208 = arith.index_cast %scan3A_178 : i32 to index
      %swap3A_209 = arith.constant 64 : index
      %swap3A_210 = tpu.vector_load %arg14[%swap3A_208, %swap3A_209] {strides = array<i32>} : memref<48x128xf32, #tpu.memory_space<vmem>>, vector<1x16xf32>,
      %swap3A_211 = vector.shape_cast %swap3A_210 : vector<1x16xf32> to vector<16xf32>
      %swap3A_212 = vector.shape_cast %broadcast_in_dim3A_207 : vector<16xf32> to vector<1x16xf32>
      tpu.vector_store %arg14[%swap3A_208, %swap3A_209], %swap3A_212 {strides = array<i32>} : memref<48x128xf32, #tpu.memory_space<vmem>>, vector<1x16xf32>,
      %broadcast_in_dim3A_213 = arith.constant 0.000000e+00 : f32
      %broadcast_in_dim3A_214 = vector.broadcast %broadcast_in_dim3A_213 : f32 to vector<16xf32>
      %swap3A_215 = arith.index_cast %scan3A_178 : i32 to index
      %swap3A_216 = arith.constant 80 : index
      %swap3A_217 = tpu.vector_load %arg14[%swap3A_215, %swap3A_216] {strides = array<i32>} : memref<48x128xf32, #tpu.memory_space<vmem>>, vector<1x16xf32>,
      %swap3A_218 = vector.shape_cast %swap3A_217 : vector<1x16xf32> to vector<16xf32>
      %swap3A_219 = vector.shape_cast %broadcast_in_dim3A_214 : vector<16xf32> to vector<1x16xf32>
      tpu.vector_store %arg14[%swap3A_215, %swap3A_216], %swap3A_219 {strides = array<i32>} : memref<48x128xf32, #tpu.memory_space<vmem>>, vector<1x16xf32>,
      %broadcast_in_dim3A_220 = arith.constant 0.000000e+00 : f32
      %broadcast_in_dim3A_221 = vector.broadcast %broadcast_in_dim3A_220 : f32 to vector<16xf32>
      %swap3A_222 = arith.index_cast %scan3A_178 : i32 to index
      %swap3A_223 = arith.constant 96 : index
      %swap3A_224 = tpu.vector_load %arg14[%swap3A_222, %swap3A_223] {strides = array<i32>} : memref<48x128xf32, #tpu.memory_space<vmem>>, vector<1x16xf32>,
      %swap3A_225 = vector.shape_cast %swap3A_224 : vector<1x16xf32> to vector<16xf32>
      %swap3A_226 = vector.shape_cast %broadcast_in_dim3A_221 : vector<16xf32> to vector<1x16xf32>
      tpu.vector_store %arg14[%swap3A_222, %swap3A_223], %swap3A_226 {strides = array<i32>} : memref<48x128xf32, #tpu.memory_space<vmem>>, vector<1x16xf32>,
      %broadcast_in_dim3A_227 = arith.constant 0.000000e+00 : f32
      %broadcast_in_dim3A_228 = vector.broadcast %broadcast_in_dim3A_227 : f32 to vector<16xf32>
      %swap3A_229 = arith.index_cast %scan3A_178 : i32 to index
      %swap3A_230 = arith.constant 112 : index
      %swap3A_231 = tpu.vector_load %arg14[%swap3A_229, %swap3A_230] {strides = array<i32>} : memref<48x128xf32, #tpu.memory_space<vmem>>, vector<1x16xf32>,
      %swap3A_232 = vector.shape_cast %swap3A_231 : vector<1x16xf32> to vector<16xf32>
      %swap3A_233 = vector.shape_cast %broadcast_in_dim3A_228 : vector<16xf32> to vector<1x16xf32>
      tpu.vector_store %arg14[%swap3A_229, %swap3A_230], %swap3A_233 {strides = array<i32>} : memref<48x128xf32, #tpu.memory_space<vmem>>, vector<1x16xf32>,
    }
    %scan3A_16 = arith.constant 48 : i32
    %mul3A_17 = arith.constant 624 : i32
    %mul3A_18 = arith.muli %arg1, %mul3A_17 : i32
    %add3A_19 = arith.constant 0 : i32
    %add3A_20 = arith.addi %mul3A_18, %add3A_19 : i32
    "tpu.region"() ({
      %run_scoped3A = tpu.sem_alloc : memref<!tpu.dma_semaphore, #tpu.memory_space<semaphore_mem>>
      %dma_start3A_178 = arith.constant 0 : i32
      %dma_start3A_179 = arith.constant 0 : i32
      %dma_start3A_180 = tpu.memref_slice %arg14[%dma_start3A_178, %dma_start3A_179] : memref<48x128xf32, #tpu.memory_space<vmem>> -> memref<48x128xf32, #tpu.memory_space<vmem>>
      %dma_start3A_181 = arith.constant 0 : i32
      %dma_start3A_182 = tpu.memref_slice %arg15[%add3A_20, %dma_start3A_181] : memref<10000x128xf32, #tpu.memory_space<vmem_shared>> -> memref<48x128xf32, #tpu.memory_space<vmem_shared>>
      %dma_start3A_183 = arith.constant 0 : i32
      %dma_start3A_184 = tpu.memref_slice %arg15[%add3A_20, %dma_start3A_183] : memref<10000x128xf32, #tpu.memory_space<vmem_shared>> -> memref<48x128xf32, #tpu.memory_space<vmem_shared>>
      %dma_start3A_185 = arith.constant 0 : i32
      %dma_start3A_186 = arith.constant 0 : i32
      %dma_start3A_187 = tpu.memref_slice %arg14[%dma_start3A_185, %dma_start3A_186] : memref<48x128xf32, #tpu.memory_space<vmem>> -> memref<48x128xf32, #tpu.memory_space<vmem>>
      tpu.enqueue_dma source(%dma_start3A_187 : memref<48x128xf32, #tpu.memory_space<vmem>>) target(%dma_start3A_184 : memref<48x128xf32, #tpu.memory_space<vmem_shared>>) target_semaphore(%run_scoped3A : memref<!tpu.dma_semaphore, #tpu.memory_space<semaphore_mem>>)
      %dma_wait3A_188 = arith.constant 0 : i32
      %dma_wait3A_189 = arith.constant 0 : i32
      %dma_wait3A_190 = tpu.memref_slice %arg14[%dma_wait3A_188, %dma_wait3A_189] : memref<48x128xf32, #tpu.memory_space<vmem>> -> memref<48x128xf32, #tpu.memory_space<vmem>>
      %dma_wait3A_191 = arith.constant 0 : i32
      %dma_wait3A_192 = tpu.memref_slice %arg15[%add3A_20, %dma_wait3A_191] : memref<10000x128xf32, #tpu.memory_space<vmem_shared>> -> memref<48x128xf32, #tpu.memory_space<vmem_shared>>
      %dma_wait3A_193 = arith.constant 0 : i32
      %dma_wait3A_194 = tpu.memref_slice %arg15[%add3A_20, %dma_wait3A_193] : memref<10000x128xf32, #tpu.memory_space<vmem_shared>> -> memref<48x128xf32, #tpu.memory_space<vmem_shared>>
      %dma_wait3A_195 = arith.constant 0 : i32
      %dma_wait3A_196 = arith.constant 0 : i32
      %dma_wait3A_197 = tpu.memref_slice %arg14[%dma_wait3A_195, %dma_wait3A_196] : memref<48x128xf32, #tpu.memory_space<vmem>> -> memref<48x128xf32, #tpu.memory_space<vmem>>
      tpu.wait_dma2 semaphore(%run_scoped3A : memref<!tpu.dma_semaphore, #tpu.memory_space<semaphore_mem>>) src(%dma_wait3A_197 : memref<48x128xf32, #tpu.memory_space<vmem>>) dst(%dma_wait3A_194 : memref<48x128xf32, #tpu.memory_space<vmem_shared>>)
      tpu.yield
    }) : () -> ()
    %mul3A_21 = arith.constant 624 : i32
    %mul3A_22 = arith.muli %arg1, %mul3A_21 : i32
    %add3A_23 = arith.constant 48 : i32
    %add3A_24 = arith.addi %mul3A_22, %add3A_23 : i32
    "tpu.region"() ({
      %run_scoped3A = tpu.sem_alloc : memref<!tpu.dma_semaphore, #tpu.memory_space<semaphore_mem>>
      %dma_start3A_178 = arith.constant 0 : i32
      %dma_start3A_179 = arith.constant 0 : i32
      %dma_start3A_180 = tpu.memref_slice %arg14[%dma_start3A_178, %dma_start3A_179] : memref<48x128xf32, #tpu.memory_space<vmem>> -> memref<48x128xf32, #tpu.memory_space<vmem>>
      %dma_start3A_181 = arith.constant 0 : i32
      %dma_start3A_182 = tpu.memref_slice %arg15[%add3A_24, %dma_start3A_181] : memref<10000x128xf32, #tpu.memory_space<vmem_shared>> -> memref<48x128xf32, #tpu.memory_space<vmem_shared>>
      %dma_start3A_183 = arith.constant 0 : i32
      %dma_start3A_184 = tpu.memref_slice %arg15[%add3A_24, %dma_start3A_183] : memref<10000x128xf32, #tpu.memory_space<vmem_shared>> -> memref<48x128xf32, #tpu.memory_space<vmem_shared>>
      %dma_start3A_185 = arith.constant 0 : i32
      %dma_start3A_186 = arith.constant 0 : i32
      %dma_start3A_187 = tpu.memref_slice %arg14[%dma_start3A_185, %dma_start3A_186] : memref<48x128xf32, #tpu.memory_space<vmem>> -> memref<48x128xf32, #tpu.memory_space<vmem>>
      tpu.enqueue_dma source(%dma_start3A_187 : memref<48x128xf32, #tpu.memory_space<vmem>>) target(%dma_start3A_184 : memref<48x128xf32, #tpu.memory_space<vmem_shared>>) target_semaphore(%run_scoped3A : memref<!tpu.dma_semaphore, #tpu.memory_space<semaphore_mem>>)
      %dma_wait3A_188 = arith.constant 0 : i32
      %dma_wait3A_189 = arith.constant 0 : i32
      %dma_wait3A_190 = tpu.memref_slice %arg14[%dma_wait3A_188, %dma_wait3A_189] : memref<48x128xf32, #tpu.memory_space<vmem>> -> memref<48x128xf32, #tpu.memory_space<vmem>>
      %dma_wait3A_191 = arith.constant 0 : i32
      %dma_wait3A_192 = tpu.memref_slice %arg15[%add3A_24, %dma_wait3A_191] : memref<10000x128xf32, #tpu.memory_space<vmem_shared>> -> memref<48x128xf32, #tpu.memory_space<vmem_shared>>
      %dma_wait3A_193 = arith.constant 0 : i32
      %dma_wait3A_194 = tpu.memref_slice %arg15[%add3A_24, %dma_wait3A_193] : memref<10000x128xf32, #tpu.memory_space<vmem_shared>> -> memref<48x128xf32, #tpu.memory_space<vmem_shared>>
      %dma_wait3A_195 = arith.constant 0 : i32
      %dma_wait3A_196 = arith.constant 0 : i32
      %dma_wait3A_197 = tpu.memref_slice %arg14[%dma_wait3A_195, %dma_wait3A_196] : memref<48x128xf32, #tpu.memory_space<vmem>> -> memref<48x128xf32, #tpu.memory_space<vmem>>
      tpu.wait_dma2 semaphore(%run_scoped3A : memref<!tpu.dma_semaphore, #tpu.memory_space<semaphore_mem>>) src(%dma_wait3A_197 : memref<48x128xf32, #tpu.memory_space<vmem>>) dst(%dma_wait3A_194 : memref<48x128xf32, #tpu.memory_space<vmem_shared>>)
      tpu.yield
    }) : () -> ()
    %mul3A_25 = arith.constant 624 : i32
    %mul3A_26 = arith.muli %arg1, %mul3A_25 : i32
    %add3A_27 = arith.constant 96 : i32
    %add3A_28 = arith.addi %mul3A_26, %add3A_27 : i32
    "tpu.region"() ({
      %run_scoped3A = tpu.sem_alloc : memref<!tpu.dma_semaphore, #tpu.memory_space<semaphore_mem>>
      %dma_start3A_178 = arith.constant 0 : i32
      %dma_start3A_179 = arith.constant 0 : i32
      %dma_start3A_180 = tpu.memref_slice %arg14[%dma_start3A_178, %dma_start3A_179] : memref<48x128xf32, #tpu.memory_space<vmem>> -> memref<48x128xf32, #tpu.memory_space<vmem>>
      %dma_start3A_181 = arith.constant 0 : i32
      %dma_start3A_182 = tpu.memref_slice %arg15[%add3A_28, %dma_start3A_181] : memref<10000x128xf32, #tpu.memory_space<vmem_shared>> -> memref<48x128xf32, #tpu.memory_space<vmem_shared>>
      %dma_start3A_183 = arith.constant 0 : i32
      %dma_start3A_184 = tpu.memref_slice %arg15[%add3A_28, %dma_start3A_183] : memref<10000x128xf32, #tpu.memory_space<vmem_shared>> -> memref<48x128xf32, #tpu.memory_space<vmem_shared>>
      %dma_start3A_185 = arith.constant 0 : i32
      %dma_start3A_186 = arith.constant 0 : i32
      %dma_start3A_187 = tpu.memref_slice %arg14[%dma_start3A_185, %dma_start3A_186] : memref<48x128xf32, #tpu.memory_space<vmem>> -> memref<48x128xf32, #tpu.memory_space<vmem>>
      tpu.enqueue_dma source(%dma_start3A_187 : memref<48x128xf32, #tpu.memory_space<vmem>>) target(%dma_start3A_184 : memref<48x128xf32, #tpu.memory_space<vmem_shared>>) target_semaphore(%run_scoped3A : memref<!tpu.dma_semaphore, #tpu.memory_space<semaphore_mem>>)
      %dma_wait3A_188 = arith.constant 0 : i32
      %dma_wait3A_189 = arith.constant 0 : i32
      %dma_wait3A_190 = tpu.memref_slice %arg14[%dma_wait3A_188, %dma_wait3A_189] : memref<48x128xf32, #tpu.memory_space<vmem>> -> memref<48x128xf32, #tpu.memory_space<vmem>>
      %dma_wait3A_191 = arith.constant 0 : i32
      %dma_wait3A_192 = tpu.memref_slice %arg15[%add3A_28, %dma_wait3A_191] : memref<10000x128xf32, #tpu.memory_space<vmem_shared>> -> memref<48x128xf32, #tpu.memory_space<vmem_shared>>
      %dma_wait3A_193 = arith.constant 0 : i32
      %dma_wait3A_194 = tpu.memref_slice %arg15[%add3A_28, %dma_wait3A_193] : memref<10000x128xf32, #tpu.memory_space<vmem_shared>> -> memref<48x128xf32, #tpu.memory_space<vmem_shared>>
      %dma_wait3A_195 = arith.constant 0 : i32
      %dma_wait3A_196 = arith.constant 0 : i32
      %dma_wait3A_197 = tpu.memref_slice %arg14[%dma_wait3A_195, %dma_wait3A_196] : memref<48x128xf32, #tpu.memory_space<vmem>> -> memref<48x128xf32, #tpu.memory_space<vmem>>
      tpu.wait_dma2 semaphore(%run_scoped3A : memref<!tpu.dma_semaphore, #tpu.memory_space<semaphore_mem>>) src(%dma_wait3A_197 : memref<48x128xf32, #tpu.memory_space<vmem>>) dst(%dma_wait3A_194 : memref<48x128xf32, #tpu.memory_space<vmem_shared>>)
      tpu.yield
    }) : () -> ()
    %mul3A_29 = arith.constant 624 : i32
    %mul3A_30 = arith.muli %arg1, %mul3A_29 : i32
    %add3A_31 = arith.constant 144 : i32
    %add3A_32 = arith.addi %mul3A_30, %add3A_31 : i32
    "tpu.region"() ({
      %run_scoped3A = tpu.sem_alloc : memref<!tpu.dma_semaphore, #tpu.memory_space<semaphore_mem>>
      %dma_start3A_178 = arith.constant 0 : i32
      %dma_start3A_179 = arith.constant 0 : i32
      %dma_start3A_180 = tpu.memref_slice %arg14[%dma_start3A_178, %dma_start3A_179] : memref<48x128xf32, #tpu.memory_space<vmem>> -> memref<48x128xf32, #tpu.memory_space<vmem>>
      %dma_start3A_181 = arith.constant 0 : i32
      %dma_start3A_182 = tpu.memref_slice %arg15[%add3A_32, %dma_start3A_181] : memref<10000x128xf32, #tpu.memory_space<vmem_shared>> -> memref<48x128xf32, #tpu.memory_space<vmem_shared>>
      %dma_start3A_183 = arith.constant 0 : i32
      %dma_start3A_184 = tpu.memref_slice %arg15[%add3A_32, %dma_start3A_183] : memref<10000x128xf32, #tpu.memory_space<vmem_shared>> -> memref<48x128xf32, #tpu.memory_space<vmem_shared>>
      %dma_start3A_185 = arith.constant 0 : i32
      %dma_start3A_186 = arith.constant 0 : i32
      %dma_start3A_187 = tpu.memref_slice %arg14[%dma_start3A_185, %dma_start3A_186] : memref<48x128xf32, #tpu.memory_space<vmem>> -> memref<48x128xf32, #tpu.memory_space<vmem>>
      tpu.enqueue_dma source(%dma_start3A_187 : memref<48x128xf32, #tpu.memory_space<vmem>>) target(%dma_start3A_184 : memref<48x128xf32, #tpu.memory_space<vmem_shared>>) target_semaphore(%run_scoped3A : memref<!tpu.dma_semaphore, #tpu.memory_space<semaphore_mem>>)
      %dma_wait3A_188 = arith.constant 0 : i32
      %dma_wait3A_189 = arith.constant 0 : i32
      %dma_wait3A_190 = tpu.memref_slice %arg14[%dma_wait3A_188, %dma_wait3A_189] : memref<48x128xf32, #tpu.memory_space<vmem>> -> memref<48x128xf32, #tpu.memory_space<vmem>>
      %dma_wait3A_191 = arith.constant 0 : i32
      %dma_wait3A_192 = tpu.memref_slice %arg15[%add3A_32, %dma_wait3A_191] : memref<10000x128xf32, #tpu.memory_space<vmem_shared>> -> memref<48x128xf32, #tpu.memory_space<vmem_shared>>
      %dma_wait3A_193 = arith.constant 0 : i32
      %dma_wait3A_194 = tpu.memref_slice %arg15[%add3A_32, %dma_wait3A_193] : memref<10000x128xf32, #tpu.memory_space<vmem_shared>> -> memref<48x128xf32, #tpu.memory_space<vmem_shared>>
      %dma_wait3A_195 = arith.constant 0 : i32
      %dma_wait3A_196 = arith.constant 0 : i32
      %dma_wait3A_197 = tpu.memref_slice %arg14[%dma_wait3A_195, %dma_wait3A_196] : memref<48x128xf32, #tpu.memory_space<vmem>> -> memref<48x128xf32, #tpu.memory_space<vmem>>
      tpu.wait_dma2 semaphore(%run_scoped3A : memref<!tpu.dma_semaphore, #tpu.memory_space<semaphore_mem>>) src(%dma_wait3A_197 : memref<48x128xf32, #tpu.memory_space<vmem>>) dst(%dma_wait3A_194 : memref<48x128xf32, #tpu.memory_space<vmem_shared>>)
      tpu.yield
    }) : () -> ()
    %mul3A_33 = arith.constant 624 : i32
    %mul3A_34 = arith.muli %arg1, %mul3A_33 : i32
    %add3A_35 = arith.constant 192 : i32
    %add3A_36 = arith.addi %mul3A_34, %add3A_35 : i32
    "tpu.region"() ({
      %run_scoped3A = tpu.sem_alloc : memref<!tpu.dma_semaphore, #tpu.memory_space<semaphore_mem>>
      %dma_start3A_178 = arith.constant 0 : i32
      %dma_start3A_179 = arith.constant 0 : i32
      %dma_start3A_180 = tpu.memref_slice %arg14[%dma_start3A_178, %dma_start3A_179] : memref<48x128xf32, #tpu.memory_space<vmem>> -> memref<48x128xf32, #tpu.memory_space<vmem>>
      %dma_start3A_181 = arith.constant 0 : i32
      %dma_start3A_182 = tpu.memref_slice %arg15[%add3A_36, %dma_start3A_181] : memref<10000x128xf32, #tpu.memory_space<vmem_shared>> -> memref<48x128xf32, #tpu.memory_space<vmem_shared>>
      %dma_start3A_183 = arith.constant 0 : i32
      %dma_start3A_184 = tpu.memref_slice %arg15[%add3A_36, %dma_start3A_183] : memref<10000x128xf32, #tpu.memory_space<vmem_shared>> -> memref<48x128xf32, #tpu.memory_space<vmem_shared>>
      %dma_start3A_185 = arith.constant 0 : i32
      %dma_start3A_186 = arith.constant 0 : i32
      %dma_start3A_187 = tpu.memref_slice %arg14[%dma_start3A_185, %dma_start3A_186] : memref<48x128xf32, #tpu.memory_space<vmem>> -> memref<48x128xf32, #tpu.memory_space<vmem>>
      tpu.enqueue_dma source(%dma_start3A_187 : memref<48x128xf32, #tpu.memory_space<vmem>>) target(%dma_start3A_184 : memref<48x128xf32, #tpu.memory_space<vmem_shared>>) target_semaphore(%run_scoped3A : memref<!tpu.dma_semaphore, #tpu.memory_space<semaphore_mem>>)
      %dma_wait3A_188 = arith.constant 0 : i32
      %dma_wait3A_189 = arith.constant 0 : i32
      %dma_wait3A_190 = tpu.memref_slice %arg14[%dma_wait3A_188, %dma_wait3A_189] : memref<48x128xf32, #tpu.memory_space<vmem>> -> memref<48x128xf32, #tpu.memory_space<vmem>>
      %dma_wait3A_191 = arith.constant 0 : i32
      %dma_wait3A_192 = tpu.memref_slice %arg15[%add3A_36, %dma_wait3A_191] : memref<10000x128xf32, #tpu.memory_space<vmem_shared>> -> memref<48x128xf32, #tpu.memory_space<vmem_shared>>
      %dma_wait3A_193 = arith.constant 0 : i32
      %dma_wait3A_194 = tpu.memref_slice %arg15[%add3A_36, %dma_wait3A_193] : memref<10000x128xf32, #tpu.memory_space<vmem_shared>> -> memref<48x128xf32, #tpu.memory_space<vmem_shared>>
      %dma_wait3A_195 = arith.constant 0 : i32
      %dma_wait3A_196 = arith.constant 0 : i32
      %dma_wait3A_197 = tpu.memref_slice %arg14[%dma_wait3A_195, %dma_wait3A_196] : memref<48x128xf32, #tpu.memory_space<vmem>> -> memref<48x128xf32, #tpu.memory_space<vmem>>
      tpu.wait_dma2 semaphore(%run_scoped3A : memref<!tpu.dma_semaphore, #tpu.memory_space<semaphore_mem>>) src(%dma_wait3A_197 : memref<48x128xf32, #tpu.memory_space<vmem>>) dst(%dma_wait3A_194 : memref<48x128xf32, #tpu.memory_space<vmem_shared>>)
      tpu.yield
    }) : () -> ()
    %mul3A_37 = arith.constant 624 : i32
    %mul3A_38 = arith.muli %arg1, %mul3A_37 : i32
    %add3A_39 = arith.constant 240 : i32
    %add3A_40 = arith.addi %mul3A_38, %add3A_39 : i32
    "tpu.region"() ({
      %run_scoped3A = tpu.sem_alloc : memref<!tpu.dma_semaphore, #tpu.memory_space<semaphore_mem>>
      %dma_start3A_178 = arith.constant 0 : i32
      %dma_start3A_179 = arith.constant 0 : i32
      %dma_start3A_180 = tpu.memref_slice %arg14[%dma_start3A_178, %dma_start3A_179] : memref<48x128xf32, #tpu.memory_space<vmem>> -> memref<48x128xf32, #tpu.memory_space<vmem>>
      %dma_start3A_181 = arith.constant 0 : i32
      %dma_start3A_182 = tpu.memref_slice %arg15[%add3A_40, %dma_start3A_181] : memref<10000x128xf32, #tpu.memory_space<vmem_shared>> -> memref<48x128xf32, #tpu.memory_space<vmem_shared>>
      %dma_start3A_183 = arith.constant 0 : i32
      %dma_start3A_184 = tpu.memref_slice %arg15[%add3A_40, %dma_start3A_183] : memref<10000x128xf32, #tpu.memory_space<vmem_shared>> -> memref<48x128xf32, #tpu.memory_space<vmem_shared>>
      %dma_start3A_185 = arith.constant 0 : i32
      %dma_start3A_186 = arith.constant 0 : i32
      %dma_start3A_187 = tpu.memref_slice %arg14[%dma_start3A_185, %dma_start3A_186] : memref<48x128xf32, #tpu.memory_space<vmem>> -> memref<48x128xf32, #tpu.memory_space<vmem>>
      tpu.enqueue_dma source(%dma_start3A_187 : memref<48x128xf32, #tpu.memory_space<vmem>>) target(%dma_start3A_184 : memref<48x128xf32, #tpu.memory_space<vmem_shared>>) target_semaphore(%run_scoped3A : memref<!tpu.dma_semaphore, #tpu.memory_space<semaphore_mem>>)
      %dma_wait3A_188 = arith.constant 0 : i32
      %dma_wait3A_189 = arith.constant 0 : i32
      %dma_wait3A_190 = tpu.memref_slice %arg14[%dma_wait3A_188, %dma_wait3A_189] : memref<48x128xf32, #tpu.memory_space<vmem>> -> memref<48x128xf32, #tpu.memory_space<vmem>>
      %dma_wait3A_191 = arith.constant 0 : i32
      %dma_wait3A_192 = tpu.memref_slice %arg15[%add3A_40, %dma_wait3A_191] : memref<10000x128xf32, #tpu.memory_space<vmem_shared>> -> memref<48x128xf32, #tpu.memory_space<vmem_shared>>
      %dma_wait3A_193 = arith.constant 0 : i32
      %dma_wait3A_194 = tpu.memref_slice %arg15[%add3A_40, %dma_wait3A_193] : memref<10000x128xf32, #tpu.memory_space<vmem_shared>> -> memref<48x128xf32, #tpu.memory_space<vmem_shared>>
      %dma_wait3A_195 = arith.constant 0 : i32
      %dma_wait3A_196 = arith.constant 0 : i32
      %dma_wait3A_197 = tpu.memref_slice %arg14[%dma_wait3A_195, %dma_wait3A_196] : memref<48x128xf32, #tpu.memory_space<vmem>> -> memref<48x128xf32, #tpu.memory_space<vmem>>
      tpu.wait_dma2 semaphore(%run_scoped3A : memref<!tpu.dma_semaphore, #tpu.memory_space<semaphore_mem>>) src(%dma_wait3A_197 : memref<48x128xf32, #tpu.memory_space<vmem>>) dst(%dma_wait3A_194 : memref<48x128xf32, #tpu.memory_space<vmem_shared>>)
      tpu.yield
    }) : () -> ()
    %mul3A_41 = arith.constant 624 : i32
    %mul3A_42 = arith.muli %arg1, %mul3A_41 : i32
    %add3A_43 = arith.constant 288 : i32
    %add3A_44 = arith.addi %mul3A_42, %add3A_43 : i32
    "tpu.region"() ({
      %run_scoped3A = tpu.sem_alloc : memref<!tpu.dma_semaphore, #tpu.memory_space<semaphore_mem>>
      %dma_start3A_178 = arith.constant 0 : i32
      %dma_start3A_179 = arith.constant 0 : i32
      %dma_start3A_180 = tpu.memref_slice %arg14[%dma_start3A_178, %dma_start3A_179] : memref<48x128xf32, #tpu.memory_space<vmem>> -> memref<48x128xf32, #tpu.memory_space<vmem>>
      %dma_start3A_181 = arith.constant 0 : i32
      %dma_start3A_182 = tpu.memref_slice %arg15[%add3A_44, %dma_start3A_181] : memref<10000x128xf32, #tpu.memory_space<vmem_shared>> -> memref<48x128xf32, #tpu.memory_space<vmem_shared>>
      %dma_start3A_183 = arith.constant 0 : i32
      %dma_start3A_184 = tpu.memref_slice %arg15[%add3A_44, %dma_start3A_183] : memref<10000x128xf32, #tpu.memory_space<vmem_shared>> -> memref<48x128xf32, #tpu.memory_space<vmem_shared>>
      %dma_start3A_185 = arith.constant 0 : i32
      %dma_start3A_186 = arith.constant 0 : i32
      %dma_start3A_187 = tpu.memref_slice %arg14[%dma_start3A_185, %dma_start3A_186] : memref<48x128xf32, #tpu.memory_space<vmem>> -> memref<48x128xf32, #tpu.memory_space<vmem>>
      tpu.enqueue_dma source(%dma_start3A_187 : memref<48x128xf32, #tpu.memory_space<vmem>>) target(%dma_start3A_184 : memref<48x128xf32, #tpu.memory_space<vmem_shared>>) target_semaphore(%run_scoped3A : memref<!tpu.dma_semaphore, #tpu.memory_space<semaphore_mem>>)
      %dma_wait3A_188 = arith.constant 0 : i32
      %dma_wait3A_189 = arith.constant 0 : i32
      %dma_wait3A_190 = tpu.memref_slice %arg14[%dma_wait3A_188, %dma_wait3A_189] : memref<48x128xf32, #tpu.memory_space<vmem>> -> memref<48x128xf32, #tpu.memory_space<vmem>>
      %dma_wait3A_191 = arith.constant 0 : i32
      %dma_wait3A_192 = tpu.memref_slice %arg15[%add3A_44, %dma_wait3A_191] : memref<10000x128xf32, #tpu.memory_space<vmem_shared>> -> memref<48x128xf32, #tpu.memory_space<vmem_shared>>
      %dma_wait3A_193 = arith.constant 0 : i32
      %dma_wait3A_194 = tpu.memref_slice %arg15[%add3A_44, %dma_wait3A_193] : memref<10000x128xf32, #tpu.memory_space<vmem_shared>> -> memref<48x128xf32, #tpu.memory_space<vmem_shared>>
      %dma_wait3A_195 = arith.constant 0 : i32
      %dma_wait3A_196 = arith.constant 0 : i32
      %dma_wait3A_197 = tpu.memref_slice %arg14[%dma_wait3A_195, %dma_wait3A_196] : memref<48x128xf32, #tpu.memory_space<vmem>> -> memref<48x128xf32, #tpu.memory_space<vmem>>
      tpu.wait_dma2 semaphore(%run_scoped3A : memref<!tpu.dma_semaphore, #tpu.memory_space<semaphore_mem>>) src(%dma_wait3A_197 : memref<48x128xf32, #tpu.memory_space<vmem>>) dst(%dma_wait3A_194 : memref<48x128xf32, #tpu.memory_space<vmem_shared>>)
      tpu.yield
    }) : () -> ()
    %mul3A_45 = arith.constant 624 : i32
    %mul3A_46 = arith.muli %arg1, %mul3A_45 : i32
    %add3A_47 = arith.constant 336 : i32
    %add3A_48 = arith.addi %mul3A_46, %add3A_47 : i32
    "tpu.region"() ({
      %run_scoped3A = tpu.sem_alloc : memref<!tpu.dma_semaphore, #tpu.memory_space<semaphore_mem>>
      %dma_start3A_178 = arith.constant 0 : i32
      %dma_start3A_179 = arith.constant 0 : i32
      %dma_start3A_180 = tpu.memref_slice %arg14[%dma_start3A_178, %dma_start3A_179] : memref<48x128xf32, #tpu.memory_space<vmem>> -> memref<48x128xf32, #tpu.memory_space<vmem>>
      %dma_start3A_181 = arith.constant 0 : i32
      %dma_start3A_182 = tpu.memref_slice %arg15[%add3A_48, %dma_start3A_181] : memref<10000x128xf32, #tpu.memory_space<vmem_shared>> -> memref<48x128xf32, #tpu.memory_space<vmem_shared>>
      %dma_start3A_183 = arith.constant 0 : i32
      %dma_start3A_184 = tpu.memref_slice %arg15[%add3A_48, %dma_start3A_183] : memref<10000x128xf32, #tpu.memory_space<vmem_shared>> -> memref<48x128xf32, #tpu.memory_space<vmem_shared>>
      %dma_start3A_185 = arith.constant 0 : i32
      %dma_start3A_186 = arith.constant 0 : i32
      %dma_start3A_187 = tpu.memref_slice %arg14[%dma_start3A_185, %dma_start3A_186] : memref<48x128xf32, #tpu.memory_space<vmem>> -> memref<48x128xf32, #tpu.memory_space<vmem>>
      tpu.enqueue_dma source(%dma_start3A_187 : memref<48x128xf32, #tpu.memory_space<vmem>>) target(%dma_start3A_184 : memref<48x128xf32, #tpu.memory_space<vmem_shared>>) target_semaphore(%run_scoped3A : memref<!tpu.dma_semaphore, #tpu.memory_space<semaphore_mem>>)
      %dma_wait3A_188 = arith.constant 0 : i32
      %dma_wait3A_189 = arith.constant 0 : i32
      %dma_wait3A_190 = tpu.memref_slice %arg14[%dma_wait3A_188, %dma_wait3A_189] : memref<48x128xf32, #tpu.memory_space<vmem>> -> memref<48x128xf32, #tpu.memory_space<vmem>>
      %dma_wait3A_191 = arith.constant 0 : i32
      %dma_wait3A_192 = tpu.memref_slice %arg15[%add3A_48, %dma_wait3A_191] : memref<10000x128xf32, #tpu.memory_space<vmem_shared>> -> memref<48x128xf32, #tpu.memory_space<vmem_shared>>
      %dma_wait3A_193 = arith.constant 0 : i32
      %dma_wait3A_194 = tpu.memref_slice %arg15[%add3A_48, %dma_wait3A_193] : memref<10000x128xf32, #tpu.memory_space<vmem_shared>> -> memref<48x128xf32, #tpu.memory_space<vmem_shared>>
      %dma_wait3A_195 = arith.constant 0 : i32
      %dma_wait3A_196 = arith.constant 0 : i32
      %dma_wait3A_197 = tpu.memref_slice %arg14[%dma_wait3A_195, %dma_wait3A_196] : memref<48x128xf32, #tpu.memory_space<vmem>> -> memref<48x128xf32, #tpu.memory_space<vmem>>
      tpu.wait_dma2 semaphore(%run_scoped3A : memref<!tpu.dma_semaphore, #tpu.memory_space<semaphore_mem>>) src(%dma_wait3A_197 : memref<48x128xf32, #tpu.memory_space<vmem>>) dst(%dma_wait3A_194 : memref<48x128xf32, #tpu.memory_space<vmem_shared>>)
      tpu.yield
    }) : () -> ()
    %mul3A_49 = arith.constant 624 : i32
    %mul3A_50 = arith.muli %arg1, %mul3A_49 : i32
    %add3A_51 = arith.constant 384 : i32
    %add3A_52 = arith.addi %mul3A_50, %add3A_51 : i32
    "tpu.region"() ({
      %run_scoped3A = tpu.sem_alloc : memref<!tpu.dma_semaphore, #tpu.memory_space<semaphore_mem>>
      %dma_start3A_178 = arith.constant 0 : i32
      %dma_start3A_179 = arith.constant 0 : i32
      %dma_start3A_180 = tpu.memref_slice %arg14[%dma_start3A_178, %dma_start3A_179] : memref<48x128xf32, #tpu.memory_space<vmem>> -> memref<48x128xf32, #tpu.memory_space<vmem>>
      %dma_start3A_181 = arith.constant 0 : i32
      %dma_start3A_182 = tpu.memref_slice %arg15[%add3A_52, %dma_start3A_181] : memref<10000x128xf32, #tpu.memory_space<vmem_shared>> -> memref<48x128xf32, #tpu.memory_space<vmem_shared>>
      %dma_start3A_183 = arith.constant 0 : i32
      %dma_start3A_184 = tpu.memref_slice %arg15[%add3A_52, %dma_start3A_183] : memref<10000x128xf32, #tpu.memory_space<vmem_shared>> -> memref<48x128xf32, #tpu.memory_space<vmem_shared>>
      %dma_start3A_185 = arith.constant 0 : i32
      %dma_start3A_186 = arith.constant 0 : i32
      %dma_start3A_187 = tpu.memref_slice %arg14[%dma_start3A_185, %dma_start3A_186] : memref<48x128xf32, #tpu.memory_space<vmem>> -> memref<48x128xf32, #tpu.memory_space<vmem>>
      tpu.enqueue_dma source(%dma_start3A_187 : memref<48x128xf32, #tpu.memory_space<vmem>>) target(%dma_start3A_184 : memref<48x128xf32, #tpu.memory_space<vmem_shared>>) target_semaphore(%run_scoped3A : memref<!tpu.dma_semaphore, #tpu.memory_space<semaphore_mem>>)
      %dma_wait3A_188 = arith.constant 0 : i32
      %dma_wait3A_189 = arith.constant 0 : i32
      %dma_wait3A_190 = tpu.memref_slice %arg14[%dma_wait3A_188, %dma_wait3A_189] : memref<48x128xf32, #tpu.memory_space<vmem>> -> memref<48x128xf32, #tpu.memory_space<vmem>>
      %dma_wait3A_191 = arith.constant 0 : i32
      %dma_wait3A_192 = tpu.memref_slice %arg15[%add3A_52, %dma_wait3A_191] : memref<10000x128xf32, #tpu.memory_space<vmem_shared>> -> memref<48x128xf32, #tpu.memory_space<vmem_shared>>
      %dma_wait3A_193 = arith.constant 0 : i32
      %dma_wait3A_194 = tpu.memref_slice %arg15[%add3A_52, %dma_wait3A_193] : memref<10000x128xf32, #tpu.memory_space<vmem_shared>> -> memref<48x128xf32, #tpu.memory_space<vmem_shared>>
      %dma_wait3A_195 = arith.constant 0 : i32
      %dma_wait3A_196 = arith.constant 0 : i32
      %dma_wait3A_197 = tpu.memref_slice %arg14[%dma_wait3A_195, %dma_wait3A_196] : memref<48x128xf32, #tpu.memory_space<vmem>> -> memref<48x128xf32, #tpu.memory_space<vmem>>
      tpu.wait_dma2 semaphore(%run_scoped3A : memref<!tpu.dma_semaphore, #tpu.memory_space<semaphore_mem>>) src(%dma_wait3A_197 : memref<48x128xf32, #tpu.memory_space<vmem>>) dst(%dma_wait3A_194 : memref<48x128xf32, #tpu.memory_space<vmem_shared>>)
      tpu.yield
    }) : () -> ()
    %mul3A_53 = arith.constant 624 : i32
    %mul3A_54 = arith.muli %arg1, %mul3A_53 : i32
    %add3A_55 = arith.constant 432 : i32
    %add3A_56 = arith.addi %mul3A_54, %add3A_55 : i32
    "tpu.region"() ({
      %run_scoped3A = tpu.sem_alloc : memref<!tpu.dma_semaphore, #tpu.memory_space<semaphore_mem>>
      %dma_start3A_178 = arith.constant 0 : i32
      %dma_start3A_179 = arith.constant 0 : i32
      %dma_start3A_180 = tpu.memref_slice %arg14[%dma_start3A_178, %dma_start3A_179] : memref<48x128xf32, #tpu.memory_space<vmem>> -> memref<48x128xf32, #tpu.memory_space<vmem>>
      %dma_start3A_181 = arith.constant 0 : i32
      %dma_start3A_182 = tpu.memref_slice %arg15[%add3A_56, %dma_start3A_181] : memref<10000x128xf32, #tpu.memory_space<vmem_shared>> -> memref<48x128xf32, #tpu.memory_space<vmem_shared>>
      %dma_start3A_183 = arith.constant 0 : i32
      %dma_start3A_184 = tpu.memref_slice %arg15[%add3A_56, %dma_start3A_183] : memref<10000x128xf32, #tpu.memory_space<vmem_shared>> -> memref<48x128xf32, #tpu.memory_space<vmem_shared>>
      %dma_start3A_185 = arith.constant 0 : i32
      %dma_start3A_186 = arith.constant 0 : i32
      %dma_start3A_187 = tpu.memref_slice %arg14[%dma_start3A_185, %dma_start3A_186] : memref<48x128xf32, #tpu.memory_space<vmem>> -> memref<48x128xf32, #tpu.memory_space<vmem>>
      tpu.enqueue_dma source(%dma_start3A_187 : memref<48x128xf32, #tpu.memory_space<vmem>>) target(%dma_start3A_184 : memref<48x128xf32, #tpu.memory_space<vmem_shared>>) target_semaphore(%run_scoped3A : memref<!tpu.dma_semaphore, #tpu.memory_space<semaphore_mem>>)
      %dma_wait3A_188 = arith.constant 0 : i32
      %dma_wait3A_189 = arith.constant 0 : i32
      %dma_wait3A_190 = tpu.memref_slice %arg14[%dma_wait3A_188, %dma_wait3A_189] : memref<48x128xf32, #tpu.memory_space<vmem>> -> memref<48x128xf32, #tpu.memory_space<vmem>>
      %dma_wait3A_191 = arith.constant 0 : i32
      %dma_wait3A_192 = tpu.memref_slice %arg15[%add3A_56, %dma_wait3A_191] : memref<10000x128xf32, #tpu.memory_space<vmem_shared>> -> memref<48x128xf32, #tpu.memory_space<vmem_shared>>
      %dma_wait3A_193 = arith.constant 0 : i32
      %dma_wait3A_194 = tpu.memref_slice %arg15[%add3A_56, %dma_wait3A_193] : memref<10000x128xf32, #tpu.memory_space<vmem_shared>> -> memref<48x128xf32, #tpu.memory_space<vmem_shared>>
      %dma_wait3A_195 = arith.constant 0 : i32
      %dma_wait3A_196 = arith.constant 0 : i32
      %dma_wait3A_197 = tpu.memref_slice %arg14[%dma_wait3A_195, %dma_wait3A_196] : memref<48x128xf32, #tpu.memory_space<vmem>> -> memref<48x128xf32, #tpu.memory_space<vmem>>
      tpu.wait_dma2 semaphore(%run_scoped3A : memref<!tpu.dma_semaphore, #tpu.memory_space<semaphore_mem>>) src(%dma_wait3A_197 : memref<48x128xf32, #tpu.memory_space<vmem>>) dst(%dma_wait3A_194 : memref<48x128xf32, #tpu.memory_space<vmem_shared>>)
      tpu.yield
    }) : () -> ()
    %mul3A_57 = arith.constant 624 : i32
    %mul3A_58 = arith.muli %arg1, %mul3A_57 : i32
    %add3A_59 = arith.constant 480 : i32
    %add3A_60 = arith.addi %mul3A_58, %add3A_59 : i32
    "tpu.region"() ({
      %run_scoped3A = tpu.sem_alloc : memref<!tpu.dma_semaphore, #tpu.memory_space<semaphore_mem>>
      %dma_start3A_178 = arith.constant 0 : i32
      %dma_start3A_179 = arith.constant 0 : i32
      %dma_start3A_180 = tpu.memref_slice %arg14[%dma_start3A_178, %dma_start3A_179] : memref<48x128xf32, #tpu.memory_space<vmem>> -> memref<48x128xf32, #tpu.memory_space<vmem>>
      %dma_start3A_181 = arith.constant 0 : i32
      %dma_start3A_182 = tpu.memref_slice %arg15[%add3A_60, %dma_start3A_181] : memref<10000x128xf32, #tpu.memory_space<vmem_shared>> -> memref<48x128xf32, #tpu.memory_space<vmem_shared>>
      %dma_start3A_183 = arith.constant 0 : i32
      %dma_start3A_184 = tpu.memref_slice %arg15[%add3A_60, %dma_start3A_183] : memref<10000x128xf32, #tpu.memory_space<vmem_shared>> -> memref<48x128xf32, #tpu.memory_space<vmem_shared>>
      %dma_start3A_185 = arith.constant 0 : i32
      %dma_start3A_186 = arith.constant 0 : i32
      %dma_start3A_187 = tpu.memref_slice %arg14[%dma_start3A_185, %dma_start3A_186] : memref<48x128xf32, #tpu.memory_space<vmem>> -> memref<48x128xf32, #tpu.memory_space<vmem>>
      tpu.enqueue_dma source(%dma_start3A_187 : memref<48x128xf32, #tpu.memory_space<vmem>>) target(%dma_start3A_184 : memref<48x128xf32, #tpu.memory_space<vmem_shared>>) target_semaphore(%run_scoped3A : memref<!tpu.dma_semaphore, #tpu.memory_space<semaphore_mem>>)
      %dma_wait3A_188 = arith.constant 0 : i32
      %dma_wait3A_189 = arith.constant 0 : i32
      %dma_wait3A_190 = tpu.memref_slice %arg14[%dma_wait3A_188, %dma_wait3A_189] : memref<48x128xf32, #tpu.memory_space<vmem>> -> memref<48x128xf32, #tpu.memory_space<vmem>>
      %dma_wait3A_191 = arith.constant 0 : i32
      %dma_wait3A_192 = tpu.memref_slice %arg15[%add3A_60, %dma_wait3A_191] : memref<10000x128xf32, #tpu.memory_space<vmem_shared>> -> memref<48x128xf32, #tpu.memory_space<vmem_shared>>
      %dma_wait3A_193 = arith.constant 0 : i32
      %dma_wait3A_194 = tpu.memref_slice %arg15[%add3A_60, %dma_wait3A_193] : memref<10000x128xf32, #tpu.memory_space<vmem_shared>> -> memref<48x128xf32, #tpu.memory_space<vmem_shared>>
      %dma_wait3A_195 = arith.constant 0 : i32
      %dma_wait3A_196 = arith.constant 0 : i32
      %dma_wait3A_197 = tpu.memref_slice %arg14[%dma_wait3A_195, %dma_wait3A_196] : memref<48x128xf32, #tpu.memory_space<vmem>> -> memref<48x128xf32, #tpu.memory_space<vmem>>
      tpu.wait_dma2 semaphore(%run_scoped3A : memref<!tpu.dma_semaphore, #tpu.memory_space<semaphore_mem>>) src(%dma_wait3A_197 : memref<48x128xf32, #tpu.memory_space<vmem>>) dst(%dma_wait3A_194 : memref<48x128xf32, #tpu.memory_space<vmem_shared>>)
      tpu.yield
    }) : () -> ()
    %mul3A_61 = arith.constant 624 : i32
    %mul3A_62 = arith.muli %arg1, %mul3A_61 : i32
    %add3A_63 = arith.constant 528 : i32
    %add3A_64 = arith.addi %mul3A_62, %add3A_63 : i32
    "tpu.region"() ({
      %run_scoped3A = tpu.sem_alloc : memref<!tpu.dma_semaphore, #tpu.memory_space<semaphore_mem>>
      %dma_start3A_178 = arith.constant 0 : i32
      %dma_start3A_179 = arith.constant 0 : i32
      %dma_start3A_180 = tpu.memref_slice %arg14[%dma_start3A_178, %dma_start3A_179] : memref<48x128xf32, #tpu.memory_space<vmem>> -> memref<48x128xf32, #tpu.memory_space<vmem>>
      %dma_start3A_181 = arith.constant 0 : i32
      %dma_start3A_182 = tpu.memref_slice %arg15[%add3A_64, %dma_start3A_181] : memref<10000x128xf32, #tpu.memory_space<vmem_shared>> -> memref<48x128xf32, #tpu.memory_space<vmem_shared>>
      %dma_start3A_183 = arith.constant 0 : i32
      %dma_start3A_184 = tpu.memref_slice %arg15[%add3A_64, %dma_start3A_183] : memref<10000x128xf32, #tpu.memory_space<vmem_shared>> -> memref<48x128xf32, #tpu.memory_space<vmem_shared>>
      %dma_start3A_185 = arith.constant 0 : i32
      %dma_start3A_186 = arith.constant 0 : i32
      %dma_start3A_187 = tpu.memref_slice %arg14[%dma_start3A_185, %dma_start3A_186] : memref<48x128xf32, #tpu.memory_space<vmem>> -> memref<48x128xf32, #tpu.memory_space<vmem>>
      tpu.enqueue_dma source(%dma_start3A_187 : memref<48x128xf32, #tpu.memory_space<vmem>>) target(%dma_start3A_184 : memref<48x128xf32, #tpu.memory_space<vmem_shared>>) target_semaphore(%run_scoped3A : memref<!tpu.dma_semaphore, #tpu.memory_space<semaphore_mem>>)
      %dma_wait3A_188 = arith.constant 0 : i32
      %dma_wait3A_189 = arith.constant 0 : i32
      %dma_wait3A_190 = tpu.memref_slice %arg14[%dma_wait3A_188, %dma_wait3A_189] : memref<48x128xf32, #tpu.memory_space<vmem>> -> memref<48x128xf32, #tpu.memory_space<vmem>>
      %dma_wait3A_191 = arith.constant 0 : i32
      %dma_wait3A_192 = tpu.memref_slice %arg15[%add3A_64, %dma_wait3A_191] : memref<10000x128xf32, #tpu.memory_space<vmem_shared>> -> memref<48x128xf32, #tpu.memory_space<vmem_shared>>
      %dma_wait3A_193 = arith.constant 0 : i32
      %dma_wait3A_194 = tpu.memref_slice %arg15[%add3A_64, %dma_wait3A_193] : memref<10000x128xf32, #tpu.memory_space<vmem_shared>> -> memref<48x128xf32, #tpu.memory_space<vmem_shared>>
      %dma_wait3A_195 = arith.constant 0 : i32
      %dma_wait3A_196 = arith.constant 0 : i32
      %dma_wait3A_197 = tpu.memref_slice %arg14[%dma_wait3A_195, %dma_wait3A_196] : memref<48x128xf32, #tpu.memory_space<vmem>> -> memref<48x128xf32, #tpu.memory_space<vmem>>
      tpu.wait_dma2 semaphore(%run_scoped3A : memref<!tpu.dma_semaphore, #tpu.memory_space<semaphore_mem>>) src(%dma_wait3A_197 : memref<48x128xf32, #tpu.memory_space<vmem>>) dst(%dma_wait3A_194 : memref<48x128xf32, #tpu.memory_space<vmem_shared>>)
      tpu.yield
    }) : () -> ()
    %mul3A_65 = arith.constant 624 : i32
    %mul3A_66 = arith.muli %arg1, %mul3A_65 : i32
    %add3A_67 = arith.constant 576 : i32
    %add3A_68 = arith.addi %mul3A_66, %add3A_67 : i32
    "tpu.region"() ({
      %run_scoped3A = tpu.sem_alloc : memref<!tpu.dma_semaphore, #tpu.memory_space<semaphore_mem>>
      %dma_start3A_178 = arith.constant 0 : i32
      %dma_start3A_179 = arith.constant 0 : i32
      %dma_start3A_180 = tpu.memref_slice %arg14[%dma_start3A_178, %dma_start3A_179] : memref<48x128xf32, #tpu.memory_space<vmem>> -> memref<48x128xf32, #tpu.memory_space<vmem>>
      %dma_start3A_181 = arith.constant 0 : i32
      %dma_start3A_182 = tpu.memref_slice %arg15[%add3A_68, %dma_start3A_181] : memref<10000x128xf32, #tpu.memory_space<vmem_shared>> -> memref<48x128xf32, #tpu.memory_space<vmem_shared>>
      %dma_start3A_183 = arith.constant 0 : i32
      %dma_start3A_184 = tpu.memref_slice %arg15[%add3A_68, %dma_start3A_183] : memref<10000x128xf32, #tpu.memory_space<vmem_shared>> -> memref<48x128xf32, #tpu.memory_space<vmem_shared>>
      %dma_start3A_185 = arith.constant 0 : i32
      %dma_start3A_186 = arith.constant 0 : i32
      %dma_start3A_187 = tpu.memref_slice %arg14[%dma_start3A_185, %dma_start3A_186] : memref<48x128xf32, #tpu.memory_space<vmem>> -> memref<48x128xf32, #tpu.memory_space<vmem>>
      tpu.enqueue_dma source(%dma_start3A_187 : memref<48x128xf32, #tpu.memory_space<vmem>>) target(%dma_start3A_184 : memref<48x128xf32, #tpu.memory_space<vmem_shared>>) target_semaphore(%run_scoped3A : memref<!tpu.dma_semaphore, #tpu.memory_space<semaphore_mem>>)
      %dma_wait3A_188 = arith.constant 0 : i32
      %dma_wait3A_189 = arith.constant 0 : i32
      %dma_wait3A_190 = tpu.memref_slice %arg14[%dma_wait3A_188, %dma_wait3A_189] : memref<48x128xf32, #tpu.memory_space<vmem>> -> memref<48x128xf32, #tpu.memory_space<vmem>>
      %dma_wait3A_191 = arith.constant 0 : i32
      %dma_wait3A_192 = tpu.memref_slice %arg15[%add3A_68, %dma_wait3A_191] : memref<10000x128xf32, #tpu.memory_space<vmem_shared>> -> memref<48x128xf32, #tpu.memory_space<vmem_shared>>
      %dma_wait3A_193 = arith.constant 0 : i32
      %dma_wait3A_194 = tpu.memref_slice %arg15[%add3A_68, %dma_wait3A_193] : memref<10000x128xf32, #tpu.memory_space<vmem_shared>> -> memref<48x128xf32, #tpu.memory_space<vmem_shared>>
      %dma_wait3A_195 = arith.constant 0 : i32
      %dma_wait3A_196 = arith.constant 0 : i32
      %dma_wait3A_197 = tpu.memref_slice %arg14[%dma_wait3A_195, %dma_wait3A_196] : memref<48x128xf32, #tpu.memory_space<vmem>> -> memref<48x128xf32, #tpu.memory_space<vmem>>
      tpu.wait_dma2 semaphore(%run_scoped3A : memref<!tpu.dma_semaphore, #tpu.memory_space<semaphore_mem>>) src(%dma_wait3A_197 : memref<48x128xf32, #tpu.memory_space<vmem>>) dst(%dma_wait3A_194 : memref<48x128xf32, #tpu.memory_space<vmem_shared>>)
      tpu.yield
    }) : () -> ()
    %eq3A = arith.constant 15 : i32
    %eq3A_69 = arith.cmpi eq, %arg1, %eq3A : i32
    %convert_element_type3A = arith.extui %eq3A_69 : i1 to i32
    %cond3A = arith.constant 0 : i32
    %cond3A_70 = arith.cmpi ne, %convert_element_type3A, %cond3A : i32
    scf.if %cond3A_70 {
      "tpu.region"() ({
        %run_scoped3A = tpu.sem_alloc : memref<!tpu.dma_semaphore, #tpu.memory_space<semaphore_mem>>
        %dma_start3A_178 = arith.constant 0 : i32
        %dma_start3A_179 = arith.constant 0 : i32
        %dma_start3A_180 = tpu.memref_slice %arg14[%dma_start3A_178, %dma_start3A_179] : memref<48x128xf32, #tpu.memory_space<vmem>> -> memref<16x128xf32, #tpu.memory_space<vmem>>
        %dma_start3A_181 = arith.constant 9984 : i32
        %dma_start3A_182 = arith.constant 0 : i32
        %dma_start3A_183 = tpu.memref_slice %arg15[%dma_start3A_181, %dma_start3A_182] : memref<10000x128xf32, #tpu.memory_space<vmem_shared>> -> memref<16x128xf32, #tpu.memory_space<vmem_shared>>
        %dma_start3A_184 = arith.constant 9984 : i32
        %dma_start3A_185 = arith.constant 0 : i32
        %dma_start3A_186 = tpu.memref_slice %arg15[%dma_start3A_184, %dma_start3A_185] : memref<10000x128xf32, #tpu.memory_space<vmem_shared>> -> memref<16x128xf32, #tpu.memory_space<vmem_shared>>
        %dma_start3A_187 = arith.constant 0 : i32
        %dma_start3A_188 = arith.constant 0 : i32
        %dma_start3A_189 = tpu.memref_slice %arg14[%dma_start3A_187, %dma_start3A_188] : memref<48x128xf32, #tpu.memory_space<vmem>> -> memref<16x128xf32, #tpu.memory_space<vmem>>
        tpu.enqueue_dma source(%dma_start3A_189 : memref<16x128xf32, #tpu.memory_space<vmem>>) target(%dma_start3A_186 : memref<16x128xf32, #tpu.memory_space<vmem_shared>>) target_semaphore(%run_scoped3A : memref<!tpu.dma_semaphore, #tpu.memory_space<semaphore_mem>>)
        %dma_wait3A_190 = arith.constant 0 : i32
        %dma_wait3A_191 = arith.constant 0 : i32
        %dma_wait3A_192 = tpu.memref_slice %arg14[%dma_wait3A_190, %dma_wait3A_191] : memref<48x128xf32, #tpu.memory_space<vmem>> -> memref<16x128xf32, #tpu.memory_space<vmem>>
        %dma_wait3A_193 = arith.constant 9984 : i32
        %dma_wait3A_194 = arith.constant 0 : i32
        %dma_wait3A_195 = tpu.memref_slice %arg15[%dma_wait3A_193, %dma_wait3A_194] : memref<10000x128xf32, #tpu.memory_space<vmem_shared>> -> memref<16x128xf32, #tpu.memory_space<vmem_shared>>
        %dma_wait3A_196 = arith.constant 9984 : i32
        %dma_wait3A_197 = arith.constant 0 : i32
        %dma_wait3A_198 = tpu.memref_slice %arg15[%dma_wait3A_196, %dma_wait3A_197] : memref<10000x128xf32, #tpu.memory_space<vmem_shared>> -> memref<16x128xf32, #tpu.memory_space<vmem_shared>>
        %dma_wait3A_199 = arith.constant 0 : i32
        %dma_wait3A_200 = arith.constant 0 : i32
        %dma_wait3A_201 = tpu.memref_slice %arg14[%dma_wait3A_199, %dma_wait3A_200] : memref<48x128xf32, #tpu.memory_space<vmem>> -> memref<16x128xf32, #tpu.memory_space<vmem>>
        tpu.wait_dma2 semaphore(%run_scoped3A : memref<!tpu.dma_semaphore, #tpu.memory_space<semaphore_mem>>) src(%dma_wait3A_201 : memref<16x128xf32, #tpu.memory_space<vmem>>) dst(%dma_wait3A_198 : memref<16x128xf32, #tpu.memory_space<vmem_shared>>)
        tpu.yield
      }) : () -> ()
    } else {
    }
    %dma_wait3A = arith.constant 0 : i32
    %dma_wait3A_71 = tpu.memref_slice %arg3[%add3A, %dma_wait3A] : memref<32x10000xi32, #tpu.memory_space<hbm>> -> memref<1x10000xi32, #tpu.memory_space<hbm>>
    %dma_wait3A_72 = tpu.memref_squeeze %dma_wait3A_71 : memref<1x10000xi32, #tpu.memory_space<hbm>> -> memref<10000xi32, #tpu.memory_space<hbm>>
    %dma_wait3A_73 = arith.constant 0 : i32
    %dma_wait3A_74 = tpu.memref_slice %arg3[%add3A, %dma_wait3A_73] : memref<32x10000xi32, #tpu.memory_space<hbm>> -> memref<1x10000xi32, #tpu.memory_space<hbm>>
    %dma_wait3A_75 = tpu.memref_squeeze %dma_wait3A_74 : memref<1x10000xi32, #tpu.memory_space<hbm>> -> memref<10000xi32, #tpu.memory_space<hbm>>
    tpu.wait_dma2 semaphore(%arg16 : memref<!tpu.dma_semaphore, #tpu.memory_space<semaphore_mem>>) src(%dma_wait3A_75 : memref<10000xi32, #tpu.memory_space<hbm>>) dst(%arg6 : memref<10000xi32, #tpu.memory_space<vmem>>)
    %dma_wait3A_76 = arith.constant 0 : i32
    %dma_wait3A_77 = tpu.memref_slice %arg4[%add3A, %dma_wait3A_76] : memref<32x10000xi32, #tpu.memory_space<hbm>> -> memref<1x10000xi32, #tpu.memory_space<hbm>>
    %dma_wait3A_78 = tpu.memref_squeeze %dma_wait3A_77 : memref<1x10000xi32, #tpu.memory_space<hbm>> -> memref<10000xi32, #tpu.memory_space<hbm>>
    %dma_wait3A_79 = arith.constant 0 : i32
    %dma_wait3A_80 = tpu.memref_slice %arg4[%add3A, %dma_wait3A_79] : memref<32x10000xi32, #tpu.memory_space<hbm>> -> memref<1x10000xi32, #tpu.memory_space<hbm>>
    %dma_wait3A_81 = tpu.memref_squeeze %dma_wait3A_80 : memref<1x10000xi32, #tpu.memory_space<hbm>> -> memref<10000xi32, #tpu.memory_space<hbm>>
    tpu.wait_dma2 semaphore(%arg17 : memref<!tpu.dma_semaphore, #tpu.memory_space<semaphore_mem>>) src(%dma_wait3A_81 : memref<10000xi32, #tpu.memory_space<hbm>>) dst(%arg7 : memref<10000xi32, #tpu.memory_space<vmem>>)
    %barrier3A = arith.constant 0 : index
    tpu.barrier barrier_id(%barrier3A)
    %scan3A_82 = arith.constant 0 : i32
    %scan3A_83 = arith.constant 0 : i32
    %scan3A_84 = arith.constant 62 : i32
    %scan3A_85 = arith.addi %scan3A_83, %scan3A_84 : i32
    %scan3A_86 = arith.constant 1 : i32
    scf.for %scan3A_178 = %scan3A_83 to %scan3A_85 step %scan3A_86  : i32 {
      %mul3A_179 = arith.constant 2 : i32
      %mul3A_180 = arith.muli %mul3A_179, %scan3A_178 : i32
      %mul3A_181 = arith.constant 80 : i32
      %mul3A_182 = arith.muli %mul3A_180, %mul3A_181 : i32
      %add3A_183 = arith.constant 0 : i32
      %add3A_184 = arith.addi %mul3A_182, %add3A_183 : i32
      %get3A_185 = arith.index_cast %add3A_184 : i32 to index
      %get3A_186 = tpu.vector_load %arg6[%get3A_185] {strides = array<i32>} : memref<10000xi32, #tpu.memory_space<vmem>>, vector<16xi32>,
      %get3A_187 = vector.shape_cast %get3A_186 : vector<16xi32> to vector<16xi32>
      %swap3A_188 = arith.constant 0 : index
      %swap3A_189 = tpu.vector_load %arg8[%swap3A_188] {strides = array<i32>} : memref<80xi32, #tpu.memory_space<vmem>>, vector<16xi32>,
      %swap3A_190 = vector.shape_cast %swap3A_189 : vector<16xi32> to vector<16xi32>
      %swap3A_191 = vector.shape_cast %get3A_187 : vector<16xi32> to vector<16xi32>
      tpu.vector_store %arg8[%swap3A_188], %swap3A_191 {strides = array<i32>} : memref<80xi32, #tpu.memory_space<vmem>>, vector<16xi32>,
      %mul3A_192 = arith.constant 80 : i32
      %mul3A_193 = arith.muli %mul3A_180, %mul3A_192 : i32
      %add3A_194 = arith.constant 16 : i32
      %add3A_195 = arith.addi %mul3A_193, %add3A_194 : i32
      %get3A_196 = arith.index_cast %add3A_195 : i32 to index
      %get3A_197 = tpu.vector_load %arg6[%get3A_196] {strides = array<i32>} : memref<10000xi32, #tpu.memory_space<vmem>>, vector<16xi32>,
      %get3A_198 = vector.shape_cast %get3A_197 : vector<16xi32> to vector<16xi32>
      %swap3A_199 = arith.constant 16 : index
      %swap3A_200 = tpu.vector_load %arg8[%swap3A_199] {strides = array<i32>} : memref<80xi32, #tpu.memory_space<vmem>>, vector<16xi32>,
      %swap3A_201 = vector.shape_cast %swap3A_200 : vector<16xi32> to vector<16xi32>
      %swap3A_202 = vector.shape_cast %get3A_198 : vector<16xi32> to vector<16xi32>
      tpu.vector_store %arg8[%swap3A_199], %swap3A_202 {strides = array<i32>} : memref<80xi32, #tpu.memory_space<vmem>>, vector<16xi32>,
      %mul3A_203 = arith.constant 80 : i32
      %mul3A_204 = arith.muli %mul3A_180, %mul3A_203 : i32
      %add3A_205 = arith.constant 32 : i32
      %add3A_206 = arith.addi %mul3A_204, %add3A_205 : i32
      %get3A_207 = arith.index_cast %add3A_206 : i32 to index
      %get3A_208 = tpu.vector_load %arg6[%get3A_207] {strides = array<i32>} : memref<10000xi32, #tpu.memory_space<vmem>>, vector<16xi32>,
      %get3A_209 = vector.shape_cast %get3A_208 : vector<16xi32> to vector<16xi32>
      %swap3A_210 = arith.constant 32 : index
      %swap3A_211 = tpu.vector_load %arg8[%swap3A_210] {strides = array<i32>} : memref<80xi32, #tpu.memory_space<vmem>>, vector<16xi32>,
      %swap3A_212 = vector.shape_cast %swap3A_211 : vector<16xi32> to vector<16xi32>
      %swap3A_213 = vector.shape_cast %get3A_209 : vector<16xi32> to vector<16xi32>
      tpu.vector_store %arg8[%swap3A_210], %swap3A_213 {strides = array<i32>} : memref<80xi32, #tpu.memory_space<vmem>>, vector<16xi32>,
      %mul3A_214 = arith.constant 80 : i32
      %mul3A_215 = arith.muli %mul3A_180, %mul3A_214 : i32
      %add3A_216 = arith.constant 48 : i32
      %add3A_217 = arith.addi %mul3A_215, %add3A_216 : i32
      %get3A_218 = arith.index_cast %add3A_217 : i32 to index
      %get3A_219 = tpu.vector_load %arg6[%get3A_218] {strides = array<i32>} : memref<10000xi32, #tpu.memory_space<vmem>>, vector<16xi32>,
      %get3A_220 = vector.shape_cast %get3A_219 : vector<16xi32> to vector<16xi32>
      %swap3A_221 = arith.constant 48 : index
      %swap3A_222 = tpu.vector_load %arg8[%swap3A_221] {strides = array<i32>} : memref<80xi32, #tpu.memory_space<vmem>>, vector<16xi32>,
      %swap3A_223 = vector.shape_cast %swap3A_222 : vector<16xi32> to vector<16xi32>
      %swap3A_224 = vector.shape_cast %get3A_220 : vector<16xi32> to vector<16xi32>
      tpu.vector_store %arg8[%swap3A_221], %swap3A_224 {strides = array<i32>} : memref<80xi32, #tpu.memory_space<vmem>>, vector<16xi32>,
      %mul3A_225 = arith.constant 80 : i32
      %mul3A_226 = arith.muli %mul3A_180, %mul3A_225 : i32
      %add3A_227 = arith.constant 64 : i32
      %add3A_228 = arith.addi %mul3A_226, %add3A_227 : i32
      %get3A_229 = arith.index_cast %add3A_228 : i32 to index
      %get3A_230 = tpu.vector_load %arg6[%get3A_229] {strides = array<i32>} : memref<10000xi32, #tpu.memory_space<vmem>>, vector<16xi32>,
      %get3A_231 = vector.shape_cast %get3A_230 : vector<16xi32> to vector<16xi32>
      %swap3A_232 = arith.constant 64 : index
      %swap3A_233 = tpu.vector_load %arg8[%swap3A_232] {strides = array<i32>} : memref<80xi32, #tpu.memory_space<vmem>>, vector<16xi32>,
      %swap3A_234 = vector.shape_cast %swap3A_233 : vector<16xi32> to vector<16xi32>
      %swap3A_235 = vector.shape_cast %get3A_231 : vector<16xi32> to vector<16xi32>
      tpu.vector_store %arg8[%swap3A_232], %swap3A_235 {strides = array<i32>} : memref<80xi32, #tpu.memory_space<vmem>>, vector<16xi32>,
      %dma_start3A_236 = arith.constant 0 : i32
      %dma_start3A_237 = arith.constant 0 : i32
      %dma_start3A_238 = tpu.memref_slice %arg2[%dma_start3A_236, %dma_start3A_237] : memref<10000x128xf32, #tpu.memory_space<hbm>> -> memref<10000x128xf32, #tpu.memory_space<hbm>>
      tpu.enqueue_indirect_dma source(%dma_start3A_238 : memref<10000x128xf32, #tpu.memory_space<hbm>>) target(%arg12 : memref<80x128xf32, #tpu.memory_space<vmem>>) offsets(%arg8 : memref<80xi32, #tpu.memory_space<vmem>>) semaphore(%arg16 : memref<!tpu.dma_semaphore, #tpu.memory_space<semaphore_mem>>)
      %add3A_239 = arith.constant 1 : i32
      %add3A_240 = arith.addi %mul3A_180, %add3A_239 : i32
      %mul3A_241 = arith.constant 80 : i32
      %mul3A_242 = arith.muli %add3A_240, %mul3A_241 : i32
      %add3A_243 = arith.constant 0 : i32
      %add3A_244 = arith.addi %mul3A_242, %add3A_243 : i32
      %get3A_245 = arith.index_cast %add3A_244 : i32 to index
      %get3A_246 = tpu.vector_load %arg6[%get3A_245] {strides = array<i32>} : memref<10000xi32, #tpu.memory_space<vmem>>, vector<16xi32>,
      %get3A_247 = vector.shape_cast %get3A_246 : vector<16xi32> to vector<16xi32>
      %swap3A_248 = arith.constant 0 : index
      %swap3A_249 = tpu.vector_load %arg9[%swap3A_248] {strides = array<i32>} : memref<80xi32, #tpu.memory_space<vmem>>, vector<16xi32>,
      %swap3A_250 = vector.shape_cast %swap3A_249 : vector<16xi32> to vector<16xi32>
      %swap3A_251 = vector.shape_cast %get3A_247 : vector<16xi32> to vector<16xi32>
      tpu.vector_store %arg9[%swap3A_248], %swap3A_251 {strides = array<i32>} : memref<80xi32, #tpu.memory_space<vmem>>, vector<16xi32>,
      %mul3A_252 = arith.constant 80 : i32
      %mul3A_253 = arith.muli %add3A_240, %mul3A_252 : i32
      %add3A_254 = arith.constant 16 : i32
      %add3A_255 = arith.addi %mul3A_253, %add3A_254 : i32
      %get3A_256 = arith.index_cast %add3A_255 : i32 to index
      %get3A_257 = tpu.vector_load %arg6[%get3A_256] {strides = array<i32>} : memref<10000xi32, #tpu.memory_space<vmem>>, vector<16xi32>,
      %get3A_258 = vector.shape_cast %get3A_257 : vector<16xi32> to vector<16xi32>
      %swap3A_259 = arith.constant 16 : index
      %swap3A_260 = tpu.vector_load %arg9[%swap3A_259] {strides = array<i32>} : memref<80xi32, #tpu.memory_space<vmem>>, vector<16xi32>,
      %swap3A_261 = vector.shape_cast %swap3A_260 : vector<16xi32> to vector<16xi32>
      %swap3A_262 = vector.shape_cast %get3A_258 : vector<16xi32> to vector<16xi32>
      tpu.vector_store %arg9[%swap3A_259], %swap3A_262 {strides = array<i32>} : memref<80xi32, #tpu.memory_space<vmem>>, vector<16xi32>,
      %mul3A_263 = arith.constant 80 : i32
      %mul3A_264 = arith.muli %add3A_240, %mul3A_263 : i32
      %add3A_265 = arith.constant 32 : i32
      %add3A_266 = arith.addi %mul3A_264, %add3A_265 : i32
      %get3A_267 = arith.index_cast %add3A_266 : i32 to index
      %get3A_268 = tpu.vector_load %arg6[%get3A_267] {strides = array<i32>} : memref<10000xi32, #tpu.memory_space<vmem>>, vector<16xi32>,
      %get3A_269 = vector.shape_cast %get3A_268 : vector<16xi32> to vector<16xi32>
      %swap3A_270 = arith.constant 32 : index
      %swap3A_271 = tpu.vector_load %arg9[%swap3A_270] {strides = array<i32>} : memref<80xi32, #tpu.memory_space<vmem>>, vector<16xi32>,
      %swap3A_272 = vector.shape_cast %swap3A_271 : vector<16xi32> to vector<16xi32>
      %swap3A_273 = vector.shape_cast %get3A_269 : vector<16xi32> to vector<16xi32>
      tpu.vector_store %arg9[%swap3A_270], %swap3A_273 {strides = array<i32>} : memref<80xi32, #tpu.memory_space<vmem>>, vector<16xi32>,
      %mul3A_274 = arith.constant 80 : i32
      %mul3A_275 = arith.muli %add3A_240, %mul3A_274 : i32
      %add3A_276 = arith.constant 48 : i32
      %add3A_277 = arith.addi %mul3A_275, %add3A_276 : i32
      %get3A_278 = arith.index_cast %add3A_277 : i32 to index
      %get3A_279 = tpu.vector_load %arg6[%get3A_278] {strides = array<i32>} : memref<10000xi32, #tpu.memory_space<vmem>>, vector<16xi32>,
      %get3A_280 = vector.shape_cast %get3A_279 : vector<16xi32> to vector<16xi32>
      %swap3A_281 = arith.constant 48 : index
      %swap3A_282 = tpu.vector_load %arg9[%swap3A_281] {strides = array<i32>} : memref<80xi32, #tpu.memory_space<vmem>>, vector<16xi32>,
      %swap3A_283 = vector.shape_cast %swap3A_282 : vector<16xi32> to vector<16xi32>
      %swap3A_284 = vector.shape_cast %get3A_280 : vector<16xi32> to vector<16xi32>
      tpu.vector_store %arg9[%swap3A_281], %swap3A_284 {strides = array<i32>} : memref<80xi32, #tpu.memory_space<vmem>>, vector<16xi32>,
      %mul3A_285 = arith.constant 80 : i32
      %mul3A_286 = arith.muli %add3A_240, %mul3A_285 : i32
      %add3A_287 = arith.constant 64 : i32
      %add3A_288 = arith.addi %mul3A_286, %add3A_287 : i32
      %get3A_289 = arith.index_cast %add3A_288 : i32 to index
      %get3A_290 = tpu.vector_load %arg6[%get3A_289] {strides = array<i32>} : memref<10000xi32, #tpu.memory_space<vmem>>, vector<16xi32>,
      %get3A_291 = vector.shape_cast %get3A_290 : vector<16xi32> to vector<16xi32>
      %swap3A_292 = arith.constant 64 : index
      %swap3A_293 = tpu.vector_load %arg9[%swap3A_292] {strides = array<i32>} : memref<80xi32, #tpu.memory_space<vmem>>, vector<16xi32>,
      %swap3A_294 = vector.shape_cast %swap3A_293 : vector<16xi32> to vector<16xi32>
      %swap3A_295 = vector.shape_cast %get3A_291 : vector<16xi32> to vector<16xi32>
      tpu.vector_store %arg9[%swap3A_292], %swap3A_295 {strides = array<i32>} : memref<80xi32, #tpu.memory_space<vmem>>, vector<16xi32>,
      %dma_start3A_296 = arith.constant 0 : i32
      %dma_start3A_297 = arith.constant 0 : i32
      %dma_start3A_298 = tpu.memref_slice %arg2[%dma_start3A_296, %dma_start3A_297] : memref<10000x128xf32, #tpu.memory_space<hbm>> -> memref<10000x128xf32, #tpu.memory_space<hbm>>
      tpu.enqueue_indirect_dma source(%dma_start3A_298 : memref<10000x128xf32, #tpu.memory_space<hbm>>) target(%arg13 : memref<80x128xf32, #tpu.memory_space<vmem>>) offsets(%arg9 : memref<80xi32, #tpu.memory_space<vmem>>) semaphore(%arg17 : memref<!tpu.dma_semaphore, #tpu.memory_space<semaphore_mem>>)
      %dma_wait3A_299 = arith.constant 0 : i32
      %dma_wait3A_300 = arith.constant 0 : i32
      %dma_wait3A_301 = tpu.memref_slice %arg2[%dma_wait3A_299, %dma_wait3A_300] : memref<10000x128xf32, #tpu.memory_space<hbm>> -> memref<10000x128xf32, #tpu.memory_space<hbm>>
      tpu.wait_indirect_dma semaphore(%arg16 : memref<!tpu.dma_semaphore, #tpu.memory_space<semaphore_mem>>) src(%dma_wait3A_301 : memref<10000x128xf32, #tpu.memory_space<hbm>>) dst(%arg12 : memref<80x128xf32, #tpu.memory_space<vmem>>)
      %dma_wait3A_302 = arith.constant 0 : i32
      %dma_wait3A_303 = arith.constant 0 : i32
      %dma_wait3A_304 = tpu.memref_slice %arg2[%dma_wait3A_302, %dma_wait3A_303] : memref<10000x128xf32, #tpu.memory_space<hbm>> -> memref<10000x128xf32, #tpu.memory_space<hbm>>
      tpu.wait_indirect_dma semaphore(%arg17 : memref<!tpu.dma_semaphore, #tpu.memory_space<semaphore_mem>>) src(%dma_wait3A_304 : memref<10000x128xf32, #tpu.memory_space<hbm>>) dst(%arg13 : memref<80x128xf32, #tpu.memory_space<vmem>>)
      %mul3A_305 = arith.constant 80 : i32
      %mul3A_306 = arith.muli %mul3A_180, %mul3A_305 : i32
      %add3A_307 = arith.constant 0 : i32
      %add3A_308 = arith.addi %mul3A_306, %add3A_307 : i32
      %get3A_309 = arith.index_cast %add3A_308 : i32 to index
      %get3A_310 = tpu.vector_load %arg7[%get3A_309] {strides = array<i32>} : memref<10000xi32, #tpu.memory_space<vmem>>, vector<16xi32>,
      %get3A_311 = vector.shape_cast %get3A_310 : vector<16xi32> to vector<16xi32>
      %swap3A_312 = arith.constant 0 : index
      %swap3A_313 = tpu.vector_load %arg10[%swap3A_312] {strides = array<i32>} : memref<80xi32, #tpu.memory_space<vmem>>, vector<16xi32>,
      %swap3A_314 = vector.shape_cast %swap3A_313 : vector<16xi32> to vector<16xi32>
      %swap3A_315 = vector.shape_cast %get3A_311 : vector<16xi32> to vector<16xi32>
      tpu.vector_store %arg10[%swap3A_312], %swap3A_315 {strides = array<i32>} : memref<80xi32, #tpu.memory_space<vmem>>, vector<16xi32>,
      %mul3A_316 = arith.constant 80 : i32
      %mul3A_317 = arith.muli %mul3A_180, %mul3A_316 : i32
      %add3A_318 = arith.constant 16 : i32
      %add3A_319 = arith.addi %mul3A_317, %add3A_318 : i32
      %get3A_320 = arith.index_cast %add3A_319 : i32 to index
      %get3A_321 = tpu.vector_load %arg7[%get3A_320] {strides = array<i32>} : memref<10000xi32, #tpu.memory_space<vmem>>, vector<16xi32>,
      %get3A_322 = vector.shape_cast %get3A_321 : vector<16xi32> to vector<16xi32>
      %swap3A_323 = arith.constant 16 : index
      %swap3A_324 = tpu.vector_load %arg10[%swap3A_323] {strides = array<i32>} : memref<80xi32, #tpu.memory_space<vmem>>, vector<16xi32>,
      %swap3A_325 = vector.shape_cast %swap3A_324 : vector<16xi32> to vector<16xi32>
      %swap3A_326 = vector.shape_cast %get3A_322 : vector<16xi32> to vector<16xi32>
      tpu.vector_store %arg10[%swap3A_323], %swap3A_326 {strides = array<i32>} : memref<80xi32, #tpu.memory_space<vmem>>, vector<16xi32>,
      %mul3A_327 = arith.constant 80 : i32
      %mul3A_328 = arith.muli %mul3A_180, %mul3A_327 : i32
      %add3A_329 = arith.constant 32 : i32
      %add3A_330 = arith.addi %mul3A_328, %add3A_329 : i32
      %get3A_331 = arith.index_cast %add3A_330 : i32 to index
      %get3A_332 = tpu.vector_load %arg7[%get3A_331] {strides = array<i32>} : memref<10000xi32, #tpu.memory_space<vmem>>, vector<16xi32>,
      %get3A_333 = vector.shape_cast %get3A_332 : vector<16xi32> to vector<16xi32>
      %swap3A_334 = arith.constant 32 : index
      %swap3A_335 = tpu.vector_load %arg10[%swap3A_334] {strides = array<i32>} : memref<80xi32, #tpu.memory_space<vmem>>, vector<16xi32>,
      %swap3A_336 = vector.shape_cast %swap3A_335 : vector<16xi32> to vector<16xi32>
      %swap3A_337 = vector.shape_cast %get3A_333 : vector<16xi32> to vector<16xi32>
      tpu.vector_store %arg10[%swap3A_334], %swap3A_337 {strides = array<i32>} : memref<80xi32, #tpu.memory_space<vmem>>, vector<16xi32>,
      %mul3A_338 = arith.constant 80 : i32
      %mul3A_339 = arith.muli %mul3A_180, %mul3A_338 : i32
      %add3A_340 = arith.constant 48 : i32
      %add3A_341 = arith.addi %mul3A_339, %add3A_340 : i32
      %get3A_342 = arith.index_cast %add3A_341 : i32 to index
      %get3A_343 = tpu.vector_load %arg7[%get3A_342] {strides = array<i32>} : memref<10000xi32, #tpu.memory_space<vmem>>, vector<16xi32>,
      %get3A_344 = vector.shape_cast %get3A_343 : vector<16xi32> to vector<16xi32>
      %swap3A_345 = arith.constant 48 : index
      %swap3A_346 = tpu.vector_load %arg10[%swap3A_345] {strides = array<i32>} : memref<80xi32, #tpu.memory_space<vmem>>, vector<16xi32>,
      %swap3A_347 = vector.shape_cast %swap3A_346 : vector<16xi32> to vector<16xi32>
      %swap3A_348 = vector.shape_cast %get3A_344 : vector<16xi32> to vector<16xi32>
      tpu.vector_store %arg10[%swap3A_345], %swap3A_348 {strides = array<i32>} : memref<80xi32, #tpu.memory_space<vmem>>, vector<16xi32>,
      %mul3A_349 = arith.constant 80 : i32
      %mul3A_350 = arith.muli %mul3A_180, %mul3A_349 : i32
      %add3A_351 = arith.constant 64 : i32
      %add3A_352 = arith.addi %mul3A_350, %add3A_351 : i32
      %get3A_353 = arith.index_cast %add3A_352 : i32 to index
      %get3A_354 = tpu.vector_load %arg7[%get3A_353] {strides = array<i32>} : memref<10000xi32, #tpu.memory_space<vmem>>, vector<16xi32>,
      %get3A_355 = vector.shape_cast %get3A_354 : vector<16xi32> to vector<16xi32>
      %swap3A_356 = arith.constant 64 : index
      %swap3A_357 = tpu.vector_load %arg10[%swap3A_356] {strides = array<i32>} : memref<80xi32, #tpu.memory_space<vmem>>, vector<16xi32>,
      %swap3A_358 = vector.shape_cast %swap3A_357 : vector<16xi32> to vector<16xi32>
      %swap3A_359 = vector.shape_cast %get3A_355 : vector<16xi32> to vector<16xi32>
      tpu.vector_store %arg10[%swap3A_356], %swap3A_359 {strides = array<i32>} : memref<80xi32, #tpu.memory_space<vmem>>, vector<16xi32>,
      %dma_start3A_360 = arith.constant 0 : i32
      %dma_start3A_361 = arith.constant 0 : i32
      %dma_start3A_362 = tpu.memref_slice %arg15[%dma_start3A_360, %dma_start3A_361] : memref<10000x128xf32, #tpu.memory_space<vmem_shared>> -> memref<10000x128xf32, #tpu.memory_space<vmem_shared>>
      tpu.enqueue_indirect_dma source(%arg12 : memref<80x128xf32, #tpu.memory_space<vmem>>) target(%dma_start3A_362 : memref<10000x128xf32, #tpu.memory_space<vmem_shared>>) offsets(%arg10 : memref<80xi32, #tpu.memory_space<vmem>>) semaphore(%arg18 : memref<!tpu.dma_semaphore, #tpu.memory_space<semaphore_mem>>) {add = true}
      %add3A_363 = arith.constant 1 : i32
      %add3A_364 = arith.addi %mul3A_180, %add3A_363 : i32
      %mul3A_365 = arith.constant 80 : i32
      %mul3A_366 = arith.muli %add3A_364, %mul3A_365 : i32
      %add3A_367 = arith.constant 0 : i32
      %add3A_368 = arith.addi %mul3A_366, %add3A_367 : i32
      %get3A_369 = arith.index_cast %add3A_368 : i32 to index
      %get3A_370 = tpu.vector_load %arg7[%get3A_369] {strides = array<i32>} : memref<10000xi32, #tpu.memory_space<vmem>>, vector<16xi32>,
      %get3A_371 = vector.shape_cast %get3A_370 : vector<16xi32> to vector<16xi32>
      %swap3A_372 = arith.constant 0 : index
      %swap3A_373 = tpu.vector_load %arg11[%swap3A_372] {strides = array<i32>} : memref<80xi32, #tpu.memory_space<vmem>>, vector<16xi32>,
      %swap3A_374 = vector.shape_cast %swap3A_373 : vector<16xi32> to vector<16xi32>
      %swap3A_375 = vector.shape_cast %get3A_371 : vector<16xi32> to vector<16xi32>
      tpu.vector_store %arg11[%swap3A_372], %swap3A_375 {strides = array<i32>} : memref<80xi32, #tpu.memory_space<vmem>>, vector<16xi32>,
      %mul3A_376 = arith.constant 80 : i32
      %mul3A_377 = arith.muli %add3A_364, %mul3A_376 : i32
      %add3A_378 = arith.constant 16 : i32
      %add3A_379 = arith.addi %mul3A_377, %add3A_378 : i32
      %get3A_380 = arith.index_cast %add3A_379 : i32 to index
      %get3A_381 = tpu.vector_load %arg7[%get3A_380] {strides = array<i32>} : memref<10000xi32, #tpu.memory_space<vmem>>, vector<16xi32>,
      %get3A_382 = vector.shape_cast %get3A_381 : vector<16xi32> to vector<16xi32>
      %swap3A_383 = arith.constant 16 : index
      %swap3A_384 = tpu.vector_load %arg11[%swap3A_383] {strides = array<i32>} : memref<80xi32, #tpu.memory_space<vmem>>, vector<16xi32>,
      %swap3A_385 = vector.shape_cast %swap3A_384 : vector<16xi32> to vector<16xi32>
      %swap3A_386 = vector.shape_cast %get3A_382 : vector<16xi32> to vector<16xi32>
      tpu.vector_store %arg11[%swap3A_383], %swap3A_386 {strides = array<i32>} : memref<80xi32, #tpu.memory_space<vmem>>, vector<16xi32>,
      %mul3A_387 = arith.constant 80 : i32
      %mul3A_388 = arith.muli %add3A_364, %mul3A_387 : i32
      %add3A_389 = arith.constant 32 : i32
      %add3A_390 = arith.addi %mul3A_388, %add3A_389 : i32
      %get3A_391 = arith.index_cast %add3A_390 : i32 to index
      %get3A_392 = tpu.vector_load %arg7[%get3A_391] {strides = array<i32>} : memref<10000xi32, #tpu.memory_space<vmem>>, vector<16xi32>,
      %get3A_393 = vector.shape_cast %get3A_392 : vector<16xi32> to vector<16xi32>
      %swap3A_394 = arith.constant 32 : index
      %swap3A_395 = tpu.vector_load %arg11[%swap3A_394] {strides = array<i32>} : memref<80xi32, #tpu.memory_space<vmem>>, vector<16xi32>,
      %swap3A_396 = vector.shape_cast %swap3A_395 : vector<16xi32> to vector<16xi32>
      %swap3A_397 = vector.shape_cast %get3A_393 : vector<16xi32> to vector<16xi32>
      tpu.vector_store %arg11[%swap3A_394], %swap3A_397 {strides = array<i32>} : memref<80xi32, #tpu.memory_space<vmem>>, vector<16xi32>,
      %mul3A_398 = arith.constant 80 : i32
      %mul3A_399 = arith.muli %add3A_364, %mul3A_398 : i32
      %add3A_400 = arith.constant 48 : i32
      %add3A_401 = arith.addi %mul3A_399, %add3A_400 : i32
      %get3A_402 = arith.index_cast %add3A_401 : i32 to index
      %get3A_403 = tpu.vector_load %arg7[%get3A_402] {strides = array<i32>} : memref<10000xi32, #tpu.memory_space<vmem>>, vector<16xi32>,
      %get3A_404 = vector.shape_cast %get3A_403 : vector<16xi32> to vector<16xi32>
      %swap3A_405 = arith.constant 48 : index
      %swap3A_406 = tpu.vector_load %arg11[%swap3A_405] {strides = array<i32>} : memref<80xi32, #tpu.memory_space<vmem>>, vector<16xi32>,
      %swap3A_407 = vector.shape_cast %swap3A_406 : vector<16xi32> to vector<16xi32>
      %swap3A_408 = vector.shape_cast %get3A_404 : vector<16xi32> to vector<16xi32>
      tpu.vector_store %arg11[%swap3A_405], %swap3A_408 {strides = array<i32>} : memref<80xi32, #tpu.memory_space<vmem>>, vector<16xi32>,
      %mul3A_409 = arith.constant 80 : i32
      %mul3A_410 = arith.muli %add3A_364, %mul3A_409 : i32
      %add3A_411 = arith.constant 64 : i32
      %add3A_412 = arith.addi %mul3A_410, %add3A_411 : i32
      %get3A_413 = arith.index_cast %add3A_412 : i32 to index
      %get3A_414 = tpu.vector_load %arg7[%get3A_413] {strides = array<i32>} : memref<10000xi32, #tpu.memory_space<vmem>>, vector<16xi32>,
      %get3A_415 = vector.shape_cast %get3A_414 : vector<16xi32> to vector<16xi32>
      %swap3A_416 = arith.constant 64 : index
      %swap3A_417 = tpu.vector_load %arg11[%swap3A_416] {strides = array<i32>} : memref<80xi32, #tpu.memory_space<vmem>>, vector<16xi32>,
      %swap3A_418 = vector.shape_cast %swap3A_417 : vector<16xi32> to vector<16xi32>
      %swap3A_419 = vector.shape_cast %get3A_415 : vector<16xi32> to vector<16xi32>
      tpu.vector_store %arg11[%swap3A_416], %swap3A_419 {strides = array<i32>} : memref<80xi32, #tpu.memory_space<vmem>>, vector<16xi32>,
      %dma_start3A_420 = arith.constant 0 : i32
      %dma_start3A_421 = arith.constant 0 : i32
      %dma_start3A_422 = tpu.memref_slice %arg15[%dma_start3A_420, %dma_start3A_421] : memref<10000x128xf32, #tpu.memory_space<vmem_shared>> -> memref<10000x128xf32, #tpu.memory_space<vmem_shared>>
      tpu.enqueue_indirect_dma source(%arg13 : memref<80x128xf32, #tpu.memory_space<vmem>>) target(%dma_start3A_422 : memref<10000x128xf32, #tpu.memory_space<vmem_shared>>) offsets(%arg11 : memref<80xi32, #tpu.memory_space<vmem>>) semaphore(%arg19 : memref<!tpu.dma_semaphore, #tpu.memory_space<semaphore_mem>>) {add = true}
      %dma_wait3A_423 = arith.constant 0 : i32
      %dma_wait3A_424 = arith.constant 0 : i32
      %dma_wait3A_425 = tpu.memref_slice %arg15[%dma_wait3A_423, %dma_wait3A_424] : memref<10000x128xf32, #tpu.memory_space<vmem_shared>> -> memref<10000x128xf32, #tpu.memory_space<vmem_shared>>
      tpu.wait_indirect_dma semaphore(%arg18 : memref<!tpu.dma_semaphore, #tpu.memory_space<semaphore_mem>>) src(%arg12 : memref<80x128xf32, #tpu.memory_space<vmem>>) dst(%dma_wait3A_425 : memref<10000x128xf32, #tpu.memory_space<vmem_shared>>)
      %dma_wait3A_426 = arith.constant 0 : i32
      %dma_wait3A_427 = arith.constant 0 : i32
      %dma_wait3A_428 = tpu.memref_slice %arg15[%dma_wait3A_426, %dma_wait3A_427] : memref<10000x128xf32, #tpu.memory_space<vmem_shared>> -> memref<10000x128xf32, #tpu.memory_space<vmem_shared>>
      tpu.wait_indirect_dma semaphore(%arg19 : memref<!tpu.dma_semaphore, #tpu.memory_space<semaphore_mem>>) src(%arg13 : memref<80x128xf32, #tpu.memory_space<vmem>>) dst(%dma_wait3A_428 : memref<10000x128xf32, #tpu.memory_space<vmem_shared>>)
    }
    %scan3A_87 = arith.constant 62 : i32
    %get3A = arith.constant 9920 : index
    %get3A_88 = tpu.vector_load %arg6[%get3A] {strides = array<i32>} : memref<10000xi32, #tpu.memory_space<vmem>>, vector<16xi32>,
    %get3A_89 = vector.shape_cast %get3A_88 : vector<16xi32> to vector<16xi32>
    %swap3A = arith.constant 0 : index
    %swap3A_90 = tpu.vector_load %arg8[%swap3A] {strides = array<i32>} : memref<80xi32, #tpu.memory_space<vmem>>, vector<16xi32>,
    %swap3A_91 = vector.shape_cast %swap3A_90 : vector<16xi32> to vector<16xi32>
    %swap3A_92 = vector.shape_cast %get3A_89 : vector<16xi32> to vector<16xi32>
    tpu.vector_store %arg8[%swap3A], %swap3A_92 {strides = array<i32>} : memref<80xi32, #tpu.memory_space<vmem>>, vector<16xi32>,
    %get3A_93 = arith.constant 9936 : index
    %get3A_94 = tpu.vector_load %arg6[%get3A_93] {strides = array<i32>} : memref<10000xi32, #tpu.memory_space<vmem>>, vector<16xi32>,
    %get3A_95 = vector.shape_cast %get3A_94 : vector<16xi32> to vector<16xi32>
    %swap3A_96 = arith.constant 16 : index
    %swap3A_97 = tpu.vector_load %arg8[%swap3A_96] {strides = array<i32>} : memref<80xi32, #tpu.memory_space<vmem>>, vector<16xi32>,
    %swap3A_98 = vector.shape_cast %swap3A_97 : vector<16xi32> to vector<16xi32>
    %swap3A_99 = vector.shape_cast %get3A_95 : vector<16xi32> to vector<16xi32>
    tpu.vector_store %arg8[%swap3A_96], %swap3A_99 {strides = array<i32>} : memref<80xi32, #tpu.memory_space<vmem>>, vector<16xi32>,
    %get3A_100 = arith.constant 9952 : index
    %get3A_101 = tpu.vector_load %arg6[%get3A_100] {strides = array<i32>} : memref<10000xi32, #tpu.memory_space<vmem>>, vector<16xi32>,
    %get3A_102 = vector.shape_cast %get3A_101 : vector<16xi32> to vector<16xi32>
    %swap3A_103 = arith.constant 32 : index
    %swap3A_104 = tpu.vector_load %arg8[%swap3A_103] {strides = array<i32>} : memref<80xi32, #tpu.memory_space<vmem>>, vector<16xi32>,
    %swap3A_105 = vector.shape_cast %swap3A_104 : vector<16xi32> to vector<16xi32>
    %swap3A_106 = vector.shape_cast %get3A_102 : vector<16xi32> to vector<16xi32>
    tpu.vector_store %arg8[%swap3A_103], %swap3A_106 {strides = array<i32>} : memref<80xi32, #tpu.memory_space<vmem>>, vector<16xi32>,
    %get3A_107 = arith.constant 9968 : index
    %get3A_108 = tpu.vector_load %arg6[%get3A_107] {strides = array<i32>} : memref<10000xi32, #tpu.memory_space<vmem>>, vector<16xi32>,
    %get3A_109 = vector.shape_cast %get3A_108 : vector<16xi32> to vector<16xi32>
    %swap3A_110 = arith.constant 48 : index
    %swap3A_111 = tpu.vector_load %arg8[%swap3A_110] {strides = array<i32>} : memref<80xi32, #tpu.memory_space<vmem>>, vector<16xi32>,
    %swap3A_112 = vector.shape_cast %swap3A_111 : vector<16xi32> to vector<16xi32>
    %swap3A_113 = vector.shape_cast %get3A_109 : vector<16xi32> to vector<16xi32>
    tpu.vector_store %arg8[%swap3A_110], %swap3A_113 {strides = array<i32>} : memref<80xi32, #tpu.memory_space<vmem>>, vector<16xi32>,
    %get3A_114 = arith.constant 9984 : index
    %get3A_115 = tpu.vector_load %arg6[%get3A_114] {strides = array<i32>} : memref<10000xi32, #tpu.memory_space<vmem>>, vector<16xi32>,
    %get3A_116 = vector.shape_cast %get3A_115 : vector<16xi32> to vector<16xi32>
    %swap3A_117 = arith.constant 64 : index
    %swap3A_118 = tpu.vector_load %arg8[%swap3A_117] {strides = array<i32>} : memref<80xi32, #tpu.memory_space<vmem>>, vector<16xi32>,
    %swap3A_119 = vector.shape_cast %swap3A_118 : vector<16xi32> to vector<16xi32>
    %swap3A_120 = vector.shape_cast %get3A_116 : vector<16xi32> to vector<16xi32>
    tpu.vector_store %arg8[%swap3A_117], %swap3A_120 {strides = array<i32>} : memref<80xi32, #tpu.memory_space<vmem>>, vector<16xi32>,
    %dma_start3A_121 = arith.constant 0 : i32
    %dma_start3A_122 = arith.constant 0 : i32
    %dma_start3A_123 = tpu.memref_slice %arg2[%dma_start3A_121, %dma_start3A_122] : memref<10000x128xf32, #tpu.memory_space<hbm>> -> memref<10000x128xf32, #tpu.memory_space<hbm>>
    tpu.enqueue_indirect_dma source(%dma_start3A_123 : memref<10000x128xf32, #tpu.memory_space<hbm>>) target(%arg12 : memref<80x128xf32, #tpu.memory_space<vmem>>) offsets(%arg8 : memref<80xi32, #tpu.memory_space<vmem>>) semaphore(%arg16 : memref<!tpu.dma_semaphore, #tpu.memory_space<semaphore_mem>>)
    %dma_wait3A_124 = arith.constant 0 : i32
    %dma_wait3A_125 = arith.constant 0 : i32
    %dma_wait3A_126 = tpu.memref_slice %arg2[%dma_wait3A_124, %dma_wait3A_125] : memref<10000x128xf32, #tpu.memory_space<hbm>> -> memref<10000x128xf32, #tpu.memory_space<hbm>>
    tpu.wait_indirect_dma semaphore(%arg16 : memref<!tpu.dma_semaphore, #tpu.memory_space<semaphore_mem>>) src(%dma_wait3A_126 : memref<10000x128xf32, #tpu.memory_space<hbm>>) dst(%arg12 : memref<80x128xf32, #tpu.memory_space<vmem>>)
    %get3A_127 = arith.constant 9920 : index
    %get3A_128 = tpu.vector_load %arg7[%get3A_127] {strides = array<i32>} : memref<10000xi32, #tpu.memory_space<vmem>>, vector<16xi32>,
    %get3A_129 = vector.shape_cast %get3A_128 : vector<16xi32> to vector<16xi32>
    %swap3A_130 = arith.constant 0 : index
    %swap3A_131 = tpu.vector_load %arg10[%swap3A_130] {strides = array<i32>} : memref<80xi32, #tpu.memory_space<vmem>>, vector<16xi32>,
    %swap3A_132 = vector.shape_cast %swap3A_131 : vector<16xi32> to vector<16xi32>
    %swap3A_133 = vector.shape_cast %get3A_129 : vector<16xi32> to vector<16xi32>
    tpu.vector_store %arg10[%swap3A_130], %swap3A_133 {strides = array<i32>} : memref<80xi32, #tpu.memory_space<vmem>>, vector<16xi32>,
    %get3A_134 = arith.constant 9936 : index
    %get3A_135 = tpu.vector_load %arg7[%get3A_134] {strides = array<i32>} : memref<10000xi32, #tpu.memory_space<vmem>>, vector<16xi32>,
    %get3A_136 = vector.shape_cast %get3A_135 : vector<16xi32> to vector<16xi32>
    %swap3A_137 = arith.constant 16 : index
    %swap3A_138 = tpu.vector_load %arg10[%swap3A_137] {strides = array<i32>} : memref<80xi32, #tpu.memory_space<vmem>>, vector<16xi32>,
    %swap3A_139 = vector.shape_cast %swap3A_138 : vector<16xi32> to vector<16xi32>
    %swap3A_140 = vector.shape_cast %get3A_136 : vector<16xi32> to vector<16xi32>
    tpu.vector_store %arg10[%swap3A_137], %swap3A_140 {strides = array<i32>} : memref<80xi32, #tpu.memory_space<vmem>>, vector<16xi32>,
    %get3A_141 = arith.constant 9952 : index
    %get3A_142 = tpu.vector_load %arg7[%get3A_141] {strides = array<i32>} : memref<10000xi32, #tpu.memory_space<vmem>>, vector<16xi32>,
    %get3A_143 = vector.shape_cast %get3A_142 : vector<16xi32> to vector<16xi32>
    %swap3A_144 = arith.constant 32 : index
    %swap3A_145 = tpu.vector_load %arg10[%swap3A_144] {strides = array<i32>} : memref<80xi32, #tpu.memory_space<vmem>>, vector<16xi32>,
    %swap3A_146 = vector.shape_cast %swap3A_145 : vector<16xi32> to vector<16xi32>
    %swap3A_147 = vector.shape_cast %get3A_143 : vector<16xi32> to vector<16xi32>
    tpu.vector_store %arg10[%swap3A_144], %swap3A_147 {strides = array<i32>} : memref<80xi32, #tpu.memory_space<vmem>>, vector<16xi32>,
    %get3A_148 = arith.constant 9968 : index
    %get3A_149 = tpu.vector_load %arg7[%get3A_148] {strides = array<i32>} : memref<10000xi32, #tpu.memory_space<vmem>>, vector<16xi32>,
    %get3A_150 = vector.shape_cast %get3A_149 : vector<16xi32> to vector<16xi32>
    %swap3A_151 = arith.constant 48 : index
    %swap3A_152 = tpu.vector_load %arg10[%swap3A_151] {strides = array<i32>} : memref<80xi32, #tpu.memory_space<vmem>>, vector<16xi32>,
    %swap3A_153 = vector.shape_cast %swap3A_152 : vector<16xi32> to vector<16xi32>
    %swap3A_154 = vector.shape_cast %get3A_150 : vector<16xi32> to vector<16xi32>
    tpu.vector_store %arg10[%swap3A_151], %swap3A_154 {strides = array<i32>} : memref<80xi32, #tpu.memory_space<vmem>>, vector<16xi32>,
    %get3A_155 = arith.constant 9984 : index
    %get3A_156 = tpu.vector_load %arg7[%get3A_155] {strides = array<i32>} : memref<10000xi32, #tpu.memory_space<vmem>>, vector<16xi32>,
    %get3A_157 = vector.shape_cast %get3A_156 : vector<16xi32> to vector<16xi32>
    %swap3A_158 = arith.constant 64 : index
    %swap3A_159 = tpu.vector_load %arg10[%swap3A_158] {strides = array<i32>} : memref<80xi32, #tpu.memory_space<vmem>>, vector<16xi32>,
    %swap3A_160 = vector.shape_cast %swap3A_159 : vector<16xi32> to vector<16xi32>
    %swap3A_161 = vector.shape_cast %get3A_157 : vector<16xi32> to vector<16xi32>
    tpu.vector_store %arg10[%swap3A_158], %swap3A_161 {strides = array<i32>} : memref<80xi32, #tpu.memory_space<vmem>>, vector<16xi32>,
    %dma_start3A_162 = arith.constant 0 : i32
    %dma_start3A_163 = arith.constant 0 : i32
    %dma_start3A_164 = tpu.memref_slice %arg15[%dma_start3A_162, %dma_start3A_163] : memref<10000x128xf32, #tpu.memory_space<vmem_shared>> -> memref<10000x128xf32, #tpu.memory_space<vmem_shared>>
    tpu.enqueue_indirect_dma source(%arg12 : memref<80x128xf32, #tpu.memory_space<vmem>>) target(%dma_start3A_164 : memref<10000x128xf32, #tpu.memory_space<vmem_shared>>) offsets(%arg10 : memref<80xi32, #tpu.memory_space<vmem>>) semaphore(%arg18 : memref<!tpu.dma_semaphore, #tpu.memory_space<semaphore_mem>>) {add = true}
    %dma_wait3A_165 = arith.constant 0 : i32
    %dma_wait3A_166 = arith.constant 0 : i32
    %dma_wait3A_167 = tpu.memref_slice %arg15[%dma_wait3A_165, %dma_wait3A_166] : memref<10000x128xf32, #tpu.memory_space<vmem_shared>> -> memref<10000x128xf32, #tpu.memory_space<vmem_shared>>
    tpu.wait_indirect_dma semaphore(%arg18 : memref<!tpu.dma_semaphore, #tpu.memory_space<semaphore_mem>>) src(%arg12 : memref<80x128xf32, #tpu.memory_space<vmem>>) dst(%dma_wait3A_167 : memref<10000x128xf32, #tpu.memory_space<vmem_shared>>)
    %barrier3A_168 = arith.constant 0 : index
    tpu.barrier barrier_id(%barrier3A_168)
    %mul3A_169 = arith.constant 624 : i32
    %mul3A_170 = arith.muli %arg1, %mul3A_169 : i32
    %mul3A_171 = arith.constant 624 : i32
    %mul3A_172 = arith.muli %arg1, %mul3A_171 : i32
    "tpu.region"() ({
      %run_scoped3A = tpu.sem_alloc : memref<!tpu.dma_semaphore, #tpu.memory_space<semaphore_mem>>
      %dma_start3A_178 = arith.constant 0 : i32
      %dma_start3A_179 = arith.constant 0 : i32
      %dma_start3A_180 = tpu.memref_slice %arg5[%arg0, %dma_start3A_178, %dma_start3A_179] : memref<2x10000x128xf32, #tpu.memory_space<hbm>> -> memref<1x10000x128xf32, #tpu.memory_space<hbm>>
      %dma_start3A_181 = tpu.memref_squeeze %dma_start3A_180 : memref<1x10000x128xf32, #tpu.memory_space<hbm>> -> memref<10000x128xf32, #tpu.memory_space<hbm>>
      %dma_start3A_182 = arith.constant 0 : i32
      %dma_start3A_183 = tpu.memref_slice %dma_start3A_181[%mul3A_172, %dma_start3A_182] : memref<10000x128xf32, #tpu.memory_space<hbm>> -> memref<624x128xf32, #tpu.memory_space<hbm>>
      %dma_start3A_184 = arith.constant 0 : i32
      %dma_start3A_185 = tpu.memref_slice %arg15[%mul3A_170, %dma_start3A_184] : memref<10000x128xf32, #tpu.memory_space<vmem_shared>> -> memref<624x128xf32, #tpu.memory_space<vmem_shared>>
      tpu.enqueue_dma source(%dma_start3A_185 : memref<624x128xf32, #tpu.memory_space<vmem_shared>>) target(%dma_start3A_183 : memref<624x128xf32, #tpu.memory_space<hbm>>) target_semaphore(%run_scoped3A : memref<!tpu.dma_semaphore, #tpu.memory_space<semaphore_mem>>)
      %dma_wait3A_186 = arith.constant 0 : i32
      %dma_wait3A_187 = arith.constant 0 : i32
      %dma_wait3A_188 = tpu.memref_slice %arg5[%arg0, %dma_wait3A_186, %dma_wait3A_187] : memref<2x10000x128xf32, #tpu.memory_space<hbm>> -> memref<1x10000x128xf32, #tpu.memory_space<hbm>>
      %dma_wait3A_189 = tpu.memref_squeeze %dma_wait3A_188 : memref<1x10000x128xf32, #tpu.memory_space<hbm>> -> memref<10000x128xf32, #tpu.memory_space<hbm>>
      %dma_wait3A_190 = arith.constant 0 : i32
      %dma_wait3A_191 = tpu.memref_slice %dma_wait3A_189[%mul3A_172, %dma_wait3A_190] : memref<10000x128xf32, #tpu.memory_space<hbm>> -> memref<624x128xf32, #tpu.memory_space<hbm>>
      %dma_wait3A_192 = arith.constant 0 : i32
      %dma_wait3A_193 = tpu.memref_slice %arg15[%mul3A_170, %dma_wait3A_192] : memref<10000x128xf32, #tpu.memory_space<vmem_shared>> -> memref<624x128xf32, #tpu.memory_space<vmem_shared>>
      tpu.wait_dma2 semaphore(%run_scoped3A : memref<!tpu.dma_semaphore, #tpu.memory_space<semaphore_mem>>) src(%dma_wait3A_193 : memref<624x128xf32, #tpu.memory_space<vmem_shared>>) dst(%dma_wait3A_191 : memref<624x128xf32, #tpu.memory_space<hbm>>)
      tpu.yield
    }) : () -> ()
    %eq3A_173 = arith.constant 15 : i32
    %eq3A_174 = arith.cmpi eq, %arg1, %eq3A_173 : i32
    %convert_element_type3A_175 = arith.extui %eq3A_174 : i1 to i32
    %cond3A_176 = arith.constant 0 : i32
    %cond3A_177 = arith.cmpi ne, %convert_element_type3A_175, %cond3A_176 : i32
    scf.if %cond3A_177 {
      "tpu.region"() ({
        %run_scoped3A = tpu.sem_alloc : memref<!tpu.dma_semaphore, #tpu.memory_space<semaphore_mem>>
        %dma_start3A_178 = arith.constant 0 : i32
        %dma_start3A_179 = arith.constant 0 : i32
        %dma_start3A_180 = tpu.memref_slice %arg5[%arg0, %dma_start3A_178, %dma_start3A_179] : memref<2x10000x128xf32, #tpu.memory_space<hbm>> -> memref<1x10000x128xf32, #tpu.memory_space<hbm>>
        %dma_start3A_181 = tpu.memref_squeeze %dma_start3A_180 : memref<1x10000x128xf32, #tpu.memory_space<hbm>> -> memref<10000x128xf32, #tpu.memory_space<hbm>>
        %dma_start3A_182 = arith.constant 9984 : i32
        %dma_start3A_183 = arith.constant 0 : i32
        %dma_start3A_184 = tpu.memref_slice %dma_start3A_181[%dma_start3A_182, %dma_start3A_183] : memref<10000x128xf32, #tpu.memory_space<hbm>> -> memref<16x128xf32, #tpu.memory_space<hbm>>
        %dma_start3A_185 = arith.constant 9984 : i32
        %dma_start3A_186 = arith.constant 0 : i32
        %dma_start3A_187 = tpu.memref_slice %arg15[%dma_start3A_185, %dma_start3A_186] : memref<10000x128xf32, #tpu.memory_space<vmem_shared>> -> memref<16x128xf32, #tpu.memory_space<vmem_shared>>
        tpu.enqueue_dma source(%dma_start3A_187 : memref<16x128xf32, #tpu.memory_space<vmem_shared>>) target(%dma_start3A_184 : memref<16x128xf32, #tpu.memory_space<hbm>>) target_semaphore(%run_scoped3A : memref<!tpu.dma_semaphore, #tpu.memory_space<semaphore_mem>>)
        %dma_wait3A_188 = arith.constant 0 : i32
        %dma_wait3A_189 = arith.constant 0 : i32
        %dma_wait3A_190 = tpu.memref_slice %arg5[%arg0, %dma_wait3A_188, %dma_wait3A_189] : memref<2x10000x128xf32, #tpu.memory_space<hbm>> -> memref<1x10000x128xf32, #tpu.memory_space<hbm>>
        %dma_wait3A_191 = tpu.memref_squeeze %dma_wait3A_190 : memref<1x10000x128xf32, #tpu.memory_space<hbm>> -> memref<10000x128xf32, #tpu.memory_space<hbm>>
        %dma_wait3A_192 = arith.constant 9984 : i32
        %dma_wait3A_193 = arith.constant 0 : i32
        %dma_wait3A_194 = tpu.memref_slice %dma_wait3A_191[%dma_wait3A_192, %dma_wait3A_193] : memref<10000x128xf32, #tpu.memory_space<hbm>> -> memref<16x128xf32, #tpu.memory_space<hbm>>
        %dma_wait3A_195 = arith.constant 9984 : i32
        %dma_wait3A_196 = arith.constant 0 : i32
        %dma_wait3A_197 = tpu.memref_slice %arg15[%dma_wait3A_195, %dma_wait3A_196] : memref<10000x128xf32, #tpu.memory_space<vmem_shared>> -> memref<16x128xf32, #tpu.memory_space<vmem_shared>>
        tpu.wait_dma2 semaphore(%run_scoped3A : memref<!tpu.dma_semaphore, #tpu.memory_space<semaphore_mem>>) src(%dma_wait3A_197 : memref<16x128xf32, #tpu.memory_space<vmem_shared>>) dst(%dma_wait3A_194 : memref<16x128xf32, #tpu.memory_space<hbm>>)
        tpu.yield
      }) : () -> ()
    } else {
    }
    return
  }
}

module attributes {stable_mosaic.version = 14 : i64} {
  func.func @_mid_body(%arg0: i32, %arg1: memref<2x1000x128xf32, #tpu.memory_space<vmem>>, %arg2: memref<1000x128xf32, #tpu.memory_space<vmem>>, %arg3: memref<1000x1xf32, #tpu.memory_space<vmem>>, %arg4: memref<1x128xf32, #tpu.memory_space<vmem>>, %arg5: memref<128x128xf32, #tpu.memory_space<vmem>>, %arg6: memref<1000x128xf32, #tpu.memory_space<vmem>>) attributes {dimension_semantics = [#tpu.dimension_semantics<arbitrary>], iteration_bounds = array<i64: 10>, scalar_prefetch = 0 : i64, scratch_operands = 0 : i64, tpu.core_type = #tpu.core_type<tc>, window_params = [{transform_indices = @transform_0, window_bounds = array<i64: 2, 1000, 128>}, {transform_indices = @transform_1, window_bounds = array<i64: 1000, 128>}, {transform_indices = @transform_2, window_bounds = array<i64: 1000, 1>}, {pipeline_mode = #tpu.pipeline_mode<synchronous>, transform_indices = @transform_3, window_bounds = array<i64: 1, 128>}, {pipeline_mode = #tpu.pipeline_mode<synchronous>, transform_indices = @transform_4, window_bounds = array<i64: 128, 128>}, {transform_indices = @transform_5, window_bounds = array<i64: 1000, 128>}]} {
    %get3A = arith.constant 0 : index
    %get3A_0 = arith.constant 0 : index
    %get3A_1 = vector.load %arg3[%get3A, %get3A_0] : memref<1000x1xf32, #tpu.memory_space<vmem>>, vector<1000x1xf32>
    %get3A_2 = arith.constant 0 : index
    %get3A_3 = arith.constant 0 : index
    %get3A_4 = arith.constant 0 : index
    %get3A_5 = vector.load %arg1[%get3A_2, %get3A_3, %get3A_4] : memref<2x1000x128xf32, #tpu.memory_space<vmem>>, vector<1x1000x128xf32>
    %get3A_6 = vector.shape_cast %get3A_5 : vector<1x1000x128xf32> to vector<1000x128xf32>
    %get3A_7 = arith.constant 1 : index
    %get3A_8 = arith.constant 0 : index
    %get3A_9 = arith.constant 0 : index
    %get3A_10 = vector.load %arg1[%get3A_7, %get3A_8, %get3A_9] : memref<2x1000x128xf32, #tpu.memory_space<vmem>>, vector<1x1000x128xf32>
    %get3A_11 = vector.shape_cast %get3A_10 : vector<1x1000x128xf32> to vector<1000x128xf32>
    %add3A = arith.addf %get3A_6, %get3A_11 : vector<1000x128xf32>
    %get3A_12 = arith.constant 0 : index
    %get3A_13 = arith.constant 0 : index
    %get3A_14 = vector.load %arg2[%get3A_12, %get3A_13] : memref<1000x128xf32, #tpu.memory_space<vmem>>, vector<1000x128xf32>
    %add3A_15 = arith.addf %add3A, %get3A_14 : vector<1000x128xf32>
    %mul3A = vector.broadcast %get3A_1 : vector<1000x1xf32> to vector<1000x128xf32>
    %mul3A_16 = arith.mulf %mul3A, %add3A_15 : vector<1000x128xf32>
    %get3A_17 = arith.constant 0 : index
    %get3A_18 = arith.constant 0 : index
    %get3A_19 = vector.load %arg4[%get3A_17, %get3A_18] : memref<1x128xf32, #tpu.memory_space<vmem>>, vector<1x128xf32>
    %add3A_20 = vector.broadcast %get3A_19 : vector<1x128xf32> to vector<1000x128xf32>
    %add3A_21 = arith.addf %mul3A_16, %add3A_20 : vector<1000x128xf32>
    %max3A = arith.constant 0.000000e+00 : f32
    %max3A_22 = vector.broadcast %max3A : f32 to vector<1000x128xf32>
    %max3A_23 = arith.maximumf %add3A_21, %max3A_22 : vector<1000x128xf32>
    %get3A_24 = arith.constant 0 : index
    %get3A_25 = arith.constant 0 : index
    %get3A_26 = vector.load %arg5[%get3A_24, %get3A_25] : memref<128x128xf32, #tpu.memory_space<vmem>>, vector<128x128xf32>
    %dot_general3A = arith.constant dense<0.000000e+00> : vector<1000x128xf32>
    %dot_general3A_27 = tpu.matmul %max3A_23, %get3A_26, %dot_general3A {dimension_numbers = #tpu.dot_dimension_numbers<[1], [0], [0], [1], [0, 0, 1, 1], [], []>, transpose_lhs_hint = false} : vector<1000x128xf32>, vector<128x128xf32>, vector<1000x128xf32> -> vector<1000x128xf32>
    %mul3A_28 = vector.broadcast %get3A_1 : vector<1000x1xf32> to vector<1000x128xf32>
    %mul3A_29 = arith.mulf %mul3A_28, %dot_general3A_27 : vector<1000x128xf32>
    %swap3A = arith.constant 0 : index
    %swap3A_30 = arith.constant 0 : index
    %swap3A_31 = vector.load %arg6[%swap3A, %swap3A_30] : memref<1000x128xf32, #tpu.memory_space<vmem>>, vector<1000x128xf32>
    tpu.vector_store %arg6[%swap3A, %swap3A_30], %mul3A_29 {strides = array<i32>} : memref<1000x128xf32, #tpu.memory_space<vmem>>, vector<1000x128xf32>,
    return
  }
  func.func @transform_0(%arg0: i32) -> (i32, i32, i32) {
    %c0_i32 = arith.constant 0 : i32
    %c0_i32_0 = arith.constant 0 : i32
    %c0_i32_1 = arith.constant 0 : i32
    return %c0_i32, %arg0, %c0_i32_0 : i32, i32, i32
  }
  func.func @transform_1(%arg0: i32) -> (i32, i32) {
    %c0_i32 = arith.constant 0 : i32
    %c0_i32_0 = arith.constant 0 : i32
    return %arg0, %c0_i32 : i32, i32
  }
  func.func @transform_2(%arg0: i32) -> (i32, i32) {
    %c0_i32 = arith.constant 0 : i32
    %c0_i32_0 = arith.constant 0 : i32
    return %arg0, %c0_i32 : i32, i32
  }
  func.func @transform_3(%arg0: i32) -> (i32, i32) {
    %c0_i32 = arith.constant 0 : i32
    %c0_i32_0 = arith.constant 0 : i32
    %c0_i32_1 = arith.constant 0 : i32
    return %c0_i32, %c0_i32_0 : i32, i32
  }
  func.func @transform_4(%arg0: i32) -> (i32, i32) {
    %c0_i32 = arith.constant 0 : i32
    %c0_i32_0 = arith.constant 0 : i32
    %c0_i32_1 = arith.constant 0 : i32
    return %c0_i32, %c0_i32_0 : i32, i32
  }
  func.func @transform_5(%arg0: i32) -> (i32, i32) {
    %c0_i32 = arith.constant 0 : i32
    %c0_i32_0 = arith.constant 0 : i32
    return %arg0, %c0_i32 : i32, i32
  }
}

module attributes {stable_mosaic.version = 14 : i64} {
  func.func @_pre_body(%arg0: i32, %arg1: memref<1000x128xf32, #tpu.memory_space<vmem>>, %arg2: memref<1x128xf32, #tpu.memory_space<vmem>>, %arg3: memref<1x128xf32, #tpu.memory_space<vmem>>, %arg4: memref<128x128xf32, #tpu.memory_space<vmem>>, %arg5: memref<2x1000x16xf32, #tpu.memory_space<vmem>>, %arg6: memref<1000x128xf32, #tpu.memory_space<vmem>>, %arg7: memref<1000x1xf32, #tpu.memory_space<vmem>>) attributes {dimension_semantics = [#tpu.dimension_semantics<arbitrary>], iteration_bounds = array<i64: 10>, scalar_prefetch = 0 : i64, scratch_operands = 0 : i64, tpu.core_type = #tpu.core_type<tc>, window_params = [{transform_indices = @transform_0, window_bounds = array<i64: 1000, 128>}, {pipeline_mode = #tpu.pipeline_mode<synchronous>, transform_indices = @transform_1, window_bounds = array<i64: 1, 128>}, {pipeline_mode = #tpu.pipeline_mode<synchronous>, transform_indices = @transform_2, window_bounds = array<i64: 1, 128>}, {pipeline_mode = #tpu.pipeline_mode<synchronous>, transform_indices = @transform_3, window_bounds = array<i64: 128, 128>}, {transform_indices = @transform_4, window_bounds = array<i64: 2, 1000, 16>}, {transform_indices = @transform_5, window_bounds = array<i64: 1000, 128>}, {transform_indices = @transform_6, window_bounds = array<i64: 1000, 1>}]} {
    %get3A = arith.constant 0 : index
    %get3A_0 = arith.constant 0 : index
    %get3A_1 = vector.load %arg1[%get3A, %get3A_0] : memref<1000x128xf32, #tpu.memory_space<vmem>>, vector<1000x128xf32>
    %reduce_sum3A = arith.constant dense<0.000000e+00> : vector<1000xf32>
    %reduce_sum3A_2 = vector.multi_reduction <add>, %get3A_1, %reduce_sum3A [1] : vector<1000x128xf32> to vector<1000xf32>
    %broadcast_in_dim3A = vector.shape_cast %reduce_sum3A_2 : vector<1000xf32> to vector<1000x1xf32>
    %div3A = arith.constant 1.280000e+02 : f32
    %div3A_3 = vector.broadcast %div3A : f32 to vector<1000x1xf32>
    %div3A_4 = arith.divf %broadcast_in_dim3A, %div3A_3 : vector<1000x1xf32>
    %sub3A = vector.broadcast %div3A_4 : vector<1000x1xf32> to vector<1000x128xf32>
    %sub3A_5 = arith.subf %get3A_1, %sub3A : vector<1000x128xf32>
    %integer_pow3A = arith.mulf %sub3A_5, %sub3A_5 : vector<1000x128xf32>
    %reduce_sum3A_6 = arith.constant dense<0.000000e+00> : vector<1000xf32>
    %reduce_sum3A_7 = vector.multi_reduction <add>, %integer_pow3A, %reduce_sum3A_6 [1] : vector<1000x128xf32> to vector<1000xf32>
    %broadcast_in_dim3A_8 = vector.shape_cast %reduce_sum3A_7 : vector<1000xf32> to vector<1000x1xf32>
    %div3A_9 = arith.constant 1.280000e+02 : f32
    %div3A_10 = vector.broadcast %div3A_9 : f32 to vector<1000x1xf32>
    %div3A_11 = arith.divf %broadcast_in_dim3A_8, %div3A_10 : vector<1000x1xf32>
    %sub3A_12 = vector.broadcast %div3A_4 : vector<1000x1xf32> to vector<1000x128xf32>
    %sub3A_13 = arith.subf %get3A_1, %sub3A_12 : vector<1000x128xf32>
    %add3A = arith.constant 9.99999974E-6 : f32
    %add3A_14 = vector.broadcast %add3A : f32 to vector<1000x1xf32>
    %add3A_15 = arith.addf %div3A_11, %add3A_14 : vector<1000x1xf32>
    %rsqrt3A = math.rsqrt %add3A_15 : vector<1000x1xf32>
    %mul3A = vector.broadcast %rsqrt3A : vector<1000x1xf32> to vector<1000x128xf32>
    %mul3A_16 = arith.mulf %sub3A_13, %mul3A : vector<1000x128xf32>
    %get3A_17 = arith.constant 0 : index
    %get3A_18 = arith.constant 0 : index
    %get3A_19 = vector.load %arg2[%get3A_17, %get3A_18] : memref<1x128xf32, #tpu.memory_space<vmem>>, vector<1x128xf32>
    %mul3A_20 = vector.broadcast %get3A_19 : vector<1x128xf32> to vector<1000x128xf32>
    %mul3A_21 = arith.mulf %mul3A_16, %mul3A_20 : vector<1000x128xf32>
    %get3A_22 = arith.constant 0 : index
    %get3A_23 = arith.constant 0 : index
    %get3A_24 = vector.load %arg3[%get3A_22, %get3A_23] : memref<1x128xf32, #tpu.memory_space<vmem>>, vector<1x128xf32>
    %add3A_25 = vector.broadcast %get3A_24 : vector<1x128xf32> to vector<1000x128xf32>
    %add3A_26 = arith.addf %mul3A_21, %add3A_25 : vector<1000x128xf32>
    %get3A_27 = arith.constant 0 : index
    %get3A_28 = arith.constant 0 : index
    %get3A_29 = arith.constant 0 : index
    %get3A_30 = vector.load %arg5[%get3A_27, %get3A_28, %get3A_29] : memref<2x1000x16xf32, #tpu.memory_space<vmem>>, vector<1x1000x1xf32>
    %get3A_31 = vector.shape_cast %get3A_30 : vector<1x1000x1xf32> to vector<1000x1xf32>
    %add3A_32 = arith.constant 1.000000e+00 : f32
    %add3A_33 = vector.broadcast %add3A_32 : f32 to vector<1000x1xf32>
    %add3A_34 = arith.addf %add3A_33, %get3A_31 : vector<1000x1xf32>
    %get3A_35 = arith.constant 1 : index
    %get3A_36 = arith.constant 0 : index
    %get3A_37 = arith.constant 0 : index
    %get3A_38 = vector.load %arg5[%get3A_35, %get3A_36, %get3A_37] : memref<2x1000x16xf32, #tpu.memory_space<vmem>>, vector<1x1000x1xf32>
    %get3A_39 = vector.shape_cast %get3A_38 : vector<1x1000x1xf32> to vector<1000x1xf32>
    %add3A_40 = arith.addf %add3A_34, %get3A_39 : vector<1000x1xf32>
    %rsqrt3A_41 = math.rsqrt %add3A_40 : vector<1000x1xf32>
    %get3A_42 = arith.constant 0 : index
    %get3A_43 = arith.constant 0 : index
    %get3A_44 = vector.load %arg4[%get3A_42, %get3A_43] : memref<128x128xf32, #tpu.memory_space<vmem>>, vector<128x128xf32>
    %dot_general3A = arith.constant dense<0.000000e+00> : vector<1000x128xf32>
    %dot_general3A_45 = tpu.matmul %add3A_26, %get3A_44, %dot_general3A {dimension_numbers = #tpu.dot_dimension_numbers<[1], [0], [0], [1], [0, 0, 1, 1], [], []>, transpose_lhs_hint = false} : vector<1000x128xf32>, vector<128x128xf32>, vector<1000x128xf32> -> vector<1000x128xf32>
    %mul3A_46 = vector.broadcast %rsqrt3A_41 : vector<1000x1xf32> to vector<1000x128xf32>
    %mul3A_47 = arith.mulf %mul3A_46, %dot_general3A_45 : vector<1000x128xf32>
    %swap3A = arith.constant 0 : index
    %swap3A_48 = arith.constant 0 : index
    %swap3A_49 = vector.load %arg6[%swap3A, %swap3A_48] : memref<1000x128xf32, #tpu.memory_space<vmem>>, vector<1000x128xf32>
    tpu.vector_store %arg6[%swap3A, %swap3A_48], %mul3A_47 {strides = array<i32>} : memref<1000x128xf32, #tpu.memory_space<vmem>>, vector<1000x128xf32>,
    %swap3A_50 = arith.constant 0 : index
    %swap3A_51 = arith.constant 0 : index
    %swap3A_52 = vector.load %arg7[%swap3A_50, %swap3A_51] : memref<1000x1xf32, #tpu.memory_space<vmem>>, vector<1000x1xf32>
    tpu.vector_store %arg7[%swap3A_50, %swap3A_51], %rsqrt3A_41 {strides = array<i32>} : memref<1000x1xf32, #tpu.memory_space<vmem>>, vector<1000x1xf32>,
    return
  }
  func.func @transform_0(%arg0: i32) -> (i32, i32) {
    %c0_i32 = arith.constant 0 : i32
    %c0_i32_0 = arith.constant 0 : i32
    return %arg0, %c0_i32 : i32, i32
  }
  func.func @transform_1(%arg0: i32) -> (i32, i32) {
    %c0_i32 = arith.constant 0 : i32
    %c0_i32_0 = arith.constant 0 : i32
    %c0_i32_1 = arith.constant 0 : i32
    return %c0_i32, %c0_i32_0 : i32, i32
  }
  func.func @transform_2(%arg0: i32) -> (i32, i32) {
    %c0_i32 = arith.constant 0 : i32
    %c0_i32_0 = arith.constant 0 : i32
    %c0_i32_1 = arith.constant 0 : i32
    return %c0_i32, %c0_i32_0 : i32, i32
  }
  func.func @transform_3(%arg0: i32) -> (i32, i32) {
    %c0_i32 = arith.constant 0 : i32
    %c0_i32_0 = arith.constant 0 : i32
    %c0_i32_1 = arith.constant 0 : i32
    return %c0_i32, %c0_i32_0 : i32, i32
  }
  func.func @transform_4(%arg0: i32) -> (i32, i32, i32) {
    %c0_i32 = arith.constant 0 : i32
    %c0_i32_0 = arith.constant 0 : i32
    %c0_i32_1 = arith.constant 0 : i32
    return %c0_i32, %arg0, %c0_i32_0 : i32, i32, i32
  }
  func.func @transform_5(%arg0: i32) -> (i32, i32) {
    %c0_i32 = arith.constant 0 : i32
    %c0_i32_0 = arith.constant 0 : i32
    return %arg0, %c0_i32 : i32, i32
  }
  func.func @transform_6(%arg0: i32) -> (i32, i32) {
    %c0_i32 = arith.constant 0 : i32
    %c0_i32_0 = arith.constant 0 : i32
    return %arg0, %c0_i32 : i32, i32
  }
}

module attributes {stable_mosaic.version = 14 : i64} {
  func.func @_final_body(%arg0: i32, %arg1: memref<2x1000x128xf32, #tpu.memory_space<vmem>>, %arg2: memref<1000x128xf32, #tpu.memory_space<vmem>>, %arg3: memref<1000x1xf32, #tpu.memory_space<vmem>>, %arg4: memref<1x64xf32, #tpu.memory_space<vmem>>, %arg5: memref<1000x64xf32, #tpu.memory_space<vmem>>) attributes {dimension_semantics = [#tpu.dimension_semantics<arbitrary>], iteration_bounds = array<i64: 10>, scalar_prefetch = 0 : i64, scratch_operands = 0 : i64, tpu.core_type = #tpu.core_type<tc>, window_params = [{transform_indices = @transform_0, window_bounds = array<i64: 2, 1000, 128>}, {transform_indices = @transform_1, window_bounds = array<i64: 1000, 128>}, {transform_indices = @transform_2, window_bounds = array<i64: 1000, 1>}, {pipeline_mode = #tpu.pipeline_mode<synchronous>, transform_indices = @transform_3, window_bounds = array<i64: 1, 64>}, {transform_indices = @transform_4, window_bounds = array<i64: 1000, 64>}]} {
    %get3A = arith.constant 0 : index
    %get3A_0 = arith.constant 0 : index
    %get3A_1 = arith.constant 0 : index
    %get3A_2 = vector.load %arg1[%get3A, %get3A_0, %get3A_1] : memref<2x1000x128xf32, #tpu.memory_space<vmem>>, vector<1x1000x128xf32>
    %get3A_3 = vector.shape_cast %get3A_2 : vector<1x1000x128xf32> to vector<1000x128xf32>
    %get3A_4 = arith.constant 1 : index
    %get3A_5 = arith.constant 0 : index
    %get3A_6 = arith.constant 0 : index
    %get3A_7 = vector.load %arg1[%get3A_4, %get3A_5, %get3A_6] : memref<2x1000x128xf32, #tpu.memory_space<vmem>>, vector<1x1000x128xf32>
    %get3A_8 = vector.shape_cast %get3A_7 : vector<1x1000x128xf32> to vector<1000x128xf32>
    %add3A = arith.addf %get3A_3, %get3A_8 : vector<1000x128xf32>
    %get3A_9 = arith.constant 0 : index
    %get3A_10 = arith.constant 0 : index
    %get3A_11 = vector.load %arg2[%get3A_9, %get3A_10] : memref<1000x128xf32, #tpu.memory_space<vmem>>, vector<1000x128xf32>
    %add3A_12 = arith.addf %add3A, %get3A_11 : vector<1000x128xf32>
    %get3A_13 = arith.constant 0 : index
    %get3A_14 = arith.constant 0 : index
    %get3A_15 = vector.load %arg3[%get3A_13, %get3A_14] : memref<1000x1xf32, #tpu.memory_space<vmem>>, vector<1000x1xf32>
    %slice3A = vector.extract_strided_slice %add3A_12 {offsets = [0, 0], sizes = [1000, 64], strides = [1, 1]} : vector<1000x128xf32> to vector<1000x64xf32>
    %mul3A = vector.broadcast %get3A_15 : vector<1000x1xf32> to vector<1000x64xf32>
    %mul3A_16 = arith.mulf %mul3A, %slice3A : vector<1000x64xf32>
    %get3A_17 = arith.constant 0 : index
    %get3A_18 = arith.constant 0 : index
    %get3A_19 = vector.load %arg4[%get3A_17, %get3A_18] : memref<1x64xf32, #tpu.memory_space<vmem>>, vector<1x64xf32>
    %add3A_20 = vector.broadcast %get3A_19 : vector<1x64xf32> to vector<1000x64xf32>
    %add3A_21 = arith.addf %mul3A_16, %add3A_20 : vector<1000x64xf32>
    %reduce_max3A = arith.constant dense<0xFF800000> : vector<1000xf32>
    %reduce_max3A_22 = vector.multi_reduction <maximumf>, %add3A_21, %reduce_max3A [1] : vector<1000x64xf32> to vector<1000xf32>
    %broadcast_in_dim3A = vector.shape_cast %reduce_max3A_22 : vector<1000xf32> to vector<1000x1xf32>
    %sub3A = vector.broadcast %broadcast_in_dim3A : vector<1000x1xf32> to vector<1000x64xf32>
    %sub3A_23 = arith.subf %add3A_21, %sub3A : vector<1000x64xf32>
    %exp3A = math.exp %sub3A_23 : vector<1000x64xf32>
    %reduce_sum3A = arith.constant dense<0.000000e+00> : vector<1000xf32>
    %reduce_sum3A_24 = vector.multi_reduction <add>, %exp3A, %reduce_sum3A [1] : vector<1000x64xf32> to vector<1000xf32>
    %broadcast_in_dim3A_25 = vector.shape_cast %reduce_sum3A_24 : vector<1000xf32> to vector<1000x1xf32>
    %log3A = math.log %broadcast_in_dim3A_25 : vector<1000x1xf32>
    %sub3A_26 = vector.broadcast %log3A : vector<1000x1xf32> to vector<1000x64xf32>
    %sub3A_27 = arith.subf %sub3A_23, %sub3A_26 : vector<1000x64xf32>
    %swap3A = arith.constant 0 : index
    %swap3A_28 = arith.constant 0 : index
    %swap3A_29 = vector.load %arg5[%swap3A, %swap3A_28] : memref<1000x64xf32, #tpu.memory_space<vmem>>, vector<1000x64xf32>
    tpu.vector_store %arg5[%swap3A, %swap3A_28], %sub3A_27 {strides = array<i32>} : memref<1000x64xf32, #tpu.memory_space<vmem>>, vector<1000x64xf32>,
    return
  }
  func.func @transform_0(%arg0: i32) -> (i32, i32, i32) {
    %c0_i32 = arith.constant 0 : i32
    %c0_i32_0 = arith.constant 0 : i32
    %c0_i32_1 = arith.constant 0 : i32
    return %c0_i32, %arg0, %c0_i32_0 : i32, i32, i32
  }
  func.func @transform_1(%arg0: i32) -> (i32, i32) {
    %c0_i32 = arith.constant 0 : i32
    %c0_i32_0 = arith.constant 0 : i32
    return %arg0, %c0_i32 : i32, i32
  }
  func.func @transform_2(%arg0: i32) -> (i32, i32) {
    %c0_i32 = arith.constant 0 : i32
    %c0_i32_0 = arith.constant 0 : i32
    return %arg0, %c0_i32 : i32, i32
  }
  func.func @transform_3(%arg0: i32) -> (i32, i32) {
    %c0_i32 = arith.constant 0 : i32
    %c0_i32_0 = arith.constant 0 : i32
    %c0_i32_1 = arith.constant 0 : i32
    return %c0_i32, %c0_i32_0 : i32, i32
  }
  func.func @transform_4(%arg0: i32) -> (i32, i32) {
    %c0_i32 = arith.constant 0 : i32
    %c0_i32_0 = arith.constant 0 : i32
    return %arg0, %c0_i32 : i32, i32
  }
}

</mosaic_0001>

<sc_bundles>
// kernel: kernel.10.cloned.1.call-start
scs
__scs_entry_jumppad:
0x0: {  	(pc) =	sbr.rel $0x88, $3  }
0x1: {  	(tag) =	ssettag $0x0;
	lr =	simm.s32 $0x1  }
0x2: {  	[smem:$0x3F97] =	sst lr;
	_ =	strace $0xD0000000  }
0x3: {  	_ = 	snop  }
0x4: {  	_ = 	snop  }
0x5: {  	_ = 	snop  }
0x6: {  	_ = 	snop  }
0x7: {  	_ = 	snop  }
__scs_overlays_trampoline_lowered:
0x8: {  	[smem:$0x3FA6] =	sst s0  }
0x9: {  	[smem:$0x3FA7] =	sst s1  }
0xa: {  	[smem:$0x3FA8] =	sst s2  }
0xb: {  	[smem:$0x3FA9] =	sst s3  }
0xc: {  	[smem:$0x3FAA] =	sst s4  }
0xd: {  	[smem:$0x3FAB] =	sst s5  }
0xe: {  	[smem:$0x3FAC] =	sst s6  }
0xf: {  	[smem:$0x3FAD] =	sst s7  }
0x10: {  	[smem:$0x3FAE] =	sst s8  }
0x11: {  	[smem:$0x3FAF] =	sst s9;
	s0 =	simm.s32 @!p0 $0x0  }
0x12: {  	s1 =	sld [smem:$0x3F95];
	s0 =	simm.s32 @p0 $0x1  }
0x13: {  	[smem:$0x3FB0] =	sst s0;
	s0 =	simm.s32 @!p1 $0x0  }
0x14: {  	s2 =	sld [smem:$0x3F94];
	s0 =	simm.s32 @p1 $0x1  }
0x15: {  	[smem:$0x3FB1] =	sst s0;
	s0 =	simm.s32 @!p2 $0x0  }
0x16: {  	s3 =	sld [smem:$0x3FDB];
	s0 =	simm.s32 @p2 $0x1  }
0x17: {  	s4 =	simm.s32 $0x1BF5;
	[smem:$0x3FB3] =	sst s0  }
0x18: {  	s0 =	sld [smem:$0x3F96];
	_ =	swait.ge [sflag:s4], $0x0  }
0x19: {  	s7 =	sld [smem:$0x3F97]  }
0x1a: {  	s8 =	sadd.s32 $0xFFFFE003, lr  }
0x1b: {  	s9 =	sadd.s32 $0xFFFFFEF7, lr;
	s5 =	simm.s32 $0xFFFFFFFF;
	p2 =	slt.u32 s8, $0xFFFFF086  }
0x1c: {  	p1 =	slt.u32 s9, $0xF7A;
	s5 =	simm.s32 @!p2 $0x0  }
0x1d: {  	s5 =	simm.s32 @p1 $0x1;
	p0 =	seq.s32 s7, s2  }
0x1e: {  	s7 =	smul.u32 @!p0 $0xF7A, s2;
	p2 =	seq.s32 @!p0 s5, $0x0  }
0x1f: {  	s9 =	smul.u32 $0xF7A, s1;
	s8 =	simm.s32 @!p0 $0x1BF5;
	p2 =	por !p2, p0  }
0x20: {  	[sflag:s8] =	ssyncset.s32 @!p0 $0xFFFFF086;
	s6 =	sadd.s32 @!p0 s3, s7;
	s7 =	simm.s32 @!p0 $0x108  }
0x21: {  	s3 =	sadd.s32 s3, s9;
	s6 =	sadd.s32 @!p0 $0x88, s6;
	s7 =	simm.s32 @p2 $0x1082  }
0x22: {  	[simem:s7], [sflag:s8] =	dma.local @!p0 [hbm:s6], $0xF7A  }
0x23: {  	s9 =	sor.u32 $0xD0000000, s2;
	s6 =	simm.s32 $0x108;
	_ =	swait.ge @!p0 [sflag:s8], $0x0  }
0x24: {  	s3 =	sadd.s32 $0x88, s3;
	s6 =	simm.s32 @!p1 $0x1082;
	[sflag:s4] =	ssyncset.s32 $0xFFFFF086  }
0x25: {  	[simem:s6], [sflag:s4] =	dma.local [hbm:s3], $0xF7A  }
0x26: {  	[smem:$0x3F97] =	sst s1;
	(tag) =	ssettag s2;
	_ =	strace s9  }
0x27: {  	s1 =	sld [smem:$0x3FA7]  }
0x28: {  	s2 =	sld [smem:$0x3FA8]  }
0x29: {  	s4 =	sld [smem:$0x3FAA]  }
0x2a: {  	p0 =	seq.s32 s5, $0x0;
	s5 =	sld [smem:$0x3FAB]  }
0x2b: {  	s6 =	sld [smem:$0x3FAC]  }
0x2c: {  	s7 =	sld [smem:$0x3FAD]  }
0x2d: {  	s3 =	simm.s32 $0x108;
	s8 =	sld [smem:$0x3FAE]  }
0x2e: {  	s3 =	simm.s32 @!p0 $0x1082;
	s9 =	sld [smem:$0x3FAF]  }
0x2f: {  	lr =	sadd.s32 s0, s3;
	s0 =	sld [smem:$0x3FA6]  }
0x30: {  	s3 =	sld [smem:$0x3FA9]  }
0x31: {  	[smem:$0x3FB2] =	sst s10  }
0x32: {  	s10 =	sld [smem:$0x3FB0];
	_ =	sdelay $0x3  }
0x33: {  	p0 =	seq.s32 s10, $0x1;
	s10 =	sld [smem:$0x3FB2];
	_ =	sdelay $0x3  }
0x34: {  	[smem:$0x3FB2] =	sst s10  }
0x35: {  	s10 =	sld [smem:$0x3FB1];
	_ =	sdelay $0x3  }
0x36: {  	p1 =	seq.s32 s10, $0x1;
	s10 =	sld [smem:$0x3FB2];
	_ =	sdelay $0x3  }
0x37: {  	[smem:$0x3FB2] =	sst s10  }
0x38: {  	s10 =	sld [smem:$0x3FB3]  }
0x39: {  	_ = 	snop;
	(pc) =	sbr.ind lr, $3  }
0x3a: {  	_ = 	snop  }
0x3b: {  	_ = 	snop  }
0x3c: {  	p2 =	seq.s32 s10, $0x1;
	s10 =	sld [smem:$0x3FB2]  }
0x3d: {  	_ =	shalt  }
0x3e: {  	_ =	shalt  }
0x3f: {  	_ =	shalt  }
0x40: {  	_ =	shalt  }
0x41: {  	_ =	shalt  }
0x42: {  	_ =	shalt  }
0x43: {  	_ =	shalt  }
0x44: {  	_ =	shalt  }
0x45: {  	_ =	shalt  }
0x46: {  	_ =	shalt  }
0x47: {  	_ =	shalt  }
0x48: {  	_ =	shalt  }
0x49: {  	_ =	shalt  }
0x4a: {  	_ =	shalt  }
0x4b: {  	_ =	shalt  }
0x4c: {  	_ =	shalt  }
0x4d: {  	_ =	shalt  }
0x4e: {  	_ =	shalt  }
0x4f: {  	_ =	shalt  }
0x50: {  	_ =	shalt  }
0x51: {  	_ =	shalt  }
0x52: {  	_ =	shalt  }
0x53: {  	_ =	shalt  }
0x54: {  	_ =	shalt  }
0x55: {  	_ =	shalt  }
0x56: {  	_ =	shalt  }
0x57: {  	_ =	shalt  }
0x58: {  	_ =	shalt  }
0x59: {  	_ =	shalt  }
0x5a: {  	_ =	shalt  }
0x5b: {  	_ =	shalt  }
0x5c: {  	_ =	shalt  }
0x5d: {  	_ =	shalt  }
0x5e: {  	_ =	shalt  }
0x5f: {  	_ =	shalt  }
0x60: {  	_ =	shalt  }
0x61: {  	_ =	shalt  }
0x62: {  	_ =	shalt  }
0x63: {  	_ =	shalt  }
0x64: {  	_ =	shalt  }
0x65: {  	_ =	shalt  }
0x66: {  	_ =	shalt  }
0x67: {  	_ =	shalt  }
0x68: {  	_ =	shalt  }
0x69: {  	_ =	shalt  }
0x6a: {  	_ =	shalt  }
0x6b: {  	_ =	shalt  }
0x6c: {  	_ =	shalt  }
0x6d: {  	_ =	shalt  }
0x6e: {  	_ =	shalt  }
0x6f: {  	_ =	shalt  }
0x70: {  	_ =	shalt  }
0x71: {  	_ =	shalt  }
0x72: {  	_ =	shalt  }
0x73: {  	_ =	shalt  }
0x74: {  	_ =	shalt  }
0x75: {  	_ =	shalt  }
0x76: {  	_ =	shalt  }
0x77: {  	_ =	shalt  }
0x78: {  	_ =	shalt  }
0x79: {  	_ =	shalt  }
0x7a: {  	_ =	shalt  }
0x7b: {  	_ =	shalt  }
0x7c: {  	_ =	shalt  }
0x7d: {  	_ =	shalt  }
0x7e: {  	_ =	shalt  }
0x7f: {  	_ =	shalt  }
0x80: {  	_ =	shalt  }
0x81: {  	_ =	shalt  }
0x82: {  	_ =	shalt  }
0x83: {  	_ =	shalt  }
0x84: {  	_ =	shalt  }
0x85: {  	_ =	shalt  }
0x86: {  	_ =	shalt  }
0x87: {  	_ =	shalt  }
.Lfunc_end0:
.L_simem_size_0:
called_computation_lowered:
.L_overlay_start_0:
0x88: {  	s2 =	sld [smem:$0x3FD9]  }
0x89: {  	s3 =	sld [smem:$0x3FFE];
	_ =	sdelay $0x1  }
0x8a: {  	s1 =	srdreg.scid  }
0x8b: {  	s0 =	sand.u32 $0x1, s1  }
0x8c: {  	s17 =	sshll.u32 s0, $0xA;
	s2 =	sadd.s32 s3, s2  }
0x8d: {  	s2 =	sadd.s32 s2, s17  }
0x8e: {  	[smem:$0x3FBE] =	sst s2  }
0x8f: {  	_ = 	snop  }
0x90: {  	s2 =	sld [smem:$0x3FD0];
	(tm) =	ssettm $0x1  }
0x91: {  	s18 =	sld [smem:$0x3FFB];
	_ =	sdelay $0x3  }
0x92: {  	_ =	strace s18  }
0x93: {  	s3 =	sld [smem:$0x3FFC];
	_ =	sdelay $0x3  }
0x94: {  	_ =	strace s3  }
0x95: {  	s3 =	sld [smem:$0x3FFD];
	_ =	sdelay $0x3  }
0x96: {  	_ =	strace s3  }
0x97: {  	_ =	strace $0x8FFFFFFF  }
0x98: {  	s19 =	sld [smem:$0x3FDB];
	_ =	sdelay $0x1  }
0x99: {  	s4 =	simm.s32 $_scs_section_size  }
0x9a: {  	s5 =	simm.s32 $_size__tile_overlayer_lowered;
	s6 =	simm.s32 $_tile_overlayer_lowered  }
0x9b: {  	s22 =	simm.s32 $0x1BFF;
	s21 =	sshll.u32 s6, $0x1;
	s3 =	sadd.s32 s4, s19  }
0x9c: {  	s7 =	simm.s32 $0x0;
	s20 =	sshll.u32 s5, $0x1;
	s5 =	sadd.s32 s21, s3  }
0x9d: {  	[timem:s7], [sflag:s22] =	dma.local [hbm:s5], s20  }
0x9e: {  	_ =	swait.ge [sflag:s22], s20  }
0x9f: {  	s4 =	ssub.s32 $0x0, s20;
	[sflag:s22] =	ssyncset.done $0x0  }
0xa0: {  	[sflag:s22] =	ssyncadd.s32 s4;
	_ =	sdelay $0x1  }
0xa1: {  	s23 =	simm.s32 $0x1B8B  }
0xa2: {  	_ =	swait.ge [sflag:s23], $0x1  }
0xa3: {  	[sflag:s23] =	ssyncset.done $0x0  }
0xa4: {  	s25 =	simm.s32 $0x1B8E;
	s24 =	sld [smem:$0x3FFE];
	[sflag:s23] =	ssyncadd.s32 $0xFFFFFFFF  }
0xa5: {  	s26 =	simm.s32 $execute0_lowered;
	[smem:$0x3FD2] =	sst s25  }
0xa6: {  	s5 =	sshll.u32 s26, $0x1;
	_ =	strace $0x80000046;
	[dreg:$0x1] =	wrdreg $0xFFFFFFFF  }
0xa7: {  	s28 =	simm.s32 $_size_execute0_lowered;
	s3 =	sadd.s32 s3, s5;
	[dreg:$0x0] =	wrdreg $0x0  }
0xa8: {  	s5 =	sshll.u32 s28, $0x1;
	[dreg:$0x2] =	wrdreg s3  }
0xa9: {  	[dreg:$0x3] =	wrdreg s5  }
0xaa: {  	[dreg:$0x4] =	wrdreg $0xC0  }
0xab: {  	_ =	task [dreg:s7], $0x5FFFF  }
0xac: {  	[dreg:$0x1] =	wrdreg $0xFFFFFFFF  }
0xad: {  	[dreg:$0x0] =	wrdreg $0x60  }
0xae: {  	[dreg:$0x2] =	wrdreg s2  }
0xaf: {  	[dreg:$0x3] =	wrdreg s24  }
0xb0: {  	[dreg:$0x4] =	wrdreg $0x68000  }
0xb1: {  	[dreg:$0x5] =	wrdreg $0x9  }
0xb2: {  	_ =	task.clear_ibuf [dreg:s7], $0x6FFFF;
	_ =	strace $0x90000046  }
0xb3: {  	s29 =	simm.s32 $0x9;
	_ =	strace $0x80000048  }
0xb4: {  	_ =	swait.ge [sflag:s29], $0x1  }
0xb5: {  	[sflag:s29] =	ssyncadd.s32 $0xFFFFFFFF  }
0xb6: {  	_ =	strace $0x90000048  }
0xb7: {  	_ =	sfence  }
0xb8: {  	s30 =	sld [smem:$0x0];
	_ =	sdelay $0x2  }
0xb9: {  	s31 =	sshll.u32 s1, $0xD;
	s1 =	sshrl.u32 s1, $0x2  }
0xba: {  	s3 =	sand.u32 $0x4000, s31;
	s1 =	sadd.s32 s1, s30  }
0xbb: {  	s0 =	sor.u32 s3, s0;
	s1 =	sshll.u32 s1, $0x11  }
0xbc: {  	s0 =	sor.u32 s1, s0  }
0xbd: {  	s0 =	sadd.s32 $0x8F2B, s0  }
0xbe: {  	[sflag:s0] =	ssyncadd.remote.s32 $0x1  }
0xbf: {  	_ =	sfence.sel $0xFFFF  }
0xc0: {  	[dreg:$0x0] =	wrdreg $0xFFFFFFFF;
	(pc) =	sbr.abs _section_cstart, $3  }
0xc1: {  	[dreg:$0x1] =	wrdreg $0xFFFFFFFF  }
0xc2: {  	_ =	task.clear_ibuf [dreg:s7], $0x2FFFF;
	_ =	strace $0x9FFFFFFF  }
0xc3: {  	(tm) =	ssettm $0x7FFFFFFF  }
tec
execute0_lowered:
.L_overlay_start_1:
0x0: {  	(tag) =	ssettag $0x1  }
0x1: {  	s0 =	rddreg [dreg:$0x0]  }
0x2: {  	s1 =	srdreg.scid;
	s3 =	rddreg [dreg:$0x1]  }
0x3: {  	s2 =	rddreg [dreg:$0x2];
	s7 =	simm.s32 $0x0;
	s28 =	simm.s32 $0x50  }
0x4: {  	s29 =	simm.s32 $0x2780;
	s30 =	simm.s32 $0x2800;
	s31 =	simm.s32 $0x0  }
0x5: {  	s4 =	sand.u32 $0x1, s1;
	s1 =	stileid.u32;
	[smem:$0x7FF] =	sst s7  }
0x6: {  	s18 =	sadd.s32 $0x138000, s2;
	s5 =	sshll.u32 s4, $0x4;
	s6 =	smul.u32 $0x27100, s4  }
0x7: {  	s23 =	sshll.u32 s1, $0x7;
	s8 =	smul.u32 $0x4E000, s1;
	s5 =	sor.u32 s1, s5  }
0x8: {  	_ =	strace $0x80000047;
	s26 =	smul.u32 $0x2700, s1;
	s5 =	sshrl.u32 s5, $0x3  }
0x9: {  	s4 =	ssub.s32 $0x2, s4;
	p0 =	sne.s32 s1, $0xF;
	s5 =	smul.u32 $0x13C00, s5  }
0xa: {  	s7 =	sand.u32 $0x380, s23;
	s24 =	sshrl.u32 s4, $0x1;
	s23 =	simm.s32 $0x5000  }
0xb: {  	s3 =	sadd.s32 s6, s3;
	s25 =	sshrl.u32 s8, $0x2;
	s5 =	sor.u32 s7, s5  }
0xc: {  	s20 =	ssub.s32 s4, s24;
	s24 =	simm.s32 $0x2;
	s5 =	sshrl.u32 s5, $0x3  }
0xd: {  	s19 =	sadd.s32 $0x3400, s3;
	s20 =	smax.u32 s20, $0x1;
	s4 =	sadd.s32 s0, s5  }
0xe: {  	s5 =	sadd.s32 s25, s2;
	s25 =	sadd.s32 s26, s19;
	s26 =	simm.s32 $0x1  }
0xf: {  	s6 =	sadd.s32 $0x1800, s5;
	s7 =	sadd.s32 $0x3000, s5;
	s8 =	sadd.s32 $0x4800, s5  }
0x10: {  	s9 =	sadd.s32 $0x6000, s5;
	s10 =	sadd.s32 $0x7800, s5;
	s11 =	sadd.s32 $0x9000, s5  }
0x11: {  	s12 =	sadd.s32 $0xA800, s5;
	s13 =	sadd.s32 $0xC000, s5;
	s14 =	sadd.s32 $0xD800, s5  }
0x12: {  	v0 =	vimm.f32 $1.000000000e+00;
	v1 =	vimm.f32 $0.0e+00;
	s15 =	sadd.s32 $0xF000, s5;
	s16 =	sadd.s32 $0x10800, s5;
	s17 =	sadd.s32 $0x12000, s5  }
.LBB2_1:
0x13: {  	s0 =	simm.s32 $0x0;
	s3 =	simm.s32 $0x80;
	s21 =	simm.s32 $0x400  }
0x14: {  	[tilespmem:s0], [sflag:$0x1] =	stream.strided.gather [hbm4b:s4+s3], $0x2780, s21, s3, $0x38;
	[tilespmem:$0x8F10] =	vst v63  }
0x15: {  	s0 =	simm.s32 $0x200;
	s3 =	simm.s32 $0x0  }
.LBB2_2:
0x16: {  	p1 =	sne.s32 s0, $0x9E00;
	[tilespmem:s3+$0x2800] =	vst v0;
	s3 =	smov.u32 s0;
	s0 =	sadd.s32 $0x200, s0  }
.Ltmp0:
0x17: {  	(pc) =	sbr.rel @p1 .LBB2_2-.Ltmp0, $2  }
0x18: {  	_ =	sdelay $0x2  }
0x19: {  	s3 =	sshra.s32 s3, $0x2  }
0x1a: {  	[tilespmem:s3+$0x2800] =	vst v0  }
0x1b: {  	[tilespmem:$0x5000] =	vst v1  }
0x1c: {  	[tilespmem:$0x5080] =	vst v1  }
0x1d: {  	[tilespmem:$0x5100] =	vst v1  }
0x1e: {  	[tilespmem:$0x5180] =	vst v1  }
0x1f: {  	[tilespmem:$0x5200] =	vst v1  }
0x20: {  	[tilespmem:$0x5280] =	vst v1  }
0x21: {  	[tilespmem:$0x5300] =	vst v1  }
0x22: {  	[tilespmem:$0x5380] =	vst v1  }
0x23: {  	[tilespmem:$0x5400] =	vst v1  }
0x24: {  	[tilespmem:$0x5480] =	vst v1  }
0x25: {  	[tilespmem:$0x5500] =	vst v1  }
0x26: {  	[tilespmem:$0x5580] =	vst v1  }
0x27: {  	[tilespmem:$0x5600] =	vst v1  }
0x28: {  	[tilespmem:$0x5680] =	vst v1  }
0x29: {  	[tilespmem:$0x5700] =	vst v1  }
0x2a: {  	[tilespmem:$0x5780] =	vst v1  }
0x2b: {  	[tilespmem:$0x5800] =	vst v1  }
0x2c: {  	[tilespmem:$0x5880] =	vst v1  }
0x2d: {  	[tilespmem:$0x5900] =	vst v1  }
0x2e: {  	[tilespmem:$0x5980] =	vst v1  }
0x2f: {  	[tilespmem:$0x5A00] =	vst v1  }
0x30: {  	[tilespmem:$0x5A80] =	vst v1  }
0x31: {  	[tilespmem:$0x5B00] =	vst v1  }
0x32: {  	[tilespmem:$0x5B80] =	vst v1  }
0x33: {  	[tilespmem:$0x5C00] =	vst v1  }
0x34: {  	[tilespmem:$0x5C80] =	vst v1  }
0x35: {  	[tilespmem:$0x5D00] =	vst v1  }
0x36: {  	[tilespmem:$0x5D80] =	vst v1  }
0x37: {  	[tilespmem:$0x5E00] =	vst v1  }
0x38: {  	[tilespmem:$0x5E80] =	vst v1  }
0x39: {  	[tilespmem:$0x5F00] =	vst v1  }
0x3a: {  	[tilespmem:$0x5F80] =	vst v1  }
0x3b: {  	[tilespmem:$0x6000] =	vst v1  }
0x3c: {  	[tilespmem:$0x6080] =	vst v1  }
0x3d: {  	[tilespmem:$0x6100] =	vst v1  }
0x3e: {  	[tilespmem:$0x6180] =	vst v1  }
0x3f: {  	[tilespmem:$0x6200] =	vst v1  }
0x40: {  	[tilespmem:$0x6280] =	vst v1  }
0x41: {  	[tilespmem:$0x6300] =	vst v1  }
0x42: {  	[tilespmem:$0x6380] =	vst v1  }
0x43: {  	[tilespmem:$0x6400] =	vst v1  }
0x44: {  	[tilespmem:$0x6480] =	vst v1  }
0x45: {  	[tilespmem:$0x6500] =	vst v1  }
0x46: {  	[tilespmem:$0x6580] =	vst v1  }
0x47: {  	[tilespmem:$0x6600] =	vst v1  }
0x48: {  	[tilespmem:$0x6680] =	vst v1  }
0x49: {  	[tilespmem:$0x6700] =	vst v1  }
0x4a: {  	[tilespmem:$0x6780] =	vst v1  }
0x4b: {  	[spmem:s5] =	stream.linear.scatter [tilespmem:s23], [sflag:$0x2], $0x1800, $0x38;
	[tilespmem:$0x8F10] =	vst v63  }
0x4c: {  	_ =	swait.ge [sflag:s24], $0x1800  }
0x4d: {  	[sflag:s24] =	ssyncset.done $0x0  }
0x4e: {  	[sflag:s24] =	ssyncadd.s32 $0xFFFFE800  }
0x4f: {  	[spmem:s6] =	stream.linear.scatter [tilespmem:s23], [sflag:$0x2], $0x1800, $0x38;
	[tilespmem:$0x8F10] =	vst v63  }
0x50: {  	_ =	swait.ge [sflag:s24], $0x1800  }
0x51: {  	[sflag:s24] =	ssyncset.done $0x0  }
0x52: {  	[sflag:s24] =	ssyncadd.s32 $0xFFFFE800  }
0x53: {  	[spmem:s7] =	stream.linear.scatter [tilespmem:s23], [sflag:$0x2], $0x1800, $0x38;
	[tilespmem:$0x8F10] =	vst v63  }
0x54: {  	_ =	swait.ge [sflag:s24], $0x1800  }
0x55: {  	[sflag:s24] =	ssyncset.done $0x0  }
0x56: {  	[sflag:s24] =	ssyncadd.s32 $0xFFFFE800  }
0x57: {  	[spmem:s8] =	stream.linear.scatter [tilespmem:s23], [sflag:$0x2], $0x1800, $0x38;
	[tilespmem:$0x8F10] =	vst v63  }
0x58: {  	_ =	swait.ge [sflag:s24], $0x1800  }
0x59: {  	[sflag:s24] =	ssyncset.done $0x0  }
0x5a: {  	[sflag:s24] =	ssyncadd.s32 $0xFFFFE800  }
0x5b: {  	[spmem:s9] =	stream.linear.scatter [tilespmem:s23], [sflag:$0x2], $0x1800, $0x38;
	[tilespmem:$0x8F10] =	vst v63  }
0x5c: {  	_ =	swait.ge [sflag:s24], $0x1800  }
0x5d: {  	[sflag:s24] =	ssyncset.done $0x0  }
0x5e: {  	[sflag:s24] =	ssyncadd.s32 $0xFFFFE800  }
0x5f: {  	[spmem:s10] =	stream.linear.scatter [tilespmem:s23], [sflag:$0x2], $0x1800, $0x38;
	[tilespmem:$0x8F10] =	vst v63  }
0x60: {  	_ =	swait.ge [sflag:s24], $0x1800  }
0x61: {  	[sflag:s24] =	ssyncset.done $0x0  }
0x62: {  	[sflag:s24] =	ssyncadd.s32 $0xFFFFE800  }
0x63: {  	[spmem:s11] =	stream.linear.scatter [tilespmem:s23], [sflag:$0x2], $0x1800, $0x38;
	[tilespmem:$0x8F10] =	vst v63  }
0x64: {  	_ =	swait.ge [sflag:s24], $0x1800  }
0x65: {  	[sflag:s24] =	ssyncset.done $0x0  }
0x66: {  	[sflag:s24] =	ssyncadd.s32 $0xFFFFE800  }
0x67: {  	[spmem:s12] =	stream.linear.scatter [tilespmem:s23], [sflag:$0x2], $0x1800, $0x38;
	[tilespmem:$0x8F10] =	vst v63  }
0x68: {  	_ =	swait.ge [sflag:s24], $0x1800  }
0x69: {  	[sflag:s24] =	ssyncset.done $0x0  }
0x6a: {  	[sflag:s24] =	ssyncadd.s32 $0xFFFFE800  }
0x6b: {  	[spmem:s13] =	stream.linear.scatter [tilespmem:s23], [sflag:$0x2], $0x1800, $0x38;
	[tilespmem:$0x8F10] =	vst v63  }
0x6c: {  	_ =	swait.ge [sflag:s24], $0x1800  }
0x6d: {  	[sflag:s24] =	ssyncset.done $0x0  }
0x6e: {  	[sflag:s24] =	ssyncadd.s32 $0xFFFFE800  }
0x6f: {  	[spmem:s14] =	stream.linear.scatter [tilespmem:s23], [sflag:$0x2], $0x1800, $0x38;
	[tilespmem:$0x8F10] =	vst v63  }
0x70: {  	_ =	swait.ge [sflag:s24], $0x1800  }
0x71: {  	[sflag:s24] =	ssyncset.done $0x0  }
0x72: {  	[sflag:s24] =	ssyncadd.s32 $0xFFFFE800  }
0x73: {  	[spmem:s15] =	stream.linear.scatter [tilespmem:s23], [sflag:$0x2], $0x1800, $0x38;
	[tilespmem:$0x8F10] =	vst v63  }
0x74: {  	_ =	swait.ge [sflag:s24], $0x1800  }
0x75: {  	[sflag:s24] =	ssyncset.done $0x0  }
0x76: {  	[sflag:s24] =	ssyncadd.s32 $0xFFFFE800  }
0x77: {  	[spmem:s16] =	stream.linear.scatter [tilespmem:s23], [sflag:$0x2], $0x1800, $0x38;
	[tilespmem:$0x8F10] =	vst v63  }
0x78: {  	_ =	swait.ge [sflag:s24], $0x1800  }
0x79: {  	[sflag:s24] =	ssyncset.done $0x0  }
0x7a: {  	[sflag:s24] =	ssyncadd.s32 $0xFFFFE800  }
0x7b: {  	[spmem:s17] =	stream.linear.scatter [tilespmem:s23], [sflag:$0x2], $0x1800, $0x38;
	[tilespmem:$0x8F10] =	vst v63  }
0x7c: {  	_ =	swait.ge [sflag:s24], $0x1800  }
0x7d: {  	[sflag:s24] =	ssyncset.done $0x0  }
0x7e: {  	s0 =	simm.s32 @!p0 $0x5000;
	[sflag:s24] =	ssyncadd.s32 $0xFFFFE800  }
0x7f: {  	[spmem:s18] =	stream.linear.scatter @!p0 [tilespmem:s0], [sflag:$0x2], $0x800, $0x38;
	[tilespmem:$0x8F10] =	vst v63  }
0x80: {  	s0 =	simm.s32 @!p0 $0x2  }
0x81: {  	_ =	swait.ge @!p0 [sflag:s0], $0x800  }
0x82: {  	[sflag:s0] =	ssyncset.done @!p0 $0x0  }
0x83: {  	[sflag:s0] =	ssyncadd.s32 @!p0 $0xFFFFF800  }
0x84: {  	_ =	swait.ge [sflag:s26], $0x2780  }
0x85: {  	[sflag:s26] =	ssyncset.done $0x0  }
0x86: {  	[sflag:s26] =	ssyncadd.s32 $0xFFFFD880  }
0x87: {  	s22 =	simm.s32 $0x0;
	[bflag:$0x0] =	sbarrier.arrive $0xFFFF  }
0x88: {  	v2 =	vld [tilespmem:s22+$0x0];
	_ =	sdelay $0x4  }
0x89: {  	[tilespmem:$0x2780] =	vst v2  }
0x8a: {  	v2 =	vld [tilespmem:s22+$0x10];
	_ =	sdelay $0x4  }
0x8b: {  	[tilespmem:$0x2790] =	vst v2  }
0x8c: {  	v2 =	vld [tilespmem:s22+$0x20];
	_ =	sdelay $0x4  }
0x8d: {  	[tilespmem:$0x27A0] =	vst v2  }
0x8e: {  	v2 =	vld [tilespmem:s22+$0x30];
	_ =	sdelay $0x4  }
0x8f: {  	[tilespmem:$0x27B0] =	vst v2  }
0x90: {  	v2 =	vld [tilespmem:s22+$0x40];
	_ =	sdelay $0x4  }
0x91: {  	[tilespmem:$0x27C0] =	vst v2  }
0x92: {  	[spmem:s2] =	stream.indirect.scatter.add.f32 [tilespmem:s30], [sflag:$0x2], $0x10, s29, s28, $0xb8;
	[tilespmem:$0x8F10] =	vst v63  }
0x93: {  	_ =	swait.ge [sflag:s24], $0x500  }
0x94: {  	s3 =	simm.s32 $0x280;
	s0 =	simm.s32 $0x140;
	[sflag:s24] =	ssyncset.done $0x0  }
.LBB2_4:
0x95: {  	s21 =	sshra.s32 s0, $0x2  }
0x96: {  	[sflag:s24] =	ssyncadd.s32 $0xFFFFFB00;
	s0 =	smov.u32 s3;
	s22 =	sadd.s32 $0x140, s3  }
0x97: {  	p1 =	sne.s32 s3, $0x9B00;
	v2 =	vld [tilespmem:s21+$0x0];
	_ =	sdelay $0x4  }
0x98: {  	[tilespmem:$0x2780] =	vst v2  }
0x99: {  	v2 =	vld [tilespmem:s21+$0x10];
	_ =	sdelay $0x4  }
0x9a: {  	[tilespmem:$0x2790] =	vst v2  }
0x9b: {  	v2 =	vld [tilespmem:s21+$0x20];
	_ =	sdelay $0x4  }
0x9c: {  	[tilespmem:$0x27A0] =	vst v2  }
0x9d: {  	v2 =	vld [tilespmem:s21+$0x30];
	_ =	sdelay $0x4  }
0x9e: {  	[tilespmem:$0x27B0] =	vst v2  }
0x9f: {  	v2 =	vld [tilespmem:s21+$0x40];
	_ =	sdelay $0x3  }
.Ltmp1:
0xa0: {  	(pc) =	sbr.rel @p1 .LBB2_4-.Ltmp1, $4  }
0xa1: {  	[tilespmem:$0x27C0] =	vst v2  }
0xa2: {  	[spmem:s2] =	stream.indirect.scatter.add.f32 [tilespmem:s30], [sflag:$0x2], $0x10, s29, s28, $0xb8;
	[tilespmem:$0x8F10] =	vst v63  }
0xa3: {  	_ =	swait.ge [sflag:s24], $0x500  }
0xa4: {  	s3 =	smov.u32 s22;
	[sflag:s24] =	ssyncset.done $0x0  }
0xa5: {  	s0 =	sshra.s32 s0, $0x2;
	[sflag:s24] =	ssyncadd.s32 $0xFFFFFB00  }
0xa6: {  	v2 =	vld [tilespmem:s0+$0x0];
	_ =	sdelay $0x4  }
0xa7: {  	[tilespmem:$0x2780] =	vst v2  }
0xa8: {  	v2 =	vld [tilespmem:s0+$0x10];
	_ =	sdelay $0x4  }
0xa9: {  	[tilespmem:$0x2790] =	vst v2  }
0xaa: {  	v2 =	vld [tilespmem:s0+$0x20];
	_ =	sdelay $0x4  }
0xab: {  	[tilespmem:$0x27A0] =	vst v2  }
0xac: {  	v2 =	vld [tilespmem:s0+$0x30];
	_ =	sdelay $0x4  }
0xad: {  	[tilespmem:$0x27B0] =	vst v2  }
0xae: {  	v2 =	vld [tilespmem:s0+$0x40];
	_ =	sdelay $0x4  }
0xaf: {  	[tilespmem:$0x27C0] =	vst v2  }
0xb0: {  	[spmem:s2] =	stream.indirect.scatter.add.f32 [tilespmem:s30], [sflag:$0x2], $0x10, s29, s28, $0xb8;
	[tilespmem:$0x8F10] =	vst v63  }
0xb1: {  	_ =	swait.ge [sflag:s24], $0x500  }
0xb2: {  	[sflag:s24] =	ssyncset.done $0x0  }
0xb3: {  	s22 =	sshll.u32 s1, $0x6;
	[sflag:s24] =	ssyncadd.s32 $0xFFFFFB00  }
0xb4: {  	s3 =	sshrl.u32 s5, $0x3;
	s0 =	sor.u32 $0x1C02, s22;
	[bflag:$0x0] =	sbarrier.arrive $0xFFFF  }
0xb5: {  	[hbm:s25], [sflag:s0] =	dma.local [spmem:s3], $0x2700  }
0xb6: {  	_ =	swait.ge [sflag:s24], $0x2700  }
0xb7: {  	s21 =	sshrl.u32 @!p0 s18, $0x3;
	s31 =	sadd.s32 $0x1, s31;
	[sflag:s24] =	ssyncset.done $0x0  }
0xb8: {  	p1 =	sne.s32 s31, s20;
	s3 =	sadd.s32 @!p0 $0x27000, s19;
	[sflag:s24] =	ssyncadd.s32 $0xFFFFD900  }
0xb9: {  	[hbm:s3], [sflag:s0] =	dma.local @!p0 [spmem:s21], $0x100  }
.Ltmp2:
0xba: {  	_ = 	snop;
	(pc) =	sbr.rel @p1 .LBB2_1-.Ltmp2, $4  }
0xbb: {  	s0 =	simm.s32 @!p0 $0x2  }
0xbc: {  	_ =	swait.ge @!p0 [sflag:s0], $0x100  }
0xbd: {  	[sflag:s0] =	ssyncset.done @!p0 $0x0  }
0xbe: {  	[sflag:s0] =	ssyncadd.s32 @!p0 $0xFFFFFF00  }
0xbf: {  	_ =	sfence.sel $0x180000  }
0xc0: {  	[bflag:$0x0] =	sbarrier.arrive $0xFFFF  }
0xc1: {  	_ =	strace $0x90000047  }
0xc2: {  	[bflag:$0x2] =	sbarrier.arrive $0xFFFF  }
0xc3: {  	p0 =	sne.s32 s1, $0x0;
	s0 =	rddreg [dreg:$0x3]  }
0xc4: {  	s0 =	sadd.s32 @!p0 $0x100000, s0  }
0xc5: {  	[sflag:s0] =	ssyncadd.tile.s32 @!p0 $0x1;
	_ =	shalt  }
.Lfunc_end2:
_tile_overlayer_lowered:
.L_overlay_start_2:
0xc6: {  	(tag) =	ssettag $0x2  }
0xc7: {  	s0 =	rddreg [dreg:$0x0];
	s2 =	stileid.u32  }
0xc8: {  	s1 =	rddreg [dreg:$0x1];
	p0 =	sne.s32 s2, $0x0  }
0xc9: {  	s3 =	rddreg [dreg:$0x2];
	[bflag:$0x3] =	sbarrier.arrive $0xFFFF;
	s2 =	simm.s32 @!p0 $0x1C02  }
0xca: {  	[timem:s3], [sflag:s2] =	dma.local @!p0 [hbm:s0], s1  }
0xcb: {  	s0 =	simm.s32 @!p0 $0x2  }
0xcc: {  	_ =	swait.ge @!p0 [sflag:s0], s1  }
0xcd: {  	s1 =	ssub.s32 @!p0 $0x0, s1;
	[sflag:s0] =	ssyncset.done @!p0 $0x0  }
0xce: {  	[sflag:s0] =	ssyncadd.s32 @!p0 s1  }
0xcf: {  	[bflag:$0x3] =	sbarrier.arrive $0xFFFF  }
0xd0: {  	_ =	shalt  }

// kernel: kernel.13.cloned.1.call-start
scs
__scs_entry_jumppad:
0x0: {  	(pc) =	sbr.rel $0x88, $3  }
0x1: {  	(tag) =	ssettag $0x0;
	lr =	simm.s32 $0x1  }
0x2: {  	[smem:$0x3F97] =	sst lr;
	_ =	strace $0xD0000000  }
0x3: {  	_ = 	snop  }
0x4: {  	_ = 	snop  }
0x5: {  	_ = 	snop  }
0x6: {  	_ = 	snop  }
0x7: {  	_ = 	snop  }
__scs_overlays_trampoline_lowered:
0x8: {  	[smem:$0x3FA6] =	sst s0  }
0x9: {  	[smem:$0x3FA7] =	sst s1  }
0xa: {  	[smem:$0x3FA8] =	sst s2  }
0xb: {  	[smem:$0x3FA9] =	sst s3  }
0xc: {  	[smem:$0x3FAA] =	sst s4  }
0xd: {  	[smem:$0x3FAB] =	sst s5  }
0xe: {  	[smem:$0x3FAC] =	sst s6  }
0xf: {  	[smem:$0x3FAD] =	sst s7  }
0x10: {  	[smem:$0x3FAE] =	sst s8  }
0x11: {  	[smem:$0x3FAF] =	sst s9;
	s0 =	simm.s32 @!p0 $0x0  }
0x12: {  	s1 =	sld [smem:$0x3F95];
	s0 =	simm.s32 @p0 $0x1  }
0x13: {  	[smem:$0x3FB0] =	sst s0;
	s0 =	simm.s32 @!p1 $0x0  }
0x14: {  	s2 =	sld [smem:$0x3F94];
	s0 =	simm.s32 @p1 $0x1  }
0x15: {  	[smem:$0x3FB1] =	sst s0;
	s0 =	simm.s32 @!p2 $0x0  }
0x16: {  	s3 =	sld [smem:$0x3FDB];
	s0 =	simm.s32 @p2 $0x1  }
0x17: {  	s4 =	simm.s32 $0x1BF5;
	[smem:$0x3FB3] =	sst s0  }
0x18: {  	s0 =	sld [smem:$0x3F96];
	_ =	swait.ge [sflag:s4], $0x0  }
0x19: {  	s7 =	sld [smem:$0x3F97]  }
0x1a: {  	s8 =	sadd.s32 $0xFFFFE003, lr  }
0x1b: {  	s9 =	sadd.s32 $0xFFFFFEF7, lr;
	s5 =	simm.s32 $0xFFFFFFFF;
	p2 =	slt.u32 s8, $0xFFFFF086  }
0x1c: {  	p1 =	slt.u32 s9, $0xF7A;
	s5 =	simm.s32 @!p2 $0x0  }
0x1d: {  	s5 =	simm.s32 @p1 $0x1;
	p0 =	seq.s32 s7, s2  }
0x1e: {  	s7 =	smul.u32 @!p0 $0xF7A, s2;
	p2 =	seq.s32 @!p0 s5, $0x0  }
0x1f: {  	s9 =	smul.u32 $0xF7A, s1;
	s8 =	simm.s32 @!p0 $0x1BF5;
	p2 =	por !p2, p0  }
0x20: {  	[sflag:s8] =	ssyncset.s32 @!p0 $0xFFFFF086;
	s6 =	sadd.s32 @!p0 s3, s7;
	s7 =	simm.s32 @!p0 $0x108  }
0x21: {  	s3 =	sadd.s32 s3, s9;
	s6 =	sadd.s32 @!p0 $0x88, s6;
	s7 =	simm.s32 @p2 $0x1082  }
0x22: {  	[simem:s7], [sflag:s8] =	dma.local @!p0 [hbm:s6], $0xF7A  }
0x23: {  	s9 =	sor.u32 $0xD0000000, s2;
	s6 =	simm.s32 $0x108;
	_ =	swait.ge @!p0 [sflag:s8], $0x0  }
0x24: {  	s3 =	sadd.s32 $0x88, s3;
	s6 =	simm.s32 @!p1 $0x1082;
	[sflag:s4] =	ssyncset.s32 $0xFFFFF086  }
0x25: {  	[simem:s6], [sflag:s4] =	dma.local [hbm:s3], $0xF7A  }
0x26: {  	[smem:$0x3F97] =	sst s1;
	(tag) =	ssettag s2;
	_ =	strace s9  }
0x27: {  	s1 =	sld [smem:$0x3FA7]  }
0x28: {  	s2 =	sld [smem:$0x3FA8]  }
0x29: {  	s4 =	sld [smem:$0x3FAA]  }
0x2a: {  	p0 =	seq.s32 s5, $0x0;
	s5 =	sld [smem:$0x3FAB]  }
0x2b: {  	s6 =	sld [smem:$0x3FAC]  }
0x2c: {  	s7 =	sld [smem:$0x3FAD]  }
0x2d: {  	s3 =	simm.s32 $0x108;
	s8 =	sld [smem:$0x3FAE]  }
0x2e: {  	s3 =	simm.s32 @!p0 $0x1082;
	s9 =	sld [smem:$0x3FAF]  }
0x2f: {  	lr =	sadd.s32 s0, s3;
	s0 =	sld [smem:$0x3FA6]  }
0x30: {  	s3 =	sld [smem:$0x3FA9]  }
0x31: {  	[smem:$0x3FB2] =	sst s10  }
0x32: {  	s10 =	sld [smem:$0x3FB0];
	_ =	sdelay $0x3  }
0x33: {  	p0 =	seq.s32 s10, $0x1;
	s10 =	sld [smem:$0x3FB2];
	_ =	sdelay $0x3  }
0x34: {  	[smem:$0x3FB2] =	sst s10  }
0x35: {  	s10 =	sld [smem:$0x3FB1];
	_ =	sdelay $0x3  }
0x36: {  	p1 =	seq.s32 s10, $0x1;
	s10 =	sld [smem:$0x3FB2];
	_ =	sdelay $0x3  }
0x37: {  	[smem:$0x3FB2] =	sst s10  }
0x38: {  	s10 =	sld [smem:$0x3FB3]  }
0x39: {  	_ = 	snop;
	(pc) =	sbr.ind lr, $3  }
0x3a: {  	_ = 	snop  }
0x3b: {  	_ = 	snop  }
0x3c: {  	p2 =	seq.s32 s10, $0x1;
	s10 =	sld [smem:$0x3FB2]  }
0x3d: {  	_ =	shalt  }
0x3e: {  	_ =	shalt  }
0x3f: {  	_ =	shalt  }
0x40: {  	_ =	shalt  }
0x41: {  	_ =	shalt  }
0x42: {  	_ =	shalt  }
0x43: {  	_ =	shalt  }
0x44: {  	_ =	shalt  }
0x45: {  	_ =	shalt  }
0x46: {  	_ =	shalt  }
0x47: {  	_ =	shalt  }
0x48: {  	_ =	shalt  }
0x49: {  	_ =	shalt  }
0x4a: {  	_ =	shalt  }
0x4b: {  	_ =	shalt  }
0x4c: {  	_ =	shalt  }
0x4d: {  	_ =	shalt  }
0x4e: {  	_ =	shalt  }
0x4f: {  	_ =	shalt  }
0x50: {  	_ =	shalt  }
0x51: {  	_ =	shalt  }
0x52: {  	_ =	shalt  }
0x53: {  	_ =	shalt  }
0x54: {  	_ =	shalt  }
0x55: {  	_ =	shalt  }
0x56: {  	_ =	shalt  }
0x57: {  	_ =	shalt  }
0x58: {  	_ =	shalt  }
0x59: {  	_ =	shalt  }
0x5a: {  	_ =	shalt  }
0x5b: {  	_ =	shalt  }
0x5c: {  	_ =	shalt  }
0x5d: {  	_ =	shalt  }
0x5e: {  	_ =	shalt  }
0x5f: {  	_ =	shalt  }
0x60: {  	_ =	shalt  }
0x61: {  	_ =	shalt  }
0x62: {  	_ =	shalt  }
0x63: {  	_ =	shalt  }
0x64: {  	_ =	shalt  }
0x65: {  	_ =	shalt  }
0x66: {  	_ =	shalt  }
0x67: {  	_ =	shalt  }
0x68: {  	_ =	shalt  }
0x69: {  	_ =	shalt  }
0x6a: {  	_ =	shalt  }
0x6b: {  	_ =	shalt  }
0x6c: {  	_ =	shalt  }
0x6d: {  	_ =	shalt  }
0x6e: {  	_ =	shalt  }
0x6f: {  	_ =	shalt  }
0x70: {  	_ =	shalt  }
0x71: {  	_ =	shalt  }
0x72: {  	_ =	shalt  }
0x73: {  	_ =	shalt  }
0x74: {  	_ =	shalt  }
0x75: {  	_ =	shalt  }
0x76: {  	_ =	shalt  }
0x77: {  	_ =	shalt  }
0x78: {  	_ =	shalt  }
0x79: {  	_ =	shalt  }
0x7a: {  	_ =	shalt  }
0x7b: {  	_ =	shalt  }
0x7c: {  	_ =	shalt  }
0x7d: {  	_ =	shalt  }
0x7e: {  	_ =	shalt  }
0x7f: {  	_ =	shalt  }
0x80: {  	_ =	shalt  }
0x81: {  	_ =	shalt  }
0x82: {  	_ =	shalt  }
0x83: {  	_ =	shalt  }
0x84: {  	_ =	shalt  }
0x85: {  	_ =	shalt  }
0x86: {  	_ =	shalt  }
0x87: {  	_ =	shalt  }
.Lfunc_end0:
.L_simem_size_0:
called_computation.1_lowered:
.L_overlay_start_0:
0x88: {  	s2 =	sld [smem:$0x3FD9]  }
0x89: {  	s3 =	sld [smem:$0x3FFE];
	_ =	sdelay $0x1  }
0x8a: {  	s1 =	srdreg.scid  }
0x8b: {  	s0 =	sand.u32 $0x1, s1  }
0x8c: {  	s17 =	sshll.u32 s0, $0xA;
	s2 =	sadd.s32 s3, s2  }
0x8d: {  	s2 =	sadd.s32 s2, s17  }
0x8e: {  	[smem:$0x3FBE] =	sst s2  }
0x8f: {  	_ = 	snop  }
0x90: {  	s2 =	sld [smem:$0x3FD0];
	(tm) =	ssettm $0x1  }
0x91: {  	s18 =	sld [smem:$0x3FFB];
	_ =	sdelay $0x3  }
0x92: {  	_ =	strace s18  }
0x93: {  	s3 =	sld [smem:$0x3FFC];
	_ =	sdelay $0x3  }
0x94: {  	_ =	strace s3  }
0x95: {  	s3 =	sld [smem:$0x3FFD];
	_ =	sdelay $0x3  }
0x96: {  	_ =	strace s3  }
0x97: {  	_ =	strace $0x8FFFFFFF  }
0x98: {  	s19 =	sld [smem:$0x3FDB];
	_ =	sdelay $0x1  }
0x99: {  	s4 =	simm.s32 $_scs_section_size  }
0x9a: {  	s5 =	simm.s32 $_size__tile_overlayer_lowered;
	s6 =	simm.s32 $_tile_overlayer_lowered  }
0x9b: {  	s22 =	simm.s32 $0x1BFF;
	s21 =	sshll.u32 s6, $0x1;
	s3 =	sadd.s32 s4, s19  }
0x9c: {  	s7 =	simm.s32 $0x0;
	s20 =	sshll.u32 s5, $0x1;
	s5 =	sadd.s32 s21, s3  }
0x9d: {  	[timem:s7], [sflag:s22] =	dma.local [hbm:s5], s20  }
0x9e: {  	_ =	swait.ge [sflag:s22], s20  }
0x9f: {  	s4 =	ssub.s32 $0x0, s20;
	[sflag:s22] =	ssyncset.done $0x0  }
0xa0: {  	[sflag:s22] =	ssyncadd.s32 s4;
	_ =	sdelay $0x1  }
0xa1: {  	s23 =	simm.s32 $0x1B8B  }
0xa2: {  	_ =	swait.ge [sflag:s23], $0x1  }
0xa3: {  	[sflag:s23] =	ssyncset.done $0x0  }
0xa4: {  	s25 =	simm.s32 $0x1B8E;
	s24 =	sld [smem:$0x3FFE];
	[sflag:s23] =	ssyncadd.s32 $0xFFFFFFFF  }
0xa5: {  	s26 =	simm.s32 $execute0_lowered;
	[smem:$0x3FD2] =	sst s25  }
0xa6: {  	s5 =	sshll.u32 s26, $0x1;
	_ =	strace $0x80000049;
	[dreg:$0x1] =	wrdreg $0xFFFFFFFF  }
0xa7: {  	s28 =	simm.s32 $_size_execute0_lowered;
	s3 =	sadd.s32 s3, s5;
	[dreg:$0x0] =	wrdreg $0x0  }
0xa8: {  	s5 =	sshll.u32 s28, $0x1;
	[dreg:$0x2] =	wrdreg s3  }
0xa9: {  	[dreg:$0x3] =	wrdreg s5  }
0xaa: {  	[dreg:$0x4] =	wrdreg $0xC0  }
0xab: {  	_ =	task [dreg:s7], $0x5FFFF  }
0xac: {  	[dreg:$0x1] =	wrdreg $0xFFFFFFFF  }
0xad: {  	[dreg:$0x0] =	wrdreg $0x60  }
0xae: {  	[dreg:$0x2] =	wrdreg s24  }
0xaf: {  	[dreg:$0x3] =	wrdreg s2  }
0xb0: {  	[dreg:$0x4] =	wrdreg $0xB9000  }
0xb1: {  	[dreg:$0x5] =	wrdreg $0x9  }
0xb2: {  	_ =	task.clear_ibuf [dreg:s7], $0x6FFFF;
	_ =	strace $0x90000049  }
0xb3: {  	s29 =	simm.s32 $0x9;
	_ =	strace $0x8000004B  }
0xb4: {  	_ =	swait.ge [sflag:s29], $0x1  }
0xb5: {  	[sflag:s29] =	ssyncadd.s32 $0xFFFFFFFF  }
0xb6: {  	_ =	strace $0x9000004B  }
0xb7: {  	_ =	sfence  }
0xb8: {  	s30 =	sld [smem:$0x0];
	_ =	sdelay $0x2  }
0xb9: {  	s31 =	sshll.u32 s1, $0xD;
	s1 =	sshrl.u32 s1, $0x2  }
0xba: {  	s3 =	sand.u32 $0x4000, s31;
	s1 =	sadd.s32 s1, s30  }
0xbb: {  	s0 =	sor.u32 s3, s0;
	s1 =	sshll.u32 s1, $0x11  }
0xbc: {  	s0 =	sor.u32 s1, s0  }
0xbd: {  	s0 =	sadd.s32 $0x8F2B, s0  }
0xbe: {  	[sflag:s0] =	ssyncadd.remote.s32 $0x1  }
0xbf: {  	_ =	sfence.sel $0xFFFF  }
0xc0: {  	[dreg:$0x0] =	wrdreg $0xFFFFFFFF;
	(pc) =	sbr.abs _section_cstart, $3  }
0xc1: {  	[dreg:$0x1] =	wrdreg $0xFFFFFFFF  }
0xc2: {  	_ =	task.clear_ibuf [dreg:s7], $0x2FFFF;
	_ =	strace $0x9FFFFFFF  }
0xc3: {  	(tm) =	ssettm $0x7FFFFFFF  }
tec
execute0_lowered:
.L_overlay_start_1:
0x0: {  	(tag) =	ssettag $0x1  }
0x1: {  	s0 =	srdreg.scid;
	s3 =	rddreg [dreg:$0x0]  }
0x2: {  	s9 =	stileid.u32;
	s5 =	rddreg [dreg:$0x1]  }
0x3: {  	s2 =	rddreg [dreg:$0x2];
	s6 =	simm.s32 $0x0;
	s28 =	simm.s32 $0xA100  }
0x4: {  	s29 =	simm.s32 $0x5;
	s30 =	simm.s32 $0x1;
	s31 =	simm.s32 $0x2  }
0x5: {  	s10 =	simm.s32 $0x4;
	s11 =	simm.s32 $0x0;
	s7 =	smul.u32 $0x4E000, s9  }
0x6: {  	s0 =	sand.u32 $0x1, s0;
	s4 =	sshll.u32 s9, $0x7;
	[smem:$0x7FF] =	sst s6  }
0x7: {  	s26 =	smul.u32 $0x2700, s9;
	p0 =	sne.s32 s9, $0xF;
	s7 =	sshrl.u32 s7, $0x2  }
0x8: {  	s1 =	sshll.u32 s0, $0x4;
	s4 =	sand.u32 $0x380, s4;
	s6 =	sadd.s32 s7, s2  }
0x9: {  	s15 =	smul.u32 $0x27100, s0;
	_ =	strace $0x8000004A;
	s18 =	sadd.s32 $0x1800, s6  }
0xa: {  	s0 =	ssub.s32 $0x2, s0;
	s19 =	sadd.s32 $0x3000, s6;
	[dreg:$0x6] =	wrdreg s18  }
0xb: {  	s1 =	sor.u32 s9, s1;
	s20 =	sadd.s32 $0x4800, s6;
	[dreg:$0x7] =	wrdreg s19  }
0xc: {  	s16 =	sshrl.u32 s0, $0x1;
	s21 =	sadd.s32 $0x6000, s6;
	[dreg:$0x8] =	wrdreg s20  }
0xd: {  	s9 =	simm.s32 $0x3;
	s22 =	sadd.s32 $0x7800, s6;
	[dreg:$0x9] =	wrdreg s21  }
0xe: {  	s1 =	sshrl.u32 s1, $0x3;
	s23 =	sadd.s32 $0x9000, s6;
	[dreg:$0xa] =	wrdreg s22  }
0xf: {  	s0 =	ssub.s32 s0, s16;
	s24 =	sadd.s32 $0xA800, s6;
	[dreg:$0xb] =	wrdreg s23  }
0x10: {  	s7 =	simm.s32 $0x5000;
	s25 =	sadd.s32 $0xC000, s6;
	[dreg:$0xc] =	wrdreg s24  }
0x11: {  	s1 =	smul.u32 $0x13C00, s1;
	s16 =	sadd.s32 $0xD800, s6;
	[dreg:$0xd] =	wrdreg s25  }
0x12: {  	s18 =	sadd.s32 $0x10800, s6;
	s19 =	sadd.s32 $0x12000, s6;
	s20 =	sadd.s32 $0x138000, s2  }
0x13: {  	s22 =	smax.u32 s0, $0x1;
	s23 =	simm.s32 $0x80;
	s1 =	sor.u32 s4, s1  }
0x14: {  	s24 =	simm.s32 $0x400;
	s0 =	simm.s32 $0x4F80;
	s1 =	sshrl.u32 s1, $0x3  }
0x15: {  	s4 =	sadd.s32 $0x3400, s3;
	s8 =	sadd.s32 s1, s3;
	s3 =	sadd.s32 s15, s3  }
0x16: {  	s1 =	sadd.s32 s5, s1;
	s5 =	simm.s32 $0x7900;
	s17 =	sadd.s32 $0x51600, s8  }
0x17: {  	[dreg:$0x5] =	wrdreg s1;
	s21 =	sadd.s32 $0x5B400, s3;
	s1 =	simm.s32 $0x50  }
0x18: {  	s3 =	simm.s32 $0x4F00;
	s8 =	simm.s32 $0x5080;
	[dreg:$0x4] =	wrdreg s17  }
0x19: {  	v0 =	vimm.f32 $0.0e+00;
	s17 =	sadd.s32 $0xF000, s6;
	s25 =	sadd.s32 s26, s21;
	s26 =	simm.s32 $0x5100  }
.LBB2_1:
0x1a: {  	s13 =	rddreg [dreg:$0x4]  }
0x1b: {  	s12 =	simm.s32 $0x0;
	s14 =	rddreg [dreg:$0x5]  }
0x1c: {  	[tilespmem:s12], [sflag:$0x1] =	stream.strided.gather [hbm4b:s13+s23], $0x2780, s24, s23, $0x38;
	[tilespmem:$0x1F180] =	vst v63  }
0x1d: {  	s15 =	simm.s32 $0x2780;
	s12 =	simm.s32 $0x0;
	s13 =	simm.s32 $0x200  }
0x1e: {  	[tilespmem:s15], [sflag:$0x2] =	stream.strided.gather [hbm4b:s14+s23], $0x2780, s24, s23, $0x38;
	[tilespmem:$0x1F180] =	vst v63  }
.LBB2_2:
0x1f: {  	p1 =	sne.s32 s13, $0x5E00;
	[tilespmem:s12+$0xA170] =	vst v0  }
0x20: {  	[tilespmem:s12+$0xA100] =	vst v0  }
0x21: {  	[tilespmem:s12+$0xA110] =	vst v0  }
.Ltmp0:
0x22: {  	[tilespmem:s12+$0xA120] =	vst v0;
	(pc) =	sbr.rel @p1 .LBB2_2-.Ltmp0, $4  }
0x23: {  	[tilespmem:s12+$0xA130] =	vst v0  }
0x24: {  	[tilespmem:s12+$0xA140] =	vst v0  }
0x25: {  	[tilespmem:s12+$0xA150] =	vst v0  }
0x26: {  	[tilespmem:s12+$0xA160] =	vst v0;
	s12 =	sshra.s32 s13, $0x2;
	s13 =	sadd.s32 $0x200, s13  }
0x27: {  	[tilespmem:s12+$0xA170] =	vst v0  }
0x28: {  	[tilespmem:s12+$0xA100] =	vst v0  }
0x29: {  	[tilespmem:s12+$0xA110] =	vst v0  }
0x2a: {  	[tilespmem:s12+$0xA120] =	vst v0  }
0x2b: {  	[tilespmem:s12+$0xA130] =	vst v0  }
0x2c: {  	[tilespmem:s12+$0xA140] =	vst v0  }
0x2d: {  	[tilespmem:s12+$0xA150] =	vst v0  }
0x2e: {  	[tilespmem:s12+$0xA160] =	vst v0  }
0x2f: {  	[spmem:s6] =	stream.linear.scatter [tilespmem:s28], [sflag:$0x5], $0x1800, $0x38;
	[tilespmem:$0x1F180] =	vst v63  }
0x30: {  	_ =	swait.ge [sflag:s29], $0x1800  }
0x31: {  	[sflag:s29] =	ssyncset.done $0x0  }
0x32: {  	s14 =	rddreg [dreg:$0x6];
	[sflag:s29] =	ssyncadd.s32 $0xFFFFE800  }
0x33: {  	[spmem:s14] =	stream.linear.scatter [tilespmem:s28], [sflag:$0x5], $0x1800, $0x38;
	[tilespmem:$0x1F180] =	vst v63  }
0x34: {  	_ =	swait.ge [sflag:s29], $0x1800  }
0x35: {  	[sflag:s29] =	ssyncset.done $0x0  }
0x36: {  	s15 =	rddreg [dreg:$0x7];
	[sflag:s29] =	ssyncadd.s32 $0xFFFFE800  }
0x37: {  	[spmem:s15] =	stream.linear.scatter [tilespmem:s28], [sflag:$0x5], $0x1800, $0x38;
	[tilespmem:$0x1F180] =	vst v63  }
0x38: {  	_ =	swait.ge [sflag:s29], $0x1800  }
0x39: {  	[sflag:s29] =	ssyncset.done $0x0  }
0x3a: {  	s13 =	rddreg [dreg:$0x8];
	[sflag:s29] =	ssyncadd.s32 $0xFFFFE800  }
0x3b: {  	[spmem:s13] =	stream.linear.scatter [tilespmem:s28], [sflag:$0x5], $0x1800, $0x38;
	[tilespmem:$0x1F180] =	vst v63  }
0x3c: {  	_ =	swait.ge [sflag:s29], $0x1800  }
0x3d: {  	[sflag:s29] =	ssyncset.done $0x0  }
0x3e: {  	s14 =	rddreg [dreg:$0x9];
	[sflag:s29] =	ssyncadd.s32 $0xFFFFE800  }
0x3f: {  	[spmem:s14] =	stream.linear.scatter [tilespmem:s28], [sflag:$0x5], $0x1800, $0x38;
	[tilespmem:$0x1F180] =	vst v63  }
0x40: {  	_ =	swait.ge [sflag:s29], $0x1800  }
0x41: {  	[sflag:s29] =	ssyncset.done $0x0  }
0x42: {  	s15 =	rddreg [dreg:$0xa];
	[sflag:s29] =	ssyncadd.s32 $0xFFFFE800  }
0x43: {  	[spmem:s15] =	stream.linear.scatter [tilespmem:s28], [sflag:$0x5], $0x1800, $0x38;
	[tilespmem:$0x1F180] =	vst v63  }
0x44: {  	_ =	swait.ge [sflag:s29], $0x1800  }
0x45: {  	[sflag:s29] =	ssyncset.done $0x0  }
0x46: {  	s13 =	rddreg [dreg:$0xb];
	[sflag:s29] =	ssyncadd.s32 $0xFFFFE800  }
0x47: {  	[spmem:s13] =	stream.linear.scatter [tilespmem:s28], [sflag:$0x5], $0x1800, $0x38;
	[tilespmem:$0x1F180] =	vst v63  }
0x48: {  	_ =	swait.ge [sflag:s29], $0x1800  }
0x49: {  	[sflag:s29] =	ssyncset.done $0x0  }
0x4a: {  	s14 =	rddreg [dreg:$0xc];
	[sflag:s29] =	ssyncadd.s32 $0xFFFFE800  }
0x4b: {  	[spmem:s14] =	stream.linear.scatter [tilespmem:s28], [sflag:$0x5], $0x1800, $0x38;
	[tilespmem:$0x1F180] =	vst v63  }
0x4c: {  	_ =	swait.ge [sflag:s29], $0x1800  }
0x4d: {  	[sflag:s29] =	ssyncset.done $0x0  }
0x4e: {  	s15 =	rddreg [dreg:$0xd];
	[sflag:s29] =	ssyncadd.s32 $0xFFFFE800  }
0x4f: {  	[spmem:s15] =	stream.linear.scatter [tilespmem:s28], [sflag:$0x5], $0x1800, $0x38;
	[tilespmem:$0x1F180] =	vst v63  }
0x50: {  	_ =	swait.ge [sflag:s29], $0x1800  }
0x51: {  	[sflag:s29] =	ssyncset.done $0x0  }
0x52: {  	[sflag:s29] =	ssyncadd.s32 $0xFFFFE800  }
0x53: {  	[spmem:s16] =	stream.linear.scatter [tilespmem:s28], [sflag:$0x5], $0x1800, $0x38;
	[tilespmem:$0x1F180] =	vst v63  }
0x54: {  	_ =	swait.ge [sflag:s29], $0x1800  }
0x55: {  	[sflag:s29] =	ssyncset.done $0x0  }
0x56: {  	[sflag:s29] =	ssyncadd.s32 $0xFFFFE800  }
0x57: {  	[spmem:s17] =	stream.linear.scatter [tilespmem:s28], [sflag:$0x5], $0x1800, $0x38;
	[tilespmem:$0x1F180] =	vst v63  }
0x58: {  	_ =	swait.ge [sflag:s29], $0x1800  }
0x59: {  	[sflag:s29] =	ssyncset.done $0x0  }
0x5a: {  	[sflag:s29] =	ssyncadd.s32 $0xFFFFE800  }
0x5b: {  	[spmem:s18] =	stream.linear.scatter [tilespmem:s28], [sflag:$0x5], $0x1800, $0x38;
	[tilespmem:$0x1F180] =	vst v63  }
0x5c: {  	_ =	swait.ge [sflag:s29], $0x1800  }
0x5d: {  	[sflag:s29] =	ssyncset.done $0x0  }
0x5e: {  	[sflag:s29] =	ssyncadd.s32 $0xFFFFE800  }
0x5f: {  	[spmem:s19] =	stream.linear.scatter [tilespmem:s28], [sflag:$0x5], $0x1800, $0x38;
	[tilespmem:$0x1F180] =	vst v63  }
0x60: {  	_ =	swait.ge [sflag:s29], $0x1800  }
0x61: {  	[sflag:s29] =	ssyncset.done $0x0  }
0x62: {  	s12 =	simm.s32 @!p0 $0xA100;
	[sflag:s29] =	ssyncadd.s32 $0xFFFFE800  }
0x63: {  	[spmem:s20] =	stream.linear.scatter @!p0 [tilespmem:s12], [sflag:$0x5], $0x800, $0x38;
	[tilespmem:$0x1F180] =	vst v63  }
0x64: {  	s12 =	simm.s32 @!p0 $0x5  }
0x65: {  	_ =	swait.ge @!p0 [sflag:s12], $0x800  }
0x66: {  	[sflag:s12] =	ssyncset.done @!p0 $0x0  }
0x67: {  	[sflag:s12] =	ssyncadd.s32 @!p0 $0xFFFFF800  }
0x68: {  	_ =	swait.ge [sflag:s30], $0x2780  }
0x69: {  	[sflag:s30] =	ssyncset.done $0x0  }
0x6a: {  	[sflag:s30] =	ssyncadd.s32 $0xFFFFD880  }
0x6b: {  	_ =	swait.ge [sflag:s31], $0x2780  }
0x6c: {  	[sflag:s31] =	ssyncset.done $0x0  }
0x6d: {  	[sflag:s31] =	ssyncadd.s32 $0xFFFFD880  }
0x6e: {  	s12 =	simm.s32 $0x50;
	[bflag:$0x0] =	sbarrier.arrive $0xFFFF  }
0x6f: {  	v1 =	vld [tilespmem:s12+$0xFFFFFFB0];
	_ =	sdelay $0x4  }
0x70: {  	[tilespmem:$0x4F00] =	vst v1  }
0x71: {  	v1 =	vld [tilespmem:s12+$0xFFFFFFC0];
	_ =	sdelay $0x4  }
0x72: {  	[tilespmem:$0x4F10] =	vst v1  }
0x73: {  	v1 =	vld [tilespmem:s12+$0xFFFFFFD0];
	_ =	sdelay $0x4  }
0x74: {  	[tilespmem:$0x4F20] =	vst v1  }
0x75: {  	v1 =	vld [tilespmem:s12+$0xFFFFFFE0];
	_ =	sdelay $0x4  }
0x76: {  	[tilespmem:$0x4F30] =	vst v1  }
0x77: {  	v1 =	vld [tilespmem:s12+$0xFFFFFFF0];
	_ =	sdelay $0x4  }
0x78: {  	[tilespmem:$0x4F40] =	vst v1  }
0x79: {  	[tilespmem:s26], [sflag:$0x1] =	stream.indirect.gather [hbm4b:s4+s1], $0x80, s3, s1, $0xb8;
	[tilespmem:$0x1F180] =	vst v63  }
0x7a: {  	v1 =	vld [tilespmem:s12+$0x0];
	_ =	sdelay $0x4  }
0x7b: {  	[tilespmem:$0x4F80] =	vst v1  }
0x7c: {  	v1 =	vld [tilespmem:s12+$0x10];
	_ =	sdelay $0x4  }
0x7d: {  	[tilespmem:$0x4F90] =	vst v1  }
0x7e: {  	v1 =	vld [tilespmem:s12+$0x20];
	_ =	sdelay $0x3  }
0x7f: {  	s13 =	simm.s32 $0x0  }
0x80: {  	s14 =	sand.u32 $0x3FE0, s13;
	[tilespmem:$0x4FA0] =	vst v1  }
0x81: {  	v1 =	vld [tilespmem:s14+$0x80];
	_ =	sdelay $0x4  }
0x82: {  	[tilespmem:$0x4FB0] =	vst v1  }
0x83: {  	v1 =	vld [tilespmem:s12+$0x40];
	_ =	sdelay $0x4  }
0x84: {  	[tilespmem:$0x4FC0] =	vst v1  }
0x85: {  	[tilespmem:s5], [sflag:$0x2] =	stream.indirect.gather [hbm4b:s4+s1], $0x80, s0, s1, $0xb8;
	[tilespmem:$0x1F180] =	vst v63  }
0x86: {  	_ =	swait.ge [sflag:s30], $0x2800  }
0x87: {  	[sflag:s30] =	ssyncset.done $0x0  }
0x88: {  	[sflag:s30] =	ssyncadd.s32 $0xFFFFD800  }
0x89: {  	_ =	swait.ge [sflag:s31], $0x2800  }
0x8a: {  	[sflag:s31] =	ssyncset.done $0x0  }
0x8b: {  	s13 =	simm.s32 $0x27D0;
	[sflag:s31] =	ssyncadd.s32 $0xFFFFD800  }
0x8c: {  	v1 =	vld [tilespmem:s13+$0xFFFFFFB0];
	_ =	sdelay $0x4  }
0x8d: {  	[tilespmem:$0x5000] =	vst v1  }
0x8e: {  	v1 =	vld [tilespmem:s13+$0xFFFFFFC0];
	_ =	sdelay $0x4  }
0x8f: {  	[tilespmem:$0x5010] =	vst v1  }
0x90: {  	v1 =	vld [tilespmem:s13+$0xFFFFFFD0];
	_ =	sdelay $0x4  }
0x91: {  	[tilespmem:$0x5020] =	vst v1  }
0x92: {  	v1 =	vld [tilespmem:s13+$0xFFFFFFE0];
	_ =	sdelay $0x4  }
0x93: {  	[tilespmem:$0x5030] =	vst v1  }
0x94: {  	v1 =	vld [tilespmem:s13+$0xFFFFFFF0];
	_ =	sdelay $0x4  }
0x95: {  	[tilespmem:$0x5040] =	vst v1  }
0x96: {  	[spmem:s2] =	stream.indirect.scatter.add.f32 [tilespmem:s26], [sflag:$0x3], $0x80, s7, s1, $0xb8;
	[tilespmem:$0x1F180] =	vst v63  }
0x97: {  	v1 =	vld [tilespmem:s13+$0x0];
	_ =	sdelay $0x4  }
0x98: {  	[tilespmem:$0x5080] =	vst v1  }
0x99: {  	v1 =	vld [tilespmem:s13+$0x10];
	_ =	sdelay $0x4  }
0x9a: {  	[tilespmem:$0x5090] =	vst v1  }
0x9b: {  	v1 =	vld [tilespmem:s13+$0x20];
	_ =	sdelay $0x4  }
0x9c: {  	[tilespmem:$0x50A0] =	vst v1  }
0x9d: {  	v1 =	vld [tilespmem:s14+$0x2800];
	_ =	sdelay $0x4  }
0x9e: {  	[tilespmem:$0x50B0] =	vst v1  }
0x9f: {  	v1 =	vld [tilespmem:s13+$0x40];
	_ =	sdelay $0x4  }
0xa0: {  	[tilespmem:$0x50C0] =	vst v1  }
0xa1: {  	[spmem:s2] =	stream.indirect.scatter.add.f32 [tilespmem:s5], [sflag:$0x4], $0x80, s8, s1, $0xb8;
	[tilespmem:$0x1F180] =	vst v63  }
0xa2: {  	_ =	swait.ge [sflag:s9], $0x2800  }
0xa3: {  	[sflag:s9] =	ssyncset.done $0x0  }
0xa4: {  	[sflag:s9] =	ssyncadd.s32 $0xFFFFD800  }
0xa5: {  	_ =	swait.ge [sflag:s10], $0x2800  }
0xa6: {  	s14 =	simm.s32 $0xA0;
	[sflag:s10] =	ssyncset.done $0x0  }
.LBB2_4:
0xa7: {  	[sflag:s10] =	ssyncadd.s32 $0xFFFFD800;
	s12 =	sadd.s32 $0xA0, s12;
	s13 =	sadd.s32 $0xA0, s13  }
0xa8: {  	p1 =	sne.s32 s14, $0x2620;
	s15 =	smov.u32 s14;
	s14 =	sadd.s32 $0xA0, s14;
	v1 =	vld [tilespmem:s12+$0xFFFFFFB0]  }
0xa9: {  	_ =	sdelay $0x3  }
0xaa: {  	[tilespmem:$0x4F00] =	vst v1  }
0xab: {  	v1 =	vld [tilespmem:s12+$0xFFFFFFC0];
	_ =	sdelay $0x4  }
0xac: {  	[tilespmem:$0x4F10] =	vst v1  }
0xad: {  	v1 =	vld [tilespmem:s12+$0xFFFFFFD0];
	_ =	sdelay $0x4  }
0xae: {  	[tilespmem:$0x4F20] =	vst v1  }
0xaf: {  	v1 =	vld [tilespmem:s12+$0xFFFFFFE0];
	_ =	sdelay $0x4  }
0xb0: {  	[tilespmem:$0x4F30] =	vst v1  }
0xb1: {  	v1 =	vld [tilespmem:s12+$0xFFFFFFF0];
	_ =	sdelay $0x4  }
0xb2: {  	[tilespmem:$0x4F40] =	vst v1  }
0xb3: {  	[tilespmem:s26], [sflag:$0x1] =	stream.indirect.gather [hbm4b:s4+s1], $0x80, s3, s1, $0xb8;
	[tilespmem:$0x1F180] =	vst v63  }
0xb4: {  	v1 =	vld [tilespmem:s12+$0x0];
	_ =	sdelay $0x4  }
0xb5: {  	[tilespmem:$0x4F80] =	vst v1  }
0xb6: {  	v1 =	vld [tilespmem:s12+$0x10];
	_ =	sdelay $0x4  }
0xb7: {  	[tilespmem:$0x4F90] =	vst v1  }
0xb8: {  	v1 =	vld [tilespmem:s12+$0x20];
	_ =	sdelay $0x4  }
0xb9: {  	s15 =	sand.u32 $0x3FE0, s15;
	[tilespmem:$0x4FA0] =	vst v1  }
0xba: {  	v1 =	vld [tilespmem:s15+$0x80];
	_ =	sdelay $0x4  }
0xbb: {  	[tilespmem:$0x4FB0] =	vst v1  }
0xbc: {  	v1 =	vld [tilespmem:s12+$0x40];
	_ =	sdelay $0x4  }
0xbd: {  	[tilespmem:$0x4FC0] =	vst v1  }
0xbe: {  	[tilespmem:s5], [sflag:$0x2] =	stream.indirect.gather [hbm4b:s4+s1], $0x80, s0, s1, $0xb8;
	[tilespmem:$0x1F180] =	vst v63  }
0xbf: {  	_ =	swait.ge [sflag:s30], $0x2800  }
0xc0: {  	[sflag:s30] =	ssyncset.done $0x0  }
0xc1: {  	[sflag:s30] =	ssyncadd.s32 $0xFFFFD800  }
0xc2: {  	_ =	swait.ge [sflag:s31], $0x2800  }
0xc3: {  	[sflag:s31] =	ssyncset.done $0x0  }
0xc4: {  	[sflag:s31] =	ssyncadd.s32 $0xFFFFD800  }
0xc5: {  	v1 =	vld [tilespmem:s13+$0xFFFFFFB0];
	_ =	sdelay $0x4  }
0xc6: {  	[tilespmem:$0x5000] =	vst v1  }
0xc7: {  	v1 =	vld [tilespmem:s13+$0xFFFFFFC0];
	_ =	sdelay $0x4  }
0xc8: {  	[tilespmem:$0x5010] =	vst v1  }
0xc9: {  	v1 =	vld [tilespmem:s13+$0xFFFFFFD0];
	_ =	sdelay $0x4  }
0xca: {  	[tilespmem:$0x5020] =	vst v1  }
0xcb: {  	v1 =	vld [tilespmem:s13+$0xFFFFFFE0];
	_ =	sdelay $0x4  }
0xcc: {  	[tilespmem:$0x5030] =	vst v1  }
0xcd: {  	v1 =	vld [tilespmem:s13+$0xFFFFFFF0];
	_ =	sdelay $0x4  }
0xce: {  	[tilespmem:$0x5040] =	vst v1  }
0xcf: {  	[spmem:s2] =	stream.indirect.scatter.add.f32 [tilespmem:s26], [sflag:$0x3], $0x80, s7, s1, $0xb8;
	[tilespmem:$0x1F180] =	vst v63  }
0xd0: {  	v1 =	vld [tilespmem:s13+$0x0];
	_ =	sdelay $0x4  }
0xd1: {  	[tilespmem:$0x5080] =	vst v1  }
0xd2: {  	v1 =	vld [tilespmem:s13+$0x10];
	_ =	sdelay $0x4  }
0xd3: {  	[tilespmem:$0x5090] =	vst v1  }
0xd4: {  	v1 =	vld [tilespmem:s13+$0x20];
	_ =	sdelay $0x4  }
0xd5: {  	[tilespmem:$0x50A0] =	vst v1  }
0xd6: {  	v1 =	vld [tilespmem:s15+$0x2800];
	_ =	sdelay $0x4  }
0xd7: {  	[tilespmem:$0x50B0] =	vst v1  }
0xd8: {  	v1 =	vld [tilespmem:s13+$0x40];
	_ =	sdelay $0x4  }
0xd9: {  	[tilespmem:$0x50C0] =	vst v1  }
0xda: {  	[spmem:s2] =	stream.indirect.scatter.add.f32 [tilespmem:s5], [sflag:$0x4], $0x80, s8, s1, $0xb8;
	[tilespmem:$0x1F180] =	vst v63  }
.Ltmp1:
0xdb: {  	_ =	swait.ge [sflag:s9], $0x2800;
	(pc) =	sbr.rel @p1 .LBB2_4-.Ltmp1, $4  }
0xdc: {  	[sflag:s9] =	ssyncset.done $0x0  }
0xdd: {  	[sflag:s9] =	ssyncadd.s32 $0xFFFFD800  }
0xde: {  	_ =	swait.ge [sflag:s10], $0x2800  }
0xdf: {  	[sflag:s10] =	ssyncset.done $0x0  }
0xe0: {  	[sflag:s10] =	ssyncadd.s32 $0xFFFFD800  }
0xe1: {  	v1 =	vld [tilespmem:$0x26C0]  }
0xe2: {  	v2 =	vld [tilespmem:$0x26D0]  }
0xe3: {  	v3 =	vld [tilespmem:$0x26E0]  }
0xe4: {  	v4 =	vld [tilespmem:$0x26F0]  }
0xe5: {  	v5 =	vld [tilespmem:$0x2700]  }
0xe6: {  	[tilespmem:$0x4F00] =	vst v1  }
0xe7: {  	[tilespmem:$0x4F10] =	vst v2  }
0xe8: {  	[tilespmem:$0x4F20] =	vst v3  }
0xe9: {  	[tilespmem:$0x4F30] =	vst v4  }
0xea: {  	[tilespmem:$0x4F40] =	vst v5  }
0xeb: {  	[tilespmem:s26], [sflag:$0x1] =	stream.indirect.gather [hbm4b:s4+s1], $0x80, s3, s1, $0xb8;
	[tilespmem:$0x1F180] =	vst v63  }
0xec: {  	_ =	swait.ge [sflag:s30], $0x2800  }
0xed: {  	[sflag:s30] =	ssyncset.done $0x0  }
0xee: {  	[sflag:s30] =	ssyncadd.s32 $0xFFFFD800  }
0xef: {  	v1 =	vld [tilespmem:$0x4E40]  }
0xf0: {  	v2 =	vld [tilespmem:$0x4E50]  }
0xf1: {  	v3 =	vld [tilespmem:$0x4E60]  }
0xf2: {  	v62 =	vld [tilespmem:$0x4E70]  }
0xf3: {  	v63 =	vld [tilespmem:$0x4E80]  }
0xf4: {  	[tilespmem:$0x5000] =	vst v1  }
0xf5: {  	[tilespmem:$0x5010] =	vst v2  }
0xf6: {  	[tilespmem:$0x5020] =	vst v3  }
0xf7: {  	[tilespmem:$0x5030] =	vst v62  }
0xf8: {  	[tilespmem:$0x5040] =	vst v63  }
0xf9: {  	[spmem:s2] =	stream.indirect.scatter.add.f32 [tilespmem:s26], [sflag:$0x3], $0x80, s7, s1, $0xb8;
	[tilespmem:$0x1F180] =	vst v63  }
0xfa: {  	_ =	swait.ge [sflag:s9], $0x2800  }
0xfb: {  	s12 =	stileid.u32;
	[sflag:s9] =	ssyncset.done $0x0  }
0xfc: {  	s12 =	sshll.u32 s12, $0x6;
	[sflag:s9] =	ssyncadd.s32 $0xFFFFD800  }
0xfd: {  	s13 =	sshrl.u32 s6, $0x3;
	s12 =	sor.u32 $0x1C05, s12;
	[bflag:$0x0] =	sbarrier.arrive $0xFFFF  }
0xfe: {  	[hbm:s25], [sflag:s12] =	dma.local [spmem:s13], $0x2700  }
0xff: {  	_ =	swait.ge [sflag:s29], $0x2700  }
0x100: {  	s14 =	sshrl.u32 @!p0 s20, $0x3;
	s11 =	sadd.s32 $0x1, s11;
	[sflag:s29] =	ssyncset.done $0x0  }
0x101: {  	p1 =	sne.s32 s11, s22;
	s13 =	sadd.s32 @!p0 $0x27000, s21;
	[sflag:s29] =	ssyncadd.s32 $0xFFFFD900  }
0x102: {  	[hbm:s13], [sflag:s12] =	dma.local @!p0 [spmem:s14], $0x100  }
.Ltmp2:
0x103: {  	_ = 	snop;
	(pc) =	sbr.rel @p1 .LBB2_1-.Ltmp2, $4  }
0x104: {  	s12 =	simm.s32 @!p0 $0x5  }
0x105: {  	_ =	swait.ge @!p0 [sflag:s12], $0x100  }
0x106: {  	[sflag:s12] =	ssyncset.done @!p0 $0x0  }
0x107: {  	[sflag:s12] =	ssyncadd.s32 @!p0 $0xFFFFFF00  }
0x108: {  	_ =	sfence.sel $0x180000  }
0x109: {  	[bflag:$0x0] =	sbarrier.arrive $0xFFFF  }
0x10a: {  	_ =	strace $0x9000004A  }
0x10b: {  	s0 =	stileid.u32;
	[bflag:$0x2] =	sbarrier.arrive $0xFFFF  }
0x10c: {  	p0 =	sne.s32 s0, $0x0;
	s0 =	rddreg [dreg:$0x3]  }
0x10d: {  	s0 =	sadd.s32 @!p0 $0x100000, s0  }
0x10e: {  	[sflag:s0] =	ssyncadd.tile.s32 @!p0 $0x1;
	_ =	shalt  }
.Lfunc_end2:
_tile_overlayer_lowered:
.L_overlay_start_2:
0x10f: {  	(tag) =	ssettag $0x2  }
0x110: {  	s0 =	rddreg [dreg:$0x0];
	s2 =	stileid.u32  }
0x111: {  	s1 =	rddreg [dreg:$0x1];
	p0 =	sne.s32 s2, $0x0  }
0x112: {  	s3 =	rddreg [dreg:$0x2];
	[bflag:$0x3] =	sbarrier.arrive $0xFFFF;
	s2 =	simm.s32 @!p0 $0x1C05  }
0x113: {  	[timem:s3], [sflag:s2] =	dma.local @!p0 [hbm:s0], s1  }
0x114: {  	s0 =	simm.s32 @!p0 $0x5  }
0x115: {  	_ =	swait.ge @!p0 [sflag:s0], s1  }
0x116: {  	s1 =	ssub.s32 @!p0 $0x0, s1;
	[sflag:s0] =	ssyncset.done @!p0 $0x0  }
0x117: {  	[sflag:s0] =	ssyncadd.s32 @!p0 s1  }
0x118: {  	[bflag:$0x3] =	sbarrier.arrive $0xFFFF  }
0x119: {  	_ =	shalt  }

// kernel: kernel.16.cloned.1.call-start
scs
__scs_entry_jumppad:
0x0: {  	(pc) =	sbr.rel $0x88, $3  }
0x1: {  	(tag) =	ssettag $0x0;
	lr =	simm.s32 $0x1  }
0x2: {  	[smem:$0x3F97] =	sst lr;
	_ =	strace $0xD0000000  }
0x3: {  	_ = 	snop  }
0x4: {  	_ = 	snop  }
0x5: {  	_ = 	snop  }
0x6: {  	_ = 	snop  }
0x7: {  	_ = 	snop  }
__scs_overlays_trampoline_lowered:
0x8: {  	[smem:$0x3FA6] =	sst s0  }
0x9: {  	[smem:$0x3FA7] =	sst s1  }
0xa: {  	[smem:$0x3FA8] =	sst s2  }
0xb: {  	[smem:$0x3FA9] =	sst s3  }
0xc: {  	[smem:$0x3FAA] =	sst s4  }
0xd: {  	[smem:$0x3FAB] =	sst s5  }
0xe: {  	[smem:$0x3FAC] =	sst s6  }
0xf: {  	[smem:$0x3FAD] =	sst s7  }
0x10: {  	[smem:$0x3FAE] =	sst s8  }
0x11: {  	[smem:$0x3FAF] =	sst s9;
	s0 =	simm.s32 @!p0 $0x0  }
0x12: {  	s1 =	sld [smem:$0x3F95];
	s0 =	simm.s32 @p0 $0x1  }
0x13: {  	[smem:$0x3FB0] =	sst s0;
	s0 =	simm.s32 @!p1 $0x0  }
0x14: {  	s2 =	sld [smem:$0x3F94];
	s0 =	simm.s32 @p1 $0x1  }
0x15: {  	[smem:$0x3FB1] =	sst s0;
	s0 =	simm.s32 @!p2 $0x0  }
0x16: {  	s3 =	sld [smem:$0x3FDB];
	s0 =	simm.s32 @p2 $0x1  }
0x17: {  	s4 =	simm.s32 $0x1BF5;
	[smem:$0x3FB3] =	sst s0  }
0x18: {  	s0 =	sld [smem:$0x3F96];
	_ =	swait.ge [sflag:s4], $0x0  }
0x19: {  	s7 =	sld [smem:$0x3F97]  }
0x1a: {  	s8 =	sadd.s32 $0xFFFFE003, lr  }
0x1b: {  	s9 =	sadd.s32 $0xFFFFFEF7, lr;
	s5 =	simm.s32 $0xFFFFFFFF;
	p2 =	slt.u32 s8, $0xFFFFF086  }
0x1c: {  	p1 =	slt.u32 s9, $0xF7A;
	s5 =	simm.s32 @!p2 $0x0  }
0x1d: {  	s5 =	simm.s32 @p1 $0x1;
	p0 =	seq.s32 s7, s2  }
0x1e: {  	s7 =	smul.u32 @!p0 $0xF7A, s2;
	p2 =	seq.s32 @!p0 s5, $0x0  }
0x1f: {  	s9 =	smul.u32 $0xF7A, s1;
	s8 =	simm.s32 @!p0 $0x1BF5;
	p2 =	por !p2, p0  }
0x20: {  	[sflag:s8] =	ssyncset.s32 @!p0 $0xFFFFF086;
	s6 =	sadd.s32 @!p0 s3, s7;
	s7 =	simm.s32 @!p0 $0x108  }
0x21: {  	s3 =	sadd.s32 s3, s9;
	s6 =	sadd.s32 @!p0 $0x88, s6;
	s7 =	simm.s32 @p2 $0x1082  }
0x22: {  	[simem:s7], [sflag:s8] =	dma.local @!p0 [hbm:s6], $0xF7A  }
0x23: {  	s9 =	sor.u32 $0xD0000000, s2;
	s6 =	simm.s32 $0x108;
	_ =	swait.ge @!p0 [sflag:s8], $0x0  }
0x24: {  	s3 =	sadd.s32 $0x88, s3;
	s6 =	simm.s32 @!p1 $0x1082;
	[sflag:s4] =	ssyncset.s32 $0xFFFFF086  }
0x25: {  	[simem:s6], [sflag:s4] =	dma.local [hbm:s3], $0xF7A  }
0x26: {  	[smem:$0x3F97] =	sst s1;
	(tag) =	ssettag s2;
	_ =	strace s9  }
0x27: {  	s1 =	sld [smem:$0x3FA7]  }
0x28: {  	s2 =	sld [smem:$0x3FA8]  }
0x29: {  	s4 =	sld [smem:$0x3FAA]  }
0x2a: {  	p0 =	seq.s32 s5, $0x0;
	s5 =	sld [smem:$0x3FAB]  }
0x2b: {  	s6 =	sld [smem:$0x3FAC]  }
0x2c: {  	s7 =	sld [smem:$0x3FAD]  }
0x2d: {  	s3 =	simm.s32 $0x108;
	s8 =	sld [smem:$0x3FAE]  }
0x2e: {  	s3 =	simm.s32 @!p0 $0x1082;
	s9 =	sld [smem:$0x3FAF]  }
0x2f: {  	lr =	sadd.s32 s0, s3;
	s0 =	sld [smem:$0x3FA6]  }
0x30: {  	s3 =	sld [smem:$0x3FA9]  }
0x31: {  	[smem:$0x3FB2] =	sst s10  }
0x32: {  	s10 =	sld [smem:$0x3FB0];
	_ =	sdelay $0x3  }
0x33: {  	p0 =	seq.s32 s10, $0x1;
	s10 =	sld [smem:$0x3FB2];
	_ =	sdelay $0x3  }
0x34: {  	[smem:$0x3FB2] =	sst s10  }
0x35: {  	s10 =	sld [smem:$0x3FB1];
	_ =	sdelay $0x3  }
0x36: {  	p1 =	seq.s32 s10, $0x1;
	s10 =	sld [smem:$0x3FB2];
	_ =	sdelay $0x3  }
0x37: {  	[smem:$0x3FB2] =	sst s10  }
0x38: {  	s10 =	sld [smem:$0x3FB3]  }
0x39: {  	_ = 	snop;
	(pc) =	sbr.ind lr, $3  }
0x3a: {  	_ = 	snop  }
0x3b: {  	_ = 	snop  }
0x3c: {  	p2 =	seq.s32 s10, $0x1;
	s10 =	sld [smem:$0x3FB2]  }
0x3d: {  	_ =	shalt  }
0x3e: {  	_ =	shalt  }
0x3f: {  	_ =	shalt  }
0x40: {  	_ =	shalt  }
0x41: {  	_ =	shalt  }
0x42: {  	_ =	shalt  }
0x43: {  	_ =	shalt  }
0x44: {  	_ =	shalt  }
0x45: {  	_ =	shalt  }
0x46: {  	_ =	shalt  }
0x47: {  	_ =	shalt  }
0x48: {  	_ =	shalt  }
0x49: {  	_ =	shalt  }
0x4a: {  	_ =	shalt  }
0x4b: {  	_ =	shalt  }
0x4c: {  	_ =	shalt  }
0x4d: {  	_ =	shalt  }
0x4e: {  	_ =	shalt  }
0x4f: {  	_ =	shalt  }
0x50: {  	_ =	shalt  }
0x51: {  	_ =	shalt  }
0x52: {  	_ =	shalt  }
0x53: {  	_ =	shalt  }
0x54: {  	_ =	shalt  }
0x55: {  	_ =	shalt  }
0x56: {  	_ =	shalt  }
0x57: {  	_ =	shalt  }
0x58: {  	_ =	shalt  }
0x59: {  	_ =	shalt  }
0x5a: {  	_ =	shalt  }
0x5b: {  	_ =	shalt  }
0x5c: {  	_ =	shalt  }
0x5d: {  	_ =	shalt  }
0x5e: {  	_ =	shalt  }
0x5f: {  	_ =	shalt  }
0x60: {  	_ =	shalt  }
0x61: {  	_ =	shalt  }
0x62: {  	_ =	shalt  }
0x63: {  	_ =	shalt  }
0x64: {  	_ =	shalt  }
0x65: {  	_ =	shalt  }
0x66: {  	_ =	shalt  }
0x67: {  	_ =	shalt  }
0x68: {  	_ =	shalt  }
0x69: {  	_ =	shalt  }
0x6a: {  	_ =	shalt  }
0x6b: {  	_ =	shalt  }
0x6c: {  	_ =	shalt  }
0x6d: {  	_ =	shalt  }
0x6e: {  	_ =	shalt  }
0x6f: {  	_ =	shalt  }
0x70: {  	_ =	shalt  }
0x71: {  	_ =	shalt  }
0x72: {  	_ =	shalt  }
0x73: {  	_ =	shalt  }
0x74: {  	_ =	shalt  }
0x75: {  	_ =	shalt  }
0x76: {  	_ =	shalt  }
0x77: {  	_ =	shalt  }
0x78: {  	_ =	shalt  }
0x79: {  	_ =	shalt  }
0x7a: {  	_ =	shalt  }
0x7b: {  	_ =	shalt  }
0x7c: {  	_ =	shalt  }
0x7d: {  	_ =	shalt  }
0x7e: {  	_ =	shalt  }
0x7f: {  	_ =	shalt  }
0x80: {  	_ =	shalt  }
0x81: {  	_ =	shalt  }
0x82: {  	_ =	shalt  }
0x83: {  	_ =	shalt  }
0x84: {  	_ =	shalt  }
0x85: {  	_ =	shalt  }
0x86: {  	_ =	shalt  }
0x87: {  	_ =	shalt  }
.Lfunc_end0:
.L_simem_size_0:
called_computation.2_lowered:
.L_overlay_start_0:
0x88: {  	s2 =	sld [smem:$0x3FD9]  }
0x89: {  	s3 =	sld [smem:$0x3FFE];
	_ =	sdelay $0x1  }
0x8a: {  	s1 =	srdreg.scid  }
0x8b: {  	s0 =	sand.u32 $0x1, s1  }
0x8c: {  	s17 =	sshll.u32 s0, $0xA;
	s2 =	sadd.s32 s3, s2  }
0x8d: {  	s2 =	sadd.s32 s2, s17  }
0x8e: {  	[smem:$0x3FBE] =	sst s2  }
0x8f: {  	_ = 	snop  }
0x90: {  	s2 =	sld [smem:$0x3FD0];
	(tm) =	ssettm $0x1  }
0x91: {  	s18 =	sld [smem:$0x3FFB];
	_ =	sdelay $0x3  }
0x92: {  	_ =	strace s18  }
0x93: {  	s3 =	sld [smem:$0x3FFC];
	_ =	sdelay $0x3  }
0x94: {  	_ =	strace s3  }
0x95: {  	s3 =	sld [smem:$0x3FFD];
	_ =	sdelay $0x3  }
0x96: {  	_ =	strace s3  }
0x97: {  	_ =	strace $0x8FFFFFFF  }
0x98: {  	s19 =	sld [smem:$0x3FDB];
	_ =	sdelay $0x1  }
0x99: {  	s4 =	simm.s32 $_scs_section_size  }
0x9a: {  	s5 =	simm.s32 $_size__tile_overlayer_lowered;
	s6 =	simm.s32 $_tile_overlayer_lowered  }
0x9b: {  	s22 =	simm.s32 $0x1BFF;
	s21 =	sshll.u32 s6, $0x1;
	s3 =	sadd.s32 s4, s19  }
0x9c: {  	s7 =	simm.s32 $0x0;
	s20 =	sshll.u32 s5, $0x1;
	s5 =	sadd.s32 s21, s3  }
0x9d: {  	[timem:s7], [sflag:s22] =	dma.local [hbm:s5], s20  }
0x9e: {  	_ =	swait.ge [sflag:s22], s20  }
0x9f: {  	s4 =	ssub.s32 $0x0, s20;
	[sflag:s22] =	ssyncset.done $0x0  }
0xa0: {  	[sflag:s22] =	ssyncadd.s32 s4;
	_ =	sdelay $0x1  }
0xa1: {  	s23 =	simm.s32 $0x1B8B  }
0xa2: {  	_ =	swait.ge [sflag:s23], $0x1  }
0xa3: {  	[sflag:s23] =	ssyncset.done $0x0  }
0xa4: {  	s25 =	simm.s32 $0x1B8E;
	s24 =	sld [smem:$0x3FFE];
	[sflag:s23] =	ssyncadd.s32 $0xFFFFFFFF  }
0xa5: {  	s26 =	simm.s32 $execute0_lowered;
	[smem:$0x3FD2] =	sst s25  }
0xa6: {  	s5 =	sshll.u32 s26, $0x1;
	_ =	strace $0x8000004C;
	[dreg:$0x1] =	wrdreg $0xFFFFFFFF  }
0xa7: {  	s28 =	simm.s32 $_size_execute0_lowered;
	s3 =	sadd.s32 s3, s5;
	[dreg:$0x0] =	wrdreg $0x0  }
0xa8: {  	s5 =	sshll.u32 s28, $0x1;
	[dreg:$0x2] =	wrdreg s3  }
0xa9: {  	[dreg:$0x3] =	wrdreg s5  }
0xaa: {  	[dreg:$0x4] =	wrdreg $0xC0  }
0xab: {  	_ =	task [dreg:s7], $0x5FFFF  }
0xac: {  	[dreg:$0x1] =	wrdreg $0xFFFFFFFF  }
0xad: {  	[dreg:$0x0] =	wrdreg $0x60  }
0xae: {  	[dreg:$0x2] =	wrdreg s24  }
0xaf: {  	[dreg:$0x3] =	wrdreg s2  }
0xb0: {  	[dreg:$0x4] =	wrdreg $0xB9000  }
0xb1: {  	[dreg:$0x5] =	wrdreg $0x9  }
0xb2: {  	_ =	task.clear_ibuf [dreg:s7], $0x6FFFF;
	_ =	strace $0x9000004C  }
0xb3: {  	s29 =	simm.s32 $0x9;
	_ =	strace $0x8000004E  }
0xb4: {  	_ =	swait.ge [sflag:s29], $0x1  }
0xb5: {  	[sflag:s29] =	ssyncadd.s32 $0xFFFFFFFF  }
0xb6: {  	_ =	strace $0x9000004E  }
0xb7: {  	_ =	sfence  }
0xb8: {  	s30 =	sld [smem:$0x0];
	_ =	sdelay $0x2  }
0xb9: {  	s31 =	sshll.u32 s1, $0xD;
	s1 =	sshrl.u32 s1, $0x2  }
0xba: {  	s3 =	sand.u32 $0x4000, s31;
	s1 =	sadd.s32 s1, s30  }
0xbb: {  	s0 =	sor.u32 s3, s0;
	s1 =	sshll.u32 s1, $0x11  }
0xbc: {  	s0 =	sor.u32 s1, s0  }
0xbd: {  	s0 =	sadd.s32 $0x8F2B, s0  }
0xbe: {  	[sflag:s0] =	ssyncadd.remote.s32 $0x1  }
0xbf: {  	_ =	sfence.sel $0xFFFF  }
0xc0: {  	[dreg:$0x0] =	wrdreg $0xFFFFFFFF;
	(pc) =	sbr.abs _section_cstart, $3  }
0xc1: {  	[dreg:$0x1] =	wrdreg $0xFFFFFFFF  }
0xc2: {  	_ =	task.clear_ibuf [dreg:s7], $0x2FFFF;
	_ =	strace $0x9FFFFFFF  }
0xc3: {  	(tm) =	ssettm $0x7FFFFFFF  }
tec
execute0_lowered:
.L_overlay_start_1:
0x0: {  	(tag) =	ssettag $0x1  }
0x1: {  	s0 =	srdreg.scid;
	s3 =	rddreg [dreg:$0x0]  }
0x2: {  	s9 =	stileid.u32;
	s5 =	rddreg [dreg:$0x1]  }
0x3: {  	s2 =	rddreg [dreg:$0x2];
	s6 =	simm.s32 $0x0;
	s28 =	simm.s32 $0xA100  }
0x4: {  	s29 =	simm.s32 $0x5;
	s30 =	simm.s32 $0x1;
	s31 =	simm.s32 $0x2  }
0x5: {  	s10 =	simm.s32 $0x4;
	s11 =	simm.s32 $0x0;
	s7 =	smul.u32 $0x4E000, s9  }
0x6: {  	s0 =	sand.u32 $0x1, s0;
	s4 =	sshll.u32 s9, $0x7;
	[smem:$0x7FF] =	sst s6  }
0x7: {  	s26 =	smul.u32 $0x2700, s9;
	p0 =	sne.s32 s9, $0xF;
	s7 =	sshrl.u32 s7, $0x2  }
0x8: {  	s1 =	sshll.u32 s0, $0x4;
	s4 =	sand.u32 $0x380, s4;
	s6 =	sadd.s32 s7, s2  }
0x9: {  	s15 =	smul.u32 $0x27100, s0;
	_ =	strace $0x8000004D;
	s18 =	sadd.s32 $0x1800, s6  }
0xa: {  	s0 =	ssub.s32 $0x2, s0;
	s19 =	sadd.s32 $0x3000, s6;
	[dreg:$0x6] =	wrdreg s18  }
0xb: {  	s1 =	sor.u32 s9, s1;
	s20 =	sadd.s32 $0x4800, s6;
	[dreg:$0x7] =	wrdreg s19  }
0xc: {  	s16 =	sshrl.u32 s0, $0x1;
	s21 =	sadd.s32 $0x6000, s6;
	[dreg:$0x8] =	wrdreg s20  }
0xd: {  	s9 =	simm.s32 $0x3;
	s22 =	sadd.s32 $0x7800, s6;
	[dreg:$0x9] =	wrdreg s21  }
0xe: {  	s1 =	sshrl.u32 s1, $0x3;
	s23 =	sadd.s32 $0x9000, s6;
	[dreg:$0xa] =	wrdreg s22  }
0xf: {  	s0 =	ssub.s32 s0, s16;
	s24 =	sadd.s32 $0xA800, s6;
	[dreg:$0xb] =	wrdreg s23  }
0x10: {  	s7 =	simm.s32 $0x5000;
	s25 =	sadd.s32 $0xC000, s6;
	[dreg:$0xc] =	wrdreg s24  }
0x11: {  	s1 =	smul.u32 $0x13C00, s1;
	s16 =	sadd.s32 $0xD800, s6;
	[dreg:$0xd] =	wrdreg s25  }
0x12: {  	s18 =	sadd.s32 $0x10800, s6;
	s19 =	sadd.s32 $0x12000, s6;
	s20 =	sadd.s32 $0x138000, s2  }
0x13: {  	s22 =	smax.u32 s0, $0x1;
	s23 =	simm.s32 $0x80;
	s1 =	sor.u32 s4, s1  }
0x14: {  	s24 =	simm.s32 $0x400;
	s0 =	simm.s32 $0x4F80;
	s1 =	sshrl.u32 s1, $0x3  }
0x15: {  	s4 =	sadd.s32 $0x3400, s3;
	s8 =	sadd.s32 s1, s3;
	s3 =	sadd.s32 s15, s3  }
0x16: {  	s1 =	sadd.s32 s5, s1;
	s5 =	simm.s32 $0x7900;
	s17 =	sadd.s32 $0x51600, s8  }
0x17: {  	[dreg:$0x5] =	wrdreg s1;
	s21 =	sadd.s32 $0x5B400, s3;
	s1 =	simm.s32 $0x50  }
0x18: {  	s3 =	simm.s32 $0x4F00;
	s8 =	simm.s32 $0x5080;
	[dreg:$0x4] =	wrdreg s17  }
0x19: {  	v0 =	vimm.f32 $0.0e+00;
	s17 =	sadd.s32 $0xF000, s6;
	s25 =	sadd.s32 s26, s21;
	s26 =	simm.s32 $0x5100  }
.LBB2_1:
0x1a: {  	s13 =	rddreg [dreg:$0x4]  }
0x1b: {  	s12 =	simm.s32 $0x0;
	s14 =	rddreg [dreg:$0x5]  }
0x1c: {  	[tilespmem:s12], [sflag:$0x1] =	stream.strided.gather [hbm4b:s13+s23], $0x2780, s24, s23, $0x38;
	[tilespmem:$0x1F180] =	vst v63  }
0x1d: {  	s15 =	simm.s32 $0x2780;
	s12 =	simm.s32 $0x0;
	s13 =	simm.s32 $0x200  }
0x1e: {  	[tilespmem:s15], [sflag:$0x2] =	stream.strided.gather [hbm4b:s14+s23], $0x2780, s24, s23, $0x38;
	[tilespmem:$0x1F180] =	vst v63  }
.LBB2_2:
0x1f: {  	p1 =	sne.s32 s13, $0x5E00;
	[tilespmem:s12+$0xA170] =	vst v0  }
0x20: {  	[tilespmem:s12+$0xA100] =	vst v0  }
0x21: {  	[tilespmem:s12+$0xA110] =	vst v0  }
.Ltmp0:
0x22: {  	[tilespmem:s12+$0xA120] =	vst v0;
	(pc) =	sbr.rel @p1 .LBB2_2-.Ltmp0, $4  }
0x23: {  	[tilespmem:s12+$0xA130] =	vst v0  }
0x24: {  	[tilespmem:s12+$0xA140] =	vst v0  }
0x25: {  	[tilespmem:s12+$0xA150] =	vst v0  }
0x26: {  	[tilespmem:s12+$0xA160] =	vst v0;
	s12 =	sshra.s32 s13, $0x2;
	s13 =	sadd.s32 $0x200, s13  }
0x27: {  	[tilespmem:s12+$0xA170] =	vst v0  }
0x28: {  	[tilespmem:s12+$0xA100] =	vst v0  }
0x29: {  	[tilespmem:s12+$0xA110] =	vst v0  }
0x2a: {  	[tilespmem:s12+$0xA120] =	vst v0  }
0x2b: {  	[tilespmem:s12+$0xA130] =	vst v0  }
0x2c: {  	[tilespmem:s12+$0xA140] =	vst v0  }
0x2d: {  	[tilespmem:s12+$0xA150] =	vst v0  }
0x2e: {  	[tilespmem:s12+$0xA160] =	vst v0  }
0x2f: {  	[spmem:s6] =	stream.linear.scatter [tilespmem:s28], [sflag:$0x5], $0x1800, $0x38;
	[tilespmem:$0x1F180] =	vst v63  }
0x30: {  	_ =	swait.ge [sflag:s29], $0x1800  }
0x31: {  	[sflag:s29] =	ssyncset.done $0x0  }
0x32: {  	s14 =	rddreg [dreg:$0x6];
	[sflag:s29] =	ssyncadd.s32 $0xFFFFE800  }
0x33: {  	[spmem:s14] =	stream.linear.scatter [tilespmem:s28], [sflag:$0x5], $0x1800, $0x38;
	[tilespmem:$0x1F180] =	vst v63  }
0x34: {  	_ =	swait.ge [sflag:s29], $0x1800  }
0x35: {  	[sflag:s29] =	ssyncset.done $0x0  }
0x36: {  	s15 =	rddreg [dreg:$0x7];
	[sflag:s29] =	ssyncadd.s32 $0xFFFFE800  }
0x37: {  	[spmem:s15] =	stream.linear.scatter [tilespmem:s28], [sflag:$0x5], $0x1800, $0x38;
	[tilespmem:$0x1F180] =	vst v63  }
0x38: {  	_ =	swait.ge [sflag:s29], $0x1800  }
0x39: {  	[sflag:s29] =	ssyncset.done $0x0  }
0x3a: {  	s13 =	rddreg [dreg:$0x8];
	[sflag:s29] =	ssyncadd.s32 $0xFFFFE800  }
0x3b: {  	[spmem:s13] =	stream.linear.scatter [tilespmem:s28], [sflag:$0x5], $0x1800, $0x38;
	[tilespmem:$0x1F180] =	vst v63  }
0x3c: {  	_ =	swait.ge [sflag:s29], $0x1800  }
0x3d: {  	[sflag:s29] =	ssyncset.done $0x0  }
0x3e: {  	s14 =	rddreg [dreg:$0x9];
	[sflag:s29] =	ssyncadd.s32 $0xFFFFE800  }
0x3f: {  	[spmem:s14] =	stream.linear.scatter [tilespmem:s28], [sflag:$0x5], $0x1800, $0x38;
	[tilespmem:$0x1F180] =	vst v63  }
0x40: {  	_ =	swait.ge [sflag:s29], $0x1800  }
0x41: {  	[sflag:s29] =	ssyncset.done $0x0  }
0x42: {  	s15 =	rddreg [dreg:$0xa];
	[sflag:s29] =	ssyncadd.s32 $0xFFFFE800  }
0x43: {  	[spmem:s15] =	stream.linear.scatter [tilespmem:s28], [sflag:$0x5], $0x1800, $0x38;
	[tilespmem:$0x1F180] =	vst v63  }
0x44: {  	_ =	swait.ge [sflag:s29], $0x1800  }
0x45: {  	[sflag:s29] =	ssyncset.done $0x0  }
0x46: {  	s13 =	rddreg [dreg:$0xb];
	[sflag:s29] =	ssyncadd.s32 $0xFFFFE800  }
0x47: {  	[spmem:s13] =	stream.linear.scatter [tilespmem:s28], [sflag:$0x5], $0x1800, $0x38;
	[tilespmem:$0x1F180] =	vst v63  }
0x48: {  	_ =	swait.ge [sflag:s29], $0x1800  }
0x49: {  	[sflag:s29] =	ssyncset.done $0x0  }
0x4a: {  	s14 =	rddreg [dreg:$0xc];
	[sflag:s29] =	ssyncadd.s32 $0xFFFFE800  }
0x4b: {  	[spmem:s14] =	stream.linear.scatter [tilespmem:s28], [sflag:$0x5], $0x1800, $0x38;
	[tilespmem:$0x1F180] =	vst v63  }
0x4c: {  	_ =	swait.ge [sflag:s29], $0x1800  }
0x4d: {  	[sflag:s29] =	ssyncset.done $0x0  }
0x4e: {  	s15 =	rddreg [dreg:$0xd];
	[sflag:s29] =	ssyncadd.s32 $0xFFFFE800  }
0x4f: {  	[spmem:s15] =	stream.linear.scatter [tilespmem:s28], [sflag:$0x5], $0x1800, $0x38;
	[tilespmem:$0x1F180] =	vst v63  }
0x50: {  	_ =	swait.ge [sflag:s29], $0x1800  }
0x51: {  	[sflag:s29] =	ssyncset.done $0x0  }
0x52: {  	[sflag:s29] =	ssyncadd.s32 $0xFFFFE800  }
0x53: {  	[spmem:s16] =	stream.linear.scatter [tilespmem:s28], [sflag:$0x5], $0x1800, $0x38;
	[tilespmem:$0x1F180] =	vst v63  }
0x54: {  	_ =	swait.ge [sflag:s29], $0x1800  }
0x55: {  	[sflag:s29] =	ssyncset.done $0x0  }
0x56: {  	[sflag:s29] =	ssyncadd.s32 $0xFFFFE800  }
0x57: {  	[spmem:s17] =	stream.linear.scatter [tilespmem:s28], [sflag:$0x5], $0x1800, $0x38;
	[tilespmem:$0x1F180] =	vst v63  }
0x58: {  	_ =	swait.ge [sflag:s29], $0x1800  }
0x59: {  	[sflag:s29] =	ssyncset.done $0x0  }
0x5a: {  	[sflag:s29] =	ssyncadd.s32 $0xFFFFE800  }
0x5b: {  	[spmem:s18] =	stream.linear.scatter [tilespmem:s28], [sflag:$0x5], $0x1800, $0x38;
	[tilespmem:$0x1F180] =	vst v63  }
0x5c: {  	_ =	swait.ge [sflag:s29], $0x1800  }
0x5d: {  	[sflag:s29] =	ssyncset.done $0x0  }
0x5e: {  	[sflag:s29] =	ssyncadd.s32 $0xFFFFE800  }
0x5f: {  	[spmem:s19] =	stream.linear.scatter [tilespmem:s28], [sflag:$0x5], $0x1800, $0x38;
	[tilespmem:$0x1F180] =	vst v63  }
0x60: {  	_ =	swait.ge [sflag:s29], $0x1800  }
0x61: {  	[sflag:s29] =	ssyncset.done $0x0  }
0x62: {  	s12 =	simm.s32 @!p0 $0xA100;
	[sflag:s29] =	ssyncadd.s32 $0xFFFFE800  }
0x63: {  	[spmem:s20] =	stream.linear.scatter @!p0 [tilespmem:s12], [sflag:$0x5], $0x800, $0x38;
	[tilespmem:$0x1F180] =	vst v63  }
0x64: {  	s12 =	simm.s32 @!p0 $0x5  }
0x65: {  	_ =	swait.ge @!p0 [sflag:s12], $0x800  }
0x66: {  	[sflag:s12] =	ssyncset.done @!p0 $0x0  }
0x67: {  	[sflag:s12] =	ssyncadd.s32 @!p0 $0xFFFFF800  }
0x68: {  	_ =	swait.ge [sflag:s30], $0x2780  }
0x69: {  	[sflag:s30] =	ssyncset.done $0x0  }
0x6a: {  	[sflag:s30] =	ssyncadd.s32 $0xFFFFD880  }
0x6b: {  	_ =	swait.ge [sflag:s31], $0x2780  }
0x6c: {  	[sflag:s31] =	ssyncset.done $0x0  }
0x6d: {  	[sflag:s31] =	ssyncadd.s32 $0xFFFFD880  }
0x6e: {  	s12 =	simm.s32 $0x50;
	[bflag:$0x0] =	sbarrier.arrive $0xFFFF  }
0x6f: {  	v1 =	vld [tilespmem:s12+$0xFFFFFFB0];
	_ =	sdelay $0x4  }
0x70: {  	[tilespmem:$0x4F00] =	vst v1  }
0x71: {  	v1 =	vld [tilespmem:s12+$0xFFFFFFC0];
	_ =	sdelay $0x4  }
0x72: {  	[tilespmem:$0x4F10] =	vst v1  }
0x73: {  	v1 =	vld [tilespmem:s12+$0xFFFFFFD0];
	_ =	sdelay $0x4  }
0x74: {  	[tilespmem:$0x4F20] =	vst v1  }
0x75: {  	v1 =	vld [tilespmem:s12+$0xFFFFFFE0];
	_ =	sdelay $0x4  }
0x76: {  	[tilespmem:$0x4F30] =	vst v1  }
0x77: {  	v1 =	vld [tilespmem:s12+$0xFFFFFFF0];
	_ =	sdelay $0x4  }
0x78: {  	[tilespmem:$0x4F40] =	vst v1  }
0x79: {  	[tilespmem:s26], [sflag:$0x1] =	stream.indirect.gather [hbm4b:s4+s1], $0x80, s3, s1, $0xb8;
	[tilespmem:$0x1F180] =	vst v63  }
0x7a: {  	v1 =	vld [tilespmem:s12+$0x0];
	_ =	sdelay $0x4  }
0x7b: {  	[tilespmem:$0x4F80] =	vst v1  }
0x7c: {  	v1 =	vld [tilespmem:s12+$0x10];
	_ =	sdelay $0x4  }
0x7d: {  	[tilespmem:$0x4F90] =	vst v1  }
0x7e: {  	v1 =	vld [tilespmem:s12+$0x20];
	_ =	sdelay $0x3  }
0x7f: {  	s13 =	simm.s32 $0x0  }
0x80: {  	s14 =	sand.u32 $0x3FE0, s13;
	[tilespmem:$0x4FA0] =	vst v1  }
0x81: {  	v1 =	vld [tilespmem:s14+$0x80];
	_ =	sdelay $0x4  }
0x82: {  	[tilespmem:$0x4FB0] =	vst v1  }
0x83: {  	v1 =	vld [tilespmem:s12+$0x40];
	_ =	sdelay $0x4  }
0x84: {  	[tilespmem:$0x4FC0] =	vst v1  }
0x85: {  	[tilespmem:s5], [sflag:$0x2] =	stream.indirect.gather [hbm4b:s4+s1], $0x80, s0, s1, $0xb8;
	[tilespmem:$0x1F180] =	vst v63  }
0x86: {  	_ =	swait.ge [sflag:s30], $0x2800  }
0x87: {  	[sflag:s30] =	ssyncset.done $0x0  }
0x88: {  	[sflag:s30] =	ssyncadd.s32 $0xFFFFD800  }
0x89: {  	_ =	swait.ge [sflag:s31], $0x2800  }
0x8a: {  	[sflag:s31] =	ssyncset.done $0x0  }
0x8b: {  	s13 =	simm.s32 $0x27D0;
	[sflag:s31] =	ssyncadd.s32 $0xFFFFD800  }
0x8c: {  	v1 =	vld [tilespmem:s13+$0xFFFFFFB0];
	_ =	sdelay $0x4  }
0x8d: {  	[tilespmem:$0x5000] =	vst v1  }
0x8e: {  	v1 =	vld [tilespmem:s13+$0xFFFFFFC0];
	_ =	sdelay $0x4  }
0x8f: {  	[tilespmem:$0x5010] =	vst v1  }
0x90: {  	v1 =	vld [tilespmem:s13+$0xFFFFFFD0];
	_ =	sdelay $0x4  }
0x91: {  	[tilespmem:$0x5020] =	vst v1  }
0x92: {  	v1 =	vld [tilespmem:s13+$0xFFFFFFE0];
	_ =	sdelay $0x4  }
0x93: {  	[tilespmem:$0x5030] =	vst v1  }
0x94: {  	v1 =	vld [tilespmem:s13+$0xFFFFFFF0];
	_ =	sdelay $0x4  }
0x95: {  	[tilespmem:$0x5040] =	vst v1  }
0x96: {  	[spmem:s2] =	stream.indirect.scatter.add.f32 [tilespmem:s26], [sflag:$0x3], $0x80, s7, s1, $0xb8;
	[tilespmem:$0x1F180] =	vst v63  }
0x97: {  	v1 =	vld [tilespmem:s13+$0x0];
	_ =	sdelay $0x4  }
0x98: {  	[tilespmem:$0x5080] =	vst v1  }
0x99: {  	v1 =	vld [tilespmem:s13+$0x10];
	_ =	sdelay $0x4  }
0x9a: {  	[tilespmem:$0x5090] =	vst v1  }
0x9b: {  	v1 =	vld [tilespmem:s13+$0x20];
	_ =	sdelay $0x4  }
0x9c: {  	[tilespmem:$0x50A0] =	vst v1  }
0x9d: {  	v1 =	vld [tilespmem:s14+$0x2800];
	_ =	sdelay $0x4  }
0x9e: {  	[tilespmem:$0x50B0] =	vst v1  }
0x9f: {  	v1 =	vld [tilespmem:s13+$0x40];
	_ =	sdelay $0x4  }
0xa0: {  	[tilespmem:$0x50C0] =	vst v1  }
0xa1: {  	[spmem:s2] =	stream.indirect.scatter.add.f32 [tilespmem:s5], [sflag:$0x4], $0x80, s8, s1, $0xb8;
	[tilespmem:$0x1F180] =	vst v63  }
0xa2: {  	_ =	swait.ge [sflag:s9], $0x2800  }
0xa3: {  	[sflag:s9] =	ssyncset.done $0x0  }
0xa4: {  	[sflag:s9] =	ssyncadd.s32 $0xFFFFD800  }
0xa5: {  	_ =	swait.ge [sflag:s10], $0x2800  }
0xa6: {  	s14 =	simm.s32 $0xA0;
	[sflag:s10] =	ssyncset.done $0x0  }
.LBB2_4:
0xa7: {  	[sflag:s10] =	ssyncadd.s32 $0xFFFFD800;
	s12 =	sadd.s32 $0xA0, s12;
	s13 =	sadd.s32 $0xA0, s13  }
0xa8: {  	p1 =	sne.s32 s14, $0x2620;
	s15 =	smov.u32 s14;
	s14 =	sadd.s32 $0xA0, s14;
	v1 =	vld [tilespmem:s12+$0xFFFFFFB0]  }
0xa9: {  	_ =	sdelay $0x3  }
0xaa: {  	[tilespmem:$0x4F00] =	vst v1  }
0xab: {  	v1 =	vld [tilespmem:s12+$0xFFFFFFC0];
	_ =	sdelay $0x4  }
0xac: {  	[tilespmem:$0x4F10] =	vst v1  }
0xad: {  	v1 =	vld [tilespmem:s12+$0xFFFFFFD0];
	_ =	sdelay $0x4  }
0xae: {  	[tilespmem:$0x4F20] =	vst v1  }
0xaf: {  	v1 =	vld [tilespmem:s12+$0xFFFFFFE0];
	_ =	sdelay $0x4  }
0xb0: {  	[tilespmem:$0x4F30] =	vst v1  }
0xb1: {  	v1 =	vld [tilespmem:s12+$0xFFFFFFF0];
	_ =	sdelay $0x4  }
0xb2: {  	[tilespmem:$0x4F40] =	vst v1  }
0xb3: {  	[tilespmem:s26], [sflag:$0x1] =	stream.indirect.gather [hbm4b:s4+s1], $0x80, s3, s1, $0xb8;
	[tilespmem:$0x1F180] =	vst v63  }
0xb4: {  	v1 =	vld [tilespmem:s12+$0x0];
	_ =	sdelay $0x4  }
0xb5: {  	[tilespmem:$0x4F80] =	vst v1  }
0xb6: {  	v1 =	vld [tilespmem:s12+$0x10];
	_ =	sdelay $0x4  }
0xb7: {  	[tilespmem:$0x4F90] =	vst v1  }
0xb8: {  	v1 =	vld [tilespmem:s12+$0x20];
	_ =	sdelay $0x4  }
0xb9: {  	s15 =	sand.u32 $0x3FE0, s15;
	[tilespmem:$0x4FA0] =	vst v1  }
0xba: {  	v1 =	vld [tilespmem:s15+$0x80];
	_ =	sdelay $0x4  }
0xbb: {  	[tilespmem:$0x4FB0] =	vst v1  }
0xbc: {  	v1 =	vld [tilespmem:s12+$0x40];
	_ =	sdelay $0x4  }
0xbd: {  	[tilespmem:$0x4FC0] =	vst v1  }
0xbe: {  	[tilespmem:s5], [sflag:$0x2] =	stream.indirect.gather [hbm4b:s4+s1], $0x80, s0, s1, $0xb8;
	[tilespmem:$0x1F180] =	vst v63  }
0xbf: {  	_ =	swait.ge [sflag:s30], $0x2800  }
0xc0: {  	[sflag:s30] =	ssyncset.done $0x0  }
0xc1: {  	[sflag:s30] =	ssyncadd.s32 $0xFFFFD800  }
0xc2: {  	_ =	swait.ge [sflag:s31], $0x2800  }
0xc3: {  	[sflag:s31] =	ssyncset.done $0x0  }
0xc4: {  	[sflag:s31] =	ssyncadd.s32 $0xFFFFD800  }
0xc5: {  	v1 =	vld [tilespmem:s13+$0xFFFFFFB0];
	_ =	sdelay $0x4  }
0xc6: {  	[tilespmem:$0x5000] =	vst v1  }
0xc7: {  	v1 =	vld [tilespmem:s13+$0xFFFFFFC0];
	_ =	sdelay $0x4  }
0xc8: {  	[tilespmem:$0x5010] =	vst v1  }
0xc9: {  	v1 =	vld [tilespmem:s13+$0xFFFFFFD0];
	_ =	sdelay $0x4  }
0xca: {  	[tilespmem:$0x5020] =	vst v1  }
0xcb: {  	v1 =	vld [tilespmem:s13+$0xFFFFFFE0];
	_ =	sdelay $0x4  }
0xcc: {  	[tilespmem:$0x5030] =	vst v1  }
0xcd: {  	v1 =	vld [tilespmem:s13+$0xFFFFFFF0];
	_ =	sdelay $0x4  }
0xce: {  	[tilespmem:$0x5040] =	vst v1  }
0xcf: {  	[spmem:s2] =	stream.indirect.scatter.add.f32 [tilespmem:s26], [sflag:$0x3], $0x80, s7, s1, $0xb8;
	[tilespmem:$0x1F180] =	vst v63  }
0xd0: {  	v1 =	vld [tilespmem:s13+$0x0];
	_ =	sdelay $0x4  }
0xd1: {  	[tilespmem:$0x5080] =	vst v1  }
0xd2: {  	v1 =	vld [tilespmem:s13+$0x10];
	_ =	sdelay $0x4  }
0xd3: {  	[tilespmem:$0x5090] =	vst v1  }
0xd4: {  	v1 =	vld [tilespmem:s13+$0x20];
	_ =	sdelay $0x4  }
0xd5: {  	[tilespmem:$0x50A0] =	vst v1  }
0xd6: {  	v1 =	vld [tilespmem:s15+$0x2800];
	_ =	sdelay $0x4  }
0xd7: {  	[tilespmem:$0x50B0] =	vst v1  }
0xd8: {  	v1 =	vld [tilespmem:s13+$0x40];
	_ =	sdelay $0x4  }
0xd9: {  	[tilespmem:$0x50C0] =	vst v1  }
0xda: {  	[spmem:s2] =	stream.indirect.scatter.add.f32 [tilespmem:s5], [sflag:$0x4], $0x80, s8, s1, $0xb8;
	[tilespmem:$0x1F180] =	vst v63  }
.Ltmp1:
0xdb: {  	_ =	swait.ge [sflag:s9], $0x2800;
	(pc) =	sbr.rel @p1 .LBB2_4-.Ltmp1, $4  }
0xdc: {  	[sflag:s9] =	ssyncset.done $0x0  }
0xdd: {  	[sflag:s9] =	ssyncadd.s32 $0xFFFFD800  }
0xde: {  	_ =	swait.ge [sflag:s10], $0x2800  }
0xdf: {  	[sflag:s10] =	ssyncset.done $0x0  }
0xe0: {  	[sflag:s10] =	ssyncadd.s32 $0xFFFFD800  }
0xe1: {  	v1 =	vld [tilespmem:$0x26C0]  }
0xe2: {  	v2 =	vld [tilespmem:$0x26D0]  }
0xe3: {  	v3 =	vld [tilespmem:$0x26E0]  }
0xe4: {  	v4 =	vld [tilespmem:$0x26F0]  }
0xe5: {  	v5 =	vld [tilespmem:$0x2700]  }
0xe6: {  	[tilespmem:$0x4F00] =	vst v1  }
0xe7: {  	[tilespmem:$0x4F10] =	vst v2  }
0xe8: {  	[tilespmem:$0x4F20] =	vst v3  }
0xe9: {  	[tilespmem:$0x4F30] =	vst v4  }
0xea: {  	[tilespmem:$0x4F40] =	vst v5  }
0xeb: {  	[tilespmem:s26], [sflag:$0x1] =	stream.indirect.gather [hbm4b:s4+s1], $0x80, s3, s1, $0xb8;
	[tilespmem:$0x1F180] =	vst v63  }
0xec: {  	_ =	swait.ge [sflag:s30], $0x2800  }
0xed: {  	[sflag:s30] =	ssyncset.done $0x0  }
0xee: {  	[sflag:s30] =	ssyncadd.s32 $0xFFFFD800  }
0xef: {  	v1 =	vld [tilespmem:$0x4E40]  }
0xf0: {  	v2 =	vld [tilespmem:$0x4E50]  }
0xf1: {  	v3 =	vld [tilespmem:$0x4E60]  }
0xf2: {  	v62 =	vld [tilespmem:$0x4E70]  }
0xf3: {  	v63 =	vld [tilespmem:$0x4E80]  }
0xf4: {  	[tilespmem:$0x5000] =	vst v1  }
0xf5: {  	[tilespmem:$0x5010] =	vst v2  }
0xf6: {  	[tilespmem:$0x5020] =	vst v3  }
0xf7: {  	[tilespmem:$0x5030] =	vst v62  }
0xf8: {  	[tilespmem:$0x5040] =	vst v63  }
0xf9: {  	[spmem:s2] =	stream.indirect.scatter.add.f32 [tilespmem:s26], [sflag:$0x3], $0x80, s7, s1, $0xb8;
	[tilespmem:$0x1F180] =	vst v63  }
0xfa: {  	_ =	swait.ge [sflag:s9], $0x2800  }
0xfb: {  	s12 =	stileid.u32;
	[sflag:s9] =	ssyncset.done $0x0  }
0xfc: {  	s12 =	sshll.u32 s12, $0x6;
	[sflag:s9] =	ssyncadd.s32 $0xFFFFD800  }
0xfd: {  	s13 =	sshrl.u32 s6, $0x3;
	s12 =	sor.u32 $0x1C05, s12;
	[bflag:$0x0] =	sbarrier.arrive $0xFFFF  }
0xfe: {  	[hbm:s25], [sflag:s12] =	dma.local [spmem:s13], $0x2700  }
0xff: {  	_ =	swait.ge [sflag:s29], $0x2700  }
0x100: {  	s14 =	sshrl.u32 @!p0 s20, $0x3;
	s11 =	sadd.s32 $0x1, s11;
	[sflag:s29] =	ssyncset.done $0x0  }
0x101: {  	p1 =	sne.s32 s11, s22;
	s13 =	sadd.s32 @!p0 $0x27000, s21;
	[sflag:s29] =	ssyncadd.s32 $0xFFFFD900  }
0x102: {  	[hbm:s13], [sflag:s12] =	dma.local @!p0 [spmem:s14], $0x100  }
.Ltmp2:
0x103: {  	_ = 	snop;
	(pc) =	sbr.rel @p1 .LBB2_1-.Ltmp2, $4  }
0x104: {  	s12 =	simm.s32 @!p0 $0x5  }
0x105: {  	_ =	swait.ge @!p0 [sflag:s12], $0x100  }
0x106: {  	[sflag:s12] =	ssyncset.done @!p0 $0x0  }
0x107: {  	[sflag:s12] =	ssyncadd.s32 @!p0 $0xFFFFFF00  }
0x108: {  	_ =	sfence.sel $0x180000  }
0x109: {  	[bflag:$0x0] =	sbarrier.arrive $0xFFFF  }
0x10a: {  	_ =	strace $0x9000004D  }
0x10b: {  	s0 =	stileid.u32;
	[bflag:$0x2] =	sbarrier.arrive $0xFFFF  }
0x10c: {  	p0 =	sne.s32 s0, $0x0;
	s0 =	rddreg [dreg:$0x3]  }
0x10d: {  	s0 =	sadd.s32 @!p0 $0x100000, s0  }
0x10e: {  	[sflag:s0] =	ssyncadd.tile.s32 @!p0 $0x1;
	_ =	shalt  }
.Lfunc_end2:
_tile_overlayer_lowered:
.L_overlay_start_2:
0x10f: {  	(tag) =	ssettag $0x2  }
0x110: {  	s0 =	rddreg [dreg:$0x0];
	s2 =	stileid.u32  }
0x111: {  	s1 =	rddreg [dreg:$0x1];
	p0 =	sne.s32 s2, $0x0  }
0x112: {  	s3 =	rddreg [dreg:$0x2];
	[bflag:$0x3] =	sbarrier.arrive $0xFFFF;
	s2 =	simm.s32 @!p0 $0x1C05  }
0x113: {  	[timem:s3], [sflag:s2] =	dma.local @!p0 [hbm:s0], s1  }
0x114: {  	s0 =	simm.s32 @!p0 $0x5  }
0x115: {  	_ =	swait.ge @!p0 [sflag:s0], s1  }
0x116: {  	s1 =	ssub.s32 @!p0 $0x0, s1;
	[sflag:s0] =	ssyncset.done @!p0 $0x0  }
0x117: {  	[sflag:s0] =	ssyncadd.s32 @!p0 s1  }
0x118: {  	[bflag:$0x3] =	sbarrier.arrive $0xFFFF  }
0x119: {  	_ =	shalt  }

// kernel: kernel.19.cloned.1.call-start
scs
__scs_entry_jumppad:
0x0: {  	(pc) =	sbr.rel $0x88, $3  }
0x1: {  	(tag) =	ssettag $0x0;
	lr =	simm.s32 $0x1  }
0x2: {  	[smem:$0x3F97] =	sst lr;
	_ =	strace $0xD0000000  }
0x3: {  	_ = 	snop  }
0x4: {  	_ = 	snop  }
0x5: {  	_ = 	snop  }
0x6: {  	_ = 	snop  }
0x7: {  	_ = 	snop  }
__scs_overlays_trampoline_lowered:
0x8: {  	[smem:$0x3FA6] =	sst s0  }
0x9: {  	[smem:$0x3FA7] =	sst s1  }
0xa: {  	[smem:$0x3FA8] =	sst s2  }
0xb: {  	[smem:$0x3FA9] =	sst s3  }
0xc: {  	[smem:$0x3FAA] =	sst s4  }
0xd: {  	[smem:$0x3FAB] =	sst s5  }
0xe: {  	[smem:$0x3FAC] =	sst s6  }
0xf: {  	[smem:$0x3FAD] =	sst s7  }
0x10: {  	[smem:$0x3FAE] =	sst s8  }
0x11: {  	[smem:$0x3FAF] =	sst s9;
	s0 =	simm.s32 @!p0 $0x0  }
0x12: {  	s1 =	sld [smem:$0x3F95];
	s0 =	simm.s32 @p0 $0x1  }
0x13: {  	[smem:$0x3FB0] =	sst s0;
	s0 =	simm.s32 @!p1 $0x0  }
0x14: {  	s2 =	sld [smem:$0x3F94];
	s0 =	simm.s32 @p1 $0x1  }
0x15: {  	[smem:$0x3FB1] =	sst s0;
	s0 =	simm.s32 @!p2 $0x0  }
0x16: {  	s3 =	sld [smem:$0x3FDB];
	s0 =	simm.s32 @p2 $0x1  }
0x17: {  	s4 =	simm.s32 $0x1BF5;
	[smem:$0x3FB3] =	sst s0  }
0x18: {  	s0 =	sld [smem:$0x3F96];
	_ =	swait.ge [sflag:s4], $0x0  }
0x19: {  	s7 =	sld [smem:$0x3F97]  }
0x1a: {  	s8 =	sadd.s32 $0xFFFFE003, lr  }
0x1b: {  	s9 =	sadd.s32 $0xFFFFFEF7, lr;
	s5 =	simm.s32 $0xFFFFFFFF;
	p2 =	slt.u32 s8, $0xFFFFF086  }
0x1c: {  	p1 =	slt.u32 s9, $0xF7A;
	s5 =	simm.s32 @!p2 $0x0  }
0x1d: {  	s5 =	simm.s32 @p1 $0x1;
	p0 =	seq.s32 s7, s2  }
0x1e: {  	s7 =	smul.u32 @!p0 $0xF7A, s2;
	p2 =	seq.s32 @!p0 s5, $0x0  }
0x1f: {  	s9 =	smul.u32 $0xF7A, s1;
	s8 =	simm.s32 @!p0 $0x1BF5;
	p2 =	por !p2, p0  }
0x20: {  	[sflag:s8] =	ssyncset.s32 @!p0 $0xFFFFF086;
	s6 =	sadd.s32 @!p0 s3, s7;
	s7 =	simm.s32 @!p0 $0x108  }
0x21: {  	s3 =	sadd.s32 s3, s9;
	s6 =	sadd.s32 @!p0 $0x88, s6;
	s7 =	simm.s32 @p2 $0x1082  }
0x22: {  	[simem:s7], [sflag:s8] =	dma.local @!p0 [hbm:s6], $0xF7A  }
0x23: {  	s9 =	sor.u32 $0xD0000000, s2;
	s6 =	simm.s32 $0x108;
	_ =	swait.ge @!p0 [sflag:s8], $0x0  }
0x24: {  	s3 =	sadd.s32 $0x88, s3;
	s6 =	simm.s32 @!p1 $0x1082;
	[sflag:s4] =	ssyncset.s32 $0xFFFFF086  }
0x25: {  	[simem:s6], [sflag:s4] =	dma.local [hbm:s3], $0xF7A  }
0x26: {  	[smem:$0x3F97] =	sst s1;
	(tag) =	ssettag s2;
	_ =	strace s9  }
0x27: {  	s1 =	sld [smem:$0x3FA7]  }
0x28: {  	s2 =	sld [smem:$0x3FA8]  }
0x29: {  	s4 =	sld [smem:$0x3FAA]  }
0x2a: {  	p0 =	seq.s32 s5, $0x0;
	s5 =	sld [smem:$0x3FAB]  }
0x2b: {  	s6 =	sld [smem:$0x3FAC]  }
0x2c: {  	s7 =	sld [smem:$0x3FAD]  }
0x2d: {  	s3 =	simm.s32 $0x108;
	s8 =	sld [smem:$0x3FAE]  }
0x2e: {  	s3 =	simm.s32 @!p0 $0x1082;
	s9 =	sld [smem:$0x3FAF]  }
0x2f: {  	lr =	sadd.s32 s0, s3;
	s0 =	sld [smem:$0x3FA6]  }
0x30: {  	s3 =	sld [smem:$0x3FA9]  }
0x31: {  	[smem:$0x3FB2] =	sst s10  }
0x32: {  	s10 =	sld [smem:$0x3FB0];
	_ =	sdelay $0x3  }
0x33: {  	p0 =	seq.s32 s10, $0x1;
	s10 =	sld [smem:$0x3FB2];
	_ =	sdelay $0x3  }
0x34: {  	[smem:$0x3FB2] =	sst s10  }
0x35: {  	s10 =	sld [smem:$0x3FB1];
	_ =	sdelay $0x3  }
0x36: {  	p1 =	seq.s32 s10, $0x1;
	s10 =	sld [smem:$0x3FB2];
	_ =	sdelay $0x3  }
0x37: {  	[smem:$0x3FB2] =	sst s10  }
0x38: {  	s10 =	sld [smem:$0x3FB3]  }
0x39: {  	_ = 	snop;
	(pc) =	sbr.ind lr, $3  }
0x3a: {  	_ = 	snop  }
0x3b: {  	_ = 	snop  }
0x3c: {  	p2 =	seq.s32 s10, $0x1;
	s10 =	sld [smem:$0x3FB2]  }
0x3d: {  	_ =	shalt  }
0x3e: {  	_ =	shalt  }
0x3f: {  	_ =	shalt  }
0x40: {  	_ =	shalt  }
0x41: {  	_ =	shalt  }
0x42: {  	_ =	shalt  }
0x43: {  	_ =	shalt  }
0x44: {  	_ =	shalt  }
0x45: {  	_ =	shalt  }
0x46: {  	_ =	shalt  }
0x47: {  	_ =	shalt  }
0x48: {  	_ =	shalt  }
0x49: {  	_ =	shalt  }
0x4a: {  	_ =	shalt  }
0x4b: {  	_ =	shalt  }
0x4c: {  	_ =	shalt  }
0x4d: {  	_ =	shalt  }
0x4e: {  	_ =	shalt  }
0x4f: {  	_ =	shalt  }
0x50: {  	_ =	shalt  }
0x51: {  	_ =	shalt  }
0x52: {  	_ =	shalt  }
0x53: {  	_ =	shalt  }
0x54: {  	_ =	shalt  }
0x55: {  	_ =	shalt  }
0x56: {  	_ =	shalt  }
0x57: {  	_ =	shalt  }
0x58: {  	_ =	shalt  }
0x59: {  	_ =	shalt  }
0x5a: {  	_ =	shalt  }
0x5b: {  	_ =	shalt  }
0x5c: {  	_ =	shalt  }
0x5d: {  	_ =	shalt  }
0x5e: {  	_ =	shalt  }
0x5f: {  	_ =	shalt  }
0x60: {  	_ =	shalt  }
0x61: {  	_ =	shalt  }
0x62: {  	_ =	shalt  }
0x63: {  	_ =	shalt  }
0x64: {  	_ =	shalt  }
0x65: {  	_ =	shalt  }
0x66: {  	_ =	shalt  }
0x67: {  	_ =	shalt  }
0x68: {  	_ =	shalt  }
0x69: {  	_ =	shalt  }
0x6a: {  	_ =	shalt  }
0x6b: {  	_ =	shalt  }
0x6c: {  	_ =	shalt  }
0x6d: {  	_ =	shalt  }
0x6e: {  	_ =	shalt  }
0x6f: {  	_ =	shalt  }
0x70: {  	_ =	shalt  }
0x71: {  	_ =	shalt  }
0x72: {  	_ =	shalt  }
0x73: {  	_ =	shalt  }
0x74: {  	_ =	shalt  }
0x75: {  	_ =	shalt  }
0x76: {  	_ =	shalt  }
0x77: {  	_ =	shalt  }
0x78: {  	_ =	shalt  }
0x79: {  	_ =	shalt  }
0x7a: {  	_ =	shalt  }
0x7b: {  	_ =	shalt  }
0x7c: {  	_ =	shalt  }
0x7d: {  	_ =	shalt  }
0x7e: {  	_ =	shalt  }
0x7f: {  	_ =	shalt  }
0x80: {  	_ =	shalt  }
0x81: {  	_ =	shalt  }
0x82: {  	_ =	shalt  }
0x83: {  	_ =	shalt  }
0x84: {  	_ =	shalt  }
0x85: {  	_ =	shalt  }
0x86: {  	_ =	shalt  }
0x87: {  	_ =	shalt  }
.Lfunc_end0:
.L_simem_size_0:
called_computation.3_lowered:
.L_overlay_start_0:
0x88: {  	s2 =	sld [smem:$0x3FD9]  }
0x89: {  	s3 =	sld [smem:$0x3FFE];
	_ =	sdelay $0x1  }
0x8a: {  	s1 =	srdreg.scid  }
0x8b: {  	s0 =	sand.u32 $0x1, s1  }
0x8c: {  	s17 =	sshll.u32 s0, $0xA;
	s2 =	sadd.s32 s3, s2  }
0x8d: {  	s2 =	sadd.s32 s2, s17  }
0x8e: {  	[smem:$0x3FBE] =	sst s2  }
0x8f: {  	_ = 	snop  }
0x90: {  	s2 =	sld [smem:$0x3FD0];
	(tm) =	ssettm $0x1  }
0x91: {  	s18 =	sld [smem:$0x3FFB];
	_ =	sdelay $0x3  }
0x92: {  	_ =	strace s18  }
0x93: {  	s3 =	sld [smem:$0x3FFC];
	_ =	sdelay $0x3  }
0x94: {  	_ =	strace s3  }
0x95: {  	s3 =	sld [smem:$0x3FFD];
	_ =	sdelay $0x3  }
0x96: {  	_ =	strace s3  }
0x97: {  	_ =	strace $0x8FFFFFFF  }
0x98: {  	s19 =	sld [smem:$0x3FDB];
	_ =	sdelay $0x1  }
0x99: {  	s4 =	simm.s32 $_scs_section_size  }
0x9a: {  	s5 =	simm.s32 $_size__tile_overlayer_lowered;
	s6 =	simm.s32 $_tile_overlayer_lowered  }
0x9b: {  	s22 =	simm.s32 $0x1BFF;
	s21 =	sshll.u32 s6, $0x1;
	s3 =	sadd.s32 s4, s19  }
0x9c: {  	s7 =	simm.s32 $0x0;
	s20 =	sshll.u32 s5, $0x1;
	s5 =	sadd.s32 s21, s3  }
0x9d: {  	[timem:s7], [sflag:s22] =	dma.local [hbm:s5], s20  }
0x9e: {  	_ =	swait.ge [sflag:s22], s20  }
0x9f: {  	s4 =	ssub.s32 $0x0, s20;
	[sflag:s22] =	ssyncset.done $0x0  }
0xa0: {  	[sflag:s22] =	ssyncadd.s32 s4;
	_ =	sdelay $0x1  }
0xa1: {  	s23 =	simm.s32 $0x1B8B  }
0xa2: {  	_ =	swait.ge [sflag:s23], $0x1  }
0xa3: {  	[sflag:s23] =	ssyncset.done $0x0  }
0xa4: {  	s25 =	simm.s32 $0x1B8E;
	s24 =	sld [smem:$0x3FFE];
	[sflag:s23] =	ssyncadd.s32 $0xFFFFFFFF  }
0xa5: {  	s26 =	simm.s32 $execute0_lowered;
	[smem:$0x3FD2] =	sst s25  }
0xa6: {  	s5 =	sshll.u32 s26, $0x1;
	_ =	strace $0x8000004F;
	[dreg:$0x1] =	wrdreg $0xFFFFFFFF  }
0xa7: {  	s28 =	simm.s32 $_size_execute0_lowered;
	s3 =	sadd.s32 s3, s5;
	[dreg:$0x0] =	wrdreg $0x0  }
0xa8: {  	s5 =	sshll.u32 s28, $0x1;
	[dreg:$0x2] =	wrdreg s3  }
0xa9: {  	[dreg:$0x3] =	wrdreg s5  }
0xaa: {  	[dreg:$0x4] =	wrdreg $0xC0  }
0xab: {  	_ =	task [dreg:s7], $0x5FFFF  }
0xac: {  	[dreg:$0x1] =	wrdreg $0xFFFFFFFF  }
0xad: {  	[dreg:$0x0] =	wrdreg $0x60  }
0xae: {  	[dreg:$0x2] =	wrdreg s24  }
0xaf: {  	[dreg:$0x3] =	wrdreg s2  }
0xb0: {  	[dreg:$0x4] =	wrdreg $0xB9000  }
0xb1: {  	[dreg:$0x5] =	wrdreg $0x9  }
0xb2: {  	_ =	task.clear_ibuf [dreg:s7], $0x6FFFF;
	_ =	strace $0x9000004F  }
0xb3: {  	s29 =	simm.s32 $0x9;
	_ =	strace $0x80000051  }
0xb4: {  	_ =	swait.ge [sflag:s29], $0x1  }
0xb5: {  	[sflag:s29] =	ssyncadd.s32 $0xFFFFFFFF  }
0xb6: {  	_ =	strace $0x90000051  }
0xb7: {  	_ =	sfence  }
0xb8: {  	s30 =	sld [smem:$0x0];
	_ =	sdelay $0x2  }
0xb9: {  	s31 =	sshll.u32 s1, $0xD;
	s1 =	sshrl.u32 s1, $0x2  }
0xba: {  	s3 =	sand.u32 $0x4000, s31;
	s1 =	sadd.s32 s1, s30  }
0xbb: {  	s0 =	sor.u32 s3, s0;
	s1 =	sshll.u32 s1, $0x11  }
0xbc: {  	s0 =	sor.u32 s1, s0  }
0xbd: {  	s0 =	sadd.s32 $0x8F2B, s0  }
0xbe: {  	[sflag:s0] =	ssyncadd.remote.s32 $0x1  }
0xbf: {  	_ =	sfence.sel $0xFFFF  }
0xc0: {  	[dreg:$0x0] =	wrdreg $0xFFFFFFFF;
	(pc) =	sbr.abs _section_cstart, $3  }
0xc1: {  	[dreg:$0x1] =	wrdreg $0xFFFFFFFF  }
0xc2: {  	_ =	task.clear_ibuf [dreg:s7], $0x2FFFF;
	_ =	strace $0x9FFFFFFF  }
0xc3: {  	(tm) =	ssettm $0x7FFFFFFF  }
tec
execute0_lowered:
.L_overlay_start_1:
0x0: {  	(tag) =	ssettag $0x1  }
0x1: {  	s0 =	srdreg.scid;
	s3 =	rddreg [dreg:$0x0]  }
0x2: {  	s9 =	stileid.u32;
	s5 =	rddreg [dreg:$0x1]  }
0x3: {  	s2 =	rddreg [dreg:$0x2];
	s6 =	simm.s32 $0x0;
	s28 =	simm.s32 $0xA100  }
0x4: {  	s29 =	simm.s32 $0x5;
	s30 =	simm.s32 $0x1;
	s31 =	simm.s32 $0x2  }
0x5: {  	s10 =	simm.s32 $0x4;
	s11 =	simm.s32 $0x0;
	s7 =	smul.u32 $0x4E000, s9  }
0x6: {  	s0 =	sand.u32 $0x1, s0;
	s4 =	sshll.u32 s9, $0x7;
	[smem:$0x7FF] =	sst s6  }
0x7: {  	s26 =	smul.u32 $0x2700, s9;
	p0 =	sne.s32 s9, $0xF;
	s7 =	sshrl.u32 s7, $0x2  }
0x8: {  	s1 =	sshll.u32 s0, $0x4;
	s4 =	sand.u32 $0x380, s4;
	s6 =	sadd.s32 s7, s2  }
0x9: {  	s15 =	smul.u32 $0x27100, s0;
	_ =	strace $0x80000050;
	s18 =	sadd.s32 $0x1800, s6  }
0xa: {  	s0 =	ssub.s32 $0x2, s0;
	s19 =	sadd.s32 $0x3000, s6;
	[dreg:$0x6] =	wrdreg s18  }
0xb: {  	s1 =	sor.u32 s9, s1;
	s20 =	sadd.s32 $0x4800, s6;
	[dreg:$0x7] =	wrdreg s19  }
0xc: {  	s16 =	sshrl.u32 s0, $0x1;
	s21 =	sadd.s32 $0x6000, s6;
	[dreg:$0x8] =	wrdreg s20  }
0xd: {  	s9 =	simm.s32 $0x3;
	s22 =	sadd.s32 $0x7800, s6;
	[dreg:$0x9] =	wrdreg s21  }
0xe: {  	s1 =	sshrl.u32 s1, $0x3;
	s23 =	sadd.s32 $0x9000, s6;
	[dreg:$0xa] =	wrdreg s22  }
0xf: {  	s0 =	ssub.s32 s0, s16;
	s24 =	sadd.s32 $0xA800, s6;
	[dreg:$0xb] =	wrdreg s23  }
0x10: {  	s7 =	simm.s32 $0x5000;
	s25 =	sadd.s32 $0xC000, s6;
	[dreg:$0xc] =	wrdreg s24  }
0x11: {  	s1 =	smul.u32 $0x13C00, s1;
	s16 =	sadd.s32 $0xD800, s6;
	[dreg:$0xd] =	wrdreg s25  }
0x12: {  	s18 =	sadd.s32 $0x10800, s6;
	s19 =	sadd.s32 $0x12000, s6;
	s20 =	sadd.s32 $0x138000, s2  }
0x13: {  	s22 =	smax.u32 s0, $0x1;
	s23 =	simm.s32 $0x80;
	s1 =	sor.u32 s4, s1  }
0x14: {  	s24 =	simm.s32 $0x400;
	s0 =	simm.s32 $0x4F80;
	s1 =	sshrl.u32 s1, $0x3  }
0x15: {  	s4 =	sadd.s32 $0x3400, s3;
	s8 =	sadd.s32 s1, s3;
	s3 =	sadd.s32 s15, s3  }
0x16: {  	s1 =	sadd.s32 s5, s1;
	s5 =	simm.s32 $0x7900;
	s17 =	sadd.s32 $0x51600, s8  }
0x17: {  	[dreg:$0x5] =	wrdreg s1;
	s21 =	sadd.s32 $0x5B400, s3;
	s1 =	simm.s32 $0x50  }
0x18: {  	s3 =	simm.s32 $0x4F00;
	s8 =	simm.s32 $0x5080;
	[dreg:$0x4] =	wrdreg s17  }
0x19: {  	v0 =	vimm.f32 $0.0e+00;
	s17 =	sadd.s32 $0xF000, s6;
	s25 =	sadd.s32 s26, s21;
	s26 =	simm.s32 $0x5100  }
.LBB2_1:
0x1a: {  	s13 =	rddreg [dreg:$0x4]  }
0x1b: {  	s12 =	simm.s32 $0x0;
	s14 =	rddreg [dreg:$0x5]  }
0x1c: {  	[tilespmem:s12], [sflag:$0x1] =	stream.strided.gather [hbm4b:s13+s23], $0x2780, s24, s23, $0x38;
	[tilespmem:$0x1F180] =	vst v63  }
0x1d: {  	s15 =	simm.s32 $0x2780;
	s12 =	simm.s32 $0x0;
	s13 =	simm.s32 $0x200  }
0x1e: {  	[tilespmem:s15], [sflag:$0x2] =	stream.strided.gather [hbm4b:s14+s23], $0x2780, s24, s23, $0x38;
	[tilespmem:$0x1F180] =	vst v63  }
.LBB2_2:
0x1f: {  	p1 =	sne.s32 s13, $0x5E00;
	[tilespmem:s12+$0xA170] =	vst v0  }
0x20: {  	[tilespmem:s12+$0xA100] =	vst v0  }
0x21: {  	[tilespmem:s12+$0xA110] =	vst v0  }
.Ltmp0:
0x22: {  	[tilespmem:s12+$0xA120] =	vst v0;
	(pc) =	sbr.rel @p1 .LBB2_2-.Ltmp0, $4  }
0x23: {  	[tilespmem:s12+$0xA130] =	vst v0  }
0x24: {  	[tilespmem:s12+$0xA140] =	vst v0  }
0x25: {  	[tilespmem:s12+$0xA150] =	vst v0  }
0x26: {  	[tilespmem:s12+$0xA160] =	vst v0;
	s12 =	sshra.s32 s13, $0x2;
	s13 =	sadd.s32 $0x200, s13  }
0x27: {  	[tilespmem:s12+$0xA170] =	vst v0  }
0x28: {  	[tilespmem:s12+$0xA100] =	vst v0  }
0x29: {  	[tilespmem:s12+$0xA110] =	vst v0  }
0x2a: {  	[tilespmem:s12+$0xA120] =	vst v0  }
0x2b: {  	[tilespmem:s12+$0xA130] =	vst v0  }
0x2c: {  	[tilespmem:s12+$0xA140] =	vst v0  }
0x2d: {  	[tilespmem:s12+$0xA150] =	vst v0  }
0x2e: {  	[tilespmem:s12+$0xA160] =	vst v0  }
0x2f: {  	[spmem:s6] =	stream.linear.scatter [tilespmem:s28], [sflag:$0x5], $0x1800, $0x38;
	[tilespmem:$0x1F180] =	vst v63  }
0x30: {  	_ =	swait.ge [sflag:s29], $0x1800  }
0x31: {  	[sflag:s29] =	ssyncset.done $0x0  }
0x32: {  	s14 =	rddreg [dreg:$0x6];
	[sflag:s29] =	ssyncadd.s32 $0xFFFFE800  }
0x33: {  	[spmem:s14] =	stream.linear.scatter [tilespmem:s28], [sflag:$0x5], $0x1800, $0x38;
	[tilespmem:$0x1F180] =	vst v63  }
0x34: {  	_ =	swait.ge [sflag:s29], $0x1800  }
0x35: {  	[sflag:s29] =	ssyncset.done $0x0  }
0x36: {  	s15 =	rddreg [dreg:$0x7];
	[sflag:s29] =	ssyncadd.s32 $0xFFFFE800  }
0x37: {  	[spmem:s15] =	stream.linear.scatter [tilespmem:s28], [sflag:$0x5], $0x1800, $0x38;
	[tilespmem:$0x1F180] =	vst v63  }
0x38: {  	_ =	swait.ge [sflag:s29], $0x1800  }
0x39: {  	[sflag:s29] =	ssyncset.done $0x0  }
0x3a: {  	s13 =	rddreg [dreg:$0x8];
	[sflag:s29] =	ssyncadd.s32 $0xFFFFE800  }
0x3b: {  	[spmem:s13] =	stream.linear.scatter [tilespmem:s28], [sflag:$0x5], $0x1800, $0x38;
	[tilespmem:$0x1F180] =	vst v63  }
0x3c: {  	_ =	swait.ge [sflag:s29], $0x1800  }
0x3d: {  	[sflag:s29] =	ssyncset.done $0x0  }
0x3e: {  	s14 =	rddreg [dreg:$0x9];
	[sflag:s29] =	ssyncadd.s32 $0xFFFFE800  }
0x3f: {  	[spmem:s14] =	stream.linear.scatter [tilespmem:s28], [sflag:$0x5], $0x1800, $0x38;
	[tilespmem:$0x1F180] =	vst v63  }
0x40: {  	_ =	swait.ge [sflag:s29], $0x1800  }
0x41: {  	[sflag:s29] =	ssyncset.done $0x0  }
0x42: {  	s15 =	rddreg [dreg:$0xa];
	[sflag:s29] =	ssyncadd.s32 $0xFFFFE800  }
0x43: {  	[spmem:s15] =	stream.linear.scatter [tilespmem:s28], [sflag:$0x5], $0x1800, $0x38;
	[tilespmem:$0x1F180] =	vst v63  }
0x44: {  	_ =	swait.ge [sflag:s29], $0x1800  }
0x45: {  	[sflag:s29] =	ssyncset.done $0x0  }
0x46: {  	s13 =	rddreg [dreg:$0xb];
	[sflag:s29] =	ssyncadd.s32 $0xFFFFE800  }
0x47: {  	[spmem:s13] =	stream.linear.scatter [tilespmem:s28], [sflag:$0x5], $0x1800, $0x38;
	[tilespmem:$0x1F180] =	vst v63  }
0x48: {  	_ =	swait.ge [sflag:s29], $0x1800  }
0x49: {  	[sflag:s29] =	ssyncset.done $0x0  }
0x4a: {  	s14 =	rddreg [dreg:$0xc];
	[sflag:s29] =	ssyncadd.s32 $0xFFFFE800  }
0x4b: {  	[spmem:s14] =	stream.linear.scatter [tilespmem:s28], [sflag:$0x5], $0x1800, $0x38;
	[tilespmem:$0x1F180] =	vst v63  }
0x4c: {  	_ =	swait.ge [sflag:s29], $0x1800  }
0x4d: {  	[sflag:s29] =	ssyncset.done $0x0  }
0x4e: {  	s15 =	rddreg [dreg:$0xd];
	[sflag:s29] =	ssyncadd.s32 $0xFFFFE800  }
0x4f: {  	[spmem:s15] =	stream.linear.scatter [tilespmem:s28], [sflag:$0x5], $0x1800, $0x38;
	[tilespmem:$0x1F180] =	vst v63  }
0x50: {  	_ =	swait.ge [sflag:s29], $0x1800  }
0x51: {  	[sflag:s29] =	ssyncset.done $0x0  }
0x52: {  	[sflag:s29] =	ssyncadd.s32 $0xFFFFE800  }
0x53: {  	[spmem:s16] =	stream.linear.scatter [tilespmem:s28], [sflag:$0x5], $0x1800, $0x38;
	[tilespmem:$0x1F180] =	vst v63  }
0x54: {  	_ =	swait.ge [sflag:s29], $0x1800  }
0x55: {  	[sflag:s29] =	ssyncset.done $0x0  }
0x56: {  	[sflag:s29] =	ssyncadd.s32 $0xFFFFE800  }
0x57: {  	[spmem:s17] =	stream.linear.scatter [tilespmem:s28], [sflag:$0x5], $0x1800, $0x38;
	[tilespmem:$0x1F180] =	vst v63  }
0x58: {  	_ =	swait.ge [sflag:s29], $0x1800  }
0x59: {  	[sflag:s29] =	ssyncset.done $0x0  }
0x5a: {  	[sflag:s29] =	ssyncadd.s32 $0xFFFFE800  }
0x5b: {  	[spmem:s18] =	stream.linear.scatter [tilespmem:s28], [sflag:$0x5], $0x1800, $0x38;
	[tilespmem:$0x1F180] =	vst v63  }
0x5c: {  	_ =	swait.ge [sflag:s29], $0x1800  }
0x5d: {  	[sflag:s29] =	ssyncset.done $0x0  }
0x5e: {  	[sflag:s29] =	ssyncadd.s32 $0xFFFFE800  }
0x5f: {  	[spmem:s19] =	stream.linear.scatter [tilespmem:s28], [sflag:$0x5], $0x1800, $0x38;
	[tilespmem:$0x1F180] =	vst v63  }
0x60: {  	_ =	swait.ge [sflag:s29], $0x1800  }
0x61: {  	[sflag:s29] =	ssyncset.done $0x0  }
0x62: {  	s12 =	simm.s32 @!p0 $0xA100;
	[sflag:s29] =	ssyncadd.s32 $0xFFFFE800  }
0x63: {  	[spmem:s20] =	stream.linear.scatter @!p0 [tilespmem:s12], [sflag:$0x5], $0x800, $0x38;
	[tilespmem:$0x1F180] =	vst v63  }
0x64: {  	s12 =	simm.s32 @!p0 $0x5  }
0x65: {  	_ =	swait.ge @!p0 [sflag:s12], $0x800  }
0x66: {  	[sflag:s12] =	ssyncset.done @!p0 $0x0  }
0x67: {  	[sflag:s12] =	ssyncadd.s32 @!p0 $0xFFFFF800  }
0x68: {  	_ =	swait.ge [sflag:s30], $0x2780  }
0x69: {  	[sflag:s30] =	ssyncset.done $0x0  }
0x6a: {  	[sflag:s30] =	ssyncadd.s32 $0xFFFFD880  }
0x6b: {  	_ =	swait.ge [sflag:s31], $0x2780  }
0x6c: {  	[sflag:s31] =	ssyncset.done $0x0  }
0x6d: {  	[sflag:s31] =	ssyncadd.s32 $0xFFFFD880  }
0x6e: {  	s12 =	simm.s32 $0x50;
	[bflag:$0x0] =	sbarrier.arrive $0xFFFF  }
0x6f: {  	v1 =	vld [tilespmem:s12+$0xFFFFFFB0];
	_ =	sdelay $0x4  }
0x70: {  	[tilespmem:$0x4F00] =	vst v1  }
0x71: {  	v1 =	vld [tilespmem:s12+$0xFFFFFFC0];
	_ =	sdelay $0x4  }
0x72: {  	[tilespmem:$0x4F10] =	vst v1  }
0x73: {  	v1 =	vld [tilespmem:s12+$0xFFFFFFD0];
	_ =	sdelay $0x4  }
0x74: {  	[tilespmem:$0x4F20] =	vst v1  }
0x75: {  	v1 =	vld [tilespmem:s12+$0xFFFFFFE0];
	_ =	sdelay $0x4  }
0x76: {  	[tilespmem:$0x4F30] =	vst v1  }
0x77: {  	v1 =	vld [tilespmem:s12+$0xFFFFFFF0];
	_ =	sdelay $0x4  }
0x78: {  	[tilespmem:$0x4F40] =	vst v1  }
0x79: {  	[tilespmem:s26], [sflag:$0x1] =	stream.indirect.gather [hbm4b:s4+s1], $0x80, s3, s1, $0xb8;
	[tilespmem:$0x1F180] =	vst v63  }
0x7a: {  	v1 =	vld [tilespmem:s12+$0x0];
	_ =	sdelay $0x4  }
0x7b: {  	[tilespmem:$0x4F80] =	vst v1  }
0x7c: {  	v1 =	vld [tilespmem:s12+$0x10];
	_ =	sdelay $0x4  }
0x7d: {  	[tilespmem:$0x4F90] =	vst v1  }
0x7e: {  	v1 =	vld [tilespmem:s12+$0x20];
	_ =	sdelay $0x3  }
0x7f: {  	s13 =	simm.s32 $0x0  }
0x80: {  	s14 =	sand.u32 $0x3FE0, s13;
	[tilespmem:$0x4FA0] =	vst v1  }
0x81: {  	v1 =	vld [tilespmem:s14+$0x80];
	_ =	sdelay $0x4  }
0x82: {  	[tilespmem:$0x4FB0] =	vst v1  }
0x83: {  	v1 =	vld [tilespmem:s12+$0x40];
	_ =	sdelay $0x4  }
0x84: {  	[tilespmem:$0x4FC0] =	vst v1  }
0x85: {  	[tilespmem:s5], [sflag:$0x2] =	stream.indirect.gather [hbm4b:s4+s1], $0x80, s0, s1, $0xb8;
	[tilespmem:$0x1F180] =	vst v63  }
0x86: {  	_ =	swait.ge [sflag:s30], $0x2800  }
0x87: {  	[sflag:s30] =	ssyncset.done $0x0  }
0x88: {  	[sflag:s30] =	ssyncadd.s32 $0xFFFFD800  }
0x89: {  	_ =	swait.ge [sflag:s31], $0x2800  }
0x8a: {  	[sflag:s31] =	ssyncset.done $0x0  }
0x8b: {  	s13 =	simm.s32 $0x27D0;
	[sflag:s31] =	ssyncadd.s32 $0xFFFFD800  }
0x8c: {  	v1 =	vld [tilespmem:s13+$0xFFFFFFB0];
	_ =	sdelay $0x4  }
0x8d: {  	[tilespmem:$0x5000] =	vst v1  }
0x8e: {  	v1 =	vld [tilespmem:s13+$0xFFFFFFC0];
	_ =	sdelay $0x4  }
0x8f: {  	[tilespmem:$0x5010] =	vst v1  }
0x90: {  	v1 =	vld [tilespmem:s13+$0xFFFFFFD0];
	_ =	sdelay $0x4  }
0x91: {  	[tilespmem:$0x5020] =	vst v1  }
0x92: {  	v1 =	vld [tilespmem:s13+$0xFFFFFFE0];
	_ =	sdelay $0x4  }
0x93: {  	[tilespmem:$0x5030] =	vst v1  }
0x94: {  	v1 =	vld [tilespmem:s13+$0xFFFFFFF0];
	_ =	sdelay $0x4  }
0x95: {  	[tilespmem:$0x5040] =	vst v1  }
0x96: {  	[spmem:s2] =	stream.indirect.scatter.add.f32 [tilespmem:s26], [sflag:$0x3], $0x80, s7, s1, $0xb8;
	[tilespmem:$0x1F180] =	vst v63  }
0x97: {  	v1 =	vld [tilespmem:s13+$0x0];
	_ =	sdelay $0x4  }
0x98: {  	[tilespmem:$0x5080] =	vst v1  }
0x99: {  	v1 =	vld [tilespmem:s13+$0x10];
	_ =	sdelay $0x4  }
0x9a: {  	[tilespmem:$0x5090] =	vst v1  }
0x9b: {  	v1 =	vld [tilespmem:s13+$0x20];
	_ =	sdelay $0x4  }
0x9c: {  	[tilespmem:$0x50A0] =	vst v1  }
0x9d: {  	v1 =	vld [tilespmem:s14+$0x2800];
	_ =	sdelay $0x4  }
0x9e: {  	[tilespmem:$0x50B0] =	vst v1  }
0x9f: {  	v1 =	vld [tilespmem:s13+$0x40];
	_ =	sdelay $0x4  }
0xa0: {  	[tilespmem:$0x50C0] =	vst v1  }
0xa1: {  	[spmem:s2] =	stream.indirect.scatter.add.f32 [tilespmem:s5], [sflag:$0x4], $0x80, s8, s1, $0xb8;
	[tilespmem:$0x1F180] =	vst v63  }
0xa2: {  	_ =	swait.ge [sflag:s9], $0x2800  }
0xa3: {  	[sflag:s9] =	ssyncset.done $0x0  }
0xa4: {  	[sflag:s9] =	ssyncadd.s32 $0xFFFFD800  }
0xa5: {  	_ =	swait.ge [sflag:s10], $0x2800  }
0xa6: {  	s14 =	simm.s32 $0xA0;
	[sflag:s10] =	ssyncset.done $0x0  }
.LBB2_4:
0xa7: {  	[sflag:s10] =	ssyncadd.s32 $0xFFFFD800;
	s12 =	sadd.s32 $0xA0, s12;
	s13 =	sadd.s32 $0xA0, s13  }
0xa8: {  	p1 =	sne.s32 s14, $0x2620;
	s15 =	smov.u32 s14;
	s14 =	sadd.s32 $0xA0, s14;
	v1 =	vld [tilespmem:s12+$0xFFFFFFB0]  }
0xa9: {  	_ =	sdelay $0x3  }
0xaa: {  	[tilespmem:$0x4F00] =	vst v1  }
0xab: {  	v1 =	vld [tilespmem:s12+$0xFFFFFFC0];
	_ =	sdelay $0x4  }
0xac: {  	[tilespmem:$0x4F10] =	vst v1  }
0xad: {  	v1 =	vld [tilespmem:s12+$0xFFFFFFD0];
	_ =	sdelay $0x4  }
0xae: {  	[tilespmem:$0x4F20] =	vst v1  }
0xaf: {  	v1 =	vld [tilespmem:s12+$0xFFFFFFE0];
	_ =	sdelay $0x4  }
0xb0: {  	[tilespmem:$0x4F30] =	vst v1  }
0xb1: {  	v1 =	vld [tilespmem:s12+$0xFFFFFFF0];
	_ =	sdelay $0x4  }
0xb2: {  	[tilespmem:$0x4F40] =	vst v1  }
0xb3: {  	[tilespmem:s26], [sflag:$0x1] =	stream.indirect.gather [hbm4b:s4+s1], $0x80, s3, s1, $0xb8;
	[tilespmem:$0x1F180] =	vst v63  }
0xb4: {  	v1 =	vld [tilespmem:s12+$0x0];
	_ =	sdelay $0x4  }
0xb5: {  	[tilespmem:$0x4F80] =	vst v1  }
0xb6: {  	v1 =	vld [tilespmem:s12+$0x10];
	_ =	sdelay $0x4  }
0xb7: {  	[tilespmem:$0x4F90] =	vst v1  }
0xb8: {  	v1 =	vld [tilespmem:s12+$0x20];
	_ =	sdelay $0x4  }
0xb9: {  	s15 =	sand.u32 $0x3FE0, s15;
	[tilespmem:$0x4FA0] =	vst v1  }
0xba: {  	v1 =	vld [tilespmem:s15+$0x80];
	_ =	sdelay $0x4  }
0xbb: {  	[tilespmem:$0x4FB0] =	vst v1  }
0xbc: {  	v1 =	vld [tilespmem:s12+$0x40];
	_ =	sdelay $0x4  }
0xbd: {  	[tilespmem:$0x4FC0] =	vst v1  }
0xbe: {  	[tilespmem:s5], [sflag:$0x2] =	stream.indirect.gather [hbm4b:s4+s1], $0x80, s0, s1, $0xb8;
	[tilespmem:$0x1F180] =	vst v63  }
0xbf: {  	_ =	swait.ge [sflag:s30], $0x2800  }
0xc0: {  	[sflag:s30] =	ssyncset.done $0x0  }
0xc1: {  	[sflag:s30] =	ssyncadd.s32 $0xFFFFD800  }
0xc2: {  	_ =	swait.ge [sflag:s31], $0x2800  }
0xc3: {  	[sflag:s31] =	ssyncset.done $0x0  }
0xc4: {  	[sflag:s31] =	ssyncadd.s32 $0xFFFFD800  }
0xc5: {  	v1 =	vld [tilespmem:s13+$0xFFFFFFB0];
	_ =	sdelay $0x4  }
0xc6: {  	[tilespmem:$0x5000] =	vst v1  }
0xc7: {  	v1 =	vld [tilespmem:s13+$0xFFFFFFC0];
	_ =	sdelay $0x4  }
0xc8: {  	[tilespmem:$0x5010] =	vst v1  }
0xc9: {  	v1 =	vld [tilespmem:s13+$0xFFFFFFD0];
	_ =	sdelay $0x4  }
0xca: {  	[tilespmem:$0x5020] =	vst v1  }
0xcb: {  	v1 =	vld [tilespmem:s13+$0xFFFFFFE0];
	_ =	sdelay $0x4  }
0xcc: {  	[tilespmem:$0x5030] =	vst v1  }
0xcd: {  	v1 =	vld [tilespmem:s13+$0xFFFFFFF0];
	_ =	sdelay $0x4  }
0xce: {  	[tilespmem:$0x5040] =	vst v1  }
0xcf: {  	[spmem:s2] =	stream.indirect.scatter.add.f32 [tilespmem:s26], [sflag:$0x3], $0x80, s7, s1, $0xb8;
	[tilespmem:$0x1F180] =	vst v63  }
0xd0: {  	v1 =	vld [tilespmem:s13+$0x0];
	_ =	sdelay $0x4  }
0xd1: {  	[tilespmem:$0x5080] =	vst v1  }
0xd2: {  	v1 =	vld [tilespmem:s13+$0x10];
	_ =	sdelay $0x4  }
0xd3: {  	[tilespmem:$0x5090] =	vst v1  }
0xd4: {  	v1 =	vld [tilespmem:s13+$0x20];
	_ =	sdelay $0x4  }
0xd5: {  	[tilespmem:$0x50A0] =	vst v1  }
0xd6: {  	v1 =	vld [tilespmem:s15+$0x2800];
	_ =	sdelay $0x4  }
0xd7: {  	[tilespmem:$0x50B0] =	vst v1  }
0xd8: {  	v1 =	vld [tilespmem:s13+$0x40];
	_ =	sdelay $0x4  }
0xd9: {  	[tilespmem:$0x50C0] =	vst v1  }
0xda: {  	[spmem:s2] =	stream.indirect.scatter.add.f32 [tilespmem:s5], [sflag:$0x4], $0x80, s8, s1, $0xb8;
	[tilespmem:$0x1F180] =	vst v63  }
.Ltmp1:
0xdb: {  	_ =	swait.ge [sflag:s9], $0x2800;
	(pc) =	sbr.rel @p1 .LBB2_4-.Ltmp1, $4  }
0xdc: {  	[sflag:s9] =	ssyncset.done $0x0  }
0xdd: {  	[sflag:s9] =	ssyncadd.s32 $0xFFFFD800  }
0xde: {  	_ =	swait.ge [sflag:s10], $0x2800  }
0xdf: {  	[sflag:s10] =	ssyncset.done $0x0  }
0xe0: {  	[sflag:s10] =	ssyncadd.s32 $0xFFFFD800  }
0xe1: {  	v1 =	vld [tilespmem:$0x26C0]  }
0xe2: {  	v2 =	vld [tilespmem:$0x26D0]  }
0xe3: {  	v3 =	vld [tilespmem:$0x26E0]  }
0xe4: {  	v4 =	vld [tilespmem:$0x26F0]  }
0xe5: {  	v5 =	vld [tilespmem:$0x2700]  }
0xe6: {  	[tilespmem:$0x4F00] =	vst v1  }
0xe7: {  	[tilespmem:$0x4F10] =	vst v2  }
0xe8: {  	[tilespmem:$0x4F20] =	vst v3  }
0xe9: {  	[tilespmem:$0x4F30] =	vst v4  }
0xea: {  	[tilespmem:$0x4F40] =	vst v5  }
0xeb: {  	[tilespmem:s26], [sflag:$0x1] =	stream.indirect.gather [hbm4b:s4+s1], $0x80, s3, s1, $0xb8;
	[tilespmem:$0x1F180] =	vst v63  }
0xec: {  	_ =	swait.ge [sflag:s30], $0x2800  }
0xed: {  	[sflag:s30] =	ssyncset.done $0x0  }
0xee: {  	[sflag:s30] =	ssyncadd.s32 $0xFFFFD800  }
0xef: {  	v1 =	vld [tilespmem:$0x4E40]  }
0xf0: {  	v2 =	vld [tilespmem:$0x4E50]  }
0xf1: {  	v3 =	vld [tilespmem:$0x4E60]  }
0xf2: {  	v62 =	vld [tilespmem:$0x4E70]  }
0xf3: {  	v63 =	vld [tilespmem:$0x4E80]  }
0xf4: {  	[tilespmem:$0x5000] =	vst v1  }
0xf5: {  	[tilespmem:$0x5010] =	vst v2  }
0xf6: {  	[tilespmem:$0x5020] =	vst v3  }
0xf7: {  	[tilespmem:$0x5030] =	vst v62  }
0xf8: {  	[tilespmem:$0x5040] =	vst v63  }
0xf9: {  	[spmem:s2] =	stream.indirect.scatter.add.f32 [tilespmem:s26], [sflag:$0x3], $0x80, s7, s1, $0xb8;
	[tilespmem:$0x1F180] =	vst v63  }
0xfa: {  	_ =	swait.ge [sflag:s9], $0x2800  }
0xfb: {  	s12 =	stileid.u32;
	[sflag:s9] =	ssyncset.done $0x0  }
0xfc: {  	s12 =	sshll.u32 s12, $0x6;
	[sflag:s9] =	ssyncadd.s32 $0xFFFFD800  }
0xfd: {  	s13 =	sshrl.u32 s6, $0x3;
	s12 =	sor.u32 $0x1C05, s12;
	[bflag:$0x0] =	sbarrier.arrive $0xFFFF  }
0xfe: {  	[hbm:s25], [sflag:s12] =	dma.local [spmem:s13], $0x2700  }
0xff: {  	_ =	swait.ge [sflag:s29], $0x2700  }
0x100: {  	s14 =	sshrl.u32 @!p0 s20, $0x3;
	s11 =	sadd.s32 $0x1, s11;
	[sflag:s29] =	ssyncset.done $0x0  }
0x101: {  	p1 =	sne.s32 s11, s22;
	s13 =	sadd.s32 @!p0 $0x27000, s21;
	[sflag:s29] =	ssyncadd.s32 $0xFFFFD900  }
0x102: {  	[hbm:s13], [sflag:s12] =	dma.local @!p0 [spmem:s14], $0x100  }
.Ltmp2:
0x103: {  	_ = 	snop;
	(pc) =	sbr.rel @p1 .LBB2_1-.Ltmp2, $4  }
0x104: {  	s12 =	simm.s32 @!p0 $0x5  }
0x105: {  	_ =	swait.ge @!p0 [sflag:s12], $0x100  }
0x106: {  	[sflag:s12] =	ssyncset.done @!p0 $0x0  }
0x107: {  	[sflag:s12] =	ssyncadd.s32 @!p0 $0xFFFFFF00  }
0x108: {  	_ =	sfence.sel $0x180000  }
0x109: {  	[bflag:$0x0] =	sbarrier.arrive $0xFFFF  }
0x10a: {  	_ =	strace $0x90000050  }
0x10b: {  	s0 =	stileid.u32;
	[bflag:$0x2] =	sbarrier.arrive $0xFFFF  }
0x10c: {  	p0 =	sne.s32 s0, $0x0;
	s0 =	rddreg [dreg:$0x3]  }
0x10d: {  	s0 =	sadd.s32 @!p0 $0x100000, s0  }
0x10e: {  	[sflag:s0] =	ssyncadd.tile.s32 @!p0 $0x1;
	_ =	shalt  }
.Lfunc_end2:
_tile_overlayer_lowered:
.L_overlay_start_2:
0x10f: {  	(tag) =	ssettag $0x2  }
0x110: {  	s0 =	rddreg [dreg:$0x0];
	s2 =	stileid.u32  }
0x111: {  	s1 =	rddreg [dreg:$0x1];
	p0 =	sne.s32 s2, $0x0  }
0x112: {  	s3 =	rddreg [dreg:$0x2];
	[bflag:$0x3] =	sbarrier.arrive $0xFFFF;
	s2 =	simm.s32 @!p0 $0x1C05  }
0x113: {  	[timem:s3], [sflag:s2] =	dma.local @!p0 [hbm:s0], s1  }
0x114: {  	s0 =	simm.s32 @!p0 $0x5  }
0x115: {  	_ =	swait.ge @!p0 [sflag:s0], s1  }
0x116: {  	s1 =	ssub.s32 @!p0 $0x0, s1;
	[sflag:s0] =	ssyncset.done @!p0 $0x0  }
0x117: {  	[sflag:s0] =	ssyncadd.s32 @!p0 s1  }
0x118: {  	[bflag:$0x3] =	sbarrier.arrive $0xFFFF  }
0x119: {  	_ =	shalt  }

</sc_bundles>
